<compile_context>
chip_gen: v7x
topology: tpu7x:2x2x1
jax: 0.10.2.dev20260603
libtpu: 0.0.44.dev20260713+nightly
codegen_flags: <defaults>
</compile_context>

<pallas_src>
import jax
import jax.numpy as jnp
from jax import lax
from jax.experimental import pallas as pl
from jax.experimental.pallas import tpu as pltpu, tpu_sc as plsc

_NC = 2
_NS = 16
_NW = _NC * _NS

_B = 16384
_L = 200
_D = 32
_BC = 512
_S = 128
_G = _BC // _S
_UNITS_PER_L = _B // _BC
_NUNITS = _L * _UNITS_PER_L
_UPW = _NUNITS // _NW
_DBLK = _D // 8
_BBLK = _BC // 128


def _emb_kernel(tok_hbm, idx_hbm, pos_hbm, out_hbm,
                pos_v, idx_v, data_v, rearr_v, isem, gsem0, gsem1,
                gsem2, gsem3, ssem0, ssem1):
  gsems = (gsem0, gsem1, gsem2, gsem3)
  ssems = (ssem0, ssem1)
  wid = lax.axis_index("s") * _NC + lax.axis_index("c")
  u0 = wid * _UPW
  lane = jnp.arange(16, dtype=jnp.int32)

  def unit_lc(u):
    return u // _UNITS_PER_L, u % _UNITS_PER_L

  def fire_idx(u, q):
    l, c = unit_lc(u)
    pltpu.async_copy(
        idx_hbm.at[l // 8, pl.ds(c * _BBLK, _BBLK), l % 8, :],
        idx_v.at[q], isem)

  def wait_idx(q):
    pltpu.make_async_copy(
        idx_hbm.at[0, pl.ds(0, _BBLK), 0, :], idx_v.at[q], isem).wait()

  def fire_gathers(p):
    for j in range(_G):
      pltpu.async_copy(
          tok_hbm.at[idx_v.at[p, j]],
          data_v.at[p, pl.ds(j * _S, _S), :],
          gsems[p],
      )

  def drain_gathers(p):
    pltpu.make_async_copy(
        tok_hbm.at[pl.ds(0, _BC), :], data_v.at[p], gsems[p]).wait()

  def wait_store(p):
    pltpu.make_async_copy(
        rearr_v.at[p, :, pl.ds(0, 32), pl.ds(0, 128)],
        out_hbm.at[0, pl.ds(0, _DBLK * 32), :], ssems[p]).wait()

  pltpu.sync_copy(pos_hbm, pos_v)
  fire_idx(u0, 0)
  fire_idx(u0 + 1, 1)
  fire_idx(u0 + 2, 2)
  wait_idx(0)
  fire_gathers(0)
  wait_idx(1)
  fire_gathers(1)
  fire_idx(u0 + 3, 3)

  @pl.loop(0, _UPW, step=4)
  def _units(i):
    for k in range(4):
      u = u0 + i + k
      p = k % 2
      l, c = unit_lc(u)

      @pl.when(i + k + 2 < _UPW)
      def _():
        wait_idx((k + 2) % 4)
        fire_gathers((k + 2) % 4)

      drain_gathers(k)

      @pl.when(i + k + 4 < _UPW)
      def _():
        fire_idx(u + 4, k)

      @pl.when(i + k >= 2)
      def _():
        wait_store(p)

      ph0 = pos_v[l, pl.ds(0, 16)]
      ph1 = pos_v[l, pl.ds(16, 16)]
      dblk0 = lane // 8
      din_v = lane % 8
      col0 = jnp.zeros((16,), jnp.int32)

      @pl.loop(0, _BBLK)
      def _bbl(bbl):
        r = din_v + bbl * 8
        b0 = bbl * 128

        @pl.loop(0, 128, init_carry=col0, unroll=16)
        def _bin(bin_, col):
          b = b0 + bin_
          v0 = data_v[k, b, pl.ds(0, 16)] + ph0
          v1 = data_v[k, b, pl.ds(16, 16)] + ph1
          plsc.store_scatter(rearr_v.at[p], [dblk0, r, col], v0)
          plsc.store_scatter(rearr_v.at[p], [dblk0 + 2, r, col], v1)
          return col + 1

      for dblk in range(_DBLK):
        pltpu.async_copy(
            rearr_v.at[p, dblk, pl.ds(0, 32), pl.ds(0, 128)],
            out_hbm.at[l, pl.ds(dblk * 1024 + c * _BBLK * 8, 32), :],
            ssems[p],
        )

  wait_store(0)
  wait_store(1)


def kernel(inputs, token_table, position_table):
  idx3 = (inputs.astype(jnp.int32).T
          .reshape(_L // 8, 8, _B // 128, 128)
          .transpose(0, 2, 1, 3))
  run = pl.kernel(
      _emb_kernel,
      out_type=jax.ShapeDtypeStruct((_L, _DBLK * (_B // 128) * 8, 128),
                                    jnp.float32),
      mesh=plsc.VectorSubcoreMesh(core_axis_name="c", subcore_axis_name="s"),
      compiler_params=pltpu.CompilerParams(use_tc_tiling_on_sc=False,
                                           needs_layout_passes=False),
      scratch_types=[
          pltpu.VMEM((_L, _D), jnp.float32),
          pltpu.VMEM((4, _BBLK, 128), jnp.int32),
          pltpu.VMEM((4, _BC, _D), jnp.float32),
          pltpu.VMEM((2, _DBLK, 40, 129), jnp.float32),
          pltpu.SemaphoreType.DMA,
          pltpu.SemaphoreType.DMA,
          pltpu.SemaphoreType.DMA,
          pltpu.SemaphoreType.DMA,
          pltpu.SemaphoreType.DMA,
          pltpu.SemaphoreType.DMA,
          pltpu.SemaphoreType.DMA,
      ],
  )
  out = run(token_table, idx3, position_table)
  return (out.reshape(_L, _D // 8, _B // 128, 8, 128)
          .transpose(2, 4, 0, 1, 3)
          .reshape(_B, _L, _D))

# --- scband reference (transcript-rebuilt; emitter-appended) ---
"""Pipeline reference for scband-positional-embedding-46402826666457 (READ-ONLY COPY).

The authoritative reference and input builder live on the scoring server;
editing this copy changes nothing except your own understanding.
"""

import jax, jax.numpy as jnp
import numpy as np

VOCAB = 1000000
SEQ_LEN = 200
EMBED_DIM = 32
BATCH = 16384

def setup_inputs(seed: int = 0) -> dict:
    key = jax.random.key(seed)
    k_idx, k_tok, k_pos = jax.random.split(key, 3)
    inputs = jax.random.randint(k_idx, (BATCH, SEQ_LEN), 0, VOCAB, dtype=jnp.int64 if jax.config.jax_enable_x64 else jnp.int32)
    token_table = jax.random.normal(k_tok, (VOCAB, EMBED_DIM), dtype=jnp.float32) * 0.02
    position_table = jax.random.normal(k_pos, (SEQ_LEN, EMBED_DIM), dtype=jnp.float32) * 0.02
    return {"inputs": inputs, "token_table": token_table, "position_table": position_table}

def reference(inputs, token_table, position_table):
    # PositionalEmbedding.call: token embedding lookup + position embedding lookup
    length = inputs.shape[-1]
    positions = jnp.arange(0, length)
    embedded_tokens = jnp.take(token_table, inputs, axis=0)          # [B, L, D]
    embedded_positions = jnp.take(position_table, positions, axis=0) # [L, D]
    return embedded_tokens + embedded_positions[None, :, :]

if __name__ == "__main__":
    import jax
    _d = setup_inputs()
    print(jax.jit(kernel)(*tuple(_d.values())))

</pallas_src>

<mosaic_0001>
#map = affine_map<(d0, d1) -> (0, 0)>
#map1 = affine_map<(d0, d1) -> (0, 0, 0, 0)>
#map2 = affine_map<(d0, d1) -> (0, 0, 0)>
module attributes {stable_mosaic.version = 14 : i64} {
  func.func @_emb_kernel(%arg0: i32, %arg1: i32, %arg2: memref<1000000x32xf32, #tpu.memory_space<hbm>>, %arg3: memref<25x128x8x128xi32, #tpu.memory_space<hbm>>, %arg4: memref<200x32xf32, #tpu.memory_space<hbm>>, %arg5: memref<200x4096x128xf32, #tpu.memory_space<hbm>>, %arg6: memref<200x32xf32, #tpu.memory_space<vmem>>, %arg7: memref<4x4x128xi32, #tpu.memory_space<vmem>>, %arg8: memref<4x512x32xf32, #tpu.memory_space<vmem>>, %arg9: memref<2x4x40x129xf32, #tpu.memory_space<vmem>>, %arg10: memref<!tpu.dma_semaphore, #tpu.memory_space<semaphore_mem>>, %arg11: memref<!tpu.dma_semaphore, #tpu.memory_space<semaphore_mem>>, %arg12: memref<!tpu.dma_semaphore, #tpu.memory_space<semaphore_mem>>, %arg13: memref<!tpu.dma_semaphore, #tpu.memory_space<semaphore_mem>>, %arg14: memref<!tpu.dma_semaphore, #tpu.memory_space<semaphore_mem>>, %arg15: memref<!tpu.dma_semaphore, #tpu.memory_space<semaphore_mem>>, %arg16: memref<!tpu.dma_semaphore, #tpu.memory_space<semaphore_mem>>) attributes {dimension_semantics = [#tpu.dimension_semantics<core_parallel>, #tpu.dimension_semantics<subcore_parallel>], iteration_bounds = array<i64: 2, 16>, scalar_prefetch = 0 : i64, scratch_operands = 11 : i64, tpu.core_type = #tpu.core_type<sc_vector_subcore>, window_params = [{transform_indices = #map}, {transform_indices = #map1}, {transform_indices = #map}, {transform_indices = #map2}]} {
    %mul3A = arith.constant 2 : i32
    %mul3A_0 = arith.muli %arg1, %mul3A : i32
    %add3A = arith.addi %mul3A_0, %arg0 : i32
    %mul3A_1 = arith.constant 200 : i32
    %mul3A_2 = arith.muli %add3A, %mul3A_1 : i32
    %iota3A = tpu.iota {dimensions = array<i32: 0>} : vector<16xi32>
    "tpu.region"() ({
      %run_scoped3A = tpu.sem_alloc : memref<!tpu.dma_semaphore, #tpu.memory_space<semaphore_mem>>
      tpu.enqueue_dma source(%arg4 : memref<200x32xf32, #tpu.memory_space<hbm>>) target(%arg6 : memref<200x32xf32, #tpu.memory_space<vmem>>) target_semaphore(%run_scoped3A : memref<!tpu.dma_semaphore, #tpu.memory_space<semaphore_mem>>)
      tpu.wait_dma2 semaphore(%run_scoped3A : memref<!tpu.dma_semaphore, #tpu.memory_space<semaphore_mem>>) src(%arg4 : memref<200x32xf32, #tpu.memory_space<hbm>>) dst(%arg6 : memref<200x32xf32, #tpu.memory_space<vmem>>)
      tpu.yield
    }) : () -> ()
    %jit3A = arith.constant 32 : i32
    %div3A = arith.divsi %mul3A_2, %jit3A : i32
    %sign3A = arith.constant 0 : i32
    %sign3A_3 = arith.cmpi sgt, %mul3A_2, %sign3A : i32
    %sign3A_4 = arith.extui %sign3A_3 : i1 to i32
    %sign3A_5 = arith.constant 0 : i32
    %sign3A_6 = arith.cmpi slt, %mul3A_2, %sign3A_5 : i32
    %sign3A_7 = arith.extui %sign3A_6 : i1 to i32
    %sign3A_8 = arith.subi %sign3A_4, %sign3A_7 : i32
    %sign3A_9 = arith.constant 0 : i32
    %sign3A_10 = arith.cmpi sgt, %jit3A, %sign3A_9 : i32
    %sign3A_11 = arith.extui %sign3A_10 : i1 to i32
    %sign3A_12 = arith.constant 0 : i32
    %sign3A_13 = arith.cmpi slt, %jit3A, %sign3A_12 : i32
    %sign3A_14 = arith.extui %sign3A_13 : i1 to i32
    %sign3A_15 = arith.subi %sign3A_11, %sign3A_14 : i32
    %ne3A = arith.cmpi ne, %sign3A_8, %sign3A_15 : i32
    %rem3A = arith.remsi %mul3A_2, %jit3A : i32
    %ne3A_16 = arith.constant 0 : i32
    %ne3A_17 = arith.cmpi ne, %rem3A, %ne3A_16 : i32
    %and3A = arith.andi %ne3A, %ne3A_17 : i1
    %sub3A = arith.constant 1 : i32
    %sub3A_18 = arith.subi %div3A, %sub3A : i32
    %select_n3A = arith.select %and3A, %sub3A_18, %div3A : i32
    %jit3A_19 = arith.constant 32 : i32
    %eq3A = arith.constant 0 : i32
    %eq3A_20 = arith.cmpi eq, %jit3A_19, %eq3A : i32
    %jit3A_21 = arith.constant 1 : i32
    %select_n3A_22 = arith.select %eq3A_20, %jit3A_21, %jit3A_19 : i32
    %rem3A_23 = arith.remsi %mul3A_2, %select_n3A_22 : i32
    %ne3A_24 = arith.constant 0 : i32
    %ne3A_25 = arith.cmpi ne, %rem3A_23, %ne3A_24 : i32
    %lt3A = arith.constant 0 : i32
    %lt3A_26 = arith.cmpi slt, %rem3A_23, %lt3A : i32
    %lt3A_27 = arith.constant 0 : i32
    %lt3A_28 = arith.cmpi slt, %select_n3A_22, %lt3A_27 : i32
    %ne3A_29 = arith.xori %lt3A_26, %lt3A_28 : i1
    %and3A_30 = arith.andi %ne3A_29, %ne3A_25 : i1
    %add3A_31 = arith.addi %rem3A_23, %select_n3A_22 : i32
    %select_n3A_32 = arith.select %and3A_30, %add3A_31, %rem3A_23 : i32
    %jit3A_33 = arith.constant 8 : i32
    %div3A_34 = arith.divsi %select_n3A, %jit3A_33 : i32
    %sign3A_35 = arith.constant 0 : i32
    %sign3A_36 = arith.cmpi sgt, %select_n3A, %sign3A_35 : i32
    %sign3A_37 = arith.extui %sign3A_36 : i1 to i32
    %sign3A_38 = arith.constant 0 : i32
    %sign3A_39 = arith.cmpi slt, %select_n3A, %sign3A_38 : i32
    %sign3A_40 = arith.extui %sign3A_39 : i1 to i32
    %sign3A_41 = arith.subi %sign3A_37, %sign3A_40 : i32
    %sign3A_42 = arith.constant 0 : i32
    %sign3A_43 = arith.cmpi sgt, %jit3A_33, %sign3A_42 : i32
    %sign3A_44 = arith.extui %sign3A_43 : i1 to i32
    %sign3A_45 = arith.constant 0 : i32
    %sign3A_46 = arith.cmpi slt, %jit3A_33, %sign3A_45 : i32
    %sign3A_47 = arith.extui %sign3A_46 : i1 to i32
    %sign3A_48 = arith.subi %sign3A_44, %sign3A_47 : i32
    %ne3A_49 = arith.cmpi ne, %sign3A_41, %sign3A_48 : i32
    %rem3A_50 = arith.remsi %select_n3A, %jit3A_33 : i32
    %ne3A_51 = arith.constant 0 : i32
    %ne3A_52 = arith.cmpi ne, %rem3A_50, %ne3A_51 : i32
    %and3A_53 = arith.andi %ne3A_49, %ne3A_52 : i1
    %sub3A_54 = arith.constant 1 : i32
    %sub3A_55 = arith.subi %div3A_34, %sub3A_54 : i32
    %select_n3A_56 = arith.select %and3A_53, %sub3A_55, %div3A_34 : i32
    %mul3A_57 = arith.constant 4 : i32
    %mul3A_58 = arith.muli %select_n3A_32, %mul3A_57 : i32
    %jit3A_59 = arith.constant 8 : i32
    %eq3A_60 = arith.constant 0 : i32
    %eq3A_61 = arith.cmpi eq, %jit3A_59, %eq3A_60 : i32
    %jit3A_62 = arith.constant 1 : i32
    %select_n3A_63 = arith.select %eq3A_61, %jit3A_62, %jit3A_59 : i32
    %rem3A_64 = arith.remsi %select_n3A, %select_n3A_63 : i32
    %ne3A_65 = arith.constant 0 : i32
    %ne3A_66 = arith.cmpi ne, %rem3A_64, %ne3A_65 : i32
    %lt3A_67 = arith.constant 0 : i32
    %lt3A_68 = arith.cmpi slt, %rem3A_64, %lt3A_67 : i32
    %lt3A_69 = arith.constant 0 : i32
    %lt3A_70 = arith.cmpi slt, %select_n3A_63, %lt3A_69 : i32
    %ne3A_71 = arith.xori %lt3A_68, %lt3A_70 : i1
    %and3A_72 = arith.andi %ne3A_71, %ne3A_66 : i1
    %add3A_73 = arith.addi %rem3A_64, %select_n3A_63 : i32
    %select_n3A_74 = arith.select %and3A_72, %add3A_73, %rem3A_64 : i32
    %dma_start3A = arith.constant 0 : i32
    %dma_start3A_75 = arith.constant 0 : i32
    %dma_start3A_76 = arith.constant 0 : i32
    %dma_start3A_77 = tpu.memref_slice %arg7[%dma_start3A, %dma_start3A_75, %dma_start3A_76] : memref<4x4x128xi32, #tpu.memory_space<vmem>> -> memref<1x4x128xi32, #tpu.memory_space<vmem>>
    %dma_start3A_78 = tpu.memref_squeeze %dma_start3A_77 : memref<1x4x128xi32, #tpu.memory_space<vmem>> -> memref<4x128xi32, #tpu.memory_space<vmem>>
    %dma_start3A_79 = arith.constant 0 : i32
    %dma_start3A_80 = tpu.memref_slice %arg3[%select_n3A_56, %mul3A_58, %select_n3A_74, %dma_start3A_79] : memref<25x128x8x128xi32, #tpu.memory_space<hbm>> -> memref<1x4x1x128xi32, #tpu.memory_space<hbm>>
    %dma_start3A_81 = tpu.memref_squeeze %dma_start3A_80 : memref<1x4x1x128xi32, #tpu.memory_space<hbm>> -> memref<4x128xi32, #tpu.memory_space<hbm>>
    %dma_start3A_82 = arith.constant 0 : i32
    %dma_start3A_83 = arith.constant 0 : i32
    %dma_start3A_84 = tpu.memref_slice %arg7[%dma_start3A, %dma_start3A_82, %dma_start3A_83] : memref<4x4x128xi32, #tpu.memory_space<vmem>> -> memref<1x4x128xi32, #tpu.memory_space<vmem>>
    %dma_start3A_85 = tpu.memref_squeeze %dma_start3A_84 : memref<1x4x128xi32, #tpu.memory_space<vmem>> -> memref<4x128xi32, #tpu.memory_space<vmem>>
    %dma_start3A_86 = arith.constant 0 : i32
    %dma_start3A_87 = tpu.memref_slice %arg3[%select_n3A_56, %mul3A_58, %select_n3A_74, %dma_start3A_86] : memref<25x128x8x128xi32, #tpu.memory_space<hbm>> -> memref<1x4x1x128xi32, #tpu.memory_space<hbm>>
    %dma_start3A_88 = tpu.memref_squeeze %dma_start3A_87 : memref<1x4x1x128xi32, #tpu.memory_space<hbm>> -> memref<4x128xi32, #tpu.memory_space<hbm>>
    tpu.enqueue_dma source(%dma_start3A_88 : memref<4x128xi32, #tpu.memory_space<hbm>>) target(%dma_start3A_85 : memref<4x128xi32, #tpu.memory_space<vmem>>) target_semaphore(%arg10 : memref<!tpu.dma_semaphore, #tpu.memory_space<semaphore_mem>>)
    %add3A_89 = arith.constant 1 : i32
    %add3A_90 = arith.addi %mul3A_2, %add3A_89 : i32
    %jit3A_91 = arith.constant 32 : i32
    %div3A_92 = arith.divsi %add3A_90, %jit3A_91 : i32
    %sign3A_93 = arith.constant 0 : i32
    %sign3A_94 = arith.cmpi sgt, %add3A_90, %sign3A_93 : i32
    %sign3A_95 = arith.extui %sign3A_94 : i1 to i32
    %sign3A_96 = arith.constant 0 : i32
    %sign3A_97 = arith.cmpi slt, %add3A_90, %sign3A_96 : i32
    %sign3A_98 = arith.extui %sign3A_97 : i1 to i32
    %sign3A_99 = arith.subi %sign3A_95, %sign3A_98 : i32
    %sign3A_100 = arith.constant 0 : i32
    %sign3A_101 = arith.cmpi sgt, %jit3A_91, %sign3A_100 : i32
    %sign3A_102 = arith.extui %sign3A_101 : i1 to i32
    %sign3A_103 = arith.constant 0 : i32
    %sign3A_104 = arith.cmpi slt, %jit3A_91, %sign3A_103 : i32
    %sign3A_105 = arith.extui %sign3A_104 : i1 to i32
    %sign3A_106 = arith.subi %sign3A_102, %sign3A_105 : i32
    %ne3A_107 = arith.cmpi ne, %sign3A_99, %sign3A_106 : i32
    %rem3A_108 = arith.remsi %add3A_90, %jit3A_91 : i32
    %ne3A_109 = arith.constant 0 : i32
    %ne3A_110 = arith.cmpi ne, %rem3A_108, %ne3A_109 : i32
    %and3A_111 = arith.andi %ne3A_107, %ne3A_110 : i1
    %sub3A_112 = arith.constant 1 : i32
    %sub3A_113 = arith.subi %div3A_92, %sub3A_112 : i32
    %select_n3A_114 = arith.select %and3A_111, %sub3A_113, %div3A_92 : i32
    %jit3A_115 = arith.constant 32 : i32
    %eq3A_116 = arith.constant 0 : i32
    %eq3A_117 = arith.cmpi eq, %jit3A_115, %eq3A_116 : i32
    %jit3A_118 = arith.constant 1 : i32
    %select_n3A_119 = arith.select %eq3A_117, %jit3A_118, %jit3A_115 : i32
    %rem3A_120 = arith.remsi %add3A_90, %select_n3A_119 : i32
    %ne3A_121 = arith.constant 0 : i32
    %ne3A_122 = arith.cmpi ne, %rem3A_120, %ne3A_121 : i32
    %lt3A_123 = arith.constant 0 : i32
    %lt3A_124 = arith.cmpi slt, %rem3A_120, %lt3A_123 : i32
    %lt3A_125 = arith.constant 0 : i32
    %lt3A_126 = arith.cmpi slt, %select_n3A_119, %lt3A_125 : i32
    %ne3A_127 = arith.xori %lt3A_124, %lt3A_126 : i1
    %and3A_128 = arith.andi %ne3A_127, %ne3A_122 : i1
    %add3A_129 = arith.addi %rem3A_120, %select_n3A_119 : i32
    %select_n3A_130 = arith.select %and3A_128, %add3A_129, %rem3A_120 : i32
    %jit3A_131 = arith.constant 8 : i32
    %div3A_132 = arith.divsi %select_n3A_114, %jit3A_131 : i32
    %sign3A_133 = arith.constant 0 : i32
    %sign3A_134 = arith.cmpi sgt, %select_n3A_114, %sign3A_133 : i32
    %sign3A_135 = arith.extui %sign3A_134 : i1 to i32
    %sign3A_136 = arith.constant 0 : i32
    %sign3A_137 = arith.cmpi slt, %select_n3A_114, %sign3A_136 : i32
    %sign3A_138 = arith.extui %sign3A_137 : i1 to i32
    %sign3A_139 = arith.subi %sign3A_135, %sign3A_138 : i32
    %sign3A_140 = arith.constant 0 : i32
    %sign3A_141 = arith.cmpi sgt, %jit3A_131, %sign3A_140 : i32
    %sign3A_142 = arith.extui %sign3A_141 : i1 to i32
    %sign3A_143 = arith.constant 0 : i32
    %sign3A_144 = arith.cmpi slt, %jit3A_131, %sign3A_143 : i32
    %sign3A_145 = arith.extui %sign3A_144 : i1 to i32
    %sign3A_146 = arith.subi %sign3A_142, %sign3A_145 : i32
    %ne3A_147 = arith.cmpi ne, %sign3A_139, %sign3A_146 : i32
    %rem3A_148 = arith.remsi %select_n3A_114, %jit3A_131 : i32
    %ne3A_149 = arith.constant 0 : i32
    %ne3A_150 = arith.cmpi ne, %rem3A_148, %ne3A_149 : i32
    %and3A_151 = arith.andi %ne3A_147, %ne3A_150 : i1
    %sub3A_152 = arith.constant 1 : i32
    %sub3A_153 = arith.subi %div3A_132, %sub3A_152 : i32
    %select_n3A_154 = arith.select %and3A_151, %sub3A_153, %div3A_132 : i32
    %mul3A_155 = arith.constant 4 : i32
    %mul3A_156 = arith.muli %select_n3A_130, %mul3A_155 : i32
    %jit3A_157 = arith.constant 8 : i32
    %eq3A_158 = arith.constant 0 : i32
    %eq3A_159 = arith.cmpi eq, %jit3A_157, %eq3A_158 : i32
    %jit3A_160 = arith.constant 1 : i32
    %select_n3A_161 = arith.select %eq3A_159, %jit3A_160, %jit3A_157 : i32
    %rem3A_162 = arith.remsi %select_n3A_114, %select_n3A_161 : i32
    %ne3A_163 = arith.constant 0 : i32
    %ne3A_164 = arith.cmpi ne, %rem3A_162, %ne3A_163 : i32
    %lt3A_165 = arith.constant 0 : i32
    %lt3A_166 = arith.cmpi slt, %rem3A_162, %lt3A_165 : i32
    %lt3A_167 = arith.constant 0 : i32
    %lt3A_168 = arith.cmpi slt, %select_n3A_161, %lt3A_167 : i32
    %ne3A_169 = arith.xori %lt3A_166, %lt3A_168 : i1
    %and3A_170 = arith.andi %ne3A_169, %ne3A_164 : i1
    %add3A_171 = arith.addi %rem3A_162, %select_n3A_161 : i32
    %select_n3A_172 = arith.select %and3A_170, %add3A_171, %rem3A_162 : i32
    %dma_start3A_173 = arith.constant 1 : i32
    %dma_start3A_174 = arith.constant 0 : i32
    %dma_start3A_175 = arith.constant 0 : i32
    %dma_start3A_176 = tpu.memref_slice %arg7[%dma_start3A_173, %dma_start3A_174, %dma_start3A_175] : memref<4x4x128xi32, #tpu.memory_space<vmem>> -> memref<1x4x128xi32, #tpu.memory_space<vmem>>
    %dma_start3A_177 = tpu.memref_squeeze %dma_start3A_176 : memref<1x4x128xi32, #tpu.memory_space<vmem>> -> memref<4x128xi32, #tpu.memory_space<vmem>>
    %dma_start3A_178 = arith.constant 0 : i32
    %dma_start3A_179 = tpu.memref_slice %arg3[%select_n3A_154, %mul3A_156, %select_n3A_172, %dma_start3A_178] : memref<25x128x8x128xi32, #tpu.memory_space<hbm>> -> memref<1x4x1x128xi32, #tpu.memory_space<hbm>>
    %dma_start3A_180 = tpu.memref_squeeze %dma_start3A_179 : memref<1x4x1x128xi32, #tpu.memory_space<hbm>> -> memref<4x128xi32, #tpu.memory_space<hbm>>
    %dma_start3A_181 = arith.constant 0 : i32
    %dma_start3A_182 = arith.constant 0 : i32
    %dma_start3A_183 = tpu.memref_slice %arg7[%dma_start3A_173, %dma_start3A_181, %dma_start3A_182] : memref<4x4x128xi32, #tpu.memory_space<vmem>> -> memref<1x4x128xi32, #tpu.memory_space<vmem>>
    %dma_start3A_184 = tpu.memref_squeeze %dma_start3A_183 : memref<1x4x128xi32, #tpu.memory_space<vmem>> -> memref<4x128xi32, #tpu.memory_space<vmem>>
    %dma_start3A_185 = arith.constant 0 : i32
    %dma_start3A_186 = tpu.memref_slice %arg3[%select_n3A_154, %mul3A_156, %select_n3A_172, %dma_start3A_185] : memref<25x128x8x128xi32, #tpu.memory_space<hbm>> -> memref<1x4x1x128xi32, #tpu.memory_space<hbm>>
    %dma_start3A_187 = tpu.memref_squeeze %dma_start3A_186 : memref<1x4x1x128xi32, #tpu.memory_space<hbm>> -> memref<4x128xi32, #tpu.memory_space<hbm>>
    tpu.enqueue_dma source(%dma_start3A_187 : memref<4x128xi32, #tpu.memory_space<hbm>>) target(%dma_start3A_184 : memref<4x128xi32, #tpu.memory_space<vmem>>) target_semaphore(%arg10 : memref<!tpu.dma_semaphore, #tpu.memory_space<semaphore_mem>>)
    %add3A_188 = arith.constant 2 : i32
    %add3A_189 = arith.addi %mul3A_2, %add3A_188 : i32
    %jit3A_190 = arith.constant 32 : i32
    %div3A_191 = arith.divsi %add3A_189, %jit3A_190 : i32
    %sign3A_192 = arith.constant 0 : i32
    %sign3A_193 = arith.cmpi sgt, %add3A_189, %sign3A_192 : i32
    %sign3A_194 = arith.extui %sign3A_193 : i1 to i32
    %sign3A_195 = arith.constant 0 : i32
    %sign3A_196 = arith.cmpi slt, %add3A_189, %sign3A_195 : i32
    %sign3A_197 = arith.extui %sign3A_196 : i1 to i32
    %sign3A_198 = arith.subi %sign3A_194, %sign3A_197 : i32
    %sign3A_199 = arith.constant 0 : i32
    %sign3A_200 = arith.cmpi sgt, %jit3A_190, %sign3A_199 : i32
    %sign3A_201 = arith.extui %sign3A_200 : i1 to i32
    %sign3A_202 = arith.constant 0 : i32
    %sign3A_203 = arith.cmpi slt, %jit3A_190, %sign3A_202 : i32
    %sign3A_204 = arith.extui %sign3A_203 : i1 to i32
    %sign3A_205 = arith.subi %sign3A_201, %sign3A_204 : i32
    %ne3A_206 = arith.cmpi ne, %sign3A_198, %sign3A_205 : i32
    %rem3A_207 = arith.remsi %add3A_189, %jit3A_190 : i32
    %ne3A_208 = arith.constant 0 : i32
    %ne3A_209 = arith.cmpi ne, %rem3A_207, %ne3A_208 : i32
    %and3A_210 = arith.andi %ne3A_206, %ne3A_209 : i1
    %sub3A_211 = arith.constant 1 : i32
    %sub3A_212 = arith.subi %div3A_191, %sub3A_211 : i32
    %select_n3A_213 = arith.select %and3A_210, %sub3A_212, %div3A_191 : i32
    %jit3A_214 = arith.constant 32 : i32
    %eq3A_215 = arith.constant 0 : i32
    %eq3A_216 = arith.cmpi eq, %jit3A_214, %eq3A_215 : i32
    %jit3A_217 = arith.constant 1 : i32
    %select_n3A_218 = arith.select %eq3A_216, %jit3A_217, %jit3A_214 : i32
    %rem3A_219 = arith.remsi %add3A_189, %select_n3A_218 : i32
    %ne3A_220 = arith.constant 0 : i32
    %ne3A_221 = arith.cmpi ne, %rem3A_219, %ne3A_220 : i32
    %lt3A_222 = arith.constant 0 : i32
    %lt3A_223 = arith.cmpi slt, %rem3A_219, %lt3A_222 : i32
    %lt3A_224 = arith.constant 0 : i32
    %lt3A_225 = arith.cmpi slt, %select_n3A_218, %lt3A_224 : i32
    %ne3A_226 = arith.xori %lt3A_223, %lt3A_225 : i1
    %and3A_227 = arith.andi %ne3A_226, %ne3A_221 : i1
    %add3A_228 = arith.addi %rem3A_219, %select_n3A_218 : i32
    %select_n3A_229 = arith.select %and3A_227, %add3A_228, %rem3A_219 : i32
    %jit3A_230 = arith.constant 8 : i32
    %div3A_231 = arith.divsi %select_n3A_213, %jit3A_230 : i32
    %sign3A_232 = arith.constant 0 : i32
    %sign3A_233 = arith.cmpi sgt, %select_n3A_213, %sign3A_232 : i32
    %sign3A_234 = arith.extui %sign3A_233 : i1 to i32
    %sign3A_235 = arith.constant 0 : i32
    %sign3A_236 = arith.cmpi slt, %select_n3A_213, %sign3A_235 : i32
    %sign3A_237 = arith.extui %sign3A_236 : i1 to i32
    %sign3A_238 = arith.subi %sign3A_234, %sign3A_237 : i32
    %sign3A_239 = arith.constant 0 : i32
    %sign3A_240 = arith.cmpi sgt, %jit3A_230, %sign3A_239 : i32
    %sign3A_241 = arith.extui %sign3A_240 : i1 to i32
    %sign3A_242 = arith.constant 0 : i32
    %sign3A_243 = arith.cmpi slt, %jit3A_230, %sign3A_242 : i32
    %sign3A_244 = arith.extui %sign3A_243 : i1 to i32
    %sign3A_245 = arith.subi %sign3A_241, %sign3A_244 : i32
    %ne3A_246 = arith.cmpi ne, %sign3A_238, %sign3A_245 : i32
    %rem3A_247 = arith.remsi %select_n3A_213, %jit3A_230 : i32
    %ne3A_248 = arith.constant 0 : i32
    %ne3A_249 = arith.cmpi ne, %rem3A_247, %ne3A_248 : i32
    %and3A_250 = arith.andi %ne3A_246, %ne3A_249 : i1
    %sub3A_251 = arith.constant 1 : i32
    %sub3A_252 = arith.subi %div3A_231, %sub3A_251 : i32
    %select_n3A_253 = arith.select %and3A_250, %sub3A_252, %div3A_231 : i32
    %mul3A_254 = arith.constant 4 : i32
    %mul3A_255 = arith.muli %select_n3A_229, %mul3A_254 : i32
    %jit3A_256 = arith.constant 8 : i32
    %eq3A_257 = arith.constant 0 : i32
    %eq3A_258 = arith.cmpi eq, %jit3A_256, %eq3A_257 : i32
    %jit3A_259 = arith.constant 1 : i32
    %select_n3A_260 = arith.select %eq3A_258, %jit3A_259, %jit3A_256 : i32
    %rem3A_261 = arith.remsi %select_n3A_213, %select_n3A_260 : i32
    %ne3A_262 = arith.constant 0 : i32
    %ne3A_263 = arith.cmpi ne, %rem3A_261, %ne3A_262 : i32
    %lt3A_264 = arith.constant 0 : i32
    %lt3A_265 = arith.cmpi slt, %rem3A_261, %lt3A_264 : i32
    %lt3A_266 = arith.constant 0 : i32
    %lt3A_267 = arith.cmpi slt, %select_n3A_260, %lt3A_266 : i32
    %ne3A_268 = arith.xori %lt3A_265, %lt3A_267 : i1
    %and3A_269 = arith.andi %ne3A_268, %ne3A_263 : i1
    %add3A_270 = arith.addi %rem3A_261, %select_n3A_260 : i32
    %select_n3A_271 = arith.select %and3A_269, %add3A_270, %rem3A_261 : i32
    %dma_start3A_272 = arith.constant 2 : i32
    %dma_start3A_273 = arith.constant 0 : i32
    %dma_start3A_274 = arith.constant 0 : i32
    %dma_start3A_275 = tpu.memref_slice %arg7[%dma_start3A_272, %dma_start3A_273, %dma_start3A_274] : memref<4x4x128xi32, #tpu.memory_space<vmem>> -> memref<1x4x128xi32, #tpu.memory_space<vmem>>
    %dma_start3A_276 = tpu.memref_squeeze %dma_start3A_275 : memref<1x4x128xi32, #tpu.memory_space<vmem>> -> memref<4x128xi32, #tpu.memory_space<vmem>>
    %dma_start3A_277 = arith.constant 0 : i32
    %dma_start3A_278 = tpu.memref_slice %arg3[%select_n3A_253, %mul3A_255, %select_n3A_271, %dma_start3A_277] : memref<25x128x8x128xi32, #tpu.memory_space<hbm>> -> memref<1x4x1x128xi32, #tpu.memory_space<hbm>>
    %dma_start3A_279 = tpu.memref_squeeze %dma_start3A_278 : memref<1x4x1x128xi32, #tpu.memory_space<hbm>> -> memref<4x128xi32, #tpu.memory_space<hbm>>
    %dma_start3A_280 = arith.constant 0 : i32
    %dma_start3A_281 = arith.constant 0 : i32
    %dma_start3A_282 = tpu.memref_slice %arg7[%dma_start3A_272, %dma_start3A_280, %dma_start3A_281] : memref<4x4x128xi32, #tpu.memory_space<vmem>> -> memref<1x4x128xi32, #tpu.memory_space<vmem>>
    %dma_start3A_283 = tpu.memref_squeeze %dma_start3A_282 : memref<1x4x128xi32, #tpu.memory_space<vmem>> -> memref<4x128xi32, #tpu.memory_space<vmem>>
    %dma_start3A_284 = arith.constant 0 : i32
    %dma_start3A_285 = tpu.memref_slice %arg3[%select_n3A_253, %mul3A_255, %select_n3A_271, %dma_start3A_284] : memref<25x128x8x128xi32, #tpu.memory_space<hbm>> -> memref<1x4x1x128xi32, #tpu.memory_space<hbm>>
    %dma_start3A_286 = tpu.memref_squeeze %dma_start3A_285 : memref<1x4x1x128xi32, #tpu.memory_space<hbm>> -> memref<4x128xi32, #tpu.memory_space<hbm>>
    tpu.enqueue_dma source(%dma_start3A_286 : memref<4x128xi32, #tpu.memory_space<hbm>>) target(%dma_start3A_283 : memref<4x128xi32, #tpu.memory_space<vmem>>) target_semaphore(%arg10 : memref<!tpu.dma_semaphore, #tpu.memory_space<semaphore_mem>>)
    %dma_wait3A = arith.constant 0 : i32
    %dma_wait3A_287 = arith.constant 0 : i32
    %dma_wait3A_288 = arith.constant 0 : i32
    %dma_wait3A_289 = arith.constant 0 : i32
    %dma_wait3A_290 = arith.constant 0 : i32
    %dma_wait3A_291 = tpu.memref_slice %arg7[%dma_wait3A_288, %dma_wait3A_289, %dma_wait3A_290] : memref<4x4x128xi32, #tpu.memory_space<vmem>> -> memref<1x4x128xi32, #tpu.memory_space<vmem>>
    %dma_wait3A_292 = tpu.memref_squeeze %dma_wait3A_291 : memref<1x4x128xi32, #tpu.memory_space<vmem>> -> memref<4x128xi32, #tpu.memory_space<vmem>>
    %dma_wait3A_293 = arith.constant 0 : i32
    %dma_wait3A_294 = arith.constant 0 : i32
    %dma_wait3A_295 = tpu.memref_slice %arg3[%dma_wait3A, %dma_wait3A_293, %dma_wait3A_287, %dma_wait3A_294] : memref<25x128x8x128xi32, #tpu.memory_space<hbm>> -> memref<1x4x1x128xi32, #tpu.memory_space<hbm>>
    %dma_wait3A_296 = tpu.memref_squeeze %dma_wait3A_295 : memref<1x4x1x128xi32, #tpu.memory_space<hbm>> -> memref<4x128xi32, #tpu.memory_space<hbm>>
    %dma_wait3A_297 = arith.constant 0 : i32
    %dma_wait3A_298 = arith.constant 0 : i32
    %dma_wait3A_299 = tpu.memref_slice %arg7[%dma_wait3A_288, %dma_wait3A_297, %dma_wait3A_298] : memref<4x4x128xi32, #tpu.memory_space<vmem>> -> memref<1x4x128xi32, #tpu.memory_space<vmem>>
    %dma_wait3A_300 = tpu.memref_squeeze %dma_wait3A_299 : memref<1x4x128xi32, #tpu.memory_space<vmem>> -> memref<4x128xi32, #tpu.memory_space<vmem>>
    %dma_wait3A_301 = arith.constant 0 : i32
    %dma_wait3A_302 = arith.constant 0 : i32
    %dma_wait3A_303 = tpu.memref_slice %arg3[%dma_wait3A, %dma_wait3A_301, %dma_wait3A_287, %dma_wait3A_302] : memref<25x128x8x128xi32, #tpu.memory_space<hbm>> -> memref<1x4x1x128xi32, #tpu.memory_space<hbm>>
    %dma_wait3A_304 = tpu.memref_squeeze %dma_wait3A_303 : memref<1x4x1x128xi32, #tpu.memory_space<hbm>> -> memref<4x128xi32, #tpu.memory_space<hbm>>
    tpu.wait_dma2 semaphore(%arg10 : memref<!tpu.dma_semaphore, #tpu.memory_space<semaphore_mem>>) src(%dma_wait3A_304 : memref<4x128xi32, #tpu.memory_space<hbm>>) dst(%dma_wait3A_300 : memref<4x128xi32, #tpu.memory_space<vmem>>)
    %dma_start3A_305 = arith.constant 0 : i32
    %dma_start3A_306 = arith.constant 0 : i32
    %dma_start3A_307 = arith.constant 0 : i32
    %dma_start3A_308 = arith.constant 0 : i32
    %dma_start3A_309 = arith.constant 0 : i32
    %dma_start3A_310 = tpu.memref_slice %arg8[%dma_start3A_307, %dma_start3A_308, %dma_start3A_309] : memref<4x512x32xf32, #tpu.memory_space<vmem>> -> memref<1x128x32xf32, #tpu.memory_space<vmem>>
    %dma_start3A_311 = tpu.memref_squeeze %dma_start3A_310 : memref<1x128x32xf32, #tpu.memory_space<vmem>> -> memref<128x32xf32, #tpu.memory_space<vmem>>
    %dma_start3A_312 = arith.constant 0 : i32
    %dma_start3A_313 = tpu.memref_slice %arg7[%dma_start3A_305, %dma_start3A_306, %dma_start3A_312] : memref<4x4x128xi32, #tpu.memory_space<vmem>> -> memref<1x1x128xi32, #tpu.memory_space<vmem>>
    %dma_start3A_314 = tpu.memref_squeeze %dma_start3A_313 : memref<1x1x128xi32, #tpu.memory_space<vmem>> -> memref<128xi32, #tpu.memory_space<vmem>>
    %dma_start3A_315 = arith.constant 0 : i32
    %dma_start3A_316 = arith.constant 0 : i32
    %dma_start3A_317 = tpu.memref_slice %arg2[%dma_start3A_315, %dma_start3A_316] : memref<1000000x32xf32, #tpu.memory_space<hbm>> -> memref<1000000x32xf32, #tpu.memory_space<hbm>>
    tpu.enqueue_indirect_dma source(%dma_start3A_317 : memref<1000000x32xf32, #tpu.memory_space<hbm>>) target(%dma_start3A_311 : memref<128x32xf32, #tpu.memory_space<vmem>>) offsets(%dma_start3A_314 : memref<128xi32, #tpu.memory_space<vmem>>) semaphore(%arg11 : memref<!tpu.dma_semaphore, #tpu.memory_space<semaphore_mem>>)
    %dma_start3A_318 = arith.constant 0 : i32
    %dma_start3A_319 = arith.constant 1 : i32
    %dma_start3A_320 = arith.constant 0 : i32
    %dma_start3A_321 = arith.constant 128 : i32
    %dma_start3A_322 = arith.constant 0 : i32
    %dma_start3A_323 = tpu.memref_slice %arg8[%dma_start3A_320, %dma_start3A_321, %dma_start3A_322] : memref<4x512x32xf32, #tpu.memory_space<vmem>> -> memref<1x128x32xf32, #tpu.memory_space<vmem>>
    %dma_start3A_324 = tpu.memref_squeeze %dma_start3A_323 : memref<1x128x32xf32, #tpu.memory_space<vmem>> -> memref<128x32xf32, #tpu.memory_space<vmem>>
    %dma_start3A_325 = arith.constant 0 : i32
    %dma_start3A_326 = tpu.memref_slice %arg7[%dma_start3A_318, %dma_start3A_319, %dma_start3A_325] : memref<4x4x128xi32, #tpu.memory_space<vmem>> -> memref<1x1x128xi32, #tpu.memory_space<vmem>>
    %dma_start3A_327 = tpu.memref_squeeze %dma_start3A_326 : memref<1x1x128xi32, #tpu.memory_space<vmem>> -> memref<128xi32, #tpu.memory_space<vmem>>
    %dma_start3A_328 = arith.constant 0 : i32
    %dma_start3A_329 = arith.constant 0 : i32
    %dma_start3A_330 = tpu.memref_slice %arg2[%dma_start3A_328, %dma_start3A_329] : memref<1000000x32xf32, #tpu.memory_space<hbm>> -> memref<1000000x32xf32, #tpu.memory_space<hbm>>
    tpu.enqueue_indirect_dma source(%dma_start3A_330 : memref<1000000x32xf32, #tpu.memory_space<hbm>>) target(%dma_start3A_324 : memref<128x32xf32, #tpu.memory_space<vmem>>) offsets(%dma_start3A_327 : memref<128xi32, #tpu.memory_space<vmem>>) semaphore(%arg11 : memref<!tpu.dma_semaphore, #tpu.memory_space<semaphore_mem>>)
    %dma_start3A_331 = arith.constant 0 : i32
    %dma_start3A_332 = arith.constant 2 : i32
    %dma_start3A_333 = arith.constant 0 : i32
    %dma_start3A_334 = arith.constant 256 : i32
    %dma_start3A_335 = arith.constant 0 : i32
    %dma_start3A_336 = tpu.memref_slice %arg8[%dma_start3A_333, %dma_start3A_334, %dma_start3A_335] : memref<4x512x32xf32, #tpu.memory_space<vmem>> -> memref<1x128x32xf32, #tpu.memory_space<vmem>>
    %dma_start3A_337 = tpu.memref_squeeze %dma_start3A_336 : memref<1x128x32xf32, #tpu.memory_space<vmem>> -> memref<128x32xf32, #tpu.memory_space<vmem>>
    %dma_start3A_338 = arith.constant 0 : i32
    %dma_start3A_339 = tpu.memref_slice %arg7[%dma_start3A_331, %dma_start3A_332, %dma_start3A_338] : memref<4x4x128xi32, #tpu.memory_space<vmem>> -> memref<1x1x128xi32, #tpu.memory_space<vmem>>
    %dma_start3A_340 = tpu.memref_squeeze %dma_start3A_339 : memref<1x1x128xi32, #tpu.memory_space<vmem>> -> memref<128xi32, #tpu.memory_space<vmem>>
    %dma_start3A_341 = arith.constant 0 : i32
    %dma_start3A_342 = arith.constant 0 : i32
    %dma_start3A_343 = tpu.memref_slice %arg2[%dma_start3A_341, %dma_start3A_342] : memref<1000000x32xf32, #tpu.memory_space<hbm>> -> memref<1000000x32xf32, #tpu.memory_space<hbm>>
    tpu.enqueue_indirect_dma source(%dma_start3A_343 : memref<1000000x32xf32, #tpu.memory_space<hbm>>) target(%dma_start3A_337 : memref<128x32xf32, #tpu.memory_space<vmem>>) offsets(%dma_start3A_340 : memref<128xi32, #tpu.memory_space<vmem>>) semaphore(%arg11 : memref<!tpu.dma_semaphore, #tpu.memory_space<semaphore_mem>>)
    %dma_start3A_344 = arith.constant 0 : i32
    %dma_start3A_345 = arith.constant 3 : i32
    %dma_start3A_346 = arith.constant 0 : i32
    %dma_start3A_347 = arith.constant 384 : i32
    %dma_start3A_348 = arith.constant 0 : i32
    %dma_start3A_349 = tpu.memref_slice %arg8[%dma_start3A_346, %dma_start3A_347, %dma_start3A_348] : memref<4x512x32xf32, #tpu.memory_space<vmem>> -> memref<1x128x32xf32, #tpu.memory_space<vmem>>
    %dma_start3A_350 = tpu.memref_squeeze %dma_start3A_349 : memref<1x128x32xf32, #tpu.memory_space<vmem>> -> memref<128x32xf32, #tpu.memory_space<vmem>>
    %dma_start3A_351 = arith.constant 0 : i32
    %dma_start3A_352 = tpu.memref_slice %arg7[%dma_start3A_344, %dma_start3A_345, %dma_start3A_351] : memref<4x4x128xi32, #tpu.memory_space<vmem>> -> memref<1x1x128xi32, #tpu.memory_space<vmem>>
    %dma_start3A_353 = tpu.memref_squeeze %dma_start3A_352 : memref<1x1x128xi32, #tpu.memory_space<vmem>> -> memref<128xi32, #tpu.memory_space<vmem>>
    %dma_start3A_354 = arith.constant 0 : i32
    %dma_start3A_355 = arith.constant 0 : i32
    %dma_start3A_356 = tpu.memref_slice %arg2[%dma_start3A_354, %dma_start3A_355] : memref<1000000x32xf32, #tpu.memory_space<hbm>> -> memref<1000000x32xf32, #tpu.memory_space<hbm>>
    tpu.enqueue_indirect_dma source(%dma_start3A_356 : memref<1000000x32xf32, #tpu.memory_space<hbm>>) target(%dma_start3A_350 : memref<128x32xf32, #tpu.memory_space<vmem>>) offsets(%dma_start3A_353 : memref<128xi32, #tpu.memory_space<vmem>>) semaphore(%arg11 : memref<!tpu.dma_semaphore, #tpu.memory_space<semaphore_mem>>)
    %dma_wait3A_357 = arith.constant 0 : i32
    %dma_wait3A_358 = arith.constant 0 : i32
    %dma_wait3A_359 = arith.constant 1 : i32
    %dma_wait3A_360 = arith.constant 0 : i32
    %dma_wait3A_361 = arith.constant 0 : i32
    %dma_wait3A_362 = tpu.memref_slice %arg7[%dma_wait3A_359, %dma_wait3A_360, %dma_wait3A_361] : memref<4x4x128xi32, #tpu.memory_space<vmem>> -> memref<1x4x128xi32, #tpu.memory_space<vmem>>
    %dma_wait3A_363 = tpu.memref_squeeze %dma_wait3A_362 : memref<1x4x128xi32, #tpu.memory_space<vmem>> -> memref<4x128xi32, #tpu.memory_space<vmem>>
    %dma_wait3A_364 = arith.constant 0 : i32
    %dma_wait3A_365 = arith.constant 0 : i32
    %dma_wait3A_366 = tpu.memref_slice %arg3[%dma_wait3A_357, %dma_wait3A_364, %dma_wait3A_358, %dma_wait3A_365] : memref<25x128x8x128xi32, #tpu.memory_space<hbm>> -> memref<1x4x1x128xi32, #tpu.memory_space<hbm>>
    %dma_wait3A_367 = tpu.memref_squeeze %dma_wait3A_366 : memref<1x4x1x128xi32, #tpu.memory_space<hbm>> -> memref<4x128xi32, #tpu.memory_space<hbm>>
    %dma_wait3A_368 = arith.constant 0 : i32
    %dma_wait3A_369 = arith.constant 0 : i32
    %dma_wait3A_370 = tpu.memref_slice %arg7[%dma_wait3A_359, %dma_wait3A_368, %dma_wait3A_369] : memref<4x4x128xi32, #tpu.memory_space<vmem>> -> memref<1x4x128xi32, #tpu.memory_space<vmem>>
    %dma_wait3A_371 = tpu.memref_squeeze %dma_wait3A_370 : memref<1x4x128xi32, #tpu.memory_space<vmem>> -> memref<4x128xi32, #tpu.memory_space<vmem>>
    %dma_wait3A_372 = arith.constant 0 : i32
    %dma_wait3A_373 = arith.constant 0 : i32
    %dma_wait3A_374 = tpu.memref_slice %arg3[%dma_wait3A_357, %dma_wait3A_372, %dma_wait3A_358, %dma_wait3A_373] : memref<25x128x8x128xi32, #tpu.memory_space<hbm>> -> memref<1x4x1x128xi32, #tpu.memory_space<hbm>>
    %dma_wait3A_375 = tpu.memref_squeeze %dma_wait3A_374 : memref<1x4x1x128xi32, #tpu.memory_space<hbm>> -> memref<4x128xi32, #tpu.memory_space<hbm>>
    tpu.wait_dma2 semaphore(%arg10 : memref<!tpu.dma_semaphore, #tpu.memory_space<semaphore_mem>>) src(%dma_wait3A_375 : memref<4x128xi32, #tpu.memory_space<hbm>>) dst(%dma_wait3A_371 : memref<4x128xi32, #tpu.memory_space<vmem>>)
    %dma_start3A_376 = arith.constant 1 : i32
    %dma_start3A_377 = arith.constant 0 : i32
    %dma_start3A_378 = arith.constant 1 : i32
    %dma_start3A_379 = arith.constant 0 : i32
    %dma_start3A_380 = arith.constant 0 : i32
    %dma_start3A_381 = tpu.memref_slice %arg8[%dma_start3A_378, %dma_start3A_379, %dma_start3A_380] : memref<4x512x32xf32, #tpu.memory_space<vmem>> -> memref<1x128x32xf32, #tpu.memory_space<vmem>>
    %dma_start3A_382 = tpu.memref_squeeze %dma_start3A_381 : memref<1x128x32xf32, #tpu.memory_space<vmem>> -> memref<128x32xf32, #tpu.memory_space<vmem>>
    %dma_start3A_383 = arith.constant 0 : i32
    %dma_start3A_384 = tpu.memref_slice %arg7[%dma_start3A_376, %dma_start3A_377, %dma_start3A_383] : memref<4x4x128xi32, #tpu.memory_space<vmem>> -> memref<1x1x128xi32, #tpu.memory_space<vmem>>
    %dma_start3A_385 = tpu.memref_squeeze %dma_start3A_384 : memref<1x1x128xi32, #tpu.memory_space<vmem>> -> memref<128xi32, #tpu.memory_space<vmem>>
    %dma_start3A_386 = arith.constant 0 : i32
    %dma_start3A_387 = arith.constant 0 : i32
    %dma_start3A_388 = tpu.memref_slice %arg2[%dma_start3A_386, %dma_start3A_387] : memref<1000000x32xf32, #tpu.memory_space<hbm>> -> memref<1000000x32xf32, #tpu.memory_space<hbm>>
    tpu.enqueue_indirect_dma source(%dma_start3A_388 : memref<1000000x32xf32, #tpu.memory_space<hbm>>) target(%dma_start3A_382 : memref<128x32xf32, #tpu.memory_space<vmem>>) offsets(%dma_start3A_385 : memref<128xi32, #tpu.memory_space<vmem>>) semaphore(%arg12 : memref<!tpu.dma_semaphore, #tpu.memory_space<semaphore_mem>>)
    %dma_start3A_389 = arith.constant 1 : i32
    %dma_start3A_390 = arith.constant 1 : i32
    %dma_start3A_391 = arith.constant 1 : i32
    %dma_start3A_392 = arith.constant 128 : i32
    %dma_start3A_393 = arith.constant 0 : i32
    %dma_start3A_394 = tpu.memref_slice %arg8[%dma_start3A_391, %dma_start3A_392, %dma_start3A_393] : memref<4x512x32xf32, #tpu.memory_space<vmem>> -> memref<1x128x32xf32, #tpu.memory_space<vmem>>
    %dma_start3A_395 = tpu.memref_squeeze %dma_start3A_394 : memref<1x128x32xf32, #tpu.memory_space<vmem>> -> memref<128x32xf32, #tpu.memory_space<vmem>>
    %dma_start3A_396 = arith.constant 0 : i32
    %dma_start3A_397 = tpu.memref_slice %arg7[%dma_start3A_389, %dma_start3A_390, %dma_start3A_396] : memref<4x4x128xi32, #tpu.memory_space<vmem>> -> memref<1x1x128xi32, #tpu.memory_space<vmem>>
    %dma_start3A_398 = tpu.memref_squeeze %dma_start3A_397 : memref<1x1x128xi32, #tpu.memory_space<vmem>> -> memref<128xi32, #tpu.memory_space<vmem>>
    %dma_start3A_399 = arith.constant 0 : i32
    %dma_start3A_400 = arith.constant 0 : i32
    %dma_start3A_401 = tpu.memref_slice %arg2[%dma_start3A_399, %dma_start3A_400] : memref<1000000x32xf32, #tpu.memory_space<hbm>> -> memref<1000000x32xf32, #tpu.memory_space<hbm>>
    tpu.enqueue_indirect_dma source(%dma_start3A_401 : memref<1000000x32xf32, #tpu.memory_space<hbm>>) target(%dma_start3A_395 : memref<128x32xf32, #tpu.memory_space<vmem>>) offsets(%dma_start3A_398 : memref<128xi32, #tpu.memory_space<vmem>>) semaphore(%arg12 : memref<!tpu.dma_semaphore, #tpu.memory_space<semaphore_mem>>)
    %dma_start3A_402 = arith.constant 1 : i32
    %dma_start3A_403 = arith.constant 2 : i32
    %dma_start3A_404 = arith.constant 1 : i32
    %dma_start3A_405 = arith.constant 256 : i32
    %dma_start3A_406 = arith.constant 0 : i32
    %dma_start3A_407 = tpu.memref_slice %arg8[%dma_start3A_404, %dma_start3A_405, %dma_start3A_406] : memref<4x512x32xf32, #tpu.memory_space<vmem>> -> memref<1x128x32xf32, #tpu.memory_space<vmem>>
    %dma_start3A_408 = tpu.memref_squeeze %dma_start3A_407 : memref<1x128x32xf32, #tpu.memory_space<vmem>> -> memref<128x32xf32, #tpu.memory_space<vmem>>
    %dma_start3A_409 = arith.constant 0 : i32
    %dma_start3A_410 = tpu.memref_slice %arg7[%dma_start3A_402, %dma_start3A_403, %dma_start3A_409] : memref<4x4x128xi32, #tpu.memory_space<vmem>> -> memref<1x1x128xi32, #tpu.memory_space<vmem>>
    %dma_start3A_411 = tpu.memref_squeeze %dma_start3A_410 : memref<1x1x128xi32, #tpu.memory_space<vmem>> -> memref<128xi32, #tpu.memory_space<vmem>>
    %dma_start3A_412 = arith.constant 0 : i32
    %dma_start3A_413 = arith.constant 0 : i32
    %dma_start3A_414 = tpu.memref_slice %arg2[%dma_start3A_412, %dma_start3A_413] : memref<1000000x32xf32, #tpu.memory_space<hbm>> -> memref<1000000x32xf32, #tpu.memory_space<hbm>>
    tpu.enqueue_indirect_dma source(%dma_start3A_414 : memref<1000000x32xf32, #tpu.memory_space<hbm>>) target(%dma_start3A_408 : memref<128x32xf32, #tpu.memory_space<vmem>>) offsets(%dma_start3A_411 : memref<128xi32, #tpu.memory_space<vmem>>) semaphore(%arg12 : memref<!tpu.dma_semaphore, #tpu.memory_space<semaphore_mem>>)
    %dma_start3A_415 = arith.constant 1 : i32
    %dma_start3A_416 = arith.constant 3 : i32
    %dma_start3A_417 = arith.constant 1 : i32
    %dma_start3A_418 = arith.constant 384 : i32
    %dma_start3A_419 = arith.constant 0 : i32
    %dma_start3A_420 = tpu.memref_slice %arg8[%dma_start3A_417, %dma_start3A_418, %dma_start3A_419] : memref<4x512x32xf32, #tpu.memory_space<vmem>> -> memref<1x128x32xf32, #tpu.memory_space<vmem>>
    %dma_start3A_421 = tpu.memref_squeeze %dma_start3A_420 : memref<1x128x32xf32, #tpu.memory_space<vmem>> -> memref<128x32xf32, #tpu.memory_space<vmem>>
    %dma_start3A_422 = arith.constant 0 : i32
    %dma_start3A_423 = tpu.memref_slice %arg7[%dma_start3A_415, %dma_start3A_416, %dma_start3A_422] : memref<4x4x128xi32, #tpu.memory_space<vmem>> -> memref<1x1x128xi32, #tpu.memory_space<vmem>>
    %dma_start3A_424 = tpu.memref_squeeze %dma_start3A_423 : memref<1x1x128xi32, #tpu.memory_space<vmem>> -> memref<128xi32, #tpu.memory_space<vmem>>
    %dma_start3A_425 = arith.constant 0 : i32
    %dma_start3A_426 = arith.constant 0 : i32
    %dma_start3A_427 = tpu.memref_slice %arg2[%dma_start3A_425, %dma_start3A_426] : memref<1000000x32xf32, #tpu.memory_space<hbm>> -> memref<1000000x32xf32, #tpu.memory_space<hbm>>
    tpu.enqueue_indirect_dma source(%dma_start3A_427 : memref<1000000x32xf32, #tpu.memory_space<hbm>>) target(%dma_start3A_421 : memref<128x32xf32, #tpu.memory_space<vmem>>) offsets(%dma_start3A_424 : memref<128xi32, #tpu.memory_space<vmem>>) semaphore(%arg12 : memref<!tpu.dma_semaphore, #tpu.memory_space<semaphore_mem>>)
    %add3A_428 = arith.constant 3 : i32
    %add3A_429 = arith.addi %mul3A_2, %add3A_428 : i32
    %jit3A_430 = arith.constant 32 : i32
    %div3A_431 = arith.divsi %add3A_429, %jit3A_430 : i32
    %sign3A_432 = arith.constant 0 : i32
    %sign3A_433 = arith.cmpi sgt, %add3A_429, %sign3A_432 : i32
    %sign3A_434 = arith.extui %sign3A_433 : i1 to i32
    %sign3A_435 = arith.constant 0 : i32
    %sign3A_436 = arith.cmpi slt, %add3A_429, %sign3A_435 : i32
    %sign3A_437 = arith.extui %sign3A_436 : i1 to i32
    %sign3A_438 = arith.subi %sign3A_434, %sign3A_437 : i32
    %sign3A_439 = arith.constant 0 : i32
    %sign3A_440 = arith.cmpi sgt, %jit3A_430, %sign3A_439 : i32
    %sign3A_441 = arith.extui %sign3A_440 : i1 to i32
    %sign3A_442 = arith.constant 0 : i32
    %sign3A_443 = arith.cmpi slt, %jit3A_430, %sign3A_442 : i32
    %sign3A_444 = arith.extui %sign3A_443 : i1 to i32
    %sign3A_445 = arith.subi %sign3A_441, %sign3A_444 : i32
    %ne3A_446 = arith.cmpi ne, %sign3A_438, %sign3A_445 : i32
    %rem3A_447 = arith.remsi %add3A_429, %jit3A_430 : i32
    %ne3A_448 = arith.constant 0 : i32
    %ne3A_449 = arith.cmpi ne, %rem3A_447, %ne3A_448 : i32
    %and3A_450 = arith.andi %ne3A_446, %ne3A_449 : i1
    %sub3A_451 = arith.constant 1 : i32
    %sub3A_452 = arith.subi %div3A_431, %sub3A_451 : i32
    %select_n3A_453 = arith.select %and3A_450, %sub3A_452, %div3A_431 : i32
    %jit3A_454 = arith.constant 32 : i32
    %eq3A_455 = arith.constant 0 : i32
    %eq3A_456 = arith.cmpi eq, %jit3A_454, %eq3A_455 : i32
    %jit3A_457 = arith.constant 1 : i32
    %select_n3A_458 = arith.select %eq3A_456, %jit3A_457, %jit3A_454 : i32
    %rem3A_459 = arith.remsi %add3A_429, %select_n3A_458 : i32
    %ne3A_460 = arith.constant 0 : i32
    %ne3A_461 = arith.cmpi ne, %rem3A_459, %ne3A_460 : i32
    %lt3A_462 = arith.constant 0 : i32
    %lt3A_463 = arith.cmpi slt, %rem3A_459, %lt3A_462 : i32
    %lt3A_464 = arith.constant 0 : i32
    %lt3A_465 = arith.cmpi slt, %select_n3A_458, %lt3A_464 : i32
    %ne3A_466 = arith.xori %lt3A_463, %lt3A_465 : i1
    %and3A_467 = arith.andi %ne3A_466, %ne3A_461 : i1
    %add3A_468 = arith.addi %rem3A_459, %select_n3A_458 : i32
    %select_n3A_469 = arith.select %and3A_467, %add3A_468, %rem3A_459 : i32
    %jit3A_470 = arith.constant 8 : i32
    %div3A_471 = arith.divsi %select_n3A_453, %jit3A_470 : i32
    %sign3A_472 = arith.constant 0 : i32
    %sign3A_473 = arith.cmpi sgt, %select_n3A_453, %sign3A_472 : i32
    %sign3A_474 = arith.extui %sign3A_473 : i1 to i32
    %sign3A_475 = arith.constant 0 : i32
    %sign3A_476 = arith.cmpi slt, %select_n3A_453, %sign3A_475 : i32
    %sign3A_477 = arith.extui %sign3A_476 : i1 to i32
    %sign3A_478 = arith.subi %sign3A_474, %sign3A_477 : i32
    %sign3A_479 = arith.constant 0 : i32
    %sign3A_480 = arith.cmpi sgt, %jit3A_470, %sign3A_479 : i32
    %sign3A_481 = arith.extui %sign3A_480 : i1 to i32
    %sign3A_482 = arith.constant 0 : i32
    %sign3A_483 = arith.cmpi slt, %jit3A_470, %sign3A_482 : i32
    %sign3A_484 = arith.extui %sign3A_483 : i1 to i32
    %sign3A_485 = arith.subi %sign3A_481, %sign3A_484 : i32
    %ne3A_486 = arith.cmpi ne, %sign3A_478, %sign3A_485 : i32
    %rem3A_487 = arith.remsi %select_n3A_453, %jit3A_470 : i32
    %ne3A_488 = arith.constant 0 : i32
    %ne3A_489 = arith.cmpi ne, %rem3A_487, %ne3A_488 : i32
    %and3A_490 = arith.andi %ne3A_486, %ne3A_489 : i1
    %sub3A_491 = arith.constant 1 : i32
    %sub3A_492 = arith.subi %div3A_471, %sub3A_491 : i32
    %select_n3A_493 = arith.select %and3A_490, %sub3A_492, %div3A_471 : i32
    %mul3A_494 = arith.constant 4 : i32
    %mul3A_495 = arith.muli %select_n3A_469, %mul3A_494 : i32
    %jit3A_496 = arith.constant 8 : i32
    %eq3A_497 = arith.constant 0 : i32
    %eq3A_498 = arith.cmpi eq, %jit3A_496, %eq3A_497 : i32
    %jit3A_499 = arith.constant 1 : i32
    %select_n3A_500 = arith.select %eq3A_498, %jit3A_499, %jit3A_496 : i32
    %rem3A_501 = arith.remsi %select_n3A_453, %select_n3A_500 : i32
    %ne3A_502 = arith.constant 0 : i32
    %ne3A_503 = arith.cmpi ne, %rem3A_501, %ne3A_502 : i32
    %lt3A_504 = arith.constant 0 : i32
    %lt3A_505 = arith.cmpi slt, %rem3A_501, %lt3A_504 : i32
    %lt3A_506 = arith.constant 0 : i32
    %lt3A_507 = arith.cmpi slt, %select_n3A_500, %lt3A_506 : i32
    %ne3A_508 = arith.xori %lt3A_505, %lt3A_507 : i1
    %and3A_509 = arith.andi %ne3A_508, %ne3A_503 : i1
    %add3A_510 = arith.addi %rem3A_501, %select_n3A_500 : i32
    %select_n3A_511 = arith.select %and3A_509, %add3A_510, %rem3A_501 : i32
    %dma_start3A_512 = arith.constant 3 : i32
    %dma_start3A_513 = arith.constant 0 : i32
    %dma_start3A_514 = arith.constant 0 : i32
    %dma_start3A_515 = tpu.memref_slice %arg7[%dma_start3A_512, %dma_start3A_513, %dma_start3A_514] : memref<4x4x128xi32, #tpu.memory_space<vmem>> -> memref<1x4x128xi32, #tpu.memory_space<vmem>>
    %dma_start3A_516 = tpu.memref_squeeze %dma_start3A_515 : memref<1x4x128xi32, #tpu.memory_space<vmem>> -> memref<4x128xi32, #tpu.memory_space<vmem>>
    %dma_start3A_517 = arith.constant 0 : i32
    %dma_start3A_518 = tpu.memref_slice %arg3[%select_n3A_493, %mul3A_495, %select_n3A_511, %dma_start3A_517] : memref<25x128x8x128xi32, #tpu.memory_space<hbm>> -> memref<1x4x1x128xi32, #tpu.memory_space<hbm>>
    %dma_start3A_519 = tpu.memref_squeeze %dma_start3A_518 : memref<1x4x1x128xi32, #tpu.memory_space<hbm>> -> memref<4x128xi32, #tpu.memory_space<hbm>>
    %dma_start3A_520 = arith.constant 0 : i32
    %dma_start3A_521 = arith.constant 0 : i32
    %dma_start3A_522 = tpu.memref_slice %arg7[%dma_start3A_512, %dma_start3A_520, %dma_start3A_521] : memref<4x4x128xi32, #tpu.memory_space<vmem>> -> memref<1x4x128xi32, #tpu.memory_space<vmem>>
    %dma_start3A_523 = tpu.memref_squeeze %dma_start3A_522 : memref<1x4x128xi32, #tpu.memory_space<vmem>> -> memref<4x128xi32, #tpu.memory_space<vmem>>
    %dma_start3A_524 = arith.constant 0 : i32
    %dma_start3A_525 = tpu.memref_slice %arg3[%select_n3A_493, %mul3A_495, %select_n3A_511, %dma_start3A_524] : memref<25x128x8x128xi32, #tpu.memory_space<hbm>> -> memref<1x4x1x128xi32, #tpu.memory_space<hbm>>
    %dma_start3A_526 = tpu.memref_squeeze %dma_start3A_525 : memref<1x4x1x128xi32, #tpu.memory_space<hbm>> -> memref<4x128xi32, #tpu.memory_space<hbm>>
    tpu.enqueue_dma source(%dma_start3A_526 : memref<4x128xi32, #tpu.memory_space<hbm>>) target(%dma_start3A_523 : memref<4x128xi32, #tpu.memory_space<vmem>>) target_semaphore(%arg10 : memref<!tpu.dma_semaphore, #tpu.memory_space<semaphore_mem>>)
    %scan3A = arith.constant 0 : i32
    %scan3A_527 = arith.constant 50 : i32
    %scan3A_528 = arith.addi %scan3A, %scan3A_527 : i32
    %scan3A_529 = arith.constant 1 : i32
    scf.for %scan3A_571 = %scan3A to %scan3A_528 step %scan3A_529  : i32 {
      %mul3A_572 = arith.constant 4 : i32
      %mul3A_573 = arith.muli %scan3A_571, %mul3A_572 : i32
      %add3A_574 = arith.constant 0 : i32
      %add3A_575 = arith.addi %add3A_574, %mul3A_573 : i32
      %add3A_576 = arith.addi %mul3A_2, %add3A_575 : i32
      %add3A_577 = arith.constant 0 : i32
      %add3A_578 = arith.addi %add3A_576, %add3A_577 : i32
      %jit3A_579 = arith.constant 32 : i32
      %div3A_580 = arith.divsi %add3A_578, %jit3A_579 : i32
      %sign3A_581 = arith.constant 0 : i32
      %sign3A_582 = arith.cmpi sgt, %add3A_578, %sign3A_581 : i32
      %sign3A_583 = arith.extui %sign3A_582 : i1 to i32
      %sign3A_584 = arith.constant 0 : i32
      %sign3A_585 = arith.cmpi slt, %add3A_578, %sign3A_584 : i32
      %sign3A_586 = arith.extui %sign3A_585 : i1 to i32
      %sign3A_587 = arith.subi %sign3A_583, %sign3A_586 : i32
      %sign3A_588 = arith.constant 0 : i32
      %sign3A_589 = arith.cmpi sgt, %jit3A_579, %sign3A_588 : i32
      %sign3A_590 = arith.extui %sign3A_589 : i1 to i32
      %sign3A_591 = arith.constant 0 : i32
      %sign3A_592 = arith.cmpi slt, %jit3A_579, %sign3A_591 : i32
      %sign3A_593 = arith.extui %sign3A_592 : i1 to i32
      %sign3A_594 = arith.subi %sign3A_590, %sign3A_593 : i32
      %ne3A_595 = arith.cmpi ne, %sign3A_587, %sign3A_594 : i32
      %rem3A_596 = arith.remsi %add3A_578, %jit3A_579 : i32
      %ne3A_597 = arith.constant 0 : i32
      %ne3A_598 = arith.cmpi ne, %rem3A_596, %ne3A_597 : i32
      %and3A_599 = arith.andi %ne3A_595, %ne3A_598 : i1
      %sub3A_600 = arith.constant 1 : i32
      %sub3A_601 = arith.subi %div3A_580, %sub3A_600 : i32
      %select_n3A_602 = arith.select %and3A_599, %sub3A_601, %div3A_580 : i32
      %jit3A_603 = arith.constant 32 : i32
      %eq3A_604 = arith.constant 0 : i32
      %eq3A_605 = arith.cmpi eq, %jit3A_603, %eq3A_604 : i32
      %jit3A_606 = arith.constant 1 : i32
      %select_n3A_607 = arith.select %eq3A_605, %jit3A_606, %jit3A_603 : i32
      %rem3A_608 = arith.remsi %add3A_578, %select_n3A_607 : i32
      %ne3A_609 = arith.constant 0 : i32
      %ne3A_610 = arith.cmpi ne, %rem3A_608, %ne3A_609 : i32
      %lt3A_611 = arith.constant 0 : i32
      %lt3A_612 = arith.cmpi slt, %rem3A_608, %lt3A_611 : i32
      %lt3A_613 = arith.constant 0 : i32
      %lt3A_614 = arith.cmpi slt, %select_n3A_607, %lt3A_613 : i32
      %ne3A_615 = arith.xori %lt3A_612, %lt3A_614 : i1
      %and3A_616 = arith.andi %ne3A_615, %ne3A_610 : i1
      %add3A_617 = arith.addi %rem3A_608, %select_n3A_607 : i32
      %select_n3A_618 = arith.select %and3A_616, %add3A_617, %rem3A_608 : i32
      %add3A_619 = arith.constant 0 : i32
      %add3A_620 = arith.addi %add3A_575, %add3A_619 : i32
      %add3A_621 = arith.constant 2 : i32
      %add3A_622 = arith.addi %add3A_620, %add3A_621 : i32
      %lt3A_623 = arith.constant 200 : i32
      %lt3A_624 = arith.cmpi slt, %add3A_622, %lt3A_623 : i32
      %convert_element_type3A = arith.extui %lt3A_624 : i1 to i32
      %cond3A = arith.constant 0 : i32
      %cond3A_625 = arith.cmpi ne, %convert_element_type3A, %cond3A : i32
      scf.if %cond3A_625 {
        %dma_wait3A_1519 = arith.constant 0 : i32
        %dma_wait3A_1520 = arith.constant 0 : i32
        %dma_wait3A_1521 = arith.constant 2 : i32
        %dma_wait3A_1522 = arith.constant 0 : i32
        %dma_wait3A_1523 = arith.constant 0 : i32
        %dma_wait3A_1524 = tpu.memref_slice %arg7[%dma_wait3A_1521, %dma_wait3A_1522, %dma_wait3A_1523] : memref<4x4x128xi32, #tpu.memory_space<vmem>> -> memref<1x4x128xi32, #tpu.memory_space<vmem>>
        %dma_wait3A_1525 = tpu.memref_squeeze %dma_wait3A_1524 : memref<1x4x128xi32, #tpu.memory_space<vmem>> -> memref<4x128xi32, #tpu.memory_space<vmem>>
        %dma_wait3A_1526 = arith.constant 0 : i32
        %dma_wait3A_1527 = arith.constant 0 : i32
        %dma_wait3A_1528 = tpu.memref_slice %arg3[%dma_wait3A_1519, %dma_wait3A_1526, %dma_wait3A_1520, %dma_wait3A_1527] : memref<25x128x8x128xi32, #tpu.memory_space<hbm>> -> memref<1x4x1x128xi32, #tpu.memory_space<hbm>>
        %dma_wait3A_1529 = tpu.memref_squeeze %dma_wait3A_1528 : memref<1x4x1x128xi32, #tpu.memory_space<hbm>> -> memref<4x128xi32, #tpu.memory_space<hbm>>
        %dma_wait3A_1530 = arith.constant 0 : i32
        %dma_wait3A_1531 = arith.constant 0 : i32
        %dma_wait3A_1532 = tpu.memref_slice %arg7[%dma_wait3A_1521, %dma_wait3A_1530, %dma_wait3A_1531] : memref<4x4x128xi32, #tpu.memory_space<vmem>> -> memref<1x4x128xi32, #tpu.memory_space<vmem>>
        %dma_wait3A_1533 = tpu.memref_squeeze %dma_wait3A_1532 : memref<1x4x128xi32, #tpu.memory_space<vmem>> -> memref<4x128xi32, #tpu.memory_space<vmem>>
        %dma_wait3A_1534 = arith.constant 0 : i32
        %dma_wait3A_1535 = arith.constant 0 : i32
        %dma_wait3A_1536 = tpu.memref_slice %arg3[%dma_wait3A_1519, %dma_wait3A_1534, %dma_wait3A_1520, %dma_wait3A_1535] : memref<25x128x8x128xi32, #tpu.memory_space<hbm>> -> memref<1x4x1x128xi32, #tpu.memory_space<hbm>>
        %dma_wait3A_1537 = tpu.memref_squeeze %dma_wait3A_1536 : memref<1x4x1x128xi32, #tpu.memory_space<hbm>> -> memref<4x128xi32, #tpu.memory_space<hbm>>
        tpu.wait_dma2 semaphore(%arg10 : memref<!tpu.dma_semaphore, #tpu.memory_space<semaphore_mem>>) src(%dma_wait3A_1537 : memref<4x128xi32, #tpu.memory_space<hbm>>) dst(%dma_wait3A_1533 : memref<4x128xi32, #tpu.memory_space<vmem>>)
        %dma_start3A_1538 = arith.constant 2 : i32
        %dma_start3A_1539 = arith.constant 0 : i32
        %dma_start3A_1540 = arith.constant 2 : i32
        %dma_start3A_1541 = arith.constant 0 : i32
        %dma_start3A_1542 = arith.constant 0 : i32
        %dma_start3A_1543 = tpu.memref_slice %arg8[%dma_start3A_1540, %dma_start3A_1541, %dma_start3A_1542] : memref<4x512x32xf32, #tpu.memory_space<vmem>> -> memref<1x128x32xf32, #tpu.memory_space<vmem>>
        %dma_start3A_1544 = tpu.memref_squeeze %dma_start3A_1543 : memref<1x128x32xf32, #tpu.memory_space<vmem>> -> memref<128x32xf32, #tpu.memory_space<vmem>>
        %dma_start3A_1545 = arith.constant 0 : i32
        %dma_start3A_1546 = tpu.memref_slice %arg7[%dma_start3A_1538, %dma_start3A_1539, %dma_start3A_1545] : memref<4x4x128xi32, #tpu.memory_space<vmem>> -> memref<1x1x128xi32, #tpu.memory_space<vmem>>
        %dma_start3A_1547 = tpu.memref_squeeze %dma_start3A_1546 : memref<1x1x128xi32, #tpu.memory_space<vmem>> -> memref<128xi32, #tpu.memory_space<vmem>>
        %dma_start3A_1548 = arith.constant 0 : i32
        %dma_start3A_1549 = arith.constant 0 : i32
        %dma_start3A_1550 = tpu.memref_slice %arg2[%dma_start3A_1548, %dma_start3A_1549] : memref<1000000x32xf32, #tpu.memory_space<hbm>> -> memref<1000000x32xf32, #tpu.memory_space<hbm>>
        tpu.enqueue_indirect_dma source(%dma_start3A_1550 : memref<1000000x32xf32, #tpu.memory_space<hbm>>) target(%dma_start3A_1544 : memref<128x32xf32, #tpu.memory_space<vmem>>) offsets(%dma_start3A_1547 : memref<128xi32, #tpu.memory_space<vmem>>) semaphore(%arg13 : memref<!tpu.dma_semaphore, #tpu.memory_space<semaphore_mem>>)
        %dma_start3A_1551 = arith.constant 2 : i32
        %dma_start3A_1552 = arith.constant 1 : i32
        %dma_start3A_1553 = arith.constant 2 : i32
        %dma_start3A_1554 = arith.constant 128 : i32
        %dma_start3A_1555 = arith.constant 0 : i32
        %dma_start3A_1556 = tpu.memref_slice %arg8[%dma_start3A_1553, %dma_start3A_1554, %dma_start3A_1555] : memref<4x512x32xf32, #tpu.memory_space<vmem>> -> memref<1x128x32xf32, #tpu.memory_space<vmem>>
        %dma_start3A_1557 = tpu.memref_squeeze %dma_start3A_1556 : memref<1x128x32xf32, #tpu.memory_space<vmem>> -> memref<128x32xf32, #tpu.memory_space<vmem>>
        %dma_start3A_1558 = arith.constant 0 : i32
        %dma_start3A_1559 = tpu.memref_slice %arg7[%dma_start3A_1551, %dma_start3A_1552, %dma_start3A_1558] : memref<4x4x128xi32, #tpu.memory_space<vmem>> -> memref<1x1x128xi32, #tpu.memory_space<vmem>>
        %dma_start3A_1560 = tpu.memref_squeeze %dma_start3A_1559 : memref<1x1x128xi32, #tpu.memory_space<vmem>> -> memref<128xi32, #tpu.memory_space<vmem>>
        %dma_start3A_1561 = arith.constant 0 : i32
        %dma_start3A_1562 = arith.constant 0 : i32
        %dma_start3A_1563 = tpu.memref_slice %arg2[%dma_start3A_1561, %dma_start3A_1562] : memref<1000000x32xf32, #tpu.memory_space<hbm>> -> memref<1000000x32xf32, #tpu.memory_space<hbm>>
        tpu.enqueue_indirect_dma source(%dma_start3A_1563 : memref<1000000x32xf32, #tpu.memory_space<hbm>>) target(%dma_start3A_1557 : memref<128x32xf32, #tpu.memory_space<vmem>>) offsets(%dma_start3A_1560 : memref<128xi32, #tpu.memory_space<vmem>>) semaphore(%arg13 : memref<!tpu.dma_semaphore, #tpu.memory_space<semaphore_mem>>)
        %dma_start3A_1564 = arith.constant 2 : i32
        %dma_start3A_1565 = arith.constant 2 : i32
        %dma_start3A_1566 = arith.constant 2 : i32
        %dma_start3A_1567 = arith.constant 256 : i32
        %dma_start3A_1568 = arith.constant 0 : i32
        %dma_start3A_1569 = tpu.memref_slice %arg8[%dma_start3A_1566, %dma_start3A_1567, %dma_start3A_1568] : memref<4x512x32xf32, #tpu.memory_space<vmem>> -> memref<1x128x32xf32, #tpu.memory_space<vmem>>
        %dma_start3A_1570 = tpu.memref_squeeze %dma_start3A_1569 : memref<1x128x32xf32, #tpu.memory_space<vmem>> -> memref<128x32xf32, #tpu.memory_space<vmem>>
        %dma_start3A_1571 = arith.constant 0 : i32
        %dma_start3A_1572 = tpu.memref_slice %arg7[%dma_start3A_1564, %dma_start3A_1565, %dma_start3A_1571] : memref<4x4x128xi32, #tpu.memory_space<vmem>> -> memref<1x1x128xi32, #tpu.memory_space<vmem>>
        %dma_start3A_1573 = tpu.memref_squeeze %dma_start3A_1572 : memref<1x1x128xi32, #tpu.memory_space<vmem>> -> memref<128xi32, #tpu.memory_space<vmem>>
        %dma_start3A_1574 = arith.constant 0 : i32
        %dma_start3A_1575 = arith.constant 0 : i32
        %dma_start3A_1576 = tpu.memref_slice %arg2[%dma_start3A_1574, %dma_start3A_1575] : memref<1000000x32xf32, #tpu.memory_space<hbm>> -> memref<1000000x32xf32, #tpu.memory_space<hbm>>
        tpu.enqueue_indirect_dma source(%dma_start3A_1576 : memref<1000000x32xf32, #tpu.memory_space<hbm>>) target(%dma_start3A_1570 : memref<128x32xf32, #tpu.memory_space<vmem>>) offsets(%dma_start3A_1573 : memref<128xi32, #tpu.memory_space<vmem>>) semaphore(%arg13 : memref<!tpu.dma_semaphore, #tpu.memory_space<semaphore_mem>>)
        %dma_start3A_1577 = arith.constant 2 : i32
        %dma_start3A_1578 = arith.constant 3 : i32
        %dma_start3A_1579 = arith.constant 2 : i32
        %dma_start3A_1580 = arith.constant 384 : i32
        %dma_start3A_1581 = arith.constant 0 : i32
        %dma_start3A_1582 = tpu.memref_slice %arg8[%dma_start3A_1579, %dma_start3A_1580, %dma_start3A_1581] : memref<4x512x32xf32, #tpu.memory_space<vmem>> -> memref<1x128x32xf32, #tpu.memory_space<vmem>>
        %dma_start3A_1583 = tpu.memref_squeeze %dma_start3A_1582 : memref<1x128x32xf32, #tpu.memory_space<vmem>> -> memref<128x32xf32, #tpu.memory_space<vmem>>
        %dma_start3A_1584 = arith.constant 0 : i32
        %dma_start3A_1585 = tpu.memref_slice %arg7[%dma_start3A_1577, %dma_start3A_1578, %dma_start3A_1584] : memref<4x4x128xi32, #tpu.memory_space<vmem>> -> memref<1x1x128xi32, #tpu.memory_space<vmem>>
        %dma_start3A_1586 = tpu.memref_squeeze %dma_start3A_1585 : memref<1x1x128xi32, #tpu.memory_space<vmem>> -> memref<128xi32, #tpu.memory_space<vmem>>
        %dma_start3A_1587 = arith.constant 0 : i32
        %dma_start3A_1588 = arith.constant 0 : i32
        %dma_start3A_1589 = tpu.memref_slice %arg2[%dma_start3A_1587, %dma_start3A_1588] : memref<1000000x32xf32, #tpu.memory_space<hbm>> -> memref<1000000x32xf32, #tpu.memory_space<hbm>>
        tpu.enqueue_indirect_dma source(%dma_start3A_1589 : memref<1000000x32xf32, #tpu.memory_space<hbm>>) target(%dma_start3A_1583 : memref<128x32xf32, #tpu.memory_space<vmem>>) offsets(%dma_start3A_1586 : memref<128xi32, #tpu.memory_space<vmem>>) semaphore(%arg13 : memref<!tpu.dma_semaphore, #tpu.memory_space<semaphore_mem>>)
      } else {
      }
      %dma_wait3A_626 = arith.constant 0 : i32
      %dma_wait3A_627 = arith.constant 0 : i32
      %dma_wait3A_628 = arith.constant 0 : i32
      %dma_wait3A_629 = tpu.memref_slice %arg8[%dma_wait3A_626, %dma_wait3A_627, %dma_wait3A_628] : memref<4x512x32xf32, #tpu.memory_space<vmem>> -> memref<1x512x32xf32, #tpu.memory_space<vmem>>
      %dma_wait3A_630 = tpu.memref_squeeze %dma_wait3A_629 : memref<1x512x32xf32, #tpu.memory_space<vmem>> -> memref<512x32xf32, #tpu.memory_space<vmem>>
      %dma_wait3A_631 = arith.constant 0 : i32
      %dma_wait3A_632 = arith.constant 0 : i32
      %dma_wait3A_633 = tpu.memref_slice %arg2[%dma_wait3A_631, %dma_wait3A_632] : memref<1000000x32xf32, #tpu.memory_space<hbm>> -> memref<512x32xf32, #tpu.memory_space<hbm>>
      %dma_wait3A_634 = arith.constant 0 : i32
      %dma_wait3A_635 = arith.constant 0 : i32
      %dma_wait3A_636 = tpu.memref_slice %arg8[%dma_wait3A_626, %dma_wait3A_634, %dma_wait3A_635] : memref<4x512x32xf32, #tpu.memory_space<vmem>> -> memref<1x512x32xf32, #tpu.memory_space<vmem>>
      %dma_wait3A_637 = tpu.memref_squeeze %dma_wait3A_636 : memref<1x512x32xf32, #tpu.memory_space<vmem>> -> memref<512x32xf32, #tpu.memory_space<vmem>>
      %dma_wait3A_638 = arith.constant 0 : i32
      %dma_wait3A_639 = arith.constant 0 : i32
      %dma_wait3A_640 = tpu.memref_slice %arg2[%dma_wait3A_638, %dma_wait3A_639] : memref<1000000x32xf32, #tpu.memory_space<hbm>> -> memref<512x32xf32, #tpu.memory_space<hbm>>
      tpu.wait_dma2 semaphore(%arg11 : memref<!tpu.dma_semaphore, #tpu.memory_space<semaphore_mem>>) src(%dma_wait3A_640 : memref<512x32xf32, #tpu.memory_space<hbm>>) dst(%dma_wait3A_637 : memref<512x32xf32, #tpu.memory_space<vmem>>)
      %add3A_641 = arith.constant 0 : i32
      %add3A_642 = arith.addi %add3A_575, %add3A_641 : i32
      %add3A_643 = arith.constant 4 : i32
      %add3A_644 = arith.addi %add3A_642, %add3A_643 : i32
      %lt3A_645 = arith.constant 200 : i32
      %lt3A_646 = arith.cmpi slt, %add3A_644, %lt3A_645 : i32
      %convert_element_type3A_647 = arith.extui %lt3A_646 : i1 to i32
      %cond3A_648 = arith.constant 0 : i32
      %cond3A_649 = arith.cmpi ne, %convert_element_type3A_647, %cond3A_648 : i32
      scf.if %cond3A_649 {
        %add3A_1519 = arith.constant 4 : i32
        %add3A_1520 = arith.addi %add3A_578, %add3A_1519 : i32
        %jit3A_1521 = arith.constant 32 : i32
        %div3A_1522 = arith.divsi %add3A_1520, %jit3A_1521 : i32
        %sign3A_1523 = arith.constant 0 : i32
        %sign3A_1524 = arith.cmpi sgt, %add3A_1520, %sign3A_1523 : i32
        %sign3A_1525 = arith.extui %sign3A_1524 : i1 to i32
        %sign3A_1526 = arith.constant 0 : i32
        %sign3A_1527 = arith.cmpi slt, %add3A_1520, %sign3A_1526 : i32
        %sign3A_1528 = arith.extui %sign3A_1527 : i1 to i32
        %sign3A_1529 = arith.subi %sign3A_1525, %sign3A_1528 : i32
        %sign3A_1530 = arith.constant 0 : i32
        %sign3A_1531 = arith.cmpi sgt, %jit3A_1521, %sign3A_1530 : i32
        %sign3A_1532 = arith.extui %sign3A_1531 : i1 to i32
        %sign3A_1533 = arith.constant 0 : i32
        %sign3A_1534 = arith.cmpi slt, %jit3A_1521, %sign3A_1533 : i32
        %sign3A_1535 = arith.extui %sign3A_1534 : i1 to i32
        %sign3A_1536 = arith.subi %sign3A_1532, %sign3A_1535 : i32
        %ne3A_1537 = arith.cmpi ne, %sign3A_1529, %sign3A_1536 : i32
        %rem3A_1538 = arith.remsi %add3A_1520, %jit3A_1521 : i32
        %ne3A_1539 = arith.constant 0 : i32
        %ne3A_1540 = arith.cmpi ne, %rem3A_1538, %ne3A_1539 : i32
        %and3A_1541 = arith.andi %ne3A_1537, %ne3A_1540 : i1
        %sub3A_1542 = arith.constant 1 : i32
        %sub3A_1543 = arith.subi %div3A_1522, %sub3A_1542 : i32
        %select_n3A_1544 = arith.select %and3A_1541, %sub3A_1543, %div3A_1522 : i32
        %jit3A_1545 = arith.constant 32 : i32
        %eq3A_1546 = arith.constant 0 : i32
        %eq3A_1547 = arith.cmpi eq, %jit3A_1545, %eq3A_1546 : i32
        %jit3A_1548 = arith.constant 1 : i32
        %select_n3A_1549 = arith.select %eq3A_1547, %jit3A_1548, %jit3A_1545 : i32
        %rem3A_1550 = arith.remsi %add3A_1520, %select_n3A_1549 : i32
        %ne3A_1551 = arith.constant 0 : i32
        %ne3A_1552 = arith.cmpi ne, %rem3A_1550, %ne3A_1551 : i32
        %lt3A_1553 = arith.constant 0 : i32
        %lt3A_1554 = arith.cmpi slt, %rem3A_1550, %lt3A_1553 : i32
        %lt3A_1555 = arith.constant 0 : i32
        %lt3A_1556 = arith.cmpi slt, %select_n3A_1549, %lt3A_1555 : i32
        %ne3A_1557 = arith.xori %lt3A_1554, %lt3A_1556 : i1
        %and3A_1558 = arith.andi %ne3A_1557, %ne3A_1552 : i1
        %add3A_1559 = arith.addi %rem3A_1550, %select_n3A_1549 : i32
        %select_n3A_1560 = arith.select %and3A_1558, %add3A_1559, %rem3A_1550 : i32
        %jit3A_1561 = arith.constant 8 : i32
        %div3A_1562 = arith.divsi %select_n3A_1544, %jit3A_1561 : i32
        %sign3A_1563 = arith.constant 0 : i32
        %sign3A_1564 = arith.cmpi sgt, %select_n3A_1544, %sign3A_1563 : i32
        %sign3A_1565 = arith.extui %sign3A_1564 : i1 to i32
        %sign3A_1566 = arith.constant 0 : i32
        %sign3A_1567 = arith.cmpi slt, %select_n3A_1544, %sign3A_1566 : i32
        %sign3A_1568 = arith.extui %sign3A_1567 : i1 to i32
        %sign3A_1569 = arith.subi %sign3A_1565, %sign3A_1568 : i32
        %sign3A_1570 = arith.constant 0 : i32
        %sign3A_1571 = arith.cmpi sgt, %jit3A_1561, %sign3A_1570 : i32
        %sign3A_1572 = arith.extui %sign3A_1571 : i1 to i32
        %sign3A_1573 = arith.constant 0 : i32
        %sign3A_1574 = arith.cmpi slt, %jit3A_1561, %sign3A_1573 : i32
        %sign3A_1575 = arith.extui %sign3A_1574 : i1 to i32
        %sign3A_1576 = arith.subi %sign3A_1572, %sign3A_1575 : i32
        %ne3A_1577 = arith.cmpi ne, %sign3A_1569, %sign3A_1576 : i32
        %rem3A_1578 = arith.remsi %select_n3A_1544, %jit3A_1561 : i32
        %ne3A_1579 = arith.constant 0 : i32
        %ne3A_1580 = arith.cmpi ne, %rem3A_1578, %ne3A_1579 : i32
        %and3A_1581 = arith.andi %ne3A_1577, %ne3A_1580 : i1
        %sub3A_1582 = arith.constant 1 : i32
        %sub3A_1583 = arith.subi %div3A_1562, %sub3A_1582 : i32
        %select_n3A_1584 = arith.select %and3A_1581, %sub3A_1583, %div3A_1562 : i32
        %mul3A_1585 = arith.constant 4 : i32
        %mul3A_1586 = arith.muli %select_n3A_1560, %mul3A_1585 : i32
        %jit3A_1587 = arith.constant 8 : i32
        %eq3A_1588 = arith.constant 0 : i32
        %eq3A_1589 = arith.cmpi eq, %jit3A_1587, %eq3A_1588 : i32
        %jit3A_1590 = arith.constant 1 : i32
        %select_n3A_1591 = arith.select %eq3A_1589, %jit3A_1590, %jit3A_1587 : i32
        %rem3A_1592 = arith.remsi %select_n3A_1544, %select_n3A_1591 : i32
        %ne3A_1593 = arith.constant 0 : i32
        %ne3A_1594 = arith.cmpi ne, %rem3A_1592, %ne3A_1593 : i32
        %lt3A_1595 = arith.constant 0 : i32
        %lt3A_1596 = arith.cmpi slt, %rem3A_1592, %lt3A_1595 : i32
        %lt3A_1597 = arith.constant 0 : i32
        %lt3A_1598 = arith.cmpi slt, %select_n3A_1591, %lt3A_1597 : i32
        %ne3A_1599 = arith.xori %lt3A_1596, %lt3A_1598 : i1
        %and3A_1600 = arith.andi %ne3A_1599, %ne3A_1594 : i1
        %add3A_1601 = arith.addi %rem3A_1592, %select_n3A_1591 : i32
        %select_n3A_1602 = arith.select %and3A_1600, %add3A_1601, %rem3A_1592 : i32
        %dma_start3A_1603 = arith.constant 0 : i32
        %dma_start3A_1604 = arith.constant 0 : i32
        %dma_start3A_1605 = arith.constant 0 : i32
        %dma_start3A_1606 = tpu.memref_slice %arg7[%dma_start3A_1603, %dma_start3A_1604, %dma_start3A_1605] : memref<4x4x128xi32, #tpu.memory_space<vmem>> -> memref<1x4x128xi32, #tpu.memory_space<vmem>>
        %dma_start3A_1607 = tpu.memref_squeeze %dma_start3A_1606 : memref<1x4x128xi32, #tpu.memory_space<vmem>> -> memref<4x128xi32, #tpu.memory_space<vmem>>
        %dma_start3A_1608 = arith.constant 0 : i32
        %dma_start3A_1609 = tpu.memref_slice %arg3[%select_n3A_1584, %mul3A_1586, %select_n3A_1602, %dma_start3A_1608] : memref<25x128x8x128xi32, #tpu.memory_space<hbm>> -> memref<1x4x1x128xi32, #tpu.memory_space<hbm>>
        %dma_start3A_1610 = tpu.memref_squeeze %dma_start3A_1609 : memref<1x4x1x128xi32, #tpu.memory_space<hbm>> -> memref<4x128xi32, #tpu.memory_space<hbm>>
        %dma_start3A_1611 = arith.constant 0 : i32
        %dma_start3A_1612 = arith.constant 0 : i32
        %dma_start3A_1613 = tpu.memref_slice %arg7[%dma_start3A_1603, %dma_start3A_1611, %dma_start3A_1612] : memref<4x4x128xi32, #tpu.memory_space<vmem>> -> memref<1x4x128xi32, #tpu.memory_space<vmem>>
        %dma_start3A_1614 = tpu.memref_squeeze %dma_start3A_1613 : memref<1x4x128xi32, #tpu.memory_space<vmem>> -> memref<4x128xi32, #tpu.memory_space<vmem>>
        %dma_start3A_1615 = arith.constant 0 : i32
        %dma_start3A_1616 = tpu.memref_slice %arg3[%select_n3A_1584, %mul3A_1586, %select_n3A_1602, %dma_start3A_1615] : memref<25x128x8x128xi32, #tpu.memory_space<hbm>> -> memref<1x4x1x128xi32, #tpu.memory_space<hbm>>
        %dma_start3A_1617 = tpu.memref_squeeze %dma_start3A_1616 : memref<1x4x1x128xi32, #tpu.memory_space<hbm>> -> memref<4x128xi32, #tpu.memory_space<hbm>>
        tpu.enqueue_dma source(%dma_start3A_1617 : memref<4x128xi32, #tpu.memory_space<hbm>>) target(%dma_start3A_1614 : memref<4x128xi32, #tpu.memory_space<vmem>>) target_semaphore(%arg10 : memref<!tpu.dma_semaphore, #tpu.memory_space<semaphore_mem>>)
      } else {
      }
      %add3A_650 = arith.constant 0 : i32
      %add3A_651 = arith.addi %add3A_575, %add3A_650 : i32
      %ge3A = arith.constant 2 : i32
      %ge3A_652 = arith.cmpi sge, %add3A_651, %ge3A : i32
      %convert_element_type3A_653 = arith.extui %ge3A_652 : i1 to i32
      %cond3A_654 = arith.constant 0 : i32
      %cond3A_655 = arith.cmpi ne, %convert_element_type3A_653, %cond3A_654 : i32
      scf.if %cond3A_655 {
        %dma_wait3A_1519 = arith.constant 0 : i32
        %dma_wait3A_1520 = arith.constant 0 : i32
        %dma_wait3A_1521 = arith.constant 0 : i32
        %dma_wait3A_1522 = arith.constant 0 : i32
        %dma_wait3A_1523 = arith.constant 0 : i32
        %dma_wait3A_1524 = tpu.memref_slice %arg9[%dma_wait3A_1519, %dma_wait3A_1521, %dma_wait3A_1522, %dma_wait3A_1523] : memref<2x4x40x129xf32, #tpu.memory_space<vmem>> -> memref<1x4x32x128xf32, #tpu.memory_space<vmem>>
        %dma_wait3A_1525 = tpu.memref_squeeze %dma_wait3A_1524 : memref<1x4x32x128xf32, #tpu.memory_space<vmem>> -> memref<4x32x128xf32, #tpu.memory_space<vmem>>
        %dma_wait3A_1526 = arith.constant 0 : i32
        %dma_wait3A_1527 = arith.constant 0 : i32
        %dma_wait3A_1528 = tpu.memref_slice %arg5[%dma_wait3A_1520, %dma_wait3A_1526, %dma_wait3A_1527] : memref<200x4096x128xf32, #tpu.memory_space<hbm>> -> memref<1x128x128xf32, #tpu.memory_space<hbm>>
        %dma_wait3A_1529 = tpu.memref_squeeze %dma_wait3A_1528 : memref<1x128x128xf32, #tpu.memory_space<hbm>> -> memref<128x128xf32, #tpu.memory_space<hbm>>
        %dma_wait3A_1530 = arith.constant 0 : i32
        %dma_wait3A_1531 = arith.constant 0 : i32
        %dma_wait3A_1532 = tpu.memref_slice %arg5[%dma_wait3A_1520, %dma_wait3A_1530, %dma_wait3A_1531] : memref<200x4096x128xf32, #tpu.memory_space<hbm>> -> memref<1x128x128xf32, #tpu.memory_space<hbm>>
        %dma_wait3A_1533 = tpu.memref_squeeze %dma_wait3A_1532 : memref<1x128x128xf32, #tpu.memory_space<hbm>> -> memref<128x128xf32, #tpu.memory_space<hbm>>
        %dma_wait3A_1534 = arith.constant 0 : i32
        %dma_wait3A_1535 = arith.constant 0 : i32
        %dma_wait3A_1536 = arith.constant 0 : i32
        %dma_wait3A_1537 = tpu.memref_slice %arg9[%dma_wait3A_1519, %dma_wait3A_1534, %dma_wait3A_1535, %dma_wait3A_1536] : memref<2x4x40x129xf32, #tpu.memory_space<vmem>> -> memref<1x4x32x128xf32, #tpu.memory_space<vmem>>
        %dma_wait3A_1538 = tpu.memref_squeeze %dma_wait3A_1537 : memref<1x4x32x128xf32, #tpu.memory_space<vmem>> -> memref<4x32x128xf32, #tpu.memory_space<vmem>>
        tpu.wait_dma2 semaphore(%arg15 : memref<!tpu.dma_semaphore, #tpu.memory_space<semaphore_mem>>) src(%dma_wait3A_1538 : memref<4x32x128xf32, #tpu.memory_space<vmem>>) dst(%dma_wait3A_1533 : memref<128x128xf32, #tpu.memory_space<hbm>>)
      } else {
      }
      %get3A = arith.index_cast %select_n3A_602 : i32 to index
      %get3A_656 = arith.constant 0 : index
      %get3A_657 = tpu.vector_load %arg6[%get3A, %get3A_656] {strides = array<i32>} : memref<200x32xf32, #tpu.memory_space<vmem>>, vector<16xf32>,
      %get3A_658 = arith.index_cast %select_n3A_602 : i32 to index
      %get3A_659 = arith.constant 16 : index
      %get3A_660 = tpu.vector_load %arg6[%get3A_658, %get3A_659] {strides = array<i32>} : memref<200x32xf32, #tpu.memory_space<vmem>>, vector<16xf32>,
      %jit3A_661 = arith.constant 8 : i32
      %div3A_662 = vector.broadcast %jit3A_661 : i32 to vector<16xi32>
      %div3A_663 = arith.divsi %iota3A, %div3A_662 : vector<16xi32>
      %sign3A_664 = arith.constant 0 : i32
      %sign3A_665 = vector.broadcast %sign3A_664 : i32 to vector<16xi32>
      %sign3A_666 = arith.cmpi sgt, %iota3A, %sign3A_665 : vector<16xi32>
      %sign3A_667 = arith.extui %sign3A_666 : vector<16xi1> to vector<16xi32>
      %sign3A_668 = arith.constant 0 : i32
      %sign3A_669 = vector.broadcast %sign3A_668 : i32 to vector<16xi32>
      %sign3A_670 = arith.cmpi slt, %iota3A, %sign3A_669 : vector<16xi32>
      %sign3A_671 = arith.extui %sign3A_670 : vector<16xi1> to vector<16xi32>
      %sign3A_672 = arith.subi %sign3A_667, %sign3A_671 : vector<16xi32>
      %sign3A_673 = arith.constant 0 : i32
      %sign3A_674 = arith.cmpi sgt, %jit3A_661, %sign3A_673 : i32
      %sign3A_675 = arith.extui %sign3A_674 : i1 to i32
      %sign3A_676 = arith.constant 0 : i32
      %sign3A_677 = arith.cmpi slt, %jit3A_661, %sign3A_676 : i32
      %sign3A_678 = arith.extui %sign3A_677 : i1 to i32
      %sign3A_679 = arith.subi %sign3A_675, %sign3A_678 : i32
      %ne3A_680 = vector.broadcast %sign3A_679 : i32 to vector<16xi32>
      %ne3A_681 = arith.cmpi ne, %sign3A_672, %ne3A_680 : vector<16xi32>
      %rem3A_682 = vector.broadcast %jit3A_661 : i32 to vector<16xi32>
      %rem3A_683 = arith.remsi %iota3A, %rem3A_682 : vector<16xi32>
      %ne3A_684 = arith.constant 0 : i32
      %ne3A_685 = vector.broadcast %ne3A_684 : i32 to vector<16xi32>
      %ne3A_686 = arith.cmpi ne, %rem3A_683, %ne3A_685 : vector<16xi32>
      %and3A_687 = arith.andi %ne3A_681, %ne3A_686 : vector<16xi1>
      %sub3A_688 = arith.constant 1 : i32
      %sub3A_689 = vector.broadcast %sub3A_688 : i32 to vector<16xi32>
      %sub3A_690 = arith.subi %div3A_663, %sub3A_689 : vector<16xi32>
      %select_n3A_691 = arith.select %and3A_687, %sub3A_690, %div3A_663 : vector<16xi1>, vector<16xi32>
      %jit3A_692 = arith.constant 8 : i32
      %eq3A_693 = arith.constant 0 : i32
      %eq3A_694 = arith.cmpi eq, %jit3A_692, %eq3A_693 : i32
      %jit3A_695 = arith.constant 1 : i32
      %select_n3A_696 = arith.select %eq3A_694, %jit3A_695, %jit3A_692 : i32
      %rem3A_697 = vector.broadcast %select_n3A_696 : i32 to vector<16xi32>
      %rem3A_698 = arith.remsi %iota3A, %rem3A_697 : vector<16xi32>
      %ne3A_699 = arith.constant 0 : i32
      %ne3A_700 = vector.broadcast %ne3A_699 : i32 to vector<16xi32>
      %ne3A_701 = arith.cmpi ne, %rem3A_698, %ne3A_700 : vector<16xi32>
      %lt3A_702 = arith.constant 0 : i32
      %lt3A_703 = vector.broadcast %lt3A_702 : i32 to vector<16xi32>
      %lt3A_704 = arith.cmpi slt, %rem3A_698, %lt3A_703 : vector<16xi32>
      %lt3A_705 = arith.constant 0 : i32
      %lt3A_706 = arith.cmpi slt, %select_n3A_696, %lt3A_705 : i32
      %ne3A_707 = vector.broadcast %lt3A_706 : i1 to vector<16xi1>
      %ne3A_708 = vector.broadcast %ne3A_707 : vector<16xi1> to vector<16xi1>
      %ne3A_709 = arith.xori %lt3A_704, %ne3A_708 : vector<16xi1>
      %and3A_710 = arith.andi %ne3A_709, %ne3A_701 : vector<16xi1>
      %add3A_711 = vector.broadcast %select_n3A_696 : i32 to vector<16xi32>
      %add3A_712 = arith.addi %rem3A_698, %add3A_711 : vector<16xi32>
      %select_n3A_713 = arith.select %and3A_710, %add3A_712, %rem3A_698 : vector<16xi1>, vector<16xi32>
      %broadcast_in_dim3A = arith.constant 0 : i32
      %broadcast_in_dim3A_714 = vector.broadcast %broadcast_in_dim3A : i32 to vector<16xi32>
      %scan3A_715 = arith.constant 0 : i32
      %scan3A_716 = arith.constant 4 : i32
      %scan3A_717 = arith.addi %scan3A_715, %scan3A_716 : i32
      %scan3A_718 = arith.constant 1 : i32
      scf.for %scan3A_1519 = %scan3A_715 to %scan3A_717 step %scan3A_718  : i32 {
        %mul3A_1520 = arith.constant 1 : i32
        %mul3A_1521 = arith.muli %scan3A_1519, %mul3A_1520 : i32
        %add3A_1522 = arith.constant 0 : i32
        %add3A_1523 = arith.addi %add3A_1522, %mul3A_1521 : i32
        %mul3A_1524 = arith.constant 8 : i32
        %mul3A_1525 = arith.muli %add3A_1523, %mul3A_1524 : i32
        %add3A_1526 = vector.broadcast %mul3A_1525 : i32 to vector<16xi32>
        %add3A_1527 = arith.addi %select_n3A_713, %add3A_1526 : vector<16xi32>
        %mul3A_1528 = arith.constant 128 : i32
        %mul3A_1529 = arith.muli %add3A_1523, %mul3A_1528 : i32
        %scan3A_1530 = arith.constant 0 : i32
        %scan3A_1531 = arith.constant 128 : i32
        %scan3A_1532 = arith.addi %scan3A_1530, %scan3A_1531 : i32
        %scan3A_1533 = arith.constant 16 : i32
        %scan3A_1534 = scf.for %scan3A_1536 = %scan3A_1530 to %scan3A_1532 step %scan3A_1533 iter_args(%scan3A_1537 = %broadcast_in_dim3A_714) -> (vector<16xi32>)  : i32 {
          %mul3A_1538 = arith.constant 1 : i32
          %mul3A_1539 = arith.muli %scan3A_1536, %mul3A_1538 : i32
          %add3A_1540 = arith.constant 0 : i32
          %add3A_1541 = arith.addi %add3A_1540, %mul3A_1539 : i32
          %add3A_1542 = arith.addi %mul3A_1529, %add3A_1541 : i32
          %get3A_1543 = arith.constant 0 : i32
          %get3A_1544 = arith.index_cast %get3A_1543 : i32 to index
          %get3A_1545 = arith.index_cast %add3A_1542 : i32 to index
          %get3A_1546 = arith.constant 0 : index
          %get3A_1547 = tpu.vector_load %arg8[%get3A_1544, %get3A_1545, %get3A_1546] {strides = array<i32>} : memref<4x512x32xf32, #tpu.memory_space<vmem>>, vector<16xf32>,
          %add3A_1548 = arith.addf %get3A_1547, %get3A_657 : vector<16xf32>
          %get3A_1549 = arith.constant 0 : i32
          %get3A_1550 = arith.index_cast %get3A_1549 : i32 to index
          %get3A_1551 = arith.index_cast %add3A_1542 : i32 to index
          %get3A_1552 = arith.constant 16 : index
          %get3A_1553 = tpu.vector_load %arg8[%get3A_1550, %get3A_1551, %get3A_1552] {strides = array<i32>} : memref<4x512x32xf32, #tpu.memory_space<vmem>>, vector<16xf32>,
          %add3A_1554 = arith.addf %get3A_1553, %get3A_660 : vector<16xf32>
          %scatter3A = arith.constant 0 : i32
          %scatter3A_1555 = arith.constant 0 : i32
          %scatter3A_1556 = arith.constant 0 : i32
          %scatter3A_1557 = arith.constant 0 : i32
          %scatter3A_1558 = tpu.memref_slice %arg9[%scatter3A, %scatter3A_1555, %scatter3A_1556, %scatter3A_1557] : memref<2x4x40x129xf32, #tpu.memory_space<vmem>> -> memref<1x4x40x129xf32, #tpu.memory_space<vmem>>
          %scatter3A_1559 = tpu.memref_squeeze %scatter3A_1558 : memref<1x4x40x129xf32, #tpu.memory_space<vmem>> -> memref<4x40x129xf32, #tpu.memory_space<vmem>>
          tpu.vector_store_idx %scatter3A_1559[%select_n3A_691, %add3A_1527, %scan3A_1537], %add3A_1548 : memref<4x40x129xf32, #tpu.memory_space<vmem>>[vector<16xi32>, vector<16xi32>, vector<16xi32>], vector<16xf32>,
          %add3A_1560 = arith.constant 2 : i32
          %add3A_1561 = vector.broadcast %add3A_1560 : i32 to vector<16xi32>
          %add3A_1562 = arith.addi %select_n3A_691, %add3A_1561 : vector<16xi32>
          %scatter3A_1563 = arith.constant 0 : i32
          %scatter3A_1564 = arith.constant 0 : i32
          %scatter3A_1565 = arith.constant 0 : i32
          %scatter3A_1566 = arith.constant 0 : i32
          %scatter3A_1567 = tpu.memref_slice %arg9[%scatter3A_1563, %scatter3A_1564, %scatter3A_1565, %scatter3A_1566] : memref<2x4x40x129xf32, #tpu.memory_space<vmem>> -> memref<1x4x40x129xf32, #tpu.memory_space<vmem>>
          %scatter3A_1568 = tpu.memref_squeeze %scatter3A_1567 : memref<1x4x40x129xf32, #tpu.memory_space<vmem>> -> memref<4x40x129xf32, #tpu.memory_space<vmem>>
          tpu.vector_store_idx %scatter3A_1568[%add3A_1562, %add3A_1527, %scan3A_1537], %add3A_1554 : memref<4x40x129xf32, #tpu.memory_space<vmem>>[vector<16xi32>, vector<16xi32>, vector<16xi32>], vector<16xf32>,
          %add3A_1569 = arith.constant 1 : i32
          %add3A_1570 = vector.broadcast %add3A_1569 : i32 to vector<16xi32>
          %add3A_1571 = arith.addi %scan3A_1537, %add3A_1570 : vector<16xi32>
          %scan3A_1572 = arith.constant 1 : i32
          %scan3A_1573 = arith.addi %scan3A_1536, %scan3A_1572 : i32
          %mul3A_1574 = arith.constant 1 : i32
          %mul3A_1575 = arith.muli %scan3A_1573, %mul3A_1574 : i32
          %add3A_1576 = arith.constant 0 : i32
          %add3A_1577 = arith.addi %add3A_1576, %mul3A_1575 : i32
          %add3A_1578 = arith.addi %mul3A_1529, %add3A_1577 : i32
          %get3A_1579 = arith.constant 0 : i32
          %get3A_1580 = arith.index_cast %get3A_1579 : i32 to index
          %get3A_1581 = arith.index_cast %add3A_1578 : i32 to index
          %get3A_1582 = arith.constant 0 : index
          %get3A_1583 = tpu.vector_load %arg8[%get3A_1580, %get3A_1581, %get3A_1582] {strides = array<i32>} : memref<4x512x32xf32, #tpu.memory_space<vmem>>, vector<16xf32>,
          %add3A_1584 = arith.addf %get3A_1583, %get3A_657 : vector<16xf32>
          %get3A_1585 = arith.constant 0 : i32
          %get3A_1586 = arith.index_cast %get3A_1585 : i32 to index
          %get3A_1587 = arith.index_cast %add3A_1578 : i32 to index
          %get3A_1588 = arith.constant 16 : index
          %get3A_1589 = tpu.vector_load %arg8[%get3A_1586, %get3A_1587, %get3A_1588] {strides = array<i32>} : memref<4x512x32xf32, #tpu.memory_space<vmem>>, vector<16xf32>,
          %add3A_1590 = arith.addf %get3A_1589, %get3A_660 : vector<16xf32>
          %scatter3A_1591 = arith.constant 0 : i32
          %scatter3A_1592 = arith.constant 0 : i32
          %scatter3A_1593 = arith.constant 0 : i32
          %scatter3A_1594 = arith.constant 0 : i32
          %scatter3A_1595 = tpu.memref_slice %arg9[%scatter3A_1591, %scatter3A_1592, %scatter3A_1593, %scatter3A_1594] : memref<2x4x40x129xf32, #tpu.memory_space<vmem>> -> memref<1x4x40x129xf32, #tpu.memory_space<vmem>>
          %scatter3A_1596 = tpu.memref_squeeze %scatter3A_1595 : memref<1x4x40x129xf32, #tpu.memory_space<vmem>> -> memref<4x40x129xf32, #tpu.memory_space<vmem>>
          tpu.vector_store_idx %scatter3A_1596[%select_n3A_691, %add3A_1527, %add3A_1571], %add3A_1584 : memref<4x40x129xf32, #tpu.memory_space<vmem>>[vector<16xi32>, vector<16xi32>, vector<16xi32>], vector<16xf32>,
          %add3A_1597 = arith.constant 2 : i32
          %add3A_1598 = vector.broadcast %add3A_1597 : i32 to vector<16xi32>
          %add3A_1599 = arith.addi %select_n3A_691, %add3A_1598 : vector<16xi32>
          %scatter3A_1600 = arith.constant 0 : i32
          %scatter3A_1601 = arith.constant 0 : i32
          %scatter3A_1602 = arith.constant 0 : i32
          %scatter3A_1603 = arith.constant 0 : i32
          %scatter3A_1604 = tpu.memref_slice %arg9[%scatter3A_1600, %scatter3A_1601, %scatter3A_1602, %scatter3A_1603] : memref<2x4x40x129xf32, #tpu.memory_space<vmem>> -> memref<1x4x40x129xf32, #tpu.memory_space<vmem>>
          %scatter3A_1605 = tpu.memref_squeeze %scatter3A_1604 : memref<1x4x40x129xf32, #tpu.memory_space<vmem>> -> memref<4x40x129xf32, #tpu.memory_space<vmem>>
          tpu.vector_store_idx %scatter3A_1605[%add3A_1599, %add3A_1527, %add3A_1571], %add3A_1590 : memref<4x40x129xf32, #tpu.memory_space<vmem>>[vector<16xi32>, vector<16xi32>, vector<16xi32>], vector<16xf32>,
          %add3A_1606 = arith.constant 1 : i32
          %add3A_1607 = vector.broadcast %add3A_1606 : i32 to vector<16xi32>
          %add3A_1608 = arith.addi %add3A_1571, %add3A_1607 : vector<16xi32>
          %scan3A_1609 = arith.constant 2 : i32
          %scan3A_1610 = arith.addi %scan3A_1536, %scan3A_1609 : i32
          %mul3A_1611 = arith.constant 1 : i32
          %mul3A_1612 = arith.muli %scan3A_1610, %mul3A_1611 : i32
          %add3A_1613 = arith.constant 0 : i32
          %add3A_1614 = arith.addi %add3A_1613, %mul3A_1612 : i32
          %add3A_1615 = arith.addi %mul3A_1529, %add3A_1614 : i32
          %get3A_1616 = arith.constant 0 : i32
          %get3A_1617 = arith.index_cast %get3A_1616 : i32 to index
          %get3A_1618 = arith.index_cast %add3A_1615 : i32 to index
          %get3A_1619 = arith.constant 0 : index
          %get3A_1620 = tpu.vector_load %arg8[%get3A_1617, %get3A_1618, %get3A_1619] {strides = array<i32>} : memref<4x512x32xf32, #tpu.memory_space<vmem>>, vector<16xf32>,
          %add3A_1621 = arith.addf %get3A_1620, %get3A_657 : vector<16xf32>
          %get3A_1622 = arith.constant 0 : i32
          %get3A_1623 = arith.index_cast %get3A_1622 : i32 to index
          %get3A_1624 = arith.index_cast %add3A_1615 : i32 to index
          %get3A_1625 = arith.constant 16 : index
          %get3A_1626 = tpu.vector_load %arg8[%get3A_1623, %get3A_1624, %get3A_1625] {strides = array<i32>} : memref<4x512x32xf32, #tpu.memory_space<vmem>>, vector<16xf32>,
          %add3A_1627 = arith.addf %get3A_1626, %get3A_660 : vector<16xf32>
          %scatter3A_1628 = arith.constant 0 : i32
          %scatter3A_1629 = arith.constant 0 : i32
          %scatter3A_1630 = arith.constant 0 : i32
          %scatter3A_1631 = arith.constant 0 : i32
          %scatter3A_1632 = tpu.memref_slice %arg9[%scatter3A_1628, %scatter3A_1629, %scatter3A_1630, %scatter3A_1631] : memref<2x4x40x129xf32, #tpu.memory_space<vmem>> -> memref<1x4x40x129xf32, #tpu.memory_space<vmem>>
          %scatter3A_1633 = tpu.memref_squeeze %scatter3A_1632 : memref<1x4x40x129xf32, #tpu.memory_space<vmem>> -> memref<4x40x129xf32, #tpu.memory_space<vmem>>
          tpu.vector_store_idx %scatter3A_1633[%select_n3A_691, %add3A_1527, %add3A_1608], %add3A_1621 : memref<4x40x129xf32, #tpu.memory_space<vmem>>[vector<16xi32>, vector<16xi32>, vector<16xi32>], vector<16xf32>,
          %add3A_1634 = arith.constant 2 : i32
          %add3A_1635 = vector.broadcast %add3A_1634 : i32 to vector<16xi32>
          %add3A_1636 = arith.addi %select_n3A_691, %add3A_1635 : vector<16xi32>
          %scatter3A_1637 = arith.constant 0 : i32
          %scatter3A_1638 = arith.constant 0 : i32
          %scatter3A_1639 = arith.constant 0 : i32
          %scatter3A_1640 = arith.constant 0 : i32
          %scatter3A_1641 = tpu.memref_slice %arg9[%scatter3A_1637, %scatter3A_1638, %scatter3A_1639, %scatter3A_1640] : memref<2x4x40x129xf32, #tpu.memory_space<vmem>> -> memref<1x4x40x129xf32, #tpu.memory_space<vmem>>
          %scatter3A_1642 = tpu.memref_squeeze %scatter3A_1641 : memref<1x4x40x129xf32, #tpu.memory_space<vmem>> -> memref<4x40x129xf32, #tpu.memory_space<vmem>>
          tpu.vector_store_idx %scatter3A_1642[%add3A_1636, %add3A_1527, %add3A_1608], %add3A_1627 : memref<4x40x129xf32, #tpu.memory_space<vmem>>[vector<16xi32>, vector<16xi32>, vector<16xi32>], vector<16xf32>,
          %add3A_1643 = arith.constant 1 : i32
          %add3A_1644 = vector.broadcast %add3A_1643 : i32 to vector<16xi32>
          %add3A_1645 = arith.addi %add3A_1608, %add3A_1644 : vector<16xi32>
          %scan3A_1646 = arith.constant 3 : i32
          %scan3A_1647 = arith.addi %scan3A_1536, %scan3A_1646 : i32
          %mul3A_1648 = arith.constant 1 : i32
          %mul3A_1649 = arith.muli %scan3A_1647, %mul3A_1648 : i32
          %add3A_1650 = arith.constant 0 : i32
          %add3A_1651 = arith.addi %add3A_1650, %mul3A_1649 : i32
          %add3A_1652 = arith.addi %mul3A_1529, %add3A_1651 : i32
          %get3A_1653 = arith.constant 0 : i32
          %get3A_1654 = arith.index_cast %get3A_1653 : i32 to index
          %get3A_1655 = arith.index_cast %add3A_1652 : i32 to index
          %get3A_1656 = arith.constant 0 : index
          %get3A_1657 = tpu.vector_load %arg8[%get3A_1654, %get3A_1655, %get3A_1656] {strides = array<i32>} : memref<4x512x32xf32, #tpu.memory_space<vmem>>, vector<16xf32>,
          %add3A_1658 = arith.addf %get3A_1657, %get3A_657 : vector<16xf32>
          %get3A_1659 = arith.constant 0 : i32
          %get3A_1660 = arith.index_cast %get3A_1659 : i32 to index
          %get3A_1661 = arith.index_cast %add3A_1652 : i32 to index
          %get3A_1662 = arith.constant 16 : index
          %get3A_1663 = tpu.vector_load %arg8[%get3A_1660, %get3A_1661, %get3A_1662] {strides = array<i32>} : memref<4x512x32xf32, #tpu.memory_space<vmem>>, vector<16xf32>,
          %add3A_1664 = arith.addf %get3A_1663, %get3A_660 : vector<16xf32>
          %scatter3A_1665 = arith.constant 0 : i32
          %scatter3A_1666 = arith.constant 0 : i32
          %scatter3A_1667 = arith.constant 0 : i32
          %scatter3A_1668 = arith.constant 0 : i32
          %scatter3A_1669 = tpu.memref_slice %arg9[%scatter3A_1665, %scatter3A_1666, %scatter3A_1667, %scatter3A_1668] : memref<2x4x40x129xf32, #tpu.memory_space<vmem>> -> memref<1x4x40x129xf32, #tpu.memory_space<vmem>>
          %scatter3A_1670 = tpu.memref_squeeze %scatter3A_1669 : memref<1x4x40x129xf32, #tpu.memory_space<vmem>> -> memref<4x40x129xf32, #tpu.memory_space<vmem>>
          tpu.vector_store_idx %scatter3A_1670[%select_n3A_691, %add3A_1527, %add3A_1645], %add3A_1658 : memref<4x40x129xf32, #tpu.memory_space<vmem>>[vector<16xi32>, vector<16xi32>, vector<16xi32>], vector<16xf32>,
          %add3A_1671 = arith.constant 2 : i32
          %add3A_1672 = vector.broadcast %add3A_1671 : i32 to vector<16xi32>
          %add3A_1673 = arith.addi %select_n3A_691, %add3A_1672 : vector<16xi32>
          %scatter3A_1674 = arith.constant 0 : i32
          %scatter3A_1675 = arith.constant 0 : i32
          %scatter3A_1676 = arith.constant 0 : i32
          %scatter3A_1677 = arith.constant 0 : i32
          %scatter3A_1678 = tpu.memref_slice %arg9[%scatter3A_1674, %scatter3A_1675, %scatter3A_1676, %scatter3A_1677] : memref<2x4x40x129xf32, #tpu.memory_space<vmem>> -> memref<1x4x40x129xf32, #tpu.memory_space<vmem>>
          %scatter3A_1679 = tpu.memref_squeeze %scatter3A_1678 : memref<1x4x40x129xf32, #tpu.memory_space<vmem>> -> memref<4x40x129xf32, #tpu.memory_space<vmem>>
          tpu.vector_store_idx %scatter3A_1679[%add3A_1673, %add3A_1527, %add3A_1645], %add3A_1664 : memref<4x40x129xf32, #tpu.memory_space<vmem>>[vector<16xi32>, vector<16xi32>, vector<16xi32>], vector<16xf32>,
          %add3A_1680 = arith.constant 1 : i32
          %add3A_1681 = vector.broadcast %add3A_1680 : i32 to vector<16xi32>
          %add3A_1682 = arith.addi %add3A_1645, %add3A_1681 : vector<16xi32>
          %scan3A_1683 = arith.constant 4 : i32
          %scan3A_1684 = arith.addi %scan3A_1536, %scan3A_1683 : i32
          %mul3A_1685 = arith.constant 1 : i32
          %mul3A_1686 = arith.muli %scan3A_1684, %mul3A_1685 : i32
          %add3A_1687 = arith.constant 0 : i32
          %add3A_1688 = arith.addi %add3A_1687, %mul3A_1686 : i32
          %add3A_1689 = arith.addi %mul3A_1529, %add3A_1688 : i32
          %get3A_1690 = arith.constant 0 : i32
          %get3A_1691 = arith.index_cast %get3A_1690 : i32 to index
          %get3A_1692 = arith.index_cast %add3A_1689 : i32 to index
          %get3A_1693 = arith.constant 0 : index
          %get3A_1694 = tpu.vector_load %arg8[%get3A_1691, %get3A_1692, %get3A_1693] {strides = array<i32>} : memref<4x512x32xf32, #tpu.memory_space<vmem>>, vector<16xf32>,
          %add3A_1695 = arith.addf %get3A_1694, %get3A_657 : vector<16xf32>
          %get3A_1696 = arith.constant 0 : i32
          %get3A_1697 = arith.index_cast %get3A_1696 : i32 to index
          %get3A_1698 = arith.index_cast %add3A_1689 : i32 to index
          %get3A_1699 = arith.constant 16 : index
          %get3A_1700 = tpu.vector_load %arg8[%get3A_1697, %get3A_1698, %get3A_1699] {strides = array<i32>} : memref<4x512x32xf32, #tpu.memory_space<vmem>>, vector<16xf32>,
          %add3A_1701 = arith.addf %get3A_1700, %get3A_660 : vector<16xf32>
          %scatter3A_1702 = arith.constant 0 : i32
          %scatter3A_1703 = arith.constant 0 : i32
          %scatter3A_1704 = arith.constant 0 : i32
          %scatter3A_1705 = arith.constant 0 : i32
          %scatter3A_1706 = tpu.memref_slice %arg9[%scatter3A_1702, %scatter3A_1703, %scatter3A_1704, %scatter3A_1705] : memref<2x4x40x129xf32, #tpu.memory_space<vmem>> -> memref<1x4x40x129xf32, #tpu.memory_space<vmem>>
          %scatter3A_1707 = tpu.memref_squeeze %scatter3A_1706 : memref<1x4x40x129xf32, #tpu.memory_space<vmem>> -> memref<4x40x129xf32, #tpu.memory_space<vmem>>
          tpu.vector_store_idx %scatter3A_1707[%select_n3A_691, %add3A_1527, %add3A_1682], %add3A_1695 : memref<4x40x129xf32, #tpu.memory_space<vmem>>[vector<16xi32>, vector<16xi32>, vector<16xi32>], vector<16xf32>,
          %add3A_1708 = arith.constant 2 : i32
          %add3A_1709 = vector.broadcast %add3A_1708 : i32 to vector<16xi32>
          %add3A_1710 = arith.addi %select_n3A_691, %add3A_1709 : vector<16xi32>
          %scatter3A_1711 = arith.constant 0 : i32
          %scatter3A_1712 = arith.constant 0 : i32
          %scatter3A_1713 = arith.constant 0 : i32
          %scatter3A_1714 = arith.constant 0 : i32
          %scatter3A_1715 = tpu.memref_slice %arg9[%scatter3A_1711, %scatter3A_1712, %scatter3A_1713, %scatter3A_1714] : memref<2x4x40x129xf32, #tpu.memory_space<vmem>> -> memref<1x4x40x129xf32, #tpu.memory_space<vmem>>
          %scatter3A_1716 = tpu.memref_squeeze %scatter3A_1715 : memref<1x4x40x129xf32, #tpu.memory_space<vmem>> -> memref<4x40x129xf32, #tpu.memory_space<vmem>>
          tpu.vector_store_idx %scatter3A_1716[%add3A_1710, %add3A_1527, %add3A_1682], %add3A_1701 : memref<4x40x129xf32, #tpu.memory_space<vmem>>[vector<16xi32>, vector<16xi32>, vector<16xi32>], vector<16xf32>,
          %add3A_1717 = arith.constant 1 : i32
          %add3A_1718 = vector.broadcast %add3A_1717 : i32 to vector<16xi32>
          %add3A_1719 = arith.addi %add3A_1682, %add3A_1718 : vector<16xi32>
          %scan3A_1720 = arith.constant 5 : i32
          %scan3A_1721 = arith.addi %scan3A_1536, %scan3A_1720 : i32
          %mul3A_1722 = arith.constant 1 : i32
          %mul3A_1723 = arith.muli %scan3A_1721, %mul3A_1722 : i32
          %add3A_1724 = arith.constant 0 : i32
          %add3A_1725 = arith.addi %add3A_1724, %mul3A_1723 : i32
          %add3A_1726 = arith.addi %mul3A_1529, %add3A_1725 : i32
          %get3A_1727 = arith.constant 0 : i32
          %get3A_1728 = arith.index_cast %get3A_1727 : i32 to index
          %get3A_1729 = arith.index_cast %add3A_1726 : i32 to index
          %get3A_1730 = arith.constant 0 : index
          %get3A_1731 = tpu.vector_load %arg8[%get3A_1728, %get3A_1729, %get3A_1730] {strides = array<i32>} : memref<4x512x32xf32, #tpu.memory_space<vmem>>, vector<16xf32>,
          %add3A_1732 = arith.addf %get3A_1731, %get3A_657 : vector<16xf32>
          %get3A_1733 = arith.constant 0 : i32
          %get3A_1734 = arith.index_cast %get3A_1733 : i32 to index
          %get3A_1735 = arith.index_cast %add3A_1726 : i32 to index
          %get3A_1736 = arith.constant 16 : index
          %get3A_1737 = tpu.vector_load %arg8[%get3A_1734, %get3A_1735, %get3A_1736] {strides = array<i32>} : memref<4x512x32xf32, #tpu.memory_space<vmem>>, vector<16xf32>,
          %add3A_1738 = arith.addf %get3A_1737, %get3A_660 : vector<16xf32>
          %scatter3A_1739 = arith.constant 0 : i32
          %scatter3A_1740 = arith.constant 0 : i32
          %scatter3A_1741 = arith.constant 0 : i32
          %scatter3A_1742 = arith.constant 0 : i32
          %scatter3A_1743 = tpu.memref_slice %arg9[%scatter3A_1739, %scatter3A_1740, %scatter3A_1741, %scatter3A_1742] : memref<2x4x40x129xf32, #tpu.memory_space<vmem>> -> memref<1x4x40x129xf32, #tpu.memory_space<vmem>>
          %scatter3A_1744 = tpu.memref_squeeze %scatter3A_1743 : memref<1x4x40x129xf32, #tpu.memory_space<vmem>> -> memref<4x40x129xf32, #tpu.memory_space<vmem>>
          tpu.vector_store_idx %scatter3A_1744[%select_n3A_691, %add3A_1527, %add3A_1719], %add3A_1732 : memref<4x40x129xf32, #tpu.memory_space<vmem>>[vector<16xi32>, vector<16xi32>, vector<16xi32>], vector<16xf32>,
          %add3A_1745 = arith.constant 2 : i32
          %add3A_1746 = vector.broadcast %add3A_1745 : i32 to vector<16xi32>
          %add3A_1747 = arith.addi %select_n3A_691, %add3A_1746 : vector<16xi32>
          %scatter3A_1748 = arith.constant 0 : i32
          %scatter3A_1749 = arith.constant 0 : i32
          %scatter3A_1750 = arith.constant 0 : i32
          %scatter3A_1751 = arith.constant 0 : i32
          %scatter3A_1752 = tpu.memref_slice %arg9[%scatter3A_1748, %scatter3A_1749, %scatter3A_1750, %scatter3A_1751] : memref<2x4x40x129xf32, #tpu.memory_space<vmem>> -> memref<1x4x40x129xf32, #tpu.memory_space<vmem>>
          %scatter3A_1753 = tpu.memref_squeeze %scatter3A_1752 : memref<1x4x40x129xf32, #tpu.memory_space<vmem>> -> memref<4x40x129xf32, #tpu.memory_space<vmem>>
          tpu.vector_store_idx %scatter3A_1753[%add3A_1747, %add3A_1527, %add3A_1719], %add3A_1738 : memref<4x40x129xf32, #tpu.memory_space<vmem>>[vector<16xi32>, vector<16xi32>, vector<16xi32>], vector<16xf32>,
          %add3A_1754 = arith.constant 1 : i32
          %add3A_1755 = vector.broadcast %add3A_1754 : i32 to vector<16xi32>
          %add3A_1756 = arith.addi %add3A_1719, %add3A_1755 : vector<16xi32>
          %scan3A_1757 = arith.constant 6 : i32
          %scan3A_1758 = arith.addi %scan3A_1536, %scan3A_1757 : i32
          %mul3A_1759 = arith.constant 1 : i32
          %mul3A_1760 = arith.muli %scan3A_1758, %mul3A_1759 : i32
          %add3A_1761 = arith.constant 0 : i32
          %add3A_1762 = arith.addi %add3A_1761, %mul3A_1760 : i32
          %add3A_1763 = arith.addi %mul3A_1529, %add3A_1762 : i32
          %get3A_1764 = arith.constant 0 : i32
          %get3A_1765 = arith.index_cast %get3A_1764 : i32 to index
          %get3A_1766 = arith.index_cast %add3A_1763 : i32 to index
          %get3A_1767 = arith.constant 0 : index
          %get3A_1768 = tpu.vector_load %arg8[%get3A_1765, %get3A_1766, %get3A_1767] {strides = array<i32>} : memref<4x512x32xf32, #tpu.memory_space<vmem>>, vector<16xf32>,
          %add3A_1769 = arith.addf %get3A_1768, %get3A_657 : vector<16xf32>
          %get3A_1770 = arith.constant 0 : i32
          %get3A_1771 = arith.index_cast %get3A_1770 : i32 to index
          %get3A_1772 = arith.index_cast %add3A_1763 : i32 to index
          %get3A_1773 = arith.constant 16 : index
          %get3A_1774 = tpu.vector_load %arg8[%get3A_1771, %get3A_1772, %get3A_1773] {strides = array<i32>} : memref<4x512x32xf32, #tpu.memory_space<vmem>>, vector<16xf32>,
          %add3A_1775 = arith.addf %get3A_1774, %get3A_660 : vector<16xf32>
          %scatter3A_1776 = arith.constant 0 : i32
          %scatter3A_1777 = arith.constant 0 : i32
          %scatter3A_1778 = arith.constant 0 : i32
          %scatter3A_1779 = arith.constant 0 : i32
          %scatter3A_1780 = tpu.memref_slice %arg9[%scatter3A_1776, %scatter3A_1777, %scatter3A_1778, %scatter3A_1779] : memref<2x4x40x129xf32, #tpu.memory_space<vmem>> -> memref<1x4x40x129xf32, #tpu.memory_space<vmem>>
          %scatter3A_1781 = tpu.memref_squeeze %scatter3A_1780 : memref<1x4x40x129xf32, #tpu.memory_space<vmem>> -> memref<4x40x129xf32, #tpu.memory_space<vmem>>
          tpu.vector_store_idx %scatter3A_1781[%select_n3A_691, %add3A_1527, %add3A_1756], %add3A_1769 : memref<4x40x129xf32, #tpu.memory_space<vmem>>[vector<16xi32>, vector<16xi32>, vector<16xi32>], vector<16xf32>,
          %add3A_1782 = arith.constant 2 : i32
          %add3A_1783 = vector.broadcast %add3A_1782 : i32 to vector<16xi32>
          %add3A_1784 = arith.addi %select_n3A_691, %add3A_1783 : vector<16xi32>
          %scatter3A_1785 = arith.constant 0 : i32
          %scatter3A_1786 = arith.constant 0 : i32
          %scatter3A_1787 = arith.constant 0 : i32
          %scatter3A_1788 = arith.constant 0 : i32
          %scatter3A_1789 = tpu.memref_slice %arg9[%scatter3A_1785, %scatter3A_1786, %scatter3A_1787, %scatter3A_1788] : memref<2x4x40x129xf32, #tpu.memory_space<vmem>> -> memref<1x4x40x129xf32, #tpu.memory_space<vmem>>
          %scatter3A_1790 = tpu.memref_squeeze %scatter3A_1789 : memref<1x4x40x129xf32, #tpu.memory_space<vmem>> -> memref<4x40x129xf32, #tpu.memory_space<vmem>>
          tpu.vector_store_idx %scatter3A_1790[%add3A_1784, %add3A_1527, %add3A_1756], %add3A_1775 : memref<4x40x129xf32, #tpu.memory_space<vmem>>[vector<16xi32>, vector<16xi32>, vector<16xi32>], vector<16xf32>,
          %add3A_1791 = arith.constant 1 : i32
          %add3A_1792 = vector.broadcast %add3A_1791 : i32 to vector<16xi32>
          %add3A_1793 = arith.addi %add3A_1756, %add3A_1792 : vector<16xi32>
          %scan3A_1794 = arith.constant 7 : i32
          %scan3A_1795 = arith.addi %scan3A_1536, %scan3A_1794 : i32
          %mul3A_1796 = arith.constant 1 : i32
          %mul3A_1797 = arith.muli %scan3A_1795, %mul3A_1796 : i32
          %add3A_1798 = arith.constant 0 : i32
          %add3A_1799 = arith.addi %add3A_1798, %mul3A_1797 : i32
          %add3A_1800 = arith.addi %mul3A_1529, %add3A_1799 : i32
          %get3A_1801 = arith.constant 0 : i32
          %get3A_1802 = arith.index_cast %get3A_1801 : i32 to index
          %get3A_1803 = arith.index_cast %add3A_1800 : i32 to index
          %get3A_1804 = arith.constant 0 : index
          %get3A_1805 = tpu.vector_load %arg8[%get3A_1802, %get3A_1803, %get3A_1804] {strides = array<i32>} : memref<4x512x32xf32, #tpu.memory_space<vmem>>, vector<16xf32>,
          %add3A_1806 = arith.addf %get3A_1805, %get3A_657 : vector<16xf32>
          %get3A_1807 = arith.constant 0 : i32
          %get3A_1808 = arith.index_cast %get3A_1807 : i32 to index
          %get3A_1809 = arith.index_cast %add3A_1800 : i32 to index
          %get3A_1810 = arith.constant 16 : index
          %get3A_1811 = tpu.vector_load %arg8[%get3A_1808, %get3A_1809, %get3A_1810] {strides = array<i32>} : memref<4x512x32xf32, #tpu.memory_space<vmem>>, vector<16xf32>,
          %add3A_1812 = arith.addf %get3A_1811, %get3A_660 : vector<16xf32>
          %scatter3A_1813 = arith.constant 0 : i32
          %scatter3A_1814 = arith.constant 0 : i32
          %scatter3A_1815 = arith.constant 0 : i32
          %scatter3A_1816 = arith.constant 0 : i32
          %scatter3A_1817 = tpu.memref_slice %arg9[%scatter3A_1813, %scatter3A_1814, %scatter3A_1815, %scatter3A_1816] : memref<2x4x40x129xf32, #tpu.memory_space<vmem>> -> memref<1x4x40x129xf32, #tpu.memory_space<vmem>>
          %scatter3A_1818 = tpu.memref_squeeze %scatter3A_1817 : memref<1x4x40x129xf32, #tpu.memory_space<vmem>> -> memref<4x40x129xf32, #tpu.memory_space<vmem>>
          tpu.vector_store_idx %scatter3A_1818[%select_n3A_691, %add3A_1527, %add3A_1793], %add3A_1806 : memref<4x40x129xf32, #tpu.memory_space<vmem>>[vector<16xi32>, vector<16xi32>, vector<16xi32>], vector<16xf32>,
          %add3A_1819 = arith.constant 2 : i32
          %add3A_1820 = vector.broadcast %add3A_1819 : i32 to vector<16xi32>
          %add3A_1821 = arith.addi %select_n3A_691, %add3A_1820 : vector<16xi32>
          %scatter3A_1822 = arith.constant 0 : i32
          %scatter3A_1823 = arith.constant 0 : i32
          %scatter3A_1824 = arith.constant 0 : i32
          %scatter3A_1825 = arith.constant 0 : i32
          %scatter3A_1826 = tpu.memref_slice %arg9[%scatter3A_1822, %scatter3A_1823, %scatter3A_1824, %scatter3A_1825] : memref<2x4x40x129xf32, #tpu.memory_space<vmem>> -> memref<1x4x40x129xf32, #tpu.memory_space<vmem>>
          %scatter3A_1827 = tpu.memref_squeeze %scatter3A_1826 : memref<1x4x40x129xf32, #tpu.memory_space<vmem>> -> memref<4x40x129xf32, #tpu.memory_space<vmem>>
          tpu.vector_store_idx %scatter3A_1827[%add3A_1821, %add3A_1527, %add3A_1793], %add3A_1812 : memref<4x40x129xf32, #tpu.memory_space<vmem>>[vector<16xi32>, vector<16xi32>, vector<16xi32>], vector<16xf32>,
          %add3A_1828 = arith.constant 1 : i32
          %add3A_1829 = vector.broadcast %add3A_1828 : i32 to vector<16xi32>
          %add3A_1830 = arith.addi %add3A_1793, %add3A_1829 : vector<16xi32>
          %scan3A_1831 = arith.constant 8 : i32
          %scan3A_1832 = arith.addi %scan3A_1536, %scan3A_1831 : i32
          %mul3A_1833 = arith.constant 1 : i32
          %mul3A_1834 = arith.muli %scan3A_1832, %mul3A_1833 : i32
          %add3A_1835 = arith.constant 0 : i32
          %add3A_1836 = arith.addi %add3A_1835, %mul3A_1834 : i32
          %add3A_1837 = arith.addi %mul3A_1529, %add3A_1836 : i32
          %get3A_1838 = arith.constant 0 : i32
          %get3A_1839 = arith.index_cast %get3A_1838 : i32 to index
          %get3A_1840 = arith.index_cast %add3A_1837 : i32 to index
          %get3A_1841 = arith.constant 0 : index
          %get3A_1842 = tpu.vector_load %arg8[%get3A_1839, %get3A_1840, %get3A_1841] {strides = array<i32>} : memref<4x512x32xf32, #tpu.memory_space<vmem>>, vector<16xf32>,
          %add3A_1843 = arith.addf %get3A_1842, %get3A_657 : vector<16xf32>
          %get3A_1844 = arith.constant 0 : i32
          %get3A_1845 = arith.index_cast %get3A_1844 : i32 to index
          %get3A_1846 = arith.index_cast %add3A_1837 : i32 to index
          %get3A_1847 = arith.constant 16 : index
          %get3A_1848 = tpu.vector_load %arg8[%get3A_1845, %get3A_1846, %get3A_1847] {strides = array<i32>} : memref<4x512x32xf32, #tpu.memory_space<vmem>>, vector<16xf32>,
          %add3A_1849 = arith.addf %get3A_1848, %get3A_660 : vector<16xf32>
          %scatter3A_1850 = arith.constant 0 : i32
          %scatter3A_1851 = arith.constant 0 : i32
          %scatter3A_1852 = arith.constant 0 : i32
          %scatter3A_1853 = arith.constant 0 : i32
          %scatter3A_1854 = tpu.memref_slice %arg9[%scatter3A_1850, %scatter3A_1851, %scatter3A_1852, %scatter3A_1853] : memref<2x4x40x129xf32, #tpu.memory_space<vmem>> -> memref<1x4x40x129xf32, #tpu.memory_space<vmem>>
          %scatter3A_1855 = tpu.memref_squeeze %scatter3A_1854 : memref<1x4x40x129xf32, #tpu.memory_space<vmem>> -> memref<4x40x129xf32, #tpu.memory_space<vmem>>
          tpu.vector_store_idx %scatter3A_1855[%select_n3A_691, %add3A_1527, %add3A_1830], %add3A_1843 : memref<4x40x129xf32, #tpu.memory_space<vmem>>[vector<16xi32>, vector<16xi32>, vector<16xi32>], vector<16xf32>,
          %add3A_1856 = arith.constant 2 : i32
          %add3A_1857 = vector.broadcast %add3A_1856 : i32 to vector<16xi32>
          %add3A_1858 = arith.addi %select_n3A_691, %add3A_1857 : vector<16xi32>
          %scatter3A_1859 = arith.constant 0 : i32
          %scatter3A_1860 = arith.constant 0 : i32
          %scatter3A_1861 = arith.constant 0 : i32
          %scatter3A_1862 = arith.constant 0 : i32
          %scatter3A_1863 = tpu.memref_slice %arg9[%scatter3A_1859, %scatter3A_1860, %scatter3A_1861, %scatter3A_1862] : memref<2x4x40x129xf32, #tpu.memory_space<vmem>> -> memref<1x4x40x129xf32, #tpu.memory_space<vmem>>
          %scatter3A_1864 = tpu.memref_squeeze %scatter3A_1863 : memref<1x4x40x129xf32, #tpu.memory_space<vmem>> -> memref<4x40x129xf32, #tpu.memory_space<vmem>>
          tpu.vector_store_idx %scatter3A_1864[%add3A_1858, %add3A_1527, %add3A_1830], %add3A_1849 : memref<4x40x129xf32, #tpu.memory_space<vmem>>[vector<16xi32>, vector<16xi32>, vector<16xi32>], vector<16xf32>,
          %add3A_1865 = arith.constant 1 : i32
          %add3A_1866 = vector.broadcast %add3A_1865 : i32 to vector<16xi32>
          %add3A_1867 = arith.addi %add3A_1830, %add3A_1866 : vector<16xi32>
          %scan3A_1868 = arith.constant 9 : i32
          %scan3A_1869 = arith.addi %scan3A_1536, %scan3A_1868 : i32
          %mul3A_1870 = arith.constant 1 : i32
          %mul3A_1871 = arith.muli %scan3A_1869, %mul3A_1870 : i32
          %add3A_1872 = arith.constant 0 : i32
          %add3A_1873 = arith.addi %add3A_1872, %mul3A_1871 : i32
          %add3A_1874 = arith.addi %mul3A_1529, %add3A_1873 : i32
          %get3A_1875 = arith.constant 0 : i32
          %get3A_1876 = arith.index_cast %get3A_1875 : i32 to index
          %get3A_1877 = arith.index_cast %add3A_1874 : i32 to index
          %get3A_1878 = arith.constant 0 : index
          %get3A_1879 = tpu.vector_load %arg8[%get3A_1876, %get3A_1877, %get3A_1878] {strides = array<i32>} : memref<4x512x32xf32, #tpu.memory_space<vmem>>, vector<16xf32>,
          %add3A_1880 = arith.addf %get3A_1879, %get3A_657 : vector<16xf32>
          %get3A_1881 = arith.constant 0 : i32
          %get3A_1882 = arith.index_cast %get3A_1881 : i32 to index
          %get3A_1883 = arith.index_cast %add3A_1874 : i32 to index
          %get3A_1884 = arith.constant 16 : index
          %get3A_1885 = tpu.vector_load %arg8[%get3A_1882, %get3A_1883, %get3A_1884] {strides = array<i32>} : memref<4x512x32xf32, #tpu.memory_space<vmem>>, vector<16xf32>,
          %add3A_1886 = arith.addf %get3A_1885, %get3A_660 : vector<16xf32>
          %scatter3A_1887 = arith.constant 0 : i32
          %scatter3A_1888 = arith.constant 0 : i32
          %scatter3A_1889 = arith.constant 0 : i32
          %scatter3A_1890 = arith.constant 0 : i32
          %scatter3A_1891 = tpu.memref_slice %arg9[%scatter3A_1887, %scatter3A_1888, %scatter3A_1889, %scatter3A_1890] : memref<2x4x40x129xf32, #tpu.memory_space<vmem>> -> memref<1x4x40x129xf32, #tpu.memory_space<vmem>>
          %scatter3A_1892 = tpu.memref_squeeze %scatter3A_1891 : memref<1x4x40x129xf32, #tpu.memory_space<vmem>> -> memref<4x40x129xf32, #tpu.memory_space<vmem>>
          tpu.vector_store_idx %scatter3A_1892[%select_n3A_691, %add3A_1527, %add3A_1867], %add3A_1880 : memref<4x40x129xf32, #tpu.memory_space<vmem>>[vector<16xi32>, vector<16xi32>, vector<16xi32>], vector<16xf32>,
          %add3A_1893 = arith.constant 2 : i32
          %add3A_1894 = vector.broadcast %add3A_1893 : i32 to vector<16xi32>
          %add3A_1895 = arith.addi %select_n3A_691, %add3A_1894 : vector<16xi32>
          %scatter3A_1896 = arith.constant 0 : i32
          %scatter3A_1897 = arith.constant 0 : i32
          %scatter3A_1898 = arith.constant 0 : i32
          %scatter3A_1899 = arith.constant 0 : i32
          %scatter3A_1900 = tpu.memref_slice %arg9[%scatter3A_1896, %scatter3A_1897, %scatter3A_1898, %scatter3A_1899] : memref<2x4x40x129xf32, #tpu.memory_space<vmem>> -> memref<1x4x40x129xf32, #tpu.memory_space<vmem>>
          %scatter3A_1901 = tpu.memref_squeeze %scatter3A_1900 : memref<1x4x40x129xf32, #tpu.memory_space<vmem>> -> memref<4x40x129xf32, #tpu.memory_space<vmem>>
          tpu.vector_store_idx %scatter3A_1901[%add3A_1895, %add3A_1527, %add3A_1867], %add3A_1886 : memref<4x40x129xf32, #tpu.memory_space<vmem>>[vector<16xi32>, vector<16xi32>, vector<16xi32>], vector<16xf32>,
          %add3A_1902 = arith.constant 1 : i32
          %add3A_1903 = vector.broadcast %add3A_1902 : i32 to vector<16xi32>
          %add3A_1904 = arith.addi %add3A_1867, %add3A_1903 : vector<16xi32>
          %scan3A_1905 = arith.constant 10 : i32
          %scan3A_1906 = arith.addi %scan3A_1536, %scan3A_1905 : i32
          %mul3A_1907 = arith.constant 1 : i32
          %mul3A_1908 = arith.muli %scan3A_1906, %mul3A_1907 : i32
          %add3A_1909 = arith.constant 0 : i32
          %add3A_1910 = arith.addi %add3A_1909, %mul3A_1908 : i32
          %add3A_1911 = arith.addi %mul3A_1529, %add3A_1910 : i32
          %get3A_1912 = arith.constant 0 : i32
          %get3A_1913 = arith.index_cast %get3A_1912 : i32 to index
          %get3A_1914 = arith.index_cast %add3A_1911 : i32 to index
          %get3A_1915 = arith.constant 0 : index
          %get3A_1916 = tpu.vector_load %arg8[%get3A_1913, %get3A_1914, %get3A_1915] {strides = array<i32>} : memref<4x512x32xf32, #tpu.memory_space<vmem>>, vector<16xf32>,
          %add3A_1917 = arith.addf %get3A_1916, %get3A_657 : vector<16xf32>
          %get3A_1918 = arith.constant 0 : i32
          %get3A_1919 = arith.index_cast %get3A_1918 : i32 to index
          %get3A_1920 = arith.index_cast %add3A_1911 : i32 to index
          %get3A_1921 = arith.constant 16 : index
          %get3A_1922 = tpu.vector_load %arg8[%get3A_1919, %get3A_1920, %get3A_1921] {strides = array<i32>} : memref<4x512x32xf32, #tpu.memory_space<vmem>>, vector<16xf32>,
          %add3A_1923 = arith.addf %get3A_1922, %get3A_660 : vector<16xf32>
          %scatter3A_1924 = arith.constant 0 : i32
          %scatter3A_1925 = arith.constant 0 : i32
          %scatter3A_1926 = arith.constant 0 : i32
          %scatter3A_1927 = arith.constant 0 : i32
          %scatter3A_1928 = tpu.memref_slice %arg9[%scatter3A_1924, %scatter3A_1925, %scatter3A_1926, %scatter3A_1927] : memref<2x4x40x129xf32, #tpu.memory_space<vmem>> -> memref<1x4x40x129xf32, #tpu.memory_space<vmem>>
          %scatter3A_1929 = tpu.memref_squeeze %scatter3A_1928 : memref<1x4x40x129xf32, #tpu.memory_space<vmem>> -> memref<4x40x129xf32, #tpu.memory_space<vmem>>
          tpu.vector_store_idx %scatter3A_1929[%select_n3A_691, %add3A_1527, %add3A_1904], %add3A_1917 : memref<4x40x129xf32, #tpu.memory_space<vmem>>[vector<16xi32>, vector<16xi32>, vector<16xi32>], vector<16xf32>,
          %add3A_1930 = arith.constant 2 : i32
          %add3A_1931 = vector.broadcast %add3A_1930 : i32 to vector<16xi32>
          %add3A_1932 = arith.addi %select_n3A_691, %add3A_1931 : vector<16xi32>
          %scatter3A_1933 = arith.constant 0 : i32
          %scatter3A_1934 = arith.constant 0 : i32
          %scatter3A_1935 = arith.constant 0 : i32
          %scatter3A_1936 = arith.constant 0 : i32
          %scatter3A_1937 = tpu.memref_slice %arg9[%scatter3A_1933, %scatter3A_1934, %scatter3A_1935, %scatter3A_1936] : memref<2x4x40x129xf32, #tpu.memory_space<vmem>> -> memref<1x4x40x129xf32, #tpu.memory_space<vmem>>
          %scatter3A_1938 = tpu.memref_squeeze %scatter3A_1937 : memref<1x4x40x129xf32, #tpu.memory_space<vmem>> -> memref<4x40x129xf32, #tpu.memory_space<vmem>>
          tpu.vector_store_idx %scatter3A_1938[%add3A_1932, %add3A_1527, %add3A_1904], %add3A_1923 : memref<4x40x129xf32, #tpu.memory_space<vmem>>[vector<16xi32>, vector<16xi32>, vector<16xi32>], vector<16xf32>,
          %add3A_1939 = arith.constant 1 : i32
          %add3A_1940 = vector.broadcast %add3A_1939 : i32 to vector<16xi32>
          %add3A_1941 = arith.addi %add3A_1904, %add3A_1940 : vector<16xi32>
          %scan3A_1942 = arith.constant 11 : i32
          %scan3A_1943 = arith.addi %scan3A_1536, %scan3A_1942 : i32
          %mul3A_1944 = arith.constant 1 : i32
          %mul3A_1945 = arith.muli %scan3A_1943, %mul3A_1944 : i32
          %add3A_1946 = arith.constant 0 : i32
          %add3A_1947 = arith.addi %add3A_1946, %mul3A_1945 : i32
          %add3A_1948 = arith.addi %mul3A_1529, %add3A_1947 : i32
          %get3A_1949 = arith.constant 0 : i32
          %get3A_1950 = arith.index_cast %get3A_1949 : i32 to index
          %get3A_1951 = arith.index_cast %add3A_1948 : i32 to index
          %get3A_1952 = arith.constant 0 : index
          %get3A_1953 = tpu.vector_load %arg8[%get3A_1950, %get3A_1951, %get3A_1952] {strides = array<i32>} : memref<4x512x32xf32, #tpu.memory_space<vmem>>, vector<16xf32>,
          %add3A_1954 = arith.addf %get3A_1953, %get3A_657 : vector<16xf32>
          %get3A_1955 = arith.constant 0 : i32
          %get3A_1956 = arith.index_cast %get3A_1955 : i32 to index
          %get3A_1957 = arith.index_cast %add3A_1948 : i32 to index
          %get3A_1958 = arith.constant 16 : index
          %get3A_1959 = tpu.vector_load %arg8[%get3A_1956, %get3A_1957, %get3A_1958] {strides = array<i32>} : memref<4x512x32xf32, #tpu.memory_space<vmem>>, vector<16xf32>,
          %add3A_1960 = arith.addf %get3A_1959, %get3A_660 : vector<16xf32>
          %scatter3A_1961 = arith.constant 0 : i32
          %scatter3A_1962 = arith.constant 0 : i32
          %scatter3A_1963 = arith.constant 0 : i32
          %scatter3A_1964 = arith.constant 0 : i32
          %scatter3A_1965 = tpu.memref_slice %arg9[%scatter3A_1961, %scatter3A_1962, %scatter3A_1963, %scatter3A_1964] : memref<2x4x40x129xf32, #tpu.memory_space<vmem>> -> memref<1x4x40x129xf32, #tpu.memory_space<vmem>>
          %scatter3A_1966 = tpu.memref_squeeze %scatter3A_1965 : memref<1x4x40x129xf32, #tpu.memory_space<vmem>> -> memref<4x40x129xf32, #tpu.memory_space<vmem>>
          tpu.vector_store_idx %scatter3A_1966[%select_n3A_691, %add3A_1527, %add3A_1941], %add3A_1954 : memref<4x40x129xf32, #tpu.memory_space<vmem>>[vector<16xi32>, vector<16xi32>, vector<16xi32>], vector<16xf32>,
          %add3A_1967 = arith.constant 2 : i32
          %add3A_1968 = vector.broadcast %add3A_1967 : i32 to vector<16xi32>
          %add3A_1969 = arith.addi %select_n3A_691, %add3A_1968 : vector<16xi32>
          %scatter3A_1970 = arith.constant 0 : i32
          %scatter3A_1971 = arith.constant 0 : i32
          %scatter3A_1972 = arith.constant 0 : i32
          %scatter3A_1973 = arith.constant 0 : i32
          %scatter3A_1974 = tpu.memref_slice %arg9[%scatter3A_1970, %scatter3A_1971, %scatter3A_1972, %scatter3A_1973] : memref<2x4x40x129xf32, #tpu.memory_space<vmem>> -> memref<1x4x40x129xf32, #tpu.memory_space<vmem>>
          %scatter3A_1975 = tpu.memref_squeeze %scatter3A_1974 : memref<1x4x40x129xf32, #tpu.memory_space<vmem>> -> memref<4x40x129xf32, #tpu.memory_space<vmem>>
          tpu.vector_store_idx %scatter3A_1975[%add3A_1969, %add3A_1527, %add3A_1941], %add3A_1960 : memref<4x40x129xf32, #tpu.memory_space<vmem>>[vector<16xi32>, vector<16xi32>, vector<16xi32>], vector<16xf32>,
          %add3A_1976 = arith.constant 1 : i32
          %add3A_1977 = vector.broadcast %add3A_1976 : i32 to vector<16xi32>
          %add3A_1978 = arith.addi %add3A_1941, %add3A_1977 : vector<16xi32>
          %scan3A_1979 = arith.constant 12 : i32
          %scan3A_1980 = arith.addi %scan3A_1536, %scan3A_1979 : i32
          %mul3A_1981 = arith.constant 1 : i32
          %mul3A_1982 = arith.muli %scan3A_1980, %mul3A_1981 : i32
          %add3A_1983 = arith.constant 0 : i32
          %add3A_1984 = arith.addi %add3A_1983, %mul3A_1982 : i32
          %add3A_1985 = arith.addi %mul3A_1529, %add3A_1984 : i32
          %get3A_1986 = arith.constant 0 : i32
          %get3A_1987 = arith.index_cast %get3A_1986 : i32 to index
          %get3A_1988 = arith.index_cast %add3A_1985 : i32 to index
          %get3A_1989 = arith.constant 0 : index
          %get3A_1990 = tpu.vector_load %arg8[%get3A_1987, %get3A_1988, %get3A_1989] {strides = array<i32>} : memref<4x512x32xf32, #tpu.memory_space<vmem>>, vector<16xf32>,
          %add3A_1991 = arith.addf %get3A_1990, %get3A_657 : vector<16xf32>
          %get3A_1992 = arith.constant 0 : i32
          %get3A_1993 = arith.index_cast %get3A_1992 : i32 to index
          %get3A_1994 = arith.index_cast %add3A_1985 : i32 to index
          %get3A_1995 = arith.constant 16 : index
          %get3A_1996 = tpu.vector_load %arg8[%get3A_1993, %get3A_1994, %get3A_1995] {strides = array<i32>} : memref<4x512x32xf32, #tpu.memory_space<vmem>>, vector<16xf32>,
          %add3A_1997 = arith.addf %get3A_1996, %get3A_660 : vector<16xf32>
          %scatter3A_1998 = arith.constant 0 : i32
          %scatter3A_1999 = arith.constant 0 : i32
          %scatter3A_2000 = arith.constant 0 : i32
          %scatter3A_2001 = arith.constant 0 : i32
          %scatter3A_2002 = tpu.memref_slice %arg9[%scatter3A_1998, %scatter3A_1999, %scatter3A_2000, %scatter3A_2001] : memref<2x4x40x129xf32, #tpu.memory_space<vmem>> -> memref<1x4x40x129xf32, #tpu.memory_space<vmem>>
          %scatter3A_2003 = tpu.memref_squeeze %scatter3A_2002 : memref<1x4x40x129xf32, #tpu.memory_space<vmem>> -> memref<4x40x129xf32, #tpu.memory_space<vmem>>
          tpu.vector_store_idx %scatter3A_2003[%select_n3A_691, %add3A_1527, %add3A_1978], %add3A_1991 : memref<4x40x129xf32, #tpu.memory_space<vmem>>[vector<16xi32>, vector<16xi32>, vector<16xi32>], vector<16xf32>,
          %add3A_2004 = arith.constant 2 : i32
          %add3A_2005 = vector.broadcast %add3A_2004 : i32 to vector<16xi32>
          %add3A_2006 = arith.addi %select_n3A_691, %add3A_2005 : vector<16xi32>
          %scatter3A_2007 = arith.constant 0 : i32
          %scatter3A_2008 = arith.constant 0 : i32
          %scatter3A_2009 = arith.constant 0 : i32
          %scatter3A_2010 = arith.constant 0 : i32
          %scatter3A_2011 = tpu.memref_slice %arg9[%scatter3A_2007, %scatter3A_2008, %scatter3A_2009, %scatter3A_2010] : memref<2x4x40x129xf32, #tpu.memory_space<vmem>> -> memref<1x4x40x129xf32, #tpu.memory_space<vmem>>
          %scatter3A_2012 = tpu.memref_squeeze %scatter3A_2011 : memref<1x4x40x129xf32, #tpu.memory_space<vmem>> -> memref<4x40x129xf32, #tpu.memory_space<vmem>>
          tpu.vector_store_idx %scatter3A_2012[%add3A_2006, %add3A_1527, %add3A_1978], %add3A_1997 : memref<4x40x129xf32, #tpu.memory_space<vmem>>[vector<16xi32>, vector<16xi32>, vector<16xi32>], vector<16xf32>,
          %add3A_2013 = arith.constant 1 : i32
          %add3A_2014 = vector.broadcast %add3A_2013 : i32 to vector<16xi32>
          %add3A_2015 = arith.addi %add3A_1978, %add3A_2014 : vector<16xi32>
          %scan3A_2016 = arith.constant 13 : i32
          %scan3A_2017 = arith.addi %scan3A_1536, %scan3A_2016 : i32
          %mul3A_2018 = arith.constant 1 : i32
          %mul3A_2019 = arith.muli %scan3A_2017, %mul3A_2018 : i32
          %add3A_2020 = arith.constant 0 : i32
          %add3A_2021 = arith.addi %add3A_2020, %mul3A_2019 : i32
          %add3A_2022 = arith.addi %mul3A_1529, %add3A_2021 : i32
          %get3A_2023 = arith.constant 0 : i32
          %get3A_2024 = arith.index_cast %get3A_2023 : i32 to index
          %get3A_2025 = arith.index_cast %add3A_2022 : i32 to index
          %get3A_2026 = arith.constant 0 : index
          %get3A_2027 = tpu.vector_load %arg8[%get3A_2024, %get3A_2025, %get3A_2026] {strides = array<i32>} : memref<4x512x32xf32, #tpu.memory_space<vmem>>, vector<16xf32>,
          %add3A_2028 = arith.addf %get3A_2027, %get3A_657 : vector<16xf32>
          %get3A_2029 = arith.constant 0 : i32
          %get3A_2030 = arith.index_cast %get3A_2029 : i32 to index
          %get3A_2031 = arith.index_cast %add3A_2022 : i32 to index
          %get3A_2032 = arith.constant 16 : index
          %get3A_2033 = tpu.vector_load %arg8[%get3A_2030, %get3A_2031, %get3A_2032] {strides = array<i32>} : memref<4x512x32xf32, #tpu.memory_space<vmem>>, vector<16xf32>,
          %add3A_2034 = arith.addf %get3A_2033, %get3A_660 : vector<16xf32>
          %scatter3A_2035 = arith.constant 0 : i32
          %scatter3A_2036 = arith.constant 0 : i32
          %scatter3A_2037 = arith.constant 0 : i32
          %scatter3A_2038 = arith.constant 0 : i32
          %scatter3A_2039 = tpu.memref_slice %arg9[%scatter3A_2035, %scatter3A_2036, %scatter3A_2037, %scatter3A_2038] : memref<2x4x40x129xf32, #tpu.memory_space<vmem>> -> memref<1x4x40x129xf32, #tpu.memory_space<vmem>>
          %scatter3A_2040 = tpu.memref_squeeze %scatter3A_2039 : memref<1x4x40x129xf32, #tpu.memory_space<vmem>> -> memref<4x40x129xf32, #tpu.memory_space<vmem>>
          tpu.vector_store_idx %scatter3A_2040[%select_n3A_691, %add3A_1527, %add3A_2015], %add3A_2028 : memref<4x40x129xf32, #tpu.memory_space<vmem>>[vector<16xi32>, vector<16xi32>, vector<16xi32>], vector<16xf32>,
          %add3A_2041 = arith.constant 2 : i32
          %add3A_2042 = vector.broadcast %add3A_2041 : i32 to vector<16xi32>
          %add3A_2043 = arith.addi %select_n3A_691, %add3A_2042 : vector<16xi32>
          %scatter3A_2044 = arith.constant 0 : i32
          %scatter3A_2045 = arith.constant 0 : i32
          %scatter3A_2046 = arith.constant 0 : i32
          %scatter3A_2047 = arith.constant 0 : i32
          %scatter3A_2048 = tpu.memref_slice %arg9[%scatter3A_2044, %scatter3A_2045, %scatter3A_2046, %scatter3A_2047] : memref<2x4x40x129xf32, #tpu.memory_space<vmem>> -> memref<1x4x40x129xf32, #tpu.memory_space<vmem>>
          %scatter3A_2049 = tpu.memref_squeeze %scatter3A_2048 : memref<1x4x40x129xf32, #tpu.memory_space<vmem>> -> memref<4x40x129xf32, #tpu.memory_space<vmem>>
          tpu.vector_store_idx %scatter3A_2049[%add3A_2043, %add3A_1527, %add3A_2015], %add3A_2034 : memref<4x40x129xf32, #tpu.memory_space<vmem>>[vector<16xi32>, vector<16xi32>, vector<16xi32>], vector<16xf32>,
          %add3A_2050 = arith.constant 1 : i32
          %add3A_2051 = vector.broadcast %add3A_2050 : i32 to vector<16xi32>
          %add3A_2052 = arith.addi %add3A_2015, %add3A_2051 : vector<16xi32>
          %scan3A_2053 = arith.constant 14 : i32
          %scan3A_2054 = arith.addi %scan3A_1536, %scan3A_2053 : i32
          %mul3A_2055 = arith.constant 1 : i32
          %mul3A_2056 = arith.muli %scan3A_2054, %mul3A_2055 : i32
          %add3A_2057 = arith.constant 0 : i32
          %add3A_2058 = arith.addi %add3A_2057, %mul3A_2056 : i32
          %add3A_2059 = arith.addi %mul3A_1529, %add3A_2058 : i32
          %get3A_2060 = arith.constant 0 : i32
          %get3A_2061 = arith.index_cast %get3A_2060 : i32 to index
          %get3A_2062 = arith.index_cast %add3A_2059 : i32 to index
          %get3A_2063 = arith.constant 0 : index
          %get3A_2064 = tpu.vector_load %arg8[%get3A_2061, %get3A_2062, %get3A_2063] {strides = array<i32>} : memref<4x512x32xf32, #tpu.memory_space<vmem>>, vector<16xf32>,
          %add3A_2065 = arith.addf %get3A_2064, %get3A_657 : vector<16xf32>
          %get3A_2066 = arith.constant 0 : i32
          %get3A_2067 = arith.index_cast %get3A_2066 : i32 to index
          %get3A_2068 = arith.index_cast %add3A_2059 : i32 to index
          %get3A_2069 = arith.constant 16 : index
          %get3A_2070 = tpu.vector_load %arg8[%get3A_2067, %get3A_2068, %get3A_2069] {strides = array<i32>} : memref<4x512x32xf32, #tpu.memory_space<vmem>>, vector<16xf32>,
          %add3A_2071 = arith.addf %get3A_2070, %get3A_660 : vector<16xf32>
          %scatter3A_2072 = arith.constant 0 : i32
          %scatter3A_2073 = arith.constant 0 : i32
          %scatter3A_2074 = arith.constant 0 : i32
          %scatter3A_2075 = arith.constant 0 : i32
          %scatter3A_2076 = tpu.memref_slice %arg9[%scatter3A_2072, %scatter3A_2073, %scatter3A_2074, %scatter3A_2075] : memref<2x4x40x129xf32, #tpu.memory_space<vmem>> -> memref<1x4x40x129xf32, #tpu.memory_space<vmem>>
          %scatter3A_2077 = tpu.memref_squeeze %scatter3A_2076 : memref<1x4x40x129xf32, #tpu.memory_space<vmem>> -> memref<4x40x129xf32, #tpu.memory_space<vmem>>
          tpu.vector_store_idx %scatter3A_2077[%select_n3A_691, %add3A_1527, %add3A_2052], %add3A_2065 : memref<4x40x129xf32, #tpu.memory_space<vmem>>[vector<16xi32>, vector<16xi32>, vector<16xi32>], vector<16xf32>,
          %add3A_2078 = arith.constant 2 : i32
          %add3A_2079 = vector.broadcast %add3A_2078 : i32 to vector<16xi32>
          %add3A_2080 = arith.addi %select_n3A_691, %add3A_2079 : vector<16xi32>
          %scatter3A_2081 = arith.constant 0 : i32
          %scatter3A_2082 = arith.constant 0 : i32
          %scatter3A_2083 = arith.constant 0 : i32
          %scatter3A_2084 = arith.constant 0 : i32
          %scatter3A_2085 = tpu.memref_slice %arg9[%scatter3A_2081, %scatter3A_2082, %scatter3A_2083, %scatter3A_2084] : memref<2x4x40x129xf32, #tpu.memory_space<vmem>> -> memref<1x4x40x129xf32, #tpu.memory_space<vmem>>
          %scatter3A_2086 = tpu.memref_squeeze %scatter3A_2085 : memref<1x4x40x129xf32, #tpu.memory_space<vmem>> -> memref<4x40x129xf32, #tpu.memory_space<vmem>>
          tpu.vector_store_idx %scatter3A_2086[%add3A_2080, %add3A_1527, %add3A_2052], %add3A_2071 : memref<4x40x129xf32, #tpu.memory_space<vmem>>[vector<16xi32>, vector<16xi32>, vector<16xi32>], vector<16xf32>,
          %add3A_2087 = arith.constant 1 : i32
          %add3A_2088 = vector.broadcast %add3A_2087 : i32 to vector<16xi32>
          %add3A_2089 = arith.addi %add3A_2052, %add3A_2088 : vector<16xi32>
          %scan3A_2090 = arith.constant 15 : i32
          %scan3A_2091 = arith.addi %scan3A_1536, %scan3A_2090 : i32
          %mul3A_2092 = arith.constant 1 : i32
          %mul3A_2093 = arith.muli %scan3A_2091, %mul3A_2092 : i32
          %add3A_2094 = arith.constant 0 : i32
          %add3A_2095 = arith.addi %add3A_2094, %mul3A_2093 : i32
          %add3A_2096 = arith.addi %mul3A_1529, %add3A_2095 : i32
          %get3A_2097 = arith.constant 0 : i32
          %get3A_2098 = arith.index_cast %get3A_2097 : i32 to index
          %get3A_2099 = arith.index_cast %add3A_2096 : i32 to index
          %get3A_2100 = arith.constant 0 : index
          %get3A_2101 = tpu.vector_load %arg8[%get3A_2098, %get3A_2099, %get3A_2100] {strides = array<i32>} : memref<4x512x32xf32, #tpu.memory_space<vmem>>, vector<16xf32>,
          %add3A_2102 = arith.addf %get3A_2101, %get3A_657 : vector<16xf32>
          %get3A_2103 = arith.constant 0 : i32
          %get3A_2104 = arith.index_cast %get3A_2103 : i32 to index
          %get3A_2105 = arith.index_cast %add3A_2096 : i32 to index
          %get3A_2106 = arith.constant 16 : index
          %get3A_2107 = tpu.vector_load %arg8[%get3A_2104, %get3A_2105, %get3A_2106] {strides = array<i32>} : memref<4x512x32xf32, #tpu.memory_space<vmem>>, vector<16xf32>,
          %add3A_2108 = arith.addf %get3A_2107, %get3A_660 : vector<16xf32>
          %scatter3A_2109 = arith.constant 0 : i32
          %scatter3A_2110 = arith.constant 0 : i32
          %scatter3A_2111 = arith.constant 0 : i32
          %scatter3A_2112 = arith.constant 0 : i32
          %scatter3A_2113 = tpu.memref_slice %arg9[%scatter3A_2109, %scatter3A_2110, %scatter3A_2111, %scatter3A_2112] : memref<2x4x40x129xf32, #tpu.memory_space<vmem>> -> memref<1x4x40x129xf32, #tpu.memory_space<vmem>>
          %scatter3A_2114 = tpu.memref_squeeze %scatter3A_2113 : memref<1x4x40x129xf32, #tpu.memory_space<vmem>> -> memref<4x40x129xf32, #tpu.memory_space<vmem>>
          tpu.vector_store_idx %scatter3A_2114[%select_n3A_691, %add3A_1527, %add3A_2089], %add3A_2102 : memref<4x40x129xf32, #tpu.memory_space<vmem>>[vector<16xi32>, vector<16xi32>, vector<16xi32>], vector<16xf32>,
          %add3A_2115 = arith.constant 2 : i32
          %add3A_2116 = vector.broadcast %add3A_2115 : i32 to vector<16xi32>
          %add3A_2117 = arith.addi %select_n3A_691, %add3A_2116 : vector<16xi32>
          %scatter3A_2118 = arith.constant 0 : i32
          %scatter3A_2119 = arith.constant 0 : i32
          %scatter3A_2120 = arith.constant 0 : i32
          %scatter3A_2121 = arith.constant 0 : i32
          %scatter3A_2122 = tpu.memref_slice %arg9[%scatter3A_2118, %scatter3A_2119, %scatter3A_2120, %scatter3A_2121] : memref<2x4x40x129xf32, #tpu.memory_space<vmem>> -> memref<1x4x40x129xf32, #tpu.memory_space<vmem>>
          %scatter3A_2123 = tpu.memref_squeeze %scatter3A_2122 : memref<1x4x40x129xf32, #tpu.memory_space<vmem>> -> memref<4x40x129xf32, #tpu.memory_space<vmem>>
          tpu.vector_store_idx %scatter3A_2123[%add3A_2117, %add3A_1527, %add3A_2089], %add3A_2108 : memref<4x40x129xf32, #tpu.memory_space<vmem>>[vector<16xi32>, vector<16xi32>, vector<16xi32>], vector<16xf32>,
          %add3A_2124 = arith.constant 1 : i32
          %add3A_2125 = vector.broadcast %add3A_2124 : i32 to vector<16xi32>
          %add3A_2126 = arith.addi %add3A_2089, %add3A_2125 : vector<16xi32>
          scf.yield %add3A_2126 : vector<16xi32>
        }
        %scan3A_1535 = arith.constant 128 : i32
      }
      %scan3A_719 = arith.constant 4 : i32
      %mul3A_720 = arith.constant 4 : i32
      %mul3A_721 = arith.muli %select_n3A_618, %mul3A_720 : i32
      %mul3A_722 = arith.constant 8 : i32
      %mul3A_723 = arith.muli %mul3A_721, %mul3A_722 : i32
      %add3A_724 = arith.constant 0 : i32
      %add3A_725 = arith.addi %add3A_724, %mul3A_723 : i32
      %dma_start3A_726 = arith.constant 0 : i32
      %dma_start3A_727 = arith.constant 0 : i32
      %dma_start3A_728 = arith.constant 0 : i32
      %dma_start3A_729 = arith.constant 0 : i32
      %dma_start3A_730 = tpu.memref_slice %arg9[%dma_start3A_726, %dma_start3A_727, %dma_start3A_728, %dma_start3A_729] : memref<2x4x40x129xf32, #tpu.memory_space<vmem>> -> memref<1x1x32x128xf32, #tpu.memory_space<vmem>>
      %dma_start3A_731 = tpu.memref_squeeze %dma_start3A_730 : memref<1x1x32x128xf32, #tpu.memory_space<vmem>> -> memref<32x128xf32, #tpu.memory_space<vmem>>
      %dma_start3A_732 = arith.constant 0 : i32
      %dma_start3A_733 = tpu.memref_slice %arg5[%select_n3A_602, %add3A_725, %dma_start3A_732] : memref<200x4096x128xf32, #tpu.memory_space<hbm>> -> memref<1x32x128xf32, #tpu.memory_space<hbm>>
      %dma_start3A_734 = tpu.memref_squeeze %dma_start3A_733 : memref<1x32x128xf32, #tpu.memory_space<hbm>> -> memref<32x128xf32, #tpu.memory_space<hbm>>
      %dma_start3A_735 = arith.constant 0 : i32
      %dma_start3A_736 = tpu.memref_slice %arg5[%select_n3A_602, %add3A_725, %dma_start3A_735] : memref<200x4096x128xf32, #tpu.memory_space<hbm>> -> memref<1x32x128xf32, #tpu.memory_space<hbm>>
      %dma_start3A_737 = tpu.memref_squeeze %dma_start3A_736 : memref<1x32x128xf32, #tpu.memory_space<hbm>> -> memref<32x128xf32, #tpu.memory_space<hbm>>
      %dma_start3A_738 = arith.constant 0 : i32
      %dma_start3A_739 = arith.constant 0 : i32
      %dma_start3A_740 = tpu.memref_slice %arg9[%dma_start3A_726, %dma_start3A_727, %dma_start3A_738, %dma_start3A_739] : memref<2x4x40x129xf32, #tpu.memory_space<vmem>> -> memref<1x1x32x128xf32, #tpu.memory_space<vmem>>
      %dma_start3A_741 = tpu.memref_squeeze %dma_start3A_740 : memref<1x1x32x128xf32, #tpu.memory_space<vmem>> -> memref<32x128xf32, #tpu.memory_space<vmem>>
      tpu.enqueue_dma source(%dma_start3A_741 : memref<32x128xf32, #tpu.memory_space<vmem>>) target(%dma_start3A_737 : memref<32x128xf32, #tpu.memory_space<hbm>>) target_semaphore(%arg15 : memref<!tpu.dma_semaphore, #tpu.memory_space<semaphore_mem>>)
      %mul3A_742 = arith.constant 4 : i32
      %mul3A_743 = arith.muli %select_n3A_618, %mul3A_742 : i32
      %mul3A_744 = arith.constant 8 : i32
      %mul3A_745 = arith.muli %mul3A_743, %mul3A_744 : i32
      %add3A_746 = arith.constant 1024 : i32
      %add3A_747 = arith.addi %add3A_746, %mul3A_745 : i32
      %dma_start3A_748 = arith.constant 0 : i32
      %dma_start3A_749 = arith.constant 1 : i32
      %dma_start3A_750 = arith.constant 0 : i32
      %dma_start3A_751 = arith.constant 0 : i32
      %dma_start3A_752 = tpu.memref_slice %arg9[%dma_start3A_748, %dma_start3A_749, %dma_start3A_750, %dma_start3A_751] : memref<2x4x40x129xf32, #tpu.memory_space<vmem>> -> memref<1x1x32x128xf32, #tpu.memory_space<vmem>>
      %dma_start3A_753 = tpu.memref_squeeze %dma_start3A_752 : memref<1x1x32x128xf32, #tpu.memory_space<vmem>> -> memref<32x128xf32, #tpu.memory_space<vmem>>
      %dma_start3A_754 = arith.constant 0 : i32
      %dma_start3A_755 = tpu.memref_slice %arg5[%select_n3A_602, %add3A_747, %dma_start3A_754] : memref<200x4096x128xf32, #tpu.memory_space<hbm>> -> memref<1x32x128xf32, #tpu.memory_space<hbm>>
      %dma_start3A_756 = tpu.memref_squeeze %dma_start3A_755 : memref<1x32x128xf32, #tpu.memory_space<hbm>> -> memref<32x128xf32, #tpu.memory_space<hbm>>
      %dma_start3A_757 = arith.constant 0 : i32
      %dma_start3A_758 = tpu.memref_slice %arg5[%select_n3A_602, %add3A_747, %dma_start3A_757] : memref<200x4096x128xf32, #tpu.memory_space<hbm>> -> memref<1x32x128xf32, #tpu.memory_space<hbm>>
      %dma_start3A_759 = tpu.memref_squeeze %dma_start3A_758 : memref<1x32x128xf32, #tpu.memory_space<hbm>> -> memref<32x128xf32, #tpu.memory_space<hbm>>
      %dma_start3A_760 = arith.constant 0 : i32
      %dma_start3A_761 = arith.constant 0 : i32
      %dma_start3A_762 = tpu.memref_slice %arg9[%dma_start3A_748, %dma_start3A_749, %dma_start3A_760, %dma_start3A_761] : memref<2x4x40x129xf32, #tpu.memory_space<vmem>> -> memref<1x1x32x128xf32, #tpu.memory_space<vmem>>
      %dma_start3A_763 = tpu.memref_squeeze %dma_start3A_762 : memref<1x1x32x128xf32, #tpu.memory_space<vmem>> -> memref<32x128xf32, #tpu.memory_space<vmem>>
      tpu.enqueue_dma source(%dma_start3A_763 : memref<32x128xf32, #tpu.memory_space<vmem>>) target(%dma_start3A_759 : memref<32x128xf32, #tpu.memory_space<hbm>>) target_semaphore(%arg15 : memref<!tpu.dma_semaphore, #tpu.memory_space<semaphore_mem>>)
      %mul3A_764 = arith.constant 4 : i32
      %mul3A_765 = arith.muli %select_n3A_618, %mul3A_764 : i32
      %mul3A_766 = arith.constant 8 : i32
      %mul3A_767 = arith.muli %mul3A_765, %mul3A_766 : i32
      %add3A_768 = arith.constant 2048 : i32
      %add3A_769 = arith.addi %add3A_768, %mul3A_767 : i32
      %dma_start3A_770 = arith.constant 0 : i32
      %dma_start3A_771 = arith.constant 2 : i32
      %dma_start3A_772 = arith.constant 0 : i32
      %dma_start3A_773 = arith.constant 0 : i32
      %dma_start3A_774 = tpu.memref_slice %arg9[%dma_start3A_770, %dma_start3A_771, %dma_start3A_772, %dma_start3A_773] : memref<2x4x40x129xf32, #tpu.memory_space<vmem>> -> memref<1x1x32x128xf32, #tpu.memory_space<vmem>>
      %dma_start3A_775 = tpu.memref_squeeze %dma_start3A_774 : memref<1x1x32x128xf32, #tpu.memory_space<vmem>> -> memref<32x128xf32, #tpu.memory_space<vmem>>
      %dma_start3A_776 = arith.constant 0 : i32
      %dma_start3A_777 = tpu.memref_slice %arg5[%select_n3A_602, %add3A_769, %dma_start3A_776] : memref<200x4096x128xf32, #tpu.memory_space<hbm>> -> memref<1x32x128xf32, #tpu.memory_space<hbm>>
      %dma_start3A_778 = tpu.memref_squeeze %dma_start3A_777 : memref<1x32x128xf32, #tpu.memory_space<hbm>> -> memref<32x128xf32, #tpu.memory_space<hbm>>
      %dma_start3A_779 = arith.constant 0 : i32
      %dma_start3A_780 = tpu.memref_slice %arg5[%select_n3A_602, %add3A_769, %dma_start3A_779] : memref<200x4096x128xf32, #tpu.memory_space<hbm>> -> memref<1x32x128xf32, #tpu.memory_space<hbm>>
      %dma_start3A_781 = tpu.memref_squeeze %dma_start3A_780 : memref<1x32x128xf32, #tpu.memory_space<hbm>> -> memref<32x128xf32, #tpu.memory_space<hbm>>
      %dma_start3A_782 = arith.constant 0 : i32
      %dma_start3A_783 = arith.constant 0 : i32
      %dma_start3A_784 = tpu.memref_slice %arg9[%dma_start3A_770, %dma_start3A_771, %dma_start3A_782, %dma_start3A_783] : memref<2x4x40x129xf32, #tpu.memory_space<vmem>> -> memref<1x1x32x128xf32, #tpu.memory_space<vmem>>
      %dma_start3A_785 = tpu.memref_squeeze %dma_start3A_784 : memref<1x1x32x128xf32, #tpu.memory_space<vmem>> -> memref<32x128xf32, #tpu.memory_space<vmem>>
      tpu.enqueue_dma source(%dma_start3A_785 : memref<32x128xf32, #tpu.memory_space<vmem>>) target(%dma_start3A_781 : memref<32x128xf32, #tpu.memory_space<hbm>>) target_semaphore(%arg15 : memref<!tpu.dma_semaphore, #tpu.memory_space<semaphore_mem>>)
      %mul3A_786 = arith.constant 4 : i32
      %mul3A_787 = arith.muli %select_n3A_618, %mul3A_786 : i32
      %mul3A_788 = arith.constant 8 : i32
      %mul3A_789 = arith.muli %mul3A_787, %mul3A_788 : i32
      %add3A_790 = arith.constant 3072 : i32
      %add3A_791 = arith.addi %add3A_790, %mul3A_789 : i32
      %dma_start3A_792 = arith.constant 0 : i32
      %dma_start3A_793 = arith.constant 3 : i32
      %dma_start3A_794 = arith.constant 0 : i32
      %dma_start3A_795 = arith.constant 0 : i32
      %dma_start3A_796 = tpu.memref_slice %arg9[%dma_start3A_792, %dma_start3A_793, %dma_start3A_794, %dma_start3A_795] : memref<2x4x40x129xf32, #tpu.memory_space<vmem>> -> memref<1x1x32x128xf32, #tpu.memory_space<vmem>>
      %dma_start3A_797 = tpu.memref_squeeze %dma_start3A_796 : memref<1x1x32x128xf32, #tpu.memory_space<vmem>> -> memref<32x128xf32, #tpu.memory_space<vmem>>
      %dma_start3A_798 = arith.constant 0 : i32
      %dma_start3A_799 = tpu.memref_slice %arg5[%select_n3A_602, %add3A_791, %dma_start3A_798] : memref<200x4096x128xf32, #tpu.memory_space<hbm>> -> memref<1x32x128xf32, #tpu.memory_space<hbm>>
      %dma_start3A_800 = tpu.memref_squeeze %dma_start3A_799 : memref<1x32x128xf32, #tpu.memory_space<hbm>> -> memref<32x128xf32, #tpu.memory_space<hbm>>
      %dma_start3A_801 = arith.constant 0 : i32
      %dma_start3A_802 = tpu.memref_slice %arg5[%select_n3A_602, %add3A_791, %dma_start3A_801] : memref<200x4096x128xf32, #tpu.memory_space<hbm>> -> memref<1x32x128xf32, #tpu.memory_space<hbm>>
      %dma_start3A_803 = tpu.memref_squeeze %dma_start3A_802 : memref<1x32x128xf32, #tpu.memory_space<hbm>> -> memref<32x128xf32, #tpu.memory_space<hbm>>
      %dma_start3A_804 = arith.constant 0 : i32
      %dma_start3A_805 = arith.constant 0 : i32
      %dma_start3A_806 = tpu.memref_slice %arg9[%dma_start3A_792, %dma_start3A_793, %dma_start3A_804, %dma_start3A_805] : memref<2x4x40x129xf32, #tpu.memory_space<vmem>> -> memref<1x1x32x128xf32, #tpu.memory_space<vmem>>
      %dma_start3A_807 = tpu.memref_squeeze %dma_start3A_806 : memref<1x1x32x128xf32, #tpu.memory_space<vmem>> -> memref<32x128xf32, #tpu.memory_space<vmem>>
      tpu.enqueue_dma source(%dma_start3A_807 : memref<32x128xf32, #tpu.memory_space<vmem>>) target(%dma_start3A_803 : memref<32x128xf32, #tpu.memory_space<hbm>>) target_semaphore(%arg15 : memref<!tpu.dma_semaphore, #tpu.memory_space<semaphore_mem>>)
      %add3A_808 = arith.addi %mul3A_2, %add3A_575 : i32
      %add3A_809 = arith.constant 1 : i32
      %add3A_810 = arith.addi %add3A_808, %add3A_809 : i32
      %jit3A_811 = arith.constant 32 : i32
      %div3A_812 = arith.divsi %add3A_810, %jit3A_811 : i32
      %sign3A_813 = arith.constant 0 : i32
      %sign3A_814 = arith.cmpi sgt, %add3A_810, %sign3A_813 : i32
      %sign3A_815 = arith.extui %sign3A_814 : i1 to i32
      %sign3A_816 = arith.constant 0 : i32
      %sign3A_817 = arith.cmpi slt, %add3A_810, %sign3A_816 : i32
      %sign3A_818 = arith.extui %sign3A_817 : i1 to i32
      %sign3A_819 = arith.subi %sign3A_815, %sign3A_818 : i32
      %sign3A_820 = arith.constant 0 : i32
      %sign3A_821 = arith.cmpi sgt, %jit3A_811, %sign3A_820 : i32
      %sign3A_822 = arith.extui %sign3A_821 : i1 to i32
      %sign3A_823 = arith.constant 0 : i32
      %sign3A_824 = arith.cmpi slt, %jit3A_811, %sign3A_823 : i32
      %sign3A_825 = arith.extui %sign3A_824 : i1 to i32
      %sign3A_826 = arith.subi %sign3A_822, %sign3A_825 : i32
      %ne3A_827 = arith.cmpi ne, %sign3A_819, %sign3A_826 : i32
      %rem3A_828 = arith.remsi %add3A_810, %jit3A_811 : i32
      %ne3A_829 = arith.constant 0 : i32
      %ne3A_830 = arith.cmpi ne, %rem3A_828, %ne3A_829 : i32
      %and3A_831 = arith.andi %ne3A_827, %ne3A_830 : i1
      %sub3A_832 = arith.constant 1 : i32
      %sub3A_833 = arith.subi %div3A_812, %sub3A_832 : i32
      %select_n3A_834 = arith.select %and3A_831, %sub3A_833, %div3A_812 : i32
      %jit3A_835 = arith.constant 32 : i32
      %eq3A_836 = arith.constant 0 : i32
      %eq3A_837 = arith.cmpi eq, %jit3A_835, %eq3A_836 : i32
      %jit3A_838 = arith.constant 1 : i32
      %select_n3A_839 = arith.select %eq3A_837, %jit3A_838, %jit3A_835 : i32
      %rem3A_840 = arith.remsi %add3A_810, %select_n3A_839 : i32
      %ne3A_841 = arith.constant 0 : i32
      %ne3A_842 = arith.cmpi ne, %rem3A_840, %ne3A_841 : i32
      %lt3A_843 = arith.constant 0 : i32
      %lt3A_844 = arith.cmpi slt, %rem3A_840, %lt3A_843 : i32
      %lt3A_845 = arith.constant 0 : i32
      %lt3A_846 = arith.cmpi slt, %select_n3A_839, %lt3A_845 : i32
      %ne3A_847 = arith.xori %lt3A_844, %lt3A_846 : i1
      %and3A_848 = arith.andi %ne3A_847, %ne3A_842 : i1
      %add3A_849 = arith.addi %rem3A_840, %select_n3A_839 : i32
      %select_n3A_850 = arith.select %and3A_848, %add3A_849, %rem3A_840 : i32
      %add3A_851 = arith.constant 1 : i32
      %add3A_852 = arith.addi %add3A_575, %add3A_851 : i32
      %add3A_853 = arith.constant 2 : i32
      %add3A_854 = arith.addi %add3A_852, %add3A_853 : i32
      %lt3A_855 = arith.constant 200 : i32
      %lt3A_856 = arith.cmpi slt, %add3A_854, %lt3A_855 : i32
      %convert_element_type3A_857 = arith.extui %lt3A_856 : i1 to i32
      %cond3A_858 = arith.constant 0 : i32
      %cond3A_859 = arith.cmpi ne, %convert_element_type3A_857, %cond3A_858 : i32
      scf.if %cond3A_859 {
        %dma_wait3A_1519 = arith.constant 0 : i32
        %dma_wait3A_1520 = arith.constant 0 : i32
        %dma_wait3A_1521 = arith.constant 3 : i32
        %dma_wait3A_1522 = arith.constant 0 : i32
        %dma_wait3A_1523 = arith.constant 0 : i32
        %dma_wait3A_1524 = tpu.memref_slice %arg7[%dma_wait3A_1521, %dma_wait3A_1522, %dma_wait3A_1523] : memref<4x4x128xi32, #tpu.memory_space<vmem>> -> memref<1x4x128xi32, #tpu.memory_space<vmem>>
        %dma_wait3A_1525 = tpu.memref_squeeze %dma_wait3A_1524 : memref<1x4x128xi32, #tpu.memory_space<vmem>> -> memref<4x128xi32, #tpu.memory_space<vmem>>
        %dma_wait3A_1526 = arith.constant 0 : i32
        %dma_wait3A_1527 = arith.constant 0 : i32
        %dma_wait3A_1528 = tpu.memref_slice %arg3[%dma_wait3A_1519, %dma_wait3A_1526, %dma_wait3A_1520, %dma_wait3A_1527] : memref<25x128x8x128xi32, #tpu.memory_space<hbm>> -> memref<1x4x1x128xi32, #tpu.memory_space<hbm>>
        %dma_wait3A_1529 = tpu.memref_squeeze %dma_wait3A_1528 : memref<1x4x1x128xi32, #tpu.memory_space<hbm>> -> memref<4x128xi32, #tpu.memory_space<hbm>>
        %dma_wait3A_1530 = arith.constant 0 : i32
        %dma_wait3A_1531 = arith.constant 0 : i32
        %dma_wait3A_1532 = tpu.memref_slice %arg7[%dma_wait3A_1521, %dma_wait3A_1530, %dma_wait3A_1531] : memref<4x4x128xi32, #tpu.memory_space<vmem>> -> memref<1x4x128xi32, #tpu.memory_space<vmem>>
        %dma_wait3A_1533 = tpu.memref_squeeze %dma_wait3A_1532 : memref<1x4x128xi32, #tpu.memory_space<vmem>> -> memref<4x128xi32, #tpu.memory_space<vmem>>
        %dma_wait3A_1534 = arith.constant 0 : i32
        %dma_wait3A_1535 = arith.constant 0 : i32
        %dma_wait3A_1536 = tpu.memref_slice %arg3[%dma_wait3A_1519, %dma_wait3A_1534, %dma_wait3A_1520, %dma_wait3A_1535] : memref<25x128x8x128xi32, #tpu.memory_space<hbm>> -> memref<1x4x1x128xi32, #tpu.memory_space<hbm>>
        %dma_wait3A_1537 = tpu.memref_squeeze %dma_wait3A_1536 : memref<1x4x1x128xi32, #tpu.memory_space<hbm>> -> memref<4x128xi32, #tpu.memory_space<hbm>>
        tpu.wait_dma2 semaphore(%arg10 : memref<!tpu.dma_semaphore, #tpu.memory_space<semaphore_mem>>) src(%dma_wait3A_1537 : memref<4x128xi32, #tpu.memory_space<hbm>>) dst(%dma_wait3A_1533 : memref<4x128xi32, #tpu.memory_space<vmem>>)
        %dma_start3A_1538 = arith.constant 3 : i32
        %dma_start3A_1539 = arith.constant 0 : i32
        %dma_start3A_1540 = arith.constant 3 : i32
        %dma_start3A_1541 = arith.constant 0 : i32
        %dma_start3A_1542 = arith.constant 0 : i32
        %dma_start3A_1543 = tpu.memref_slice %arg8[%dma_start3A_1540, %dma_start3A_1541, %dma_start3A_1542] : memref<4x512x32xf32, #tpu.memory_space<vmem>> -> memref<1x128x32xf32, #tpu.memory_space<vmem>>
        %dma_start3A_1544 = tpu.memref_squeeze %dma_start3A_1543 : memref<1x128x32xf32, #tpu.memory_space<vmem>> -> memref<128x32xf32, #tpu.memory_space<vmem>>
        %dma_start3A_1545 = arith.constant 0 : i32
        %dma_start3A_1546 = tpu.memref_slice %arg7[%dma_start3A_1538, %dma_start3A_1539, %dma_start3A_1545] : memref<4x4x128xi32, #tpu.memory_space<vmem>> -> memref<1x1x128xi32, #tpu.memory_space<vmem>>
        %dma_start3A_1547 = tpu.memref_squeeze %dma_start3A_1546 : memref<1x1x128xi32, #tpu.memory_space<vmem>> -> memref<128xi32, #tpu.memory_space<vmem>>
        %dma_start3A_1548 = arith.constant 0 : i32
        %dma_start3A_1549 = arith.constant 0 : i32
        %dma_start3A_1550 = tpu.memref_slice %arg2[%dma_start3A_1548, %dma_start3A_1549] : memref<1000000x32xf32, #tpu.memory_space<hbm>> -> memref<1000000x32xf32, #tpu.memory_space<hbm>>
        tpu.enqueue_indirect_dma source(%dma_start3A_1550 : memref<1000000x32xf32, #tpu.memory_space<hbm>>) target(%dma_start3A_1544 : memref<128x32xf32, #tpu.memory_space<vmem>>) offsets(%dma_start3A_1547 : memref<128xi32, #tpu.memory_space<vmem>>) semaphore(%arg14 : memref<!tpu.dma_semaphore, #tpu.memory_space<semaphore_mem>>)
        %dma_start3A_1551 = arith.constant 3 : i32
        %dma_start3A_1552 = arith.constant 1 : i32
        %dma_start3A_1553 = arith.constant 3 : i32
        %dma_start3A_1554 = arith.constant 128 : i32
        %dma_start3A_1555 = arith.constant 0 : i32
        %dma_start3A_1556 = tpu.memref_slice %arg8[%dma_start3A_1553, %dma_start3A_1554, %dma_start3A_1555] : memref<4x512x32xf32, #tpu.memory_space<vmem>> -> memref<1x128x32xf32, #tpu.memory_space<vmem>>
        %dma_start3A_1557 = tpu.memref_squeeze %dma_start3A_1556 : memref<1x128x32xf32, #tpu.memory_space<vmem>> -> memref<128x32xf32, #tpu.memory_space<vmem>>
        %dma_start3A_1558 = arith.constant 0 : i32
        %dma_start3A_1559 = tpu.memref_slice %arg7[%dma_start3A_1551, %dma_start3A_1552, %dma_start3A_1558] : memref<4x4x128xi32, #tpu.memory_space<vmem>> -> memref<1x1x128xi32, #tpu.memory_space<vmem>>
        %dma_start3A_1560 = tpu.memref_squeeze %dma_start3A_1559 : memref<1x1x128xi32, #tpu.memory_space<vmem>> -> memref<128xi32, #tpu.memory_space<vmem>>
        %dma_start3A_1561 = arith.constant 0 : i32
        %dma_start3A_1562 = arith.constant 0 : i32
        %dma_start3A_1563 = tpu.memref_slice %arg2[%dma_start3A_1561, %dma_start3A_1562] : memref<1000000x32xf32, #tpu.memory_space<hbm>> -> memref<1000000x32xf32, #tpu.memory_space<hbm>>
        tpu.enqueue_indirect_dma source(%dma_start3A_1563 : memref<1000000x32xf32, #tpu.memory_space<hbm>>) target(%dma_start3A_1557 : memref<128x32xf32, #tpu.memory_space<vmem>>) offsets(%dma_start3A_1560 : memref<128xi32, #tpu.memory_space<vmem>>) semaphore(%arg14 : memref<!tpu.dma_semaphore, #tpu.memory_space<semaphore_mem>>)
        %dma_start3A_1564 = arith.constant 3 : i32
        %dma_start3A_1565 = arith.constant 2 : i32
        %dma_start3A_1566 = arith.constant 3 : i32
        %dma_start3A_1567 = arith.constant 256 : i32
        %dma_start3A_1568 = arith.constant 0 : i32
        %dma_start3A_1569 = tpu.memref_slice %arg8[%dma_start3A_1566, %dma_start3A_1567, %dma_start3A_1568] : memref<4x512x32xf32, #tpu.memory_space<vmem>> -> memref<1x128x32xf32, #tpu.memory_space<vmem>>
        %dma_start3A_1570 = tpu.memref_squeeze %dma_start3A_1569 : memref<1x128x32xf32, #tpu.memory_space<vmem>> -> memref<128x32xf32, #tpu.memory_space<vmem>>
        %dma_start3A_1571 = arith.constant 0 : i32
        %dma_start3A_1572 = tpu.memref_slice %arg7[%dma_start3A_1564, %dma_start3A_1565, %dma_start3A_1571] : memref<4x4x128xi32, #tpu.memory_space<vmem>> -> memref<1x1x128xi32, #tpu.memory_space<vmem>>
        %dma_start3A_1573 = tpu.memref_squeeze %dma_start3A_1572 : memref<1x1x128xi32, #tpu.memory_space<vmem>> -> memref<128xi32, #tpu.memory_space<vmem>>
        %dma_start3A_1574 = arith.constant 0 : i32
        %dma_start3A_1575 = arith.constant 0 : i32
        %dma_start3A_1576 = tpu.memref_slice %arg2[%dma_start3A_1574, %dma_start3A_1575] : memref<1000000x32xf32, #tpu.memory_space<hbm>> -> memref<1000000x32xf32, #tpu.memory_space<hbm>>
        tpu.enqueue_indirect_dma source(%dma_start3A_1576 : memref<1000000x32xf32, #tpu.memory_space<hbm>>) target(%dma_start3A_1570 : memref<128x32xf32, #tpu.memory_space<vmem>>) offsets(%dma_start3A_1573 : memref<128xi32, #tpu.memory_space<vmem>>) semaphore(%arg14 : memref<!tpu.dma_semaphore, #tpu.memory_space<semaphore_mem>>)
        %dma_start3A_1577 = arith.constant 3 : i32
        %dma_start3A_1578 = arith.constant 3 : i32
        %dma_start3A_1579 = arith.constant 3 : i32
        %dma_start3A_1580 = arith.constant 384 : i32
        %dma_start3A_1581 = arith.constant 0 : i32
        %dma_start3A_1582 = tpu.memref_slice %arg8[%dma_start3A_1579, %dma_start3A_1580, %dma_start3A_1581] : memref<4x512x32xf32, #tpu.memory_space<vmem>> -> memref<1x128x32xf32, #tpu.memory_space<vmem>>
        %dma_start3A_1583 = tpu.memref_squeeze %dma_start3A_1582 : memref<1x128x32xf32, #tpu.memory_space<vmem>> -> memref<128x32xf32, #tpu.memory_space<vmem>>
        %dma_start3A_1584 = arith.constant 0 : i32
        %dma_start3A_1585 = tpu.memref_slice %arg7[%dma_start3A_1577, %dma_start3A_1578, %dma_start3A_1584] : memref<4x4x128xi32, #tpu.memory_space<vmem>> -> memref<1x1x128xi32, #tpu.memory_space<vmem>>
        %dma_start3A_1586 = tpu.memref_squeeze %dma_start3A_1585 : memref<1x1x128xi32, #tpu.memory_space<vmem>> -> memref<128xi32, #tpu.memory_space<vmem>>
        %dma_start3A_1587 = arith.constant 0 : i32
        %dma_start3A_1588 = arith.constant 0 : i32
        %dma_start3A_1589 = tpu.memref_slice %arg2[%dma_start3A_1587, %dma_start3A_1588] : memref<1000000x32xf32, #tpu.memory_space<hbm>> -> memref<1000000x32xf32, #tpu.memory_space<hbm>>
        tpu.enqueue_indirect_dma source(%dma_start3A_1589 : memref<1000000x32xf32, #tpu.memory_space<hbm>>) target(%dma_start3A_1583 : memref<128x32xf32, #tpu.memory_space<vmem>>) offsets(%dma_start3A_1586 : memref<128xi32, #tpu.memory_space<vmem>>) semaphore(%arg14 : memref<!tpu.dma_semaphore, #tpu.memory_space<semaphore_mem>>)
      } else {
      }
      %dma_wait3A_860 = arith.constant 1 : i32
      %dma_wait3A_861 = arith.constant 0 : i32
      %dma_wait3A_862 = arith.constant 0 : i32
      %dma_wait3A_863 = tpu.memref_slice %arg8[%dma_wait3A_860, %dma_wait3A_861, %dma_wait3A_862] : memref<4x512x32xf32, #tpu.memory_space<vmem>> -> memref<1x512x32xf32, #tpu.memory_space<vmem>>
      %dma_wait3A_864 = tpu.memref_squeeze %dma_wait3A_863 : memref<1x512x32xf32, #tpu.memory_space<vmem>> -> memref<512x32xf32, #tpu.memory_space<vmem>>
      %dma_wait3A_865 = arith.constant 0 : i32
      %dma_wait3A_866 = arith.constant 0 : i32
      %dma_wait3A_867 = tpu.memref_slice %arg2[%dma_wait3A_865, %dma_wait3A_866] : memref<1000000x32xf32, #tpu.memory_space<hbm>> -> memref<512x32xf32, #tpu.memory_space<hbm>>
      %dma_wait3A_868 = arith.constant 0 : i32
      %dma_wait3A_869 = arith.constant 0 : i32
      %dma_wait3A_870 = tpu.memref_slice %arg8[%dma_wait3A_860, %dma_wait3A_868, %dma_wait3A_869] : memref<4x512x32xf32, #tpu.memory_space<vmem>> -> memref<1x512x32xf32, #tpu.memory_space<vmem>>
      %dma_wait3A_871 = tpu.memref_squeeze %dma_wait3A_870 : memref<1x512x32xf32, #tpu.memory_space<vmem>> -> memref<512x32xf32, #tpu.memory_space<vmem>>
      %dma_wait3A_872 = arith.constant 0 : i32
      %dma_wait3A_873 = arith.constant 0 : i32
      %dma_wait3A_874 = tpu.memref_slice %arg2[%dma_wait3A_872, %dma_wait3A_873] : memref<1000000x32xf32, #tpu.memory_space<hbm>> -> memref<512x32xf32, #tpu.memory_space<hbm>>
      tpu.wait_dma2 semaphore(%arg12 : memref<!tpu.dma_semaphore, #tpu.memory_space<semaphore_mem>>) src(%dma_wait3A_874 : memref<512x32xf32, #tpu.memory_space<hbm>>) dst(%dma_wait3A_871 : memref<512x32xf32, #tpu.memory_space<vmem>>)
      %add3A_875 = arith.constant 1 : i32
      %add3A_876 = arith.addi %add3A_575, %add3A_875 : i32
      %add3A_877 = arith.constant 4 : i32
      %add3A_878 = arith.addi %add3A_876, %add3A_877 : i32
      %lt3A_879 = arith.constant 200 : i32
      %lt3A_880 = arith.cmpi slt, %add3A_878, %lt3A_879 : i32
      %convert_element_type3A_881 = arith.extui %lt3A_880 : i1 to i32
      %cond3A_882 = arith.constant 0 : i32
      %cond3A_883 = arith.cmpi ne, %convert_element_type3A_881, %cond3A_882 : i32
      scf.if %cond3A_883 {
        %add3A_1519 = arith.constant 4 : i32
        %add3A_1520 = arith.addi %add3A_810, %add3A_1519 : i32
        %jit3A_1521 = arith.constant 32 : i32
        %div3A_1522 = arith.divsi %add3A_1520, %jit3A_1521 : i32
        %sign3A_1523 = arith.constant 0 : i32
        %sign3A_1524 = arith.cmpi sgt, %add3A_1520, %sign3A_1523 : i32
        %sign3A_1525 = arith.extui %sign3A_1524 : i1 to i32
        %sign3A_1526 = arith.constant 0 : i32
        %sign3A_1527 = arith.cmpi slt, %add3A_1520, %sign3A_1526 : i32
        %sign3A_1528 = arith.extui %sign3A_1527 : i1 to i32
        %sign3A_1529 = arith.subi %sign3A_1525, %sign3A_1528 : i32
        %sign3A_1530 = arith.constant 0 : i32
        %sign3A_1531 = arith.cmpi sgt, %jit3A_1521, %sign3A_1530 : i32
        %sign3A_1532 = arith.extui %sign3A_1531 : i1 to i32
        %sign3A_1533 = arith.constant 0 : i32
        %sign3A_1534 = arith.cmpi slt, %jit3A_1521, %sign3A_1533 : i32
        %sign3A_1535 = arith.extui %sign3A_1534 : i1 to i32
        %sign3A_1536 = arith.subi %sign3A_1532, %sign3A_1535 : i32
        %ne3A_1537 = arith.cmpi ne, %sign3A_1529, %sign3A_1536 : i32
        %rem3A_1538 = arith.remsi %add3A_1520, %jit3A_1521 : i32
        %ne3A_1539 = arith.constant 0 : i32
        %ne3A_1540 = arith.cmpi ne, %rem3A_1538, %ne3A_1539 : i32
        %and3A_1541 = arith.andi %ne3A_1537, %ne3A_1540 : i1
        %sub3A_1542 = arith.constant 1 : i32
        %sub3A_1543 = arith.subi %div3A_1522, %sub3A_1542 : i32
        %select_n3A_1544 = arith.select %and3A_1541, %sub3A_1543, %div3A_1522 : i32
        %jit3A_1545 = arith.constant 32 : i32
        %eq3A_1546 = arith.constant 0 : i32
        %eq3A_1547 = arith.cmpi eq, %jit3A_1545, %eq3A_1546 : i32
        %jit3A_1548 = arith.constant 1 : i32
        %select_n3A_1549 = arith.select %eq3A_1547, %jit3A_1548, %jit3A_1545 : i32
        %rem3A_1550 = arith.remsi %add3A_1520, %select_n3A_1549 : i32
        %ne3A_1551 = arith.constant 0 : i32
        %ne3A_1552 = arith.cmpi ne, %rem3A_1550, %ne3A_1551 : i32
        %lt3A_1553 = arith.constant 0 : i32
        %lt3A_1554 = arith.cmpi slt, %rem3A_1550, %lt3A_1553 : i32
        %lt3A_1555 = arith.constant 0 : i32
        %lt3A_1556 = arith.cmpi slt, %select_n3A_1549, %lt3A_1555 : i32
        %ne3A_1557 = arith.xori %lt3A_1554, %lt3A_1556 : i1
        %and3A_1558 = arith.andi %ne3A_1557, %ne3A_1552 : i1
        %add3A_1559 = arith.addi %rem3A_1550, %select_n3A_1549 : i32
        %select_n3A_1560 = arith.select %and3A_1558, %add3A_1559, %rem3A_1550 : i32
        %jit3A_1561 = arith.constant 8 : i32
        %div3A_1562 = arith.divsi %select_n3A_1544, %jit3A_1561 : i32
        %sign3A_1563 = arith.constant 0 : i32
        %sign3A_1564 = arith.cmpi sgt, %select_n3A_1544, %sign3A_1563 : i32
        %sign3A_1565 = arith.extui %sign3A_1564 : i1 to i32
        %sign3A_1566 = arith.constant 0 : i32
        %sign3A_1567 = arith.cmpi slt, %select_n3A_1544, %sign3A_1566 : i32
        %sign3A_1568 = arith.extui %sign3A_1567 : i1 to i32
        %sign3A_1569 = arith.subi %sign3A_1565, %sign3A_1568 : i32
        %sign3A_1570 = arith.constant 0 : i32
        %sign3A_1571 = arith.cmpi sgt, %jit3A_1561, %sign3A_1570 : i32
        %sign3A_1572 = arith.extui %sign3A_1571 : i1 to i32
        %sign3A_1573 = arith.constant 0 : i32
        %sign3A_1574 = arith.cmpi slt, %jit3A_1561, %sign3A_1573 : i32
        %sign3A_1575 = arith.extui %sign3A_1574 : i1 to i32
        %sign3A_1576 = arith.subi %sign3A_1572, %sign3A_1575 : i32
        %ne3A_1577 = arith.cmpi ne, %sign3A_1569, %sign3A_1576 : i32
        %rem3A_1578 = arith.remsi %select_n3A_1544, %jit3A_1561 : i32
        %ne3A_1579 = arith.constant 0 : i32
        %ne3A_1580 = arith.cmpi ne, %rem3A_1578, %ne3A_1579 : i32
        %and3A_1581 = arith.andi %ne3A_1577, %ne3A_1580 : i1
        %sub3A_1582 = arith.constant 1 : i32
        %sub3A_1583 = arith.subi %div3A_1562, %sub3A_1582 : i32
        %select_n3A_1584 = arith.select %and3A_1581, %sub3A_1583, %div3A_1562 : i32
        %mul3A_1585 = arith.constant 4 : i32
        %mul3A_1586 = arith.muli %select_n3A_1560, %mul3A_1585 : i32
        %jit3A_1587 = arith.constant 8 : i32
        %eq3A_1588 = arith.constant 0 : i32
        %eq3A_1589 = arith.cmpi eq, %jit3A_1587, %eq3A_1588 : i32
        %jit3A_1590 = arith.constant 1 : i32
        %select_n3A_1591 = arith.select %eq3A_1589, %jit3A_1590, %jit3A_1587 : i32
        %rem3A_1592 = arith.remsi %select_n3A_1544, %select_n3A_1591 : i32
        %ne3A_1593 = arith.constant 0 : i32
        %ne3A_1594 = arith.cmpi ne, %rem3A_1592, %ne3A_1593 : i32
        %lt3A_1595 = arith.constant 0 : i32
        %lt3A_1596 = arith.cmpi slt, %rem3A_1592, %lt3A_1595 : i32
        %lt3A_1597 = arith.constant 0 : i32
        %lt3A_1598 = arith.cmpi slt, %select_n3A_1591, %lt3A_1597 : i32
        %ne3A_1599 = arith.xori %lt3A_1596, %lt3A_1598 : i1
        %and3A_1600 = arith.andi %ne3A_1599, %ne3A_1594 : i1
        %add3A_1601 = arith.addi %rem3A_1592, %select_n3A_1591 : i32
        %select_n3A_1602 = arith.select %and3A_1600, %add3A_1601, %rem3A_1592 : i32
        %dma_start3A_1603 = arith.constant 1 : i32
        %dma_start3A_1604 = arith.constant 0 : i32
        %dma_start3A_1605 = arith.constant 0 : i32
        %dma_start3A_1606 = tpu.memref_slice %arg7[%dma_start3A_1603, %dma_start3A_1604, %dma_start3A_1605] : memref<4x4x128xi32, #tpu.memory_space<vmem>> -> memref<1x4x128xi32, #tpu.memory_space<vmem>>
        %dma_start3A_1607 = tpu.memref_squeeze %dma_start3A_1606 : memref<1x4x128xi32, #tpu.memory_space<vmem>> -> memref<4x128xi32, #tpu.memory_space<vmem>>
        %dma_start3A_1608 = arith.constant 0 : i32
        %dma_start3A_1609 = tpu.memref_slice %arg3[%select_n3A_1584, %mul3A_1586, %select_n3A_1602, %dma_start3A_1608] : memref<25x128x8x128xi32, #tpu.memory_space<hbm>> -> memref<1x4x1x128xi32, #tpu.memory_space<hbm>>
        %dma_start3A_1610 = tpu.memref_squeeze %dma_start3A_1609 : memref<1x4x1x128xi32, #tpu.memory_space<hbm>> -> memref<4x128xi32, #tpu.memory_space<hbm>>
        %dma_start3A_1611 = arith.constant 0 : i32
        %dma_start3A_1612 = arith.constant 0 : i32
        %dma_start3A_1613 = tpu.memref_slice %arg7[%dma_start3A_1603, %dma_start3A_1611, %dma_start3A_1612] : memref<4x4x128xi32, #tpu.memory_space<vmem>> -> memref<1x4x128xi32, #tpu.memory_space<vmem>>
        %dma_start3A_1614 = tpu.memref_squeeze %dma_start3A_1613 : memref<1x4x128xi32, #tpu.memory_space<vmem>> -> memref<4x128xi32, #tpu.memory_space<vmem>>
        %dma_start3A_1615 = arith.constant 0 : i32
        %dma_start3A_1616 = tpu.memref_slice %arg3[%select_n3A_1584, %mul3A_1586, %select_n3A_1602, %dma_start3A_1615] : memref<25x128x8x128xi32, #tpu.memory_space<hbm>> -> memref<1x4x1x128xi32, #tpu.memory_space<hbm>>
        %dma_start3A_1617 = tpu.memref_squeeze %dma_start3A_1616 : memref<1x4x1x128xi32, #tpu.memory_space<hbm>> -> memref<4x128xi32, #tpu.memory_space<hbm>>
        tpu.enqueue_dma source(%dma_start3A_1617 : memref<4x128xi32, #tpu.memory_space<hbm>>) target(%dma_start3A_1614 : memref<4x128xi32, #tpu.memory_space<vmem>>) target_semaphore(%arg10 : memref<!tpu.dma_semaphore, #tpu.memory_space<semaphore_mem>>)
      } else {
      }
      %add3A_884 = arith.constant 1 : i32
      %add3A_885 = arith.addi %add3A_575, %add3A_884 : i32
      %ge3A_886 = arith.constant 2 : i32
      %ge3A_887 = arith.cmpi sge, %add3A_885, %ge3A_886 : i32
      %convert_element_type3A_888 = arith.extui %ge3A_887 : i1 to i32
      %cond3A_889 = arith.constant 0 : i32
      %cond3A_890 = arith.cmpi ne, %convert_element_type3A_888, %cond3A_889 : i32
      scf.if %cond3A_890 {
        %dma_wait3A_1519 = arith.constant 1 : i32
        %dma_wait3A_1520 = arith.constant 0 : i32
        %dma_wait3A_1521 = arith.constant 0 : i32
        %dma_wait3A_1522 = arith.constant 0 : i32
        %dma_wait3A_1523 = arith.constant 0 : i32
        %dma_wait3A_1524 = tpu.memref_slice %arg9[%dma_wait3A_1519, %dma_wait3A_1521, %dma_wait3A_1522, %dma_wait3A_1523] : memref<2x4x40x129xf32, #tpu.memory_space<vmem>> -> memref<1x4x32x128xf32, #tpu.memory_space<vmem>>
        %dma_wait3A_1525 = tpu.memref_squeeze %dma_wait3A_1524 : memref<1x4x32x128xf32, #tpu.memory_space<vmem>> -> memref<4x32x128xf32, #tpu.memory_space<vmem>>
        %dma_wait3A_1526 = arith.constant 0 : i32
        %dma_wait3A_1527 = arith.constant 0 : i32
        %dma_wait3A_1528 = tpu.memref_slice %arg5[%dma_wait3A_1520, %dma_wait3A_1526, %dma_wait3A_1527] : memref<200x4096x128xf32, #tpu.memory_space<hbm>> -> memref<1x128x128xf32, #tpu.memory_space<hbm>>
        %dma_wait3A_1529 = tpu.memref_squeeze %dma_wait3A_1528 : memref<1x128x128xf32, #tpu.memory_space<hbm>> -> memref<128x128xf32, #tpu.memory_space<hbm>>
        %dma_wait3A_1530 = arith.constant 0 : i32
        %dma_wait3A_1531 = arith.constant 0 : i32
        %dma_wait3A_1532 = tpu.memref_slice %arg5[%dma_wait3A_1520, %dma_wait3A_1530, %dma_wait3A_1531] : memref<200x4096x128xf32, #tpu.memory_space<hbm>> -> memref<1x128x128xf32, #tpu.memory_space<hbm>>
        %dma_wait3A_1533 = tpu.memref_squeeze %dma_wait3A_1532 : memref<1x128x128xf32, #tpu.memory_space<hbm>> -> memref<128x128xf32, #tpu.memory_space<hbm>>
        %dma_wait3A_1534 = arith.constant 0 : i32
        %dma_wait3A_1535 = arith.constant 0 : i32
        %dma_wait3A_1536 = arith.constant 0 : i32
        %dma_wait3A_1537 = tpu.memref_slice %arg9[%dma_wait3A_1519, %dma_wait3A_1534, %dma_wait3A_1535, %dma_wait3A_1536] : memref<2x4x40x129xf32, #tpu.memory_space<vmem>> -> memref<1x4x32x128xf32, #tpu.memory_space<vmem>>
        %dma_wait3A_1538 = tpu.memref_squeeze %dma_wait3A_1537 : memref<1x4x32x128xf32, #tpu.memory_space<vmem>> -> memref<4x32x128xf32, #tpu.memory_space<vmem>>
        tpu.wait_dma2 semaphore(%arg16 : memref<!tpu.dma_semaphore, #tpu.memory_space<semaphore_mem>>) src(%dma_wait3A_1538 : memref<4x32x128xf32, #tpu.memory_space<vmem>>) dst(%dma_wait3A_1533 : memref<128x128xf32, #tpu.memory_space<hbm>>)
      } else {
      }
      %get3A_891 = arith.index_cast %select_n3A_834 : i32 to index
      %get3A_892 = arith.constant 0 : index
      %get3A_893 = tpu.vector_load %arg6[%get3A_891, %get3A_892] {strides = array<i32>} : memref<200x32xf32, #tpu.memory_space<vmem>>, vector<16xf32>,
      %get3A_894 = arith.index_cast %select_n3A_834 : i32 to index
      %get3A_895 = arith.constant 16 : index
      %get3A_896 = tpu.vector_load %arg6[%get3A_894, %get3A_895] {strides = array<i32>} : memref<200x32xf32, #tpu.memory_space<vmem>>, vector<16xf32>,
      %jit3A_897 = arith.constant 8 : i32
      %div3A_898 = vector.broadcast %jit3A_897 : i32 to vector<16xi32>
      %div3A_899 = arith.divsi %iota3A, %div3A_898 : vector<16xi32>
      %sign3A_900 = arith.constant 0 : i32
      %sign3A_901 = vector.broadcast %sign3A_900 : i32 to vector<16xi32>
      %sign3A_902 = arith.cmpi sgt, %iota3A, %sign3A_901 : vector<16xi32>
      %sign3A_903 = arith.extui %sign3A_902 : vector<16xi1> to vector<16xi32>
      %sign3A_904 = arith.constant 0 : i32
      %sign3A_905 = vector.broadcast %sign3A_904 : i32 to vector<16xi32>
      %sign3A_906 = arith.cmpi slt, %iota3A, %sign3A_905 : vector<16xi32>
      %sign3A_907 = arith.extui %sign3A_906 : vector<16xi1> to vector<16xi32>
      %sign3A_908 = arith.subi %sign3A_903, %sign3A_907 : vector<16xi32>
      %sign3A_909 = arith.constant 0 : i32
      %sign3A_910 = arith.cmpi sgt, %jit3A_897, %sign3A_909 : i32
      %sign3A_911 = arith.extui %sign3A_910 : i1 to i32
      %sign3A_912 = arith.constant 0 : i32
      %sign3A_913 = arith.cmpi slt, %jit3A_897, %sign3A_912 : i32
      %sign3A_914 = arith.extui %sign3A_913 : i1 to i32
      %sign3A_915 = arith.subi %sign3A_911, %sign3A_914 : i32
      %ne3A_916 = vector.broadcast %sign3A_915 : i32 to vector<16xi32>
      %ne3A_917 = arith.cmpi ne, %sign3A_908, %ne3A_916 : vector<16xi32>
      %rem3A_918 = vector.broadcast %jit3A_897 : i32 to vector<16xi32>
      %rem3A_919 = arith.remsi %iota3A, %rem3A_918 : vector<16xi32>
      %ne3A_920 = arith.constant 0 : i32
      %ne3A_921 = vector.broadcast %ne3A_920 : i32 to vector<16xi32>
      %ne3A_922 = arith.cmpi ne, %rem3A_919, %ne3A_921 : vector<16xi32>
      %and3A_923 = arith.andi %ne3A_917, %ne3A_922 : vector<16xi1>
      %sub3A_924 = arith.constant 1 : i32
      %sub3A_925 = vector.broadcast %sub3A_924 : i32 to vector<16xi32>
      %sub3A_926 = arith.subi %div3A_899, %sub3A_925 : vector<16xi32>
      %select_n3A_927 = arith.select %and3A_923, %sub3A_926, %div3A_899 : vector<16xi1>, vector<16xi32>
      %jit3A_928 = arith.constant 8 : i32
      %eq3A_929 = arith.constant 0 : i32
      %eq3A_930 = arith.cmpi eq, %jit3A_928, %eq3A_929 : i32
      %jit3A_931 = arith.constant 1 : i32
      %select_n3A_932 = arith.select %eq3A_930, %jit3A_931, %jit3A_928 : i32
      %rem3A_933 = vector.broadcast %select_n3A_932 : i32 to vector<16xi32>
      %rem3A_934 = arith.remsi %iota3A, %rem3A_933 : vector<16xi32>
      %ne3A_935 = arith.constant 0 : i32
      %ne3A_936 = vector.broadcast %ne3A_935 : i32 to vector<16xi32>
      %ne3A_937 = arith.cmpi ne, %rem3A_934, %ne3A_936 : vector<16xi32>
      %lt3A_938 = arith.constant 0 : i32
      %lt3A_939 = vector.broadcast %lt3A_938 : i32 to vector<16xi32>
      %lt3A_940 = arith.cmpi slt, %rem3A_934, %lt3A_939 : vector<16xi32>
      %lt3A_941 = arith.constant 0 : i32
      %lt3A_942 = arith.cmpi slt, %select_n3A_932, %lt3A_941 : i32
      %ne3A_943 = vector.broadcast %lt3A_942 : i1 to vector<16xi1>
      %ne3A_944 = vector.broadcast %ne3A_943 : vector<16xi1> to vector<16xi1>
      %ne3A_945 = arith.xori %lt3A_940, %ne3A_944 : vector<16xi1>
      %and3A_946 = arith.andi %ne3A_945, %ne3A_937 : vector<16xi1>
      %add3A_947 = vector.broadcast %select_n3A_932 : i32 to vector<16xi32>
      %add3A_948 = arith.addi %rem3A_934, %add3A_947 : vector<16xi32>
      %select_n3A_949 = arith.select %and3A_946, %add3A_948, %rem3A_934 : vector<16xi1>, vector<16xi32>
      %broadcast_in_dim3A_950 = arith.constant 0 : i32
      %broadcast_in_dim3A_951 = vector.broadcast %broadcast_in_dim3A_950 : i32 to vector<16xi32>
      %scan3A_952 = arith.constant 0 : i32
      %scan3A_953 = arith.constant 4 : i32
      %scan3A_954 = arith.addi %scan3A_952, %scan3A_953 : i32
      %scan3A_955 = arith.constant 1 : i32
      scf.for %scan3A_1519 = %scan3A_952 to %scan3A_954 step %scan3A_955  : i32 {
        %mul3A_1520 = arith.constant 1 : i32
        %mul3A_1521 = arith.muli %scan3A_1519, %mul3A_1520 : i32
        %add3A_1522 = arith.constant 0 : i32
        %add3A_1523 = arith.addi %add3A_1522, %mul3A_1521 : i32
        %mul3A_1524 = arith.constant 8 : i32
        %mul3A_1525 = arith.muli %add3A_1523, %mul3A_1524 : i32
        %add3A_1526 = vector.broadcast %mul3A_1525 : i32 to vector<16xi32>
        %add3A_1527 = arith.addi %select_n3A_949, %add3A_1526 : vector<16xi32>
        %mul3A_1528 = arith.constant 128 : i32
        %mul3A_1529 = arith.muli %add3A_1523, %mul3A_1528 : i32
        %scan3A_1530 = arith.constant 0 : i32
        %scan3A_1531 = arith.constant 128 : i32
        %scan3A_1532 = arith.addi %scan3A_1530, %scan3A_1531 : i32
        %scan3A_1533 = arith.constant 16 : i32
        %scan3A_1534 = scf.for %scan3A_1536 = %scan3A_1530 to %scan3A_1532 step %scan3A_1533 iter_args(%scan3A_1537 = %broadcast_in_dim3A_951) -> (vector<16xi32>)  : i32 {
          %mul3A_1538 = arith.constant 1 : i32
          %mul3A_1539 = arith.muli %scan3A_1536, %mul3A_1538 : i32
          %add3A_1540 = arith.constant 0 : i32
          %add3A_1541 = arith.addi %add3A_1540, %mul3A_1539 : i32
          %add3A_1542 = arith.addi %mul3A_1529, %add3A_1541 : i32
          %get3A_1543 = arith.constant 1 : i32
          %get3A_1544 = arith.index_cast %get3A_1543 : i32 to index
          %get3A_1545 = arith.index_cast %add3A_1542 : i32 to index
          %get3A_1546 = arith.constant 0 : index
          %get3A_1547 = tpu.vector_load %arg8[%get3A_1544, %get3A_1545, %get3A_1546] {strides = array<i32>} : memref<4x512x32xf32, #tpu.memory_space<vmem>>, vector<16xf32>,
          %add3A_1548 = arith.addf %get3A_1547, %get3A_893 : vector<16xf32>
          %get3A_1549 = arith.constant 1 : i32
          %get3A_1550 = arith.index_cast %get3A_1549 : i32 to index
          %get3A_1551 = arith.index_cast %add3A_1542 : i32 to index
          %get3A_1552 = arith.constant 16 : index
          %get3A_1553 = tpu.vector_load %arg8[%get3A_1550, %get3A_1551, %get3A_1552] {strides = array<i32>} : memref<4x512x32xf32, #tpu.memory_space<vmem>>, vector<16xf32>,
          %add3A_1554 = arith.addf %get3A_1553, %get3A_896 : vector<16xf32>
          %scatter3A = arith.constant 1 : i32
          %scatter3A_1555 = arith.constant 0 : i32
          %scatter3A_1556 = arith.constant 0 : i32
          %scatter3A_1557 = arith.constant 0 : i32
          %scatter3A_1558 = tpu.memref_slice %arg9[%scatter3A, %scatter3A_1555, %scatter3A_1556, %scatter3A_1557] : memref<2x4x40x129xf32, #tpu.memory_space<vmem>> -> memref<1x4x40x129xf32, #tpu.memory_space<vmem>>
          %scatter3A_1559 = tpu.memref_squeeze %scatter3A_1558 : memref<1x4x40x129xf32, #tpu.memory_space<vmem>> -> memref<4x40x129xf32, #tpu.memory_space<vmem>>
          tpu.vector_store_idx %scatter3A_1559[%select_n3A_927, %add3A_1527, %scan3A_1537], %add3A_1548 : memref<4x40x129xf32, #tpu.memory_space<vmem>>[vector<16xi32>, vector<16xi32>, vector<16xi32>], vector<16xf32>,
          %add3A_1560 = arith.constant 2 : i32
          %add3A_1561 = vector.broadcast %add3A_1560 : i32 to vector<16xi32>
          %add3A_1562 = arith.addi %select_n3A_927, %add3A_1561 : vector<16xi32>
          %scatter3A_1563 = arith.constant 1 : i32
          %scatter3A_1564 = arith.constant 0 : i32
          %scatter3A_1565 = arith.constant 0 : i32
          %scatter3A_1566 = arith.constant 0 : i32
          %scatter3A_1567 = tpu.memref_slice %arg9[%scatter3A_1563, %scatter3A_1564, %scatter3A_1565, %scatter3A_1566] : memref<2x4x40x129xf32, #tpu.memory_space<vmem>> -> memref<1x4x40x129xf32, #tpu.memory_space<vmem>>
          %scatter3A_1568 = tpu.memref_squeeze %scatter3A_1567 : memref<1x4x40x129xf32, #tpu.memory_space<vmem>> -> memref<4x40x129xf32, #tpu.memory_space<vmem>>
          tpu.vector_store_idx %scatter3A_1568[%add3A_1562, %add3A_1527, %scan3A_1537], %add3A_1554 : memref<4x40x129xf32, #tpu.memory_space<vmem>>[vector<16xi32>, vector<16xi32>, vector<16xi32>], vector<16xf32>,
          %add3A_1569 = arith.constant 1 : i32
          %add3A_1570 = vector.broadcast %add3A_1569 : i32 to vector<16xi32>
          %add3A_1571 = arith.addi %scan3A_1537, %add3A_1570 : vector<16xi32>
          %scan3A_1572 = arith.constant 1 : i32
          %scan3A_1573 = arith.addi %scan3A_1536, %scan3A_1572 : i32
          %mul3A_1574 = arith.constant 1 : i32
          %mul3A_1575 = arith.muli %scan3A_1573, %mul3A_1574 : i32
          %add3A_1576 = arith.constant 0 : i32
          %add3A_1577 = arith.addi %add3A_1576, %mul3A_1575 : i32
          %add3A_1578 = arith.addi %mul3A_1529, %add3A_1577 : i32
          %get3A_1579 = arith.constant 1 : i32
          %get3A_1580 = arith.index_cast %get3A_1579 : i32 to index
          %get3A_1581 = arith.index_cast %add3A_1578 : i32 to index
          %get3A_1582 = arith.constant 0 : index
          %get3A_1583 = tpu.vector_load %arg8[%get3A_1580, %get3A_1581, %get3A_1582] {strides = array<i32>} : memref<4x512x32xf32, #tpu.memory_space<vmem>>, vector<16xf32>,
          %add3A_1584 = arith.addf %get3A_1583, %get3A_893 : vector<16xf32>
          %get3A_1585 = arith.constant 1 : i32
          %get3A_1586 = arith.index_cast %get3A_1585 : i32 to index
          %get3A_1587 = arith.index_cast %add3A_1578 : i32 to index
          %get3A_1588 = arith.constant 16 : index
          %get3A_1589 = tpu.vector_load %arg8[%get3A_1586, %get3A_1587, %get3A_1588] {strides = array<i32>} : memref<4x512x32xf32, #tpu.memory_space<vmem>>, vector<16xf32>,
          %add3A_1590 = arith.addf %get3A_1589, %get3A_896 : vector<16xf32>
          %scatter3A_1591 = arith.constant 1 : i32
          %scatter3A_1592 = arith.constant 0 : i32
          %scatter3A_1593 = arith.constant 0 : i32
          %scatter3A_1594 = arith.constant 0 : i32
          %scatter3A_1595 = tpu.memref_slice %arg9[%scatter3A_1591, %scatter3A_1592, %scatter3A_1593, %scatter3A_1594] : memref<2x4x40x129xf32, #tpu.memory_space<vmem>> -> memref<1x4x40x129xf32, #tpu.memory_space<vmem>>
          %scatter3A_1596 = tpu.memref_squeeze %scatter3A_1595 : memref<1x4x40x129xf32, #tpu.memory_space<vmem>> -> memref<4x40x129xf32, #tpu.memory_space<vmem>>
          tpu.vector_store_idx %scatter3A_1596[%select_n3A_927, %add3A_1527, %add3A_1571], %add3A_1584 : memref<4x40x129xf32, #tpu.memory_space<vmem>>[vector<16xi32>, vector<16xi32>, vector<16xi32>], vector<16xf32>,
          %add3A_1597 = arith.constant 2 : i32
          %add3A_1598 = vector.broadcast %add3A_1597 : i32 to vector<16xi32>
          %add3A_1599 = arith.addi %select_n3A_927, %add3A_1598 : vector<16xi32>
          %scatter3A_1600 = arith.constant 1 : i32
          %scatter3A_1601 = arith.constant 0 : i32
          %scatter3A_1602 = arith.constant 0 : i32
          %scatter3A_1603 = arith.constant 0 : i32
          %scatter3A_1604 = tpu.memref_slice %arg9[%scatter3A_1600, %scatter3A_1601, %scatter3A_1602, %scatter3A_1603] : memref<2x4x40x129xf32, #tpu.memory_space<vmem>> -> memref<1x4x40x129xf32, #tpu.memory_space<vmem>>
          %scatter3A_1605 = tpu.memref_squeeze %scatter3A_1604 : memref<1x4x40x129xf32, #tpu.memory_space<vmem>> -> memref<4x40x129xf32, #tpu.memory_space<vmem>>
          tpu.vector_store_idx %scatter3A_1605[%add3A_1599, %add3A_1527, %add3A_1571], %add3A_1590 : memref<4x40x129xf32, #tpu.memory_space<vmem>>[vector<16xi32>, vector<16xi32>, vector<16xi32>], vector<16xf32>,
          %add3A_1606 = arith.constant 1 : i32
          %add3A_1607 = vector.broadcast %add3A_1606 : i32 to vector<16xi32>
          %add3A_1608 = arith.addi %add3A_1571, %add3A_1607 : vector<16xi32>
          %scan3A_1609 = arith.constant 2 : i32
          %scan3A_1610 = arith.addi %scan3A_1536, %scan3A_1609 : i32
          %mul3A_1611 = arith.constant 1 : i32
          %mul3A_1612 = arith.muli %scan3A_1610, %mul3A_1611 : i32
          %add3A_1613 = arith.constant 0 : i32
          %add3A_1614 = arith.addi %add3A_1613, %mul3A_1612 : i32
          %add3A_1615 = arith.addi %mul3A_1529, %add3A_1614 : i32
          %get3A_1616 = arith.constant 1 : i32
          %get3A_1617 = arith.index_cast %get3A_1616 : i32 to index
          %get3A_1618 = arith.index_cast %add3A_1615 : i32 to index
          %get3A_1619 = arith.constant 0 : index
          %get3A_1620 = tpu.vector_load %arg8[%get3A_1617, %get3A_1618, %get3A_1619] {strides = array<i32>} : memref<4x512x32xf32, #tpu.memory_space<vmem>>, vector<16xf32>,
          %add3A_1621 = arith.addf %get3A_1620, %get3A_893 : vector<16xf32>
          %get3A_1622 = arith.constant 1 : i32
          %get3A_1623 = arith.index_cast %get3A_1622 : i32 to index
          %get3A_1624 = arith.index_cast %add3A_1615 : i32 to index
          %get3A_1625 = arith.constant 16 : index
          %get3A_1626 = tpu.vector_load %arg8[%get3A_1623, %get3A_1624, %get3A_1625] {strides = array<i32>} : memref<4x512x32xf32, #tpu.memory_space<vmem>>, vector<16xf32>,
          %add3A_1627 = arith.addf %get3A_1626, %get3A_896 : vector<16xf32>
          %scatter3A_1628 = arith.constant 1 : i32
          %scatter3A_1629 = arith.constant 0 : i32
          %scatter3A_1630 = arith.constant 0 : i32
          %scatter3A_1631 = arith.constant 0 : i32
          %scatter3A_1632 = tpu.memref_slice %arg9[%scatter3A_1628, %scatter3A_1629, %scatter3A_1630, %scatter3A_1631] : memref<2x4x40x129xf32, #tpu.memory_space<vmem>> -> memref<1x4x40x129xf32, #tpu.memory_space<vmem>>
          %scatter3A_1633 = tpu.memref_squeeze %scatter3A_1632 : memref<1x4x40x129xf32, #tpu.memory_space<vmem>> -> memref<4x40x129xf32, #tpu.memory_space<vmem>>
          tpu.vector_store_idx %scatter3A_1633[%select_n3A_927, %add3A_1527, %add3A_1608], %add3A_1621 : memref<4x40x129xf32, #tpu.memory_space<vmem>>[vector<16xi32>, vector<16xi32>, vector<16xi32>], vector<16xf32>,
          %add3A_1634 = arith.constant 2 : i32
          %add3A_1635 = vector.broadcast %add3A_1634 : i32 to vector<16xi32>
          %add3A_1636 = arith.addi %select_n3A_927, %add3A_1635 : vector<16xi32>
          %scatter3A_1637 = arith.constant 1 : i32
          %scatter3A_1638 = arith.constant 0 : i32
          %scatter3A_1639 = arith.constant 0 : i32
          %scatter3A_1640 = arith.constant 0 : i32
          %scatter3A_1641 = tpu.memref_slice %arg9[%scatter3A_1637, %scatter3A_1638, %scatter3A_1639, %scatter3A_1640] : memref<2x4x40x129xf32, #tpu.memory_space<vmem>> -> memref<1x4x40x129xf32, #tpu.memory_space<vmem>>
          %scatter3A_1642 = tpu.memref_squeeze %scatter3A_1641 : memref<1x4x40x129xf32, #tpu.memory_space<vmem>> -> memref<4x40x129xf32, #tpu.memory_space<vmem>>
          tpu.vector_store_idx %scatter3A_1642[%add3A_1636, %add3A_1527, %add3A_1608], %add3A_1627 : memref<4x40x129xf32, #tpu.memory_space<vmem>>[vector<16xi32>, vector<16xi32>, vector<16xi32>], vector<16xf32>,
          %add3A_1643 = arith.constant 1 : i32
          %add3A_1644 = vector.broadcast %add3A_1643 : i32 to vector<16xi32>
          %add3A_1645 = arith.addi %add3A_1608, %add3A_1644 : vector<16xi32>
          %scan3A_1646 = arith.constant 3 : i32
          %scan3A_1647 = arith.addi %scan3A_1536, %scan3A_1646 : i32
          %mul3A_1648 = arith.constant 1 : i32
          %mul3A_1649 = arith.muli %scan3A_1647, %mul3A_1648 : i32
          %add3A_1650 = arith.constant 0 : i32
          %add3A_1651 = arith.addi %add3A_1650, %mul3A_1649 : i32
          %add3A_1652 = arith.addi %mul3A_1529, %add3A_1651 : i32
          %get3A_1653 = arith.constant 1 : i32
          %get3A_1654 = arith.index_cast %get3A_1653 : i32 to index
          %get3A_1655 = arith.index_cast %add3A_1652 : i32 to index
          %get3A_1656 = arith.constant 0 : index
          %get3A_1657 = tpu.vector_load %arg8[%get3A_1654, %get3A_1655, %get3A_1656] {strides = array<i32>} : memref<4x512x32xf32, #tpu.memory_space<vmem>>, vector<16xf32>,
          %add3A_1658 = arith.addf %get3A_1657, %get3A_893 : vector<16xf32>
          %get3A_1659 = arith.constant 1 : i32
          %get3A_1660 = arith.index_cast %get3A_1659 : i32 to index
          %get3A_1661 = arith.index_cast %add3A_1652 : i32 to index
          %get3A_1662 = arith.constant 16 : index
          %get3A_1663 = tpu.vector_load %arg8[%get3A_1660, %get3A_1661, %get3A_1662] {strides = array<i32>} : memref<4x512x32xf32, #tpu.memory_space<vmem>>, vector<16xf32>,
          %add3A_1664 = arith.addf %get3A_1663, %get3A_896 : vector<16xf32>
          %scatter3A_1665 = arith.constant 1 : i32
          %scatter3A_1666 = arith.constant 0 : i32
          %scatter3A_1667 = arith.constant 0 : i32
          %scatter3A_1668 = arith.constant 0 : i32
          %scatter3A_1669 = tpu.memref_slice %arg9[%scatter3A_1665, %scatter3A_1666, %scatter3A_1667, %scatter3A_1668] : memref<2x4x40x129xf32, #tpu.memory_space<vmem>> -> memref<1x4x40x129xf32, #tpu.memory_space<vmem>>
          %scatter3A_1670 = tpu.memref_squeeze %scatter3A_1669 : memref<1x4x40x129xf32, #tpu.memory_space<vmem>> -> memref<4x40x129xf32, #tpu.memory_space<vmem>>
          tpu.vector_store_idx %scatter3A_1670[%select_n3A_927, %add3A_1527, %add3A_1645], %add3A_1658 : memref<4x40x129xf32, #tpu.memory_space<vmem>>[vector<16xi32>, vector<16xi32>, vector<16xi32>], vector<16xf32>,
          %add3A_1671 = arith.constant 2 : i32
          %add3A_1672 = vector.broadcast %add3A_1671 : i32 to vector<16xi32>
          %add3A_1673 = arith.addi %select_n3A_927, %add3A_1672 : vector<16xi32>
          %scatter3A_1674 = arith.constant 1 : i32
          %scatter3A_1675 = arith.constant 0 : i32
          %scatter3A_1676 = arith.constant 0 : i32
          %scatter3A_1677 = arith.constant 0 : i32
          %scatter3A_1678 = tpu.memref_slice %arg9[%scatter3A_1674, %scatter3A_1675, %scatter3A_1676, %scatter3A_1677] : memref<2x4x40x129xf32, #tpu.memory_space<vmem>> -> memref<1x4x40x129xf32, #tpu.memory_space<vmem>>
          %scatter3A_1679 = tpu.memref_squeeze %scatter3A_1678 : memref<1x4x40x129xf32, #tpu.memory_space<vmem>> -> memref<4x40x129xf32, #tpu.memory_space<vmem>>
          tpu.vector_store_idx %scatter3A_1679[%add3A_1673, %add3A_1527, %add3A_1645], %add3A_1664 : memref<4x40x129xf32, #tpu.memory_space<vmem>>[vector<16xi32>, vector<16xi32>, vector<16xi32>], vector<16xf32>,
          %add3A_1680 = arith.constant 1 : i32
          %add3A_1681 = vector.broadcast %add3A_1680 : i32 to vector<16xi32>
          %add3A_1682 = arith.addi %add3A_1645, %add3A_1681 : vector<16xi32>
          %scan3A_1683 = arith.constant 4 : i32
          %scan3A_1684 = arith.addi %scan3A_1536, %scan3A_1683 : i32
          %mul3A_1685 = arith.constant 1 : i32
          %mul3A_1686 = arith.muli %scan3A_1684, %mul3A_1685 : i32
          %add3A_1687 = arith.constant 0 : i32
          %add3A_1688 = arith.addi %add3A_1687, %mul3A_1686 : i32
          %add3A_1689 = arith.addi %mul3A_1529, %add3A_1688 : i32
          %get3A_1690 = arith.constant 1 : i32
          %get3A_1691 = arith.index_cast %get3A_1690 : i32 to index
          %get3A_1692 = arith.index_cast %add3A_1689 : i32 to index
          %get3A_1693 = arith.constant 0 : index
          %get3A_1694 = tpu.vector_load %arg8[%get3A_1691, %get3A_1692, %get3A_1693] {strides = array<i32>} : memref<4x512x32xf32, #tpu.memory_space<vmem>>, vector<16xf32>,
          %add3A_1695 = arith.addf %get3A_1694, %get3A_893 : vector<16xf32>
          %get3A_1696 = arith.constant 1 : i32
          %get3A_1697 = arith.index_cast %get3A_1696 : i32 to index
          %get3A_1698 = arith.index_cast %add3A_1689 : i32 to index
          %get3A_1699 = arith.constant 16 : index
          %get3A_1700 = tpu.vector_load %arg8[%get3A_1697, %get3A_1698, %get3A_1699] {strides = array<i32>} : memref<4x512x32xf32, #tpu.memory_space<vmem>>, vector<16xf32>,
          %add3A_1701 = arith.addf %get3A_1700, %get3A_896 : vector<16xf32>
          %scatter3A_1702 = arith.constant 1 : i32
          %scatter3A_1703 = arith.constant 0 : i32
          %scatter3A_1704 = arith.constant 0 : i32
          %scatter3A_1705 = arith.constant 0 : i32
          %scatter3A_1706 = tpu.memref_slice %arg9[%scatter3A_1702, %scatter3A_1703, %scatter3A_1704, %scatter3A_1705] : memref<2x4x40x129xf32, #tpu.memory_space<vmem>> -> memref<1x4x40x129xf32, #tpu.memory_space<vmem>>
          %scatter3A_1707 = tpu.memref_squeeze %scatter3A_1706 : memref<1x4x40x129xf32, #tpu.memory_space<vmem>> -> memref<4x40x129xf32, #tpu.memory_space<vmem>>
          tpu.vector_store_idx %scatter3A_1707[%select_n3A_927, %add3A_1527, %add3A_1682], %add3A_1695 : memref<4x40x129xf32, #tpu.memory_space<vmem>>[vector<16xi32>, vector<16xi32>, vector<16xi32>], vector<16xf32>,
          %add3A_1708 = arith.constant 2 : i32
          %add3A_1709 = vector.broadcast %add3A_1708 : i32 to vector<16xi32>
          %add3A_1710 = arith.addi %select_n3A_927, %add3A_1709 : vector<16xi32>
          %scatter3A_1711 = arith.constant 1 : i32
          %scatter3A_1712 = arith.constant 0 : i32
          %scatter3A_1713 = arith.constant 0 : i32
          %scatter3A_1714 = arith.constant 0 : i32
          %scatter3A_1715 = tpu.memref_slice %arg9[%scatter3A_1711, %scatter3A_1712, %scatter3A_1713, %scatter3A_1714] : memref<2x4x40x129xf32, #tpu.memory_space<vmem>> -> memref<1x4x40x129xf32, #tpu.memory_space<vmem>>
          %scatter3A_1716 = tpu.memref_squeeze %scatter3A_1715 : memref<1x4x40x129xf32, #tpu.memory_space<vmem>> -> memref<4x40x129xf32, #tpu.memory_space<vmem>>
          tpu.vector_store_idx %scatter3A_1716[%add3A_1710, %add3A_1527, %add3A_1682], %add3A_1701 : memref<4x40x129xf32, #tpu.memory_space<vmem>>[vector<16xi32>, vector<16xi32>, vector<16xi32>], vector<16xf32>,
          %add3A_1717 = arith.constant 1 : i32
          %add3A_1718 = vector.broadcast %add3A_1717 : i32 to vector<16xi32>
          %add3A_1719 = arith.addi %add3A_1682, %add3A_1718 : vector<16xi32>
          %scan3A_1720 = arith.constant 5 : i32
          %scan3A_1721 = arith.addi %scan3A_1536, %scan3A_1720 : i32
          %mul3A_1722 = arith.constant 1 : i32
          %mul3A_1723 = arith.muli %scan3A_1721, %mul3A_1722 : i32
          %add3A_1724 = arith.constant 0 : i32
          %add3A_1725 = arith.addi %add3A_1724, %mul3A_1723 : i32
          %add3A_1726 = arith.addi %mul3A_1529, %add3A_1725 : i32
          %get3A_1727 = arith.constant 1 : i32
          %get3A_1728 = arith.index_cast %get3A_1727 : i32 to index
          %get3A_1729 = arith.index_cast %add3A_1726 : i32 to index
          %get3A_1730 = arith.constant 0 : index
          %get3A_1731 = tpu.vector_load %arg8[%get3A_1728, %get3A_1729, %get3A_1730] {strides = array<i32>} : memref<4x512x32xf32, #tpu.memory_space<vmem>>, vector<16xf32>,
          %add3A_1732 = arith.addf %get3A_1731, %get3A_893 : vector<16xf32>
          %get3A_1733 = arith.constant 1 : i32
          %get3A_1734 = arith.index_cast %get3A_1733 : i32 to index
          %get3A_1735 = arith.index_cast %add3A_1726 : i32 to index
          %get3A_1736 = arith.constant 16 : index
          %get3A_1737 = tpu.vector_load %arg8[%get3A_1734, %get3A_1735, %get3A_1736] {strides = array<i32>} : memref<4x512x32xf32, #tpu.memory_space<vmem>>, vector<16xf32>,
          %add3A_1738 = arith.addf %get3A_1737, %get3A_896 : vector<16xf32>
          %scatter3A_1739 = arith.constant 1 : i32
          %scatter3A_1740 = arith.constant 0 : i32
          %scatter3A_1741 = arith.constant 0 : i32
          %scatter3A_1742 = arith.constant 0 : i32
          %scatter3A_1743 = tpu.memref_slice %arg9[%scatter3A_1739, %scatter3A_1740, %scatter3A_1741, %scatter3A_1742] : memref<2x4x40x129xf32, #tpu.memory_space<vmem>> -> memref<1x4x40x129xf32, #tpu.memory_space<vmem>>
          %scatter3A_1744 = tpu.memref_squeeze %scatter3A_1743 : memref<1x4x40x129xf32, #tpu.memory_space<vmem>> -> memref<4x40x129xf32, #tpu.memory_space<vmem>>
          tpu.vector_store_idx %scatter3A_1744[%select_n3A_927, %add3A_1527, %add3A_1719], %add3A_1732 : memref<4x40x129xf32, #tpu.memory_space<vmem>>[vector<16xi32>, vector<16xi32>, vector<16xi32>], vector<16xf32>,
          %add3A_1745 = arith.constant 2 : i32
          %add3A_1746 = vector.broadcast %add3A_1745 : i32 to vector<16xi32>
          %add3A_1747 = arith.addi %select_n3A_927, %add3A_1746 : vector<16xi32>
          %scatter3A_1748 = arith.constant 1 : i32
          %scatter3A_1749 = arith.constant 0 : i32
          %scatter3A_1750 = arith.constant 0 : i32
          %scatter3A_1751 = arith.constant 0 : i32
          %scatter3A_1752 = tpu.memref_slice %arg9[%scatter3A_1748, %scatter3A_1749, %scatter3A_1750, %scatter3A_1751] : memref<2x4x40x129xf32, #tpu.memory_space<vmem>> -> memref<1x4x40x129xf32, #tpu.memory_space<vmem>>
          %scatter3A_1753 = tpu.memref_squeeze %scatter3A_1752 : memref<1x4x40x129xf32, #tpu.memory_space<vmem>> -> memref<4x40x129xf32, #tpu.memory_space<vmem>>
          tpu.vector_store_idx %scatter3A_1753[%add3A_1747, %add3A_1527, %add3A_1719], %add3A_1738 : memref<4x40x129xf32, #tpu.memory_space<vmem>>[vector<16xi32>, vector<16xi32>, vector<16xi32>], vector<16xf32>,
          %add3A_1754 = arith.constant 1 : i32
          %add3A_1755 = vector.broadcast %add3A_1754 : i32 to vector<16xi32>
          %add3A_1756 = arith.addi %add3A_1719, %add3A_1755 : vector<16xi32>
          %scan3A_1757 = arith.constant 6 : i32
          %scan3A_1758 = arith.addi %scan3A_1536, %scan3A_1757 : i32
          %mul3A_1759 = arith.constant 1 : i32
          %mul3A_1760 = arith.muli %scan3A_1758, %mul3A_1759 : i32
          %add3A_1761 = arith.constant 0 : i32
          %add3A_1762 = arith.addi %add3A_1761, %mul3A_1760 : i32
          %add3A_1763 = arith.addi %mul3A_1529, %add3A_1762 : i32
          %get3A_1764 = arith.constant 1 : i32
          %get3A_1765 = arith.index_cast %get3A_1764 : i32 to index
          %get3A_1766 = arith.index_cast %add3A_1763 : i32 to index
          %get3A_1767 = arith.constant 0 : index
          %get3A_1768 = tpu.vector_load %arg8[%get3A_1765, %get3A_1766, %get3A_1767] {strides = array<i32>} : memref<4x512x32xf32, #tpu.memory_space<vmem>>, vector<16xf32>,
          %add3A_1769 = arith.addf %get3A_1768, %get3A_893 : vector<16xf32>
          %get3A_1770 = arith.constant 1 : i32
          %get3A_1771 = arith.index_cast %get3A_1770 : i32 to index
          %get3A_1772 = arith.index_cast %add3A_1763 : i32 to index
          %get3A_1773 = arith.constant 16 : index
          %get3A_1774 = tpu.vector_load %arg8[%get3A_1771, %get3A_1772, %get3A_1773] {strides = array<i32>} : memref<4x512x32xf32, #tpu.memory_space<vmem>>, vector<16xf32>,
          %add3A_1775 = arith.addf %get3A_1774, %get3A_896 : vector<16xf32>
          %scatter3A_1776 = arith.constant 1 : i32
          %scatter3A_1777 = arith.constant 0 : i32
          %scatter3A_1778 = arith.constant 0 : i32
          %scatter3A_1779 = arith.constant 0 : i32
          %scatter3A_1780 = tpu.memref_slice %arg9[%scatter3A_1776, %scatter3A_1777, %scatter3A_1778, %scatter3A_1779] : memref<2x4x40x129xf32, #tpu.memory_space<vmem>> -> memref<1x4x40x129xf32, #tpu.memory_space<vmem>>
          %scatter3A_1781 = tpu.memref_squeeze %scatter3A_1780 : memref<1x4x40x129xf32, #tpu.memory_space<vmem>> -> memref<4x40x129xf32, #tpu.memory_space<vmem>>
          tpu.vector_store_idx %scatter3A_1781[%select_n3A_927, %add3A_1527, %add3A_1756], %add3A_1769 : memref<4x40x129xf32, #tpu.memory_space<vmem>>[vector<16xi32>, vector<16xi32>, vector<16xi32>], vector<16xf32>,
          %add3A_1782 = arith.constant 2 : i32
          %add3A_1783 = vector.broadcast %add3A_1782 : i32 to vector<16xi32>
          %add3A_1784 = arith.addi %select_n3A_927, %add3A_1783 : vector<16xi32>
          %scatter3A_1785 = arith.constant 1 : i32
          %scatter3A_1786 = arith.constant 0 : i32
          %scatter3A_1787 = arith.constant 0 : i32
          %scatter3A_1788 = arith.constant 0 : i32
          %scatter3A_1789 = tpu.memref_slice %arg9[%scatter3A_1785, %scatter3A_1786, %scatter3A_1787, %scatter3A_1788] : memref<2x4x40x129xf32, #tpu.memory_space<vmem>> -> memref<1x4x40x129xf32, #tpu.memory_space<vmem>>
          %scatter3A_1790 = tpu.memref_squeeze %scatter3A_1789 : memref<1x4x40x129xf32, #tpu.memory_space<vmem>> -> memref<4x40x129xf32, #tpu.memory_space<vmem>>
          tpu.vector_store_idx %scatter3A_1790[%add3A_1784, %add3A_1527, %add3A_1756], %add3A_1775 : memref<4x40x129xf32, #tpu.memory_space<vmem>>[vector<16xi32>, vector<16xi32>, vector<16xi32>], vector<16xf32>,
          %add3A_1791 = arith.constant 1 : i32
          %add3A_1792 = vector.broadcast %add3A_1791 : i32 to vector<16xi32>
          %add3A_1793 = arith.addi %add3A_1756, %add3A_1792 : vector<16xi32>
          %scan3A_1794 = arith.constant 7 : i32
          %scan3A_1795 = arith.addi %scan3A_1536, %scan3A_1794 : i32
          %mul3A_1796 = arith.constant 1 : i32
          %mul3A_1797 = arith.muli %scan3A_1795, %mul3A_1796 : i32
          %add3A_1798 = arith.constant 0 : i32
          %add3A_1799 = arith.addi %add3A_1798, %mul3A_1797 : i32
          %add3A_1800 = arith.addi %mul3A_1529, %add3A_1799 : i32
          %get3A_1801 = arith.constant 1 : i32
          %get3A_1802 = arith.index_cast %get3A_1801 : i32 to index
          %get3A_1803 = arith.index_cast %add3A_1800 : i32 to index
          %get3A_1804 = arith.constant 0 : index
          %get3A_1805 = tpu.vector_load %arg8[%get3A_1802, %get3A_1803, %get3A_1804] {strides = array<i32>} : memref<4x512x32xf32, #tpu.memory_space<vmem>>, vector<16xf32>,
          %add3A_1806 = arith.addf %get3A_1805, %get3A_893 : vector<16xf32>
          %get3A_1807 = arith.constant 1 : i32
          %get3A_1808 = arith.index_cast %get3A_1807 : i32 to index
          %get3A_1809 = arith.index_cast %add3A_1800 : i32 to index
          %get3A_1810 = arith.constant 16 : index
          %get3A_1811 = tpu.vector_load %arg8[%get3A_1808, %get3A_1809, %get3A_1810] {strides = array<i32>} : memref<4x512x32xf32, #tpu.memory_space<vmem>>, vector<16xf32>,
          %add3A_1812 = arith.addf %get3A_1811, %get3A_896 : vector<16xf32>
          %scatter3A_1813 = arith.constant 1 : i32
          %scatter3A_1814 = arith.constant 0 : i32
          %scatter3A_1815 = arith.constant 0 : i32
          %scatter3A_1816 = arith.constant 0 : i32
          %scatter3A_1817 = tpu.memref_slice %arg9[%scatter3A_1813, %scatter3A_1814, %scatter3A_1815, %scatter3A_1816] : memref<2x4x40x129xf32, #tpu.memory_space<vmem>> -> memref<1x4x40x129xf32, #tpu.memory_space<vmem>>
          %scatter3A_1818 = tpu.memref_squeeze %scatter3A_1817 : memref<1x4x40x129xf32, #tpu.memory_space<vmem>> -> memref<4x40x129xf32, #tpu.memory_space<vmem>>
          tpu.vector_store_idx %scatter3A_1818[%select_n3A_927, %add3A_1527, %add3A_1793], %add3A_1806 : memref<4x40x129xf32, #tpu.memory_space<vmem>>[vector<16xi32>, vector<16xi32>, vector<16xi32>], vector<16xf32>,
          %add3A_1819 = arith.constant 2 : i32
          %add3A_1820 = vector.broadcast %add3A_1819 : i32 to vector<16xi32>
          %add3A_1821 = arith.addi %select_n3A_927, %add3A_1820 : vector<16xi32>
          %scatter3A_1822 = arith.constant 1 : i32
          %scatter3A_1823 = arith.constant 0 : i32
          %scatter3A_1824 = arith.constant 0 : i32
          %scatter3A_1825 = arith.constant 0 : i32
          %scatter3A_1826 = tpu.memref_slice %arg9[%scatter3A_1822, %scatter3A_1823, %scatter3A_1824, %scatter3A_1825] : memref<2x4x40x129xf32, #tpu.memory_space<vmem>> -> memref<1x4x40x129xf32, #tpu.memory_space<vmem>>
          %scatter3A_1827 = tpu.memref_squeeze %scatter3A_1826 : memref<1x4x40x129xf32, #tpu.memory_space<vmem>> -> memref<4x40x129xf32, #tpu.memory_space<vmem>>
          tpu.vector_store_idx %scatter3A_1827[%add3A_1821, %add3A_1527, %add3A_1793], %add3A_1812 : memref<4x40x129xf32, #tpu.memory_space<vmem>>[vector<16xi32>, vector<16xi32>, vector<16xi32>], vector<16xf32>,
          %add3A_1828 = arith.constant 1 : i32
          %add3A_1829 = vector.broadcast %add3A_1828 : i32 to vector<16xi32>
          %add3A_1830 = arith.addi %add3A_1793, %add3A_1829 : vector<16xi32>
          %scan3A_1831 = arith.constant 8 : i32
          %scan3A_1832 = arith.addi %scan3A_1536, %scan3A_1831 : i32
          %mul3A_1833 = arith.constant 1 : i32
          %mul3A_1834 = arith.muli %scan3A_1832, %mul3A_1833 : i32
          %add3A_1835 = arith.constant 0 : i32
          %add3A_1836 = arith.addi %add3A_1835, %mul3A_1834 : i32
          %add3A_1837 = arith.addi %mul3A_1529, %add3A_1836 : i32
          %get3A_1838 = arith.constant 1 : i32
          %get3A_1839 = arith.index_cast %get3A_1838 : i32 to index
          %get3A_1840 = arith.index_cast %add3A_1837 : i32 to index
          %get3A_1841 = arith.constant 0 : index
          %get3A_1842 = tpu.vector_load %arg8[%get3A_1839, %get3A_1840, %get3A_1841] {strides = array<i32>} : memref<4x512x32xf32, #tpu.memory_space<vmem>>, vector<16xf32>,
          %add3A_1843 = arith.addf %get3A_1842, %get3A_893 : vector<16xf32>
          %get3A_1844 = arith.constant 1 : i32
          %get3A_1845 = arith.index_cast %get3A_1844 : i32 to index
          %get3A_1846 = arith.index_cast %add3A_1837 : i32 to index
          %get3A_1847 = arith.constant 16 : index
          %get3A_1848 = tpu.vector_load %arg8[%get3A_1845, %get3A_1846, %get3A_1847] {strides = array<i32>} : memref<4x512x32xf32, #tpu.memory_space<vmem>>, vector<16xf32>,
          %add3A_1849 = arith.addf %get3A_1848, %get3A_896 : vector<16xf32>
          %scatter3A_1850 = arith.constant 1 : i32
          %scatter3A_1851 = arith.constant 0 : i32
          %scatter3A_1852 = arith.constant 0 : i32
          %scatter3A_1853 = arith.constant 0 : i32
          %scatter3A_1854 = tpu.memref_slice %arg9[%scatter3A_1850, %scatter3A_1851, %scatter3A_1852, %scatter3A_1853] : memref<2x4x40x129xf32, #tpu.memory_space<vmem>> -> memref<1x4x40x129xf32, #tpu.memory_space<vmem>>
          %scatter3A_1855 = tpu.memref_squeeze %scatter3A_1854 : memref<1x4x40x129xf32, #tpu.memory_space<vmem>> -> memref<4x40x129xf32, #tpu.memory_space<vmem>>
          tpu.vector_store_idx %scatter3A_1855[%select_n3A_927, %add3A_1527, %add3A_1830], %add3A_1843 : memref<4x40x129xf32, #tpu.memory_space<vmem>>[vector<16xi32>, vector<16xi32>, vector<16xi32>], vector<16xf32>,
          %add3A_1856 = arith.constant 2 : i32
          %add3A_1857 = vector.broadcast %add3A_1856 : i32 to vector<16xi32>
          %add3A_1858 = arith.addi %select_n3A_927, %add3A_1857 : vector<16xi32>
          %scatter3A_1859 = arith.constant 1 : i32
          %scatter3A_1860 = arith.constant 0 : i32
          %scatter3A_1861 = arith.constant 0 : i32
          %scatter3A_1862 = arith.constant 0 : i32
          %scatter3A_1863 = tpu.memref_slice %arg9[%scatter3A_1859, %scatter3A_1860, %scatter3A_1861, %scatter3A_1862] : memref<2x4x40x129xf32, #tpu.memory_space<vmem>> -> memref<1x4x40x129xf32, #tpu.memory_space<vmem>>
          %scatter3A_1864 = tpu.memref_squeeze %scatter3A_1863 : memref<1x4x40x129xf32, #tpu.memory_space<vmem>> -> memref<4x40x129xf32, #tpu.memory_space<vmem>>
          tpu.vector_store_idx %scatter3A_1864[%add3A_1858, %add3A_1527, %add3A_1830], %add3A_1849 : memref<4x40x129xf32, #tpu.memory_space<vmem>>[vector<16xi32>, vector<16xi32>, vector<16xi32>], vector<16xf32>,
          %add3A_1865 = arith.constant 1 : i32
          %add3A_1866 = vector.broadcast %add3A_1865 : i32 to vector<16xi32>
          %add3A_1867 = arith.addi %add3A_1830, %add3A_1866 : vector<16xi32>
          %scan3A_1868 = arith.constant 9 : i32
          %scan3A_1869 = arith.addi %scan3A_1536, %scan3A_1868 : i32
          %mul3A_1870 = arith.constant 1 : i32
          %mul3A_1871 = arith.muli %scan3A_1869, %mul3A_1870 : i32
          %add3A_1872 = arith.constant 0 : i32
          %add3A_1873 = arith.addi %add3A_1872, %mul3A_1871 : i32
          %add3A_1874 = arith.addi %mul3A_1529, %add3A_1873 : i32
          %get3A_1875 = arith.constant 1 : i32
          %get3A_1876 = arith.index_cast %get3A_1875 : i32 to index
          %get3A_1877 = arith.index_cast %add3A_1874 : i32 to index
          %get3A_1878 = arith.constant 0 : index
          %get3A_1879 = tpu.vector_load %arg8[%get3A_1876, %get3A_1877, %get3A_1878] {strides = array<i32>} : memref<4x512x32xf32, #tpu.memory_space<vmem>>, vector<16xf32>,
          %add3A_1880 = arith.addf %get3A_1879, %get3A_893 : vector<16xf32>
          %get3A_1881 = arith.constant 1 : i32
          %get3A_1882 = arith.index_cast %get3A_1881 : i32 to index
          %get3A_1883 = arith.index_cast %add3A_1874 : i32 to index
          %get3A_1884 = arith.constant 16 : index
          %get3A_1885 = tpu.vector_load %arg8[%get3A_1882, %get3A_1883, %get3A_1884] {strides = array<i32>} : memref<4x512x32xf32, #tpu.memory_space<vmem>>, vector<16xf32>,
          %add3A_1886 = arith.addf %get3A_1885, %get3A_896 : vector<16xf32>
          %scatter3A_1887 = arith.constant 1 : i32
          %scatter3A_1888 = arith.constant 0 : i32
          %scatter3A_1889 = arith.constant 0 : i32
          %scatter3A_1890 = arith.constant 0 : i32
          %scatter3A_1891 = tpu.memref_slice %arg9[%scatter3A_1887, %scatter3A_1888, %scatter3A_1889, %scatter3A_1890] : memref<2x4x40x129xf32, #tpu.memory_space<vmem>> -> memref<1x4x40x129xf32, #tpu.memory_space<vmem>>
          %scatter3A_1892 = tpu.memref_squeeze %scatter3A_1891 : memref<1x4x40x129xf32, #tpu.memory_space<vmem>> -> memref<4x40x129xf32, #tpu.memory_space<vmem>>
          tpu.vector_store_idx %scatter3A_1892[%select_n3A_927, %add3A_1527, %add3A_1867], %add3A_1880 : memref<4x40x129xf32, #tpu.memory_space<vmem>>[vector<16xi32>, vector<16xi32>, vector<16xi32>], vector<16xf32>,
          %add3A_1893 = arith.constant 2 : i32
          %add3A_1894 = vector.broadcast %add3A_1893 : i32 to vector<16xi32>
          %add3A_1895 = arith.addi %select_n3A_927, %add3A_1894 : vector<16xi32>
          %scatter3A_1896 = arith.constant 1 : i32
          %scatter3A_1897 = arith.constant 0 : i32
          %scatter3A_1898 = arith.constant 0 : i32
          %scatter3A_1899 = arith.constant 0 : i32
          %scatter3A_1900 = tpu.memref_slice %arg9[%scatter3A_1896, %scatter3A_1897, %scatter3A_1898, %scatter3A_1899] : memref<2x4x40x129xf32, #tpu.memory_space<vmem>> -> memref<1x4x40x129xf32, #tpu.memory_space<vmem>>
          %scatter3A_1901 = tpu.memref_squeeze %scatter3A_1900 : memref<1x4x40x129xf32, #tpu.memory_space<vmem>> -> memref<4x40x129xf32, #tpu.memory_space<vmem>>
          tpu.vector_store_idx %scatter3A_1901[%add3A_1895, %add3A_1527, %add3A_1867], %add3A_1886 : memref<4x40x129xf32, #tpu.memory_space<vmem>>[vector<16xi32>, vector<16xi32>, vector<16xi32>], vector<16xf32>,
          %add3A_1902 = arith.constant 1 : i32
          %add3A_1903 = vector.broadcast %add3A_1902 : i32 to vector<16xi32>
          %add3A_1904 = arith.addi %add3A_1867, %add3A_1903 : vector<16xi32>
          %scan3A_1905 = arith.constant 10 : i32
          %scan3A_1906 = arith.addi %scan3A_1536, %scan3A_1905 : i32
          %mul3A_1907 = arith.constant 1 : i32
          %mul3A_1908 = arith.muli %scan3A_1906, %mul3A_1907 : i32
          %add3A_1909 = arith.constant 0 : i32
          %add3A_1910 = arith.addi %add3A_1909, %mul3A_1908 : i32
          %add3A_1911 = arith.addi %mul3A_1529, %add3A_1910 : i32
          %get3A_1912 = arith.constant 1 : i32
          %get3A_1913 = arith.index_cast %get3A_1912 : i32 to index
          %get3A_1914 = arith.index_cast %add3A_1911 : i32 to index
          %get3A_1915 = arith.constant 0 : index
          %get3A_1916 = tpu.vector_load %arg8[%get3A_1913, %get3A_1914, %get3A_1915] {strides = array<i32>} : memref<4x512x32xf32, #tpu.memory_space<vmem>>, vector<16xf32>,
          %add3A_1917 = arith.addf %get3A_1916, %get3A_893 : vector<16xf32>
          %get3A_1918 = arith.constant 1 : i32
          %get3A_1919 = arith.index_cast %get3A_1918 : i32 to index
          %get3A_1920 = arith.index_cast %add3A_1911 : i32 to index
          %get3A_1921 = arith.constant 16 : index
          %get3A_1922 = tpu.vector_load %arg8[%get3A_1919, %get3A_1920, %get3A_1921] {strides = array<i32>} : memref<4x512x32xf32, #tpu.memory_space<vmem>>, vector<16xf32>,
          %add3A_1923 = arith.addf %get3A_1922, %get3A_896 : vector<16xf32>
          %scatter3A_1924 = arith.constant 1 : i32
          %scatter3A_1925 = arith.constant 0 : i32
          %scatter3A_1926 = arith.constant 0 : i32
          %scatter3A_1927 = arith.constant 0 : i32
          %scatter3A_1928 = tpu.memref_slice %arg9[%scatter3A_1924, %scatter3A_1925, %scatter3A_1926, %scatter3A_1927] : memref<2x4x40x129xf32, #tpu.memory_space<vmem>> -> memref<1x4x40x129xf32, #tpu.memory_space<vmem>>
          %scatter3A_1929 = tpu.memref_squeeze %scatter3A_1928 : memref<1x4x40x129xf32, #tpu.memory_space<vmem>> -> memref<4x40x129xf32, #tpu.memory_space<vmem>>
          tpu.vector_store_idx %scatter3A_1929[%select_n3A_927, %add3A_1527, %add3A_1904], %add3A_1917 : memref<4x40x129xf32, #tpu.memory_space<vmem>>[vector<16xi32>, vector<16xi32>, vector<16xi32>], vector<16xf32>,
          %add3A_1930 = arith.constant 2 : i32
          %add3A_1931 = vector.broadcast %add3A_1930 : i32 to vector<16xi32>
          %add3A_1932 = arith.addi %select_n3A_927, %add3A_1931 : vector<16xi32>
          %scatter3A_1933 = arith.constant 1 : i32
          %scatter3A_1934 = arith.constant 0 : i32
          %scatter3A_1935 = arith.constant 0 : i32
          %scatter3A_1936 = arith.constant 0 : i32
          %scatter3A_1937 = tpu.memref_slice %arg9[%scatter3A_1933, %scatter3A_1934, %scatter3A_1935, %scatter3A_1936] : memref<2x4x40x129xf32, #tpu.memory_space<vmem>> -> memref<1x4x40x129xf32, #tpu.memory_space<vmem>>
          %scatter3A_1938 = tpu.memref_squeeze %scatter3A_1937 : memref<1x4x40x129xf32, #tpu.memory_space<vmem>> -> memref<4x40x129xf32, #tpu.memory_space<vmem>>
          tpu.vector_store_idx %scatter3A_1938[%add3A_1932, %add3A_1527, %add3A_1904], %add3A_1923 : memref<4x40x129xf32, #tpu.memory_space<vmem>>[vector<16xi32>, vector<16xi32>, vector<16xi32>], vector<16xf32>,
          %add3A_1939 = arith.constant 1 : i32
          %add3A_1940 = vector.broadcast %add3A_1939 : i32 to vector<16xi32>
          %add3A_1941 = arith.addi %add3A_1904, %add3A_1940 : vector<16xi32>
          %scan3A_1942 = arith.constant 11 : i32
          %scan3A_1943 = arith.addi %scan3A_1536, %scan3A_1942 : i32
          %mul3A_1944 = arith.constant 1 : i32
          %mul3A_1945 = arith.muli %scan3A_1943, %mul3A_1944 : i32
          %add3A_1946 = arith.constant 0 : i32
          %add3A_1947 = arith.addi %add3A_1946, %mul3A_1945 : i32
          %add3A_1948 = arith.addi %mul3A_1529, %add3A_1947 : i32
          %get3A_1949 = arith.constant 1 : i32
          %get3A_1950 = arith.index_cast %get3A_1949 : i32 to index
          %get3A_1951 = arith.index_cast %add3A_1948 : i32 to index
          %get3A_1952 = arith.constant 0 : index
          %get3A_1953 = tpu.vector_load %arg8[%get3A_1950, %get3A_1951, %get3A_1952] {strides = array<i32>} : memref<4x512x32xf32, #tpu.memory_space<vmem>>, vector<16xf32>,
          %add3A_1954 = arith.addf %get3A_1953, %get3A_893 : vector<16xf32>
          %get3A_1955 = arith.constant 1 : i32
          %get3A_1956 = arith.index_cast %get3A_1955 : i32 to index
          %get3A_1957 = arith.index_cast %add3A_1948 : i32 to index
          %get3A_1958 = arith.constant 16 : index
          %get3A_1959 = tpu.vector_load %arg8[%get3A_1956, %get3A_1957, %get3A_1958] {strides = array<i32>} : memref<4x512x32xf32, #tpu.memory_space<vmem>>, vector<16xf32>,
          %add3A_1960 = arith.addf %get3A_1959, %get3A_896 : vector<16xf32>
          %scatter3A_1961 = arith.constant 1 : i32
          %scatter3A_1962 = arith.constant 0 : i32
          %scatter3A_1963 = arith.constant 0 : i32
          %scatter3A_1964 = arith.constant 0 : i32
          %scatter3A_1965 = tpu.memref_slice %arg9[%scatter3A_1961, %scatter3A_1962, %scatter3A_1963, %scatter3A_1964] : memref<2x4x40x129xf32, #tpu.memory_space<vmem>> -> memref<1x4x40x129xf32, #tpu.memory_space<vmem>>
          %scatter3A_1966 = tpu.memref_squeeze %scatter3A_1965 : memref<1x4x40x129xf32, #tpu.memory_space<vmem>> -> memref<4x40x129xf32, #tpu.memory_space<vmem>>
          tpu.vector_store_idx %scatter3A_1966[%select_n3A_927, %add3A_1527, %add3A_1941], %add3A_1954 : memref<4x40x129xf32, #tpu.memory_space<vmem>>[vector<16xi32>, vector<16xi32>, vector<16xi32>], vector<16xf32>,
          %add3A_1967 = arith.constant 2 : i32
          %add3A_1968 = vector.broadcast %add3A_1967 : i32 to vector<16xi32>
          %add3A_1969 = arith.addi %select_n3A_927, %add3A_1968 : vector<16xi32>
          %scatter3A_1970 = arith.constant 1 : i32
          %scatter3A_1971 = arith.constant 0 : i32
          %scatter3A_1972 = arith.constant 0 : i32
          %scatter3A_1973 = arith.constant 0 : i32
          %scatter3A_1974 = tpu.memref_slice %arg9[%scatter3A_1970, %scatter3A_1971, %scatter3A_1972, %scatter3A_1973] : memref<2x4x40x129xf32, #tpu.memory_space<vmem>> -> memref<1x4x40x129xf32, #tpu.memory_space<vmem>>
          %scatter3A_1975 = tpu.memref_squeeze %scatter3A_1974 : memref<1x4x40x129xf32, #tpu.memory_space<vmem>> -> memref<4x40x129xf32, #tpu.memory_space<vmem>>
          tpu.vector_store_idx %scatter3A_1975[%add3A_1969, %add3A_1527, %add3A_1941], %add3A_1960 : memref<4x40x129xf32, #tpu.memory_space<vmem>>[vector<16xi32>, vector<16xi32>, vector<16xi32>], vector<16xf32>,
          %add3A_1976 = arith.constant 1 : i32
          %add3A_1977 = vector.broadcast %add3A_1976 : i32 to vector<16xi32>
          %add3A_1978 = arith.addi %add3A_1941, %add3A_1977 : vector<16xi32>
          %scan3A_1979 = arith.constant 12 : i32
          %scan3A_1980 = arith.addi %scan3A_1536, %scan3A_1979 : i32
          %mul3A_1981 = arith.constant 1 : i32
          %mul3A_1982 = arith.muli %scan3A_1980, %mul3A_1981 : i32
          %add3A_1983 = arith.constant 0 : i32
          %add3A_1984 = arith.addi %add3A_1983, %mul3A_1982 : i32
          %add3A_1985 = arith.addi %mul3A_1529, %add3A_1984 : i32
          %get3A_1986 = arith.constant 1 : i32
          %get3A_1987 = arith.index_cast %get3A_1986 : i32 to index
          %get3A_1988 = arith.index_cast %add3A_1985 : i32 to index
          %get3A_1989 = arith.constant 0 : index
          %get3A_1990 = tpu.vector_load %arg8[%get3A_1987, %get3A_1988, %get3A_1989] {strides = array<i32>} : memref<4x512x32xf32, #tpu.memory_space<vmem>>, vector<16xf32>,
          %add3A_1991 = arith.addf %get3A_1990, %get3A_893 : vector<16xf32>
          %get3A_1992 = arith.constant 1 : i32
          %get3A_1993 = arith.index_cast %get3A_1992 : i32 to index
          %get3A_1994 = arith.index_cast %add3A_1985 : i32 to index
          %get3A_1995 = arith.constant 16 : index
          %get3A_1996 = tpu.vector_load %arg8[%get3A_1993, %get3A_1994, %get3A_1995] {strides = array<i32>} : memref<4x512x32xf32, #tpu.memory_space<vmem>>, vector<16xf32>,
          %add3A_1997 = arith.addf %get3A_1996, %get3A_896 : vector<16xf32>
          %scatter3A_1998 = arith.constant 1 : i32
          %scatter3A_1999 = arith.constant 0 : i32
          %scatter3A_2000 = arith.constant 0 : i32
          %scatter3A_2001 = arith.constant 0 : i32
          %scatter3A_2002 = tpu.memref_slice %arg9[%scatter3A_1998, %scatter3A_1999, %scatter3A_2000, %scatter3A_2001] : memref<2x4x40x129xf32, #tpu.memory_space<vmem>> -> memref<1x4x40x129xf32, #tpu.memory_space<vmem>>
          %scatter3A_2003 = tpu.memref_squeeze %scatter3A_2002 : memref<1x4x40x129xf32, #tpu.memory_space<vmem>> -> memref<4x40x129xf32, #tpu.memory_space<vmem>>
          tpu.vector_store_idx %scatter3A_2003[%select_n3A_927, %add3A_1527, %add3A_1978], %add3A_1991 : memref<4x40x129xf32, #tpu.memory_space<vmem>>[vector<16xi32>, vector<16xi32>, vector<16xi32>], vector<16xf32>,
          %add3A_2004 = arith.constant 2 : i32
          %add3A_2005 = vector.broadcast %add3A_2004 : i32 to vector<16xi32>
          %add3A_2006 = arith.addi %select_n3A_927, %add3A_2005 : vector<16xi32>
          %scatter3A_2007 = arith.constant 1 : i32
          %scatter3A_2008 = arith.constant 0 : i32
          %scatter3A_2009 = arith.constant 0 : i32
          %scatter3A_2010 = arith.constant 0 : i32
          %scatter3A_2011 = tpu.memref_slice %arg9[%scatter3A_2007, %scatter3A_2008, %scatter3A_2009, %scatter3A_2010] : memref<2x4x40x129xf32, #tpu.memory_space<vmem>> -> memref<1x4x40x129xf32, #tpu.memory_space<vmem>>
          %scatter3A_2012 = tpu.memref_squeeze %scatter3A_2011 : memref<1x4x40x129xf32, #tpu.memory_space<vmem>> -> memref<4x40x129xf32, #tpu.memory_space<vmem>>
          tpu.vector_store_idx %scatter3A_2012[%add3A_2006, %add3A_1527, %add3A_1978], %add3A_1997 : memref<4x40x129xf32, #tpu.memory_space<vmem>>[vector<16xi32>, vector<16xi32>, vector<16xi32>], vector<16xf32>,
          %add3A_2013 = arith.constant 1 : i32
          %add3A_2014 = vector.broadcast %add3A_2013 : i32 to vector<16xi32>
          %add3A_2015 = arith.addi %add3A_1978, %add3A_2014 : vector<16xi32>
          %scan3A_2016 = arith.constant 13 : i32
          %scan3A_2017 = arith.addi %scan3A_1536, %scan3A_2016 : i32
          %mul3A_2018 = arith.constant 1 : i32
          %mul3A_2019 = arith.muli %scan3A_2017, %mul3A_2018 : i32
          %add3A_2020 = arith.constant 0 : i32
          %add3A_2021 = arith.addi %add3A_2020, %mul3A_2019 : i32
          %add3A_2022 = arith.addi %mul3A_1529, %add3A_2021 : i32
          %get3A_2023 = arith.constant 1 : i32
          %get3A_2024 = arith.index_cast %get3A_2023 : i32 to index
          %get3A_2025 = arith.index_cast %add3A_2022 : i32 to index
          %get3A_2026 = arith.constant 0 : index
          %get3A_2027 = tpu.vector_load %arg8[%get3A_2024, %get3A_2025, %get3A_2026] {strides = array<i32>} : memref<4x512x32xf32, #tpu.memory_space<vmem>>, vector<16xf32>,
          %add3A_2028 = arith.addf %get3A_2027, %get3A_893 : vector<16xf32>
          %get3A_2029 = arith.constant 1 : i32
          %get3A_2030 = arith.index_cast %get3A_2029 : i32 to index
          %get3A_2031 = arith.index_cast %add3A_2022 : i32 to index
          %get3A_2032 = arith.constant 16 : index
          %get3A_2033 = tpu.vector_load %arg8[%get3A_2030, %get3A_2031, %get3A_2032] {strides = array<i32>} : memref<4x512x32xf32, #tpu.memory_space<vmem>>, vector<16xf32>,
          %add3A_2034 = arith.addf %get3A_2033, %get3A_896 : vector<16xf32>
          %scatter3A_2035 = arith.constant 1 : i32
          %scatter3A_2036 = arith.constant 0 : i32
          %scatter3A_2037 = arith.constant 0 : i32
          %scatter3A_2038 = arith.constant 0 : i32
          %scatter3A_2039 = tpu.memref_slice %arg9[%scatter3A_2035, %scatter3A_2036, %scatter3A_2037, %scatter3A_2038] : memref<2x4x40x129xf32, #tpu.memory_space<vmem>> -> memref<1x4x40x129xf32, #tpu.memory_space<vmem>>
          %scatter3A_2040 = tpu.memref_squeeze %scatter3A_2039 : memref<1x4x40x129xf32, #tpu.memory_space<vmem>> -> memref<4x40x129xf32, #tpu.memory_space<vmem>>
          tpu.vector_store_idx %scatter3A_2040[%select_n3A_927, %add3A_1527, %add3A_2015], %add3A_2028 : memref<4x40x129xf32, #tpu.memory_space<vmem>>[vector<16xi32>, vector<16xi32>, vector<16xi32>], vector<16xf32>,
          %add3A_2041 = arith.constant 2 : i32
          %add3A_2042 = vector.broadcast %add3A_2041 : i32 to vector<16xi32>
          %add3A_2043 = arith.addi %select_n3A_927, %add3A_2042 : vector<16xi32>
          %scatter3A_2044 = arith.constant 1 : i32
          %scatter3A_2045 = arith.constant 0 : i32
          %scatter3A_2046 = arith.constant 0 : i32
          %scatter3A_2047 = arith.constant 0 : i32
          %scatter3A_2048 = tpu.memref_slice %arg9[%scatter3A_2044, %scatter3A_2045, %scatter3A_2046, %scatter3A_2047] : memref<2x4x40x129xf32, #tpu.memory_space<vmem>> -> memref<1x4x40x129xf32, #tpu.memory_space<vmem>>
          %scatter3A_2049 = tpu.memref_squeeze %scatter3A_2048 : memref<1x4x40x129xf32, #tpu.memory_space<vmem>> -> memref<4x40x129xf32, #tpu.memory_space<vmem>>
          tpu.vector_store_idx %scatter3A_2049[%add3A_2043, %add3A_1527, %add3A_2015], %add3A_2034 : memref<4x40x129xf32, #tpu.memory_space<vmem>>[vector<16xi32>, vector<16xi32>, vector<16xi32>], vector<16xf32>,
          %add3A_2050 = arith.constant 1 : i32
          %add3A_2051 = vector.broadcast %add3A_2050 : i32 to vector<16xi32>
          %add3A_2052 = arith.addi %add3A_2015, %add3A_2051 : vector<16xi32>
          %scan3A_2053 = arith.constant 14 : i32
          %scan3A_2054 = arith.addi %scan3A_1536, %scan3A_2053 : i32
          %mul3A_2055 = arith.constant 1 : i32
          %mul3A_2056 = arith.muli %scan3A_2054, %mul3A_2055 : i32
          %add3A_2057 = arith.constant 0 : i32
          %add3A_2058 = arith.addi %add3A_2057, %mul3A_2056 : i32
          %add3A_2059 = arith.addi %mul3A_1529, %add3A_2058 : i32
          %get3A_2060 = arith.constant 1 : i32
          %get3A_2061 = arith.index_cast %get3A_2060 : i32 to index
          %get3A_2062 = arith.index_cast %add3A_2059 : i32 to index
          %get3A_2063 = arith.constant 0 : index
          %get3A_2064 = tpu.vector_load %arg8[%get3A_2061, %get3A_2062, %get3A_2063] {strides = array<i32>} : memref<4x512x32xf32, #tpu.memory_space<vmem>>, vector<16xf32>,
          %add3A_2065 = arith.addf %get3A_2064, %get3A_893 : vector<16xf32>
          %get3A_2066 = arith.constant 1 : i32
          %get3A_2067 = arith.index_cast %get3A_2066 : i32 to index
          %get3A_2068 = arith.index_cast %add3A_2059 : i32 to index
          %get3A_2069 = arith.constant 16 : index
          %get3A_2070 = tpu.vector_load %arg8[%get3A_2067, %get3A_2068, %get3A_2069] {strides = array<i32>} : memref<4x512x32xf32, #tpu.memory_space<vmem>>, vector<16xf32>,
          %add3A_2071 = arith.addf %get3A_2070, %get3A_896 : vector<16xf32>
          %scatter3A_2072 = arith.constant 1 : i32
          %scatter3A_2073 = arith.constant 0 : i32
          %scatter3A_2074 = arith.constant 0 : i32
          %scatter3A_2075 = arith.constant 0 : i32
          %scatter3A_2076 = tpu.memref_slice %arg9[%scatter3A_2072, %scatter3A_2073, %scatter3A_2074, %scatter3A_2075] : memref<2x4x40x129xf32, #tpu.memory_space<vmem>> -> memref<1x4x40x129xf32, #tpu.memory_space<vmem>>
          %scatter3A_2077 = tpu.memref_squeeze %scatter3A_2076 : memref<1x4x40x129xf32, #tpu.memory_space<vmem>> -> memref<4x40x129xf32, #tpu.memory_space<vmem>>
          tpu.vector_store_idx %scatter3A_2077[%select_n3A_927, %add3A_1527, %add3A_2052], %add3A_2065 : memref<4x40x129xf32, #tpu.memory_space<vmem>>[vector<16xi32>, vector<16xi32>, vector<16xi32>], vector<16xf32>,
          %add3A_2078 = arith.constant 2 : i32
          %add3A_2079 = vector.broadcast %add3A_2078 : i32 to vector<16xi32>
          %add3A_2080 = arith.addi %select_n3A_927, %add3A_2079 : vector<16xi32>
          %scatter3A_2081 = arith.constant 1 : i32
          %scatter3A_2082 = arith.constant 0 : i32
          %scatter3A_2083 = arith.constant 0 : i32
          %scatter3A_2084 = arith.constant 0 : i32
          %scatter3A_2085 = tpu.memref_slice %arg9[%scatter3A_2081, %scatter3A_2082, %scatter3A_2083, %scatter3A_2084] : memref<2x4x40x129xf32, #tpu.memory_space<vmem>> -> memref<1x4x40x129xf32, #tpu.memory_space<vmem>>
          %scatter3A_2086 = tpu.memref_squeeze %scatter3A_2085 : memref<1x4x40x129xf32, #tpu.memory_space<vmem>> -> memref<4x40x129xf32, #tpu.memory_space<vmem>>
          tpu.vector_store_idx %scatter3A_2086[%add3A_2080, %add3A_1527, %add3A_2052], %add3A_2071 : memref<4x40x129xf32, #tpu.memory_space<vmem>>[vector<16xi32>, vector<16xi32>, vector<16xi32>], vector<16xf32>,
          %add3A_2087 = arith.constant 1 : i32
          %add3A_2088 = vector.broadcast %add3A_2087 : i32 to vector<16xi32>
          %add3A_2089 = arith.addi %add3A_2052, %add3A_2088 : vector<16xi32>
          %scan3A_2090 = arith.constant 15 : i32
          %scan3A_2091 = arith.addi %scan3A_1536, %scan3A_2090 : i32
          %mul3A_2092 = arith.constant 1 : i32
          %mul3A_2093 = arith.muli %scan3A_2091, %mul3A_2092 : i32
          %add3A_2094 = arith.constant 0 : i32
          %add3A_2095 = arith.addi %add3A_2094, %mul3A_2093 : i32
          %add3A_2096 = arith.addi %mul3A_1529, %add3A_2095 : i32
          %get3A_2097 = arith.constant 1 : i32
          %get3A_2098 = arith.index_cast %get3A_2097 : i32 to index
          %get3A_2099 = arith.index_cast %add3A_2096 : i32 to index
          %get3A_2100 = arith.constant 0 : index
          %get3A_2101 = tpu.vector_load %arg8[%get3A_2098, %get3A_2099, %get3A_2100] {strides = array<i32>} : memref<4x512x32xf32, #tpu.memory_space<vmem>>, vector<16xf32>,
          %add3A_2102 = arith.addf %get3A_2101, %get3A_893 : vector<16xf32>
          %get3A_2103 = arith.constant 1 : i32
          %get3A_2104 = arith.index_cast %get3A_2103 : i32 to index
          %get3A_2105 = arith.index_cast %add3A_2096 : i32 to index
          %get3A_2106 = arith.constant 16 : index
          %get3A_2107 = tpu.vector_load %arg8[%get3A_2104, %get3A_2105, %get3A_2106] {strides = array<i32>} : memref<4x512x32xf32, #tpu.memory_space<vmem>>, vector<16xf32>,
          %add3A_2108 = arith.addf %get3A_2107, %get3A_896 : vector<16xf32>
          %scatter3A_2109 = arith.constant 1 : i32
          %scatter3A_2110 = arith.constant 0 : i32
          %scatter3A_2111 = arith.constant 0 : i32
          %scatter3A_2112 = arith.constant 0 : i32
          %scatter3A_2113 = tpu.memref_slice %arg9[%scatter3A_2109, %scatter3A_2110, %scatter3A_2111, %scatter3A_2112] : memref<2x4x40x129xf32, #tpu.memory_space<vmem>> -> memref<1x4x40x129xf32, #tpu.memory_space<vmem>>
          %scatter3A_2114 = tpu.memref_squeeze %scatter3A_2113 : memref<1x4x40x129xf32, #tpu.memory_space<vmem>> -> memref<4x40x129xf32, #tpu.memory_space<vmem>>
          tpu.vector_store_idx %scatter3A_2114[%select_n3A_927, %add3A_1527, %add3A_2089], %add3A_2102 : memref<4x40x129xf32, #tpu.memory_space<vmem>>[vector<16xi32>, vector<16xi32>, vector<16xi32>], vector<16xf32>,
          %add3A_2115 = arith.constant 2 : i32
          %add3A_2116 = vector.broadcast %add3A_2115 : i32 to vector<16xi32>
          %add3A_2117 = arith.addi %select_n3A_927, %add3A_2116 : vector<16xi32>
          %scatter3A_2118 = arith.constant 1 : i32
          %scatter3A_2119 = arith.constant 0 : i32
          %scatter3A_2120 = arith.constant 0 : i32
          %scatter3A_2121 = arith.constant 0 : i32
          %scatter3A_2122 = tpu.memref_slice %arg9[%scatter3A_2118, %scatter3A_2119, %scatter3A_2120, %scatter3A_2121] : memref<2x4x40x129xf32, #tpu.memory_space<vmem>> -> memref<1x4x40x129xf32, #tpu.memory_space<vmem>>
          %scatter3A_2123 = tpu.memref_squeeze %scatter3A_2122 : memref<1x4x40x129xf32, #tpu.memory_space<vmem>> -> memref<4x40x129xf32, #tpu.memory_space<vmem>>
          tpu.vector_store_idx %scatter3A_2123[%add3A_2117, %add3A_1527, %add3A_2089], %add3A_2108 : memref<4x40x129xf32, #tpu.memory_space<vmem>>[vector<16xi32>, vector<16xi32>, vector<16xi32>], vector<16xf32>,
          %add3A_2124 = arith.constant 1 : i32
          %add3A_2125 = vector.broadcast %add3A_2124 : i32 to vector<16xi32>
          %add3A_2126 = arith.addi %add3A_2089, %add3A_2125 : vector<16xi32>
          scf.yield %add3A_2126 : vector<16xi32>
        }
        %scan3A_1535 = arith.constant 128 : i32
      }
      %scan3A_956 = arith.constant 4 : i32
      %mul3A_957 = arith.constant 4 : i32
      %mul3A_958 = arith.muli %select_n3A_850, %mul3A_957 : i32
      %mul3A_959 = arith.constant 8 : i32
      %mul3A_960 = arith.muli %mul3A_958, %mul3A_959 : i32
      %add3A_961 = arith.constant 0 : i32
      %add3A_962 = arith.addi %add3A_961, %mul3A_960 : i32
      %dma_start3A_963 = arith.constant 1 : i32
      %dma_start3A_964 = arith.constant 0 : i32
      %dma_start3A_965 = arith.constant 0 : i32
      %dma_start3A_966 = arith.constant 0 : i32
      %dma_start3A_967 = tpu.memref_slice %arg9[%dma_start3A_963, %dma_start3A_964, %dma_start3A_965, %dma_start3A_966] : memref<2x4x40x129xf32, #tpu.memory_space<vmem>> -> memref<1x1x32x128xf32, #tpu.memory_space<vmem>>
      %dma_start3A_968 = tpu.memref_squeeze %dma_start3A_967 : memref<1x1x32x128xf32, #tpu.memory_space<vmem>> -> memref<32x128xf32, #tpu.memory_space<vmem>>
      %dma_start3A_969 = arith.constant 0 : i32
      %dma_start3A_970 = tpu.memref_slice %arg5[%select_n3A_834, %add3A_962, %dma_start3A_969] : memref<200x4096x128xf32, #tpu.memory_space<hbm>> -> memref<1x32x128xf32, #tpu.memory_space<hbm>>
      %dma_start3A_971 = tpu.memref_squeeze %dma_start3A_970 : memref<1x32x128xf32, #tpu.memory_space<hbm>> -> memref<32x128xf32, #tpu.memory_space<hbm>>
      %dma_start3A_972 = arith.constant 0 : i32
      %dma_start3A_973 = tpu.memref_slice %arg5[%select_n3A_834, %add3A_962, %dma_start3A_972] : memref<200x4096x128xf32, #tpu.memory_space<hbm>> -> memref<1x32x128xf32, #tpu.memory_space<hbm>>
      %dma_start3A_974 = tpu.memref_squeeze %dma_start3A_973 : memref<1x32x128xf32, #tpu.memory_space<hbm>> -> memref<32x128xf32, #tpu.memory_space<hbm>>
      %dma_start3A_975 = arith.constant 0 : i32
      %dma_start3A_976 = arith.constant 0 : i32
      %dma_start3A_977 = tpu.memref_slice %arg9[%dma_start3A_963, %dma_start3A_964, %dma_start3A_975, %dma_start3A_976] : memref<2x4x40x129xf32, #tpu.memory_space<vmem>> -> memref<1x1x32x128xf32, #tpu.memory_space<vmem>>
      %dma_start3A_978 = tpu.memref_squeeze %dma_start3A_977 : memref<1x1x32x128xf32, #tpu.memory_space<vmem>> -> memref<32x128xf32, #tpu.memory_space<vmem>>
      tpu.enqueue_dma source(%dma_start3A_978 : memref<32x128xf32, #tpu.memory_space<vmem>>) target(%dma_start3A_974 : memref<32x128xf32, #tpu.memory_space<hbm>>) target_semaphore(%arg16 : memref<!tpu.dma_semaphore, #tpu.memory_space<semaphore_mem>>)
      %mul3A_979 = arith.constant 4 : i32
      %mul3A_980 = arith.muli %select_n3A_850, %mul3A_979 : i32
      %mul3A_981 = arith.constant 8 : i32
      %mul3A_982 = arith.muli %mul3A_980, %mul3A_981 : i32
      %add3A_983 = arith.constant 1024 : i32
      %add3A_984 = arith.addi %add3A_983, %mul3A_982 : i32
      %dma_start3A_985 = arith.constant 1 : i32
      %dma_start3A_986 = arith.constant 1 : i32
      %dma_start3A_987 = arith.constant 0 : i32
      %dma_start3A_988 = arith.constant 0 : i32
      %dma_start3A_989 = tpu.memref_slice %arg9[%dma_start3A_985, %dma_start3A_986, %dma_start3A_987, %dma_start3A_988] : memref<2x4x40x129xf32, #tpu.memory_space<vmem>> -> memref<1x1x32x128xf32, #tpu.memory_space<vmem>>
      %dma_start3A_990 = tpu.memref_squeeze %dma_start3A_989 : memref<1x1x32x128xf32, #tpu.memory_space<vmem>> -> memref<32x128xf32, #tpu.memory_space<vmem>>
      %dma_start3A_991 = arith.constant 0 : i32
      %dma_start3A_992 = tpu.memref_slice %arg5[%select_n3A_834, %add3A_984, %dma_start3A_991] : memref<200x4096x128xf32, #tpu.memory_space<hbm>> -> memref<1x32x128xf32, #tpu.memory_space<hbm>>
      %dma_start3A_993 = tpu.memref_squeeze %dma_start3A_992 : memref<1x32x128xf32, #tpu.memory_space<hbm>> -> memref<32x128xf32, #tpu.memory_space<hbm>>
      %dma_start3A_994 = arith.constant 0 : i32
      %dma_start3A_995 = tpu.memref_slice %arg5[%select_n3A_834, %add3A_984, %dma_start3A_994] : memref<200x4096x128xf32, #tpu.memory_space<hbm>> -> memref<1x32x128xf32, #tpu.memory_space<hbm>>
      %dma_start3A_996 = tpu.memref_squeeze %dma_start3A_995 : memref<1x32x128xf32, #tpu.memory_space<hbm>> -> memref<32x128xf32, #tpu.memory_space<hbm>>
      %dma_start3A_997 = arith.constant 0 : i32
      %dma_start3A_998 = arith.constant 0 : i32
      %dma_start3A_999 = tpu.memref_slice %arg9[%dma_start3A_985, %dma_start3A_986, %dma_start3A_997, %dma_start3A_998] : memref<2x4x40x129xf32, #tpu.memory_space<vmem>> -> memref<1x1x32x128xf32, #tpu.memory_space<vmem>>
      %dma_start3A_1000 = tpu.memref_squeeze %dma_start3A_999 : memref<1x1x32x128xf32, #tpu.memory_space<vmem>> -> memref<32x128xf32, #tpu.memory_space<vmem>>
      tpu.enqueue_dma source(%dma_start3A_1000 : memref<32x128xf32, #tpu.memory_space<vmem>>) target(%dma_start3A_996 : memref<32x128xf32, #tpu.memory_space<hbm>>) target_semaphore(%arg16 : memref<!tpu.dma_semaphore, #tpu.memory_space<semaphore_mem>>)
      %mul3A_1001 = arith.constant 4 : i32
      %mul3A_1002 = arith.muli %select_n3A_850, %mul3A_1001 : i32
      %mul3A_1003 = arith.constant 8 : i32
      %mul3A_1004 = arith.muli %mul3A_1002, %mul3A_1003 : i32
      %add3A_1005 = arith.constant 2048 : i32
      %add3A_1006 = arith.addi %add3A_1005, %mul3A_1004 : i32
      %dma_start3A_1007 = arith.constant 1 : i32
      %dma_start3A_1008 = arith.constant 2 : i32
      %dma_start3A_1009 = arith.constant 0 : i32
      %dma_start3A_1010 = arith.constant 0 : i32
      %dma_start3A_1011 = tpu.memref_slice %arg9[%dma_start3A_1007, %dma_start3A_1008, %dma_start3A_1009, %dma_start3A_1010] : memref<2x4x40x129xf32, #tpu.memory_space<vmem>> -> memref<1x1x32x128xf32, #tpu.memory_space<vmem>>
      %dma_start3A_1012 = tpu.memref_squeeze %dma_start3A_1011 : memref<1x1x32x128xf32, #tpu.memory_space<vmem>> -> memref<32x128xf32, #tpu.memory_space<vmem>>
      %dma_start3A_1013 = arith.constant 0 : i32
      %dma_start3A_1014 = tpu.memref_slice %arg5[%select_n3A_834, %add3A_1006, %dma_start3A_1013] : memref<200x4096x128xf32, #tpu.memory_space<hbm>> -> memref<1x32x128xf32, #tpu.memory_space<hbm>>
      %dma_start3A_1015 = tpu.memref_squeeze %dma_start3A_1014 : memref<1x32x128xf32, #tpu.memory_space<hbm>> -> memref<32x128xf32, #tpu.memory_space<hbm>>
      %dma_start3A_1016 = arith.constant 0 : i32
      %dma_start3A_1017 = tpu.memref_slice %arg5[%select_n3A_834, %add3A_1006, %dma_start3A_1016] : memref<200x4096x128xf32, #tpu.memory_space<hbm>> -> memref<1x32x128xf32, #tpu.memory_space<hbm>>
      %dma_start3A_1018 = tpu.memref_squeeze %dma_start3A_1017 : memref<1x32x128xf32, #tpu.memory_space<hbm>> -> memref<32x128xf32, #tpu.memory_space<hbm>>
      %dma_start3A_1019 = arith.constant 0 : i32
      %dma_start3A_1020 = arith.constant 0 : i32
      %dma_start3A_1021 = tpu.memref_slice %arg9[%dma_start3A_1007, %dma_start3A_1008, %dma_start3A_1019, %dma_start3A_1020] : memref<2x4x40x129xf32, #tpu.memory_space<vmem>> -> memref<1x1x32x128xf32, #tpu.memory_space<vmem>>
      %dma_start3A_1022 = tpu.memref_squeeze %dma_start3A_1021 : memref<1x1x32x128xf32, #tpu.memory_space<vmem>> -> memref<32x128xf32, #tpu.memory_space<vmem>>
      tpu.enqueue_dma source(%dma_start3A_1022 : memref<32x128xf32, #tpu.memory_space<vmem>>) target(%dma_start3A_1018 : memref<32x128xf32, #tpu.memory_space<hbm>>) target_semaphore(%arg16 : memref<!tpu.dma_semaphore, #tpu.memory_space<semaphore_mem>>)
      %mul3A_1023 = arith.constant 4 : i32
      %mul3A_1024 = arith.muli %select_n3A_850, %mul3A_1023 : i32
      %mul3A_1025 = arith.constant 8 : i32
      %mul3A_1026 = arith.muli %mul3A_1024, %mul3A_1025 : i32
      %add3A_1027 = arith.constant 3072 : i32
      %add3A_1028 = arith.addi %add3A_1027, %mul3A_1026 : i32
      %dma_start3A_1029 = arith.constant 1 : i32
      %dma_start3A_1030 = arith.constant 3 : i32
      %dma_start3A_1031 = arith.constant 0 : i32
      %dma_start3A_1032 = arith.constant 0 : i32
      %dma_start3A_1033 = tpu.memref_slice %arg9[%dma_start3A_1029, %dma_start3A_1030, %dma_start3A_1031, %dma_start3A_1032] : memref<2x4x40x129xf32, #tpu.memory_space<vmem>> -> memref<1x1x32x128xf32, #tpu.memory_space<vmem>>
      %dma_start3A_1034 = tpu.memref_squeeze %dma_start3A_1033 : memref<1x1x32x128xf32, #tpu.memory_space<vmem>> -> memref<32x128xf32, #tpu.memory_space<vmem>>
      %dma_start3A_1035 = arith.constant 0 : i32
      %dma_start3A_1036 = tpu.memref_slice %arg5[%select_n3A_834, %add3A_1028, %dma_start3A_1035] : memref<200x4096x128xf32, #tpu.memory_space<hbm>> -> memref<1x32x128xf32, #tpu.memory_space<hbm>>
      %dma_start3A_1037 = tpu.memref_squeeze %dma_start3A_1036 : memref<1x32x128xf32, #tpu.memory_space<hbm>> -> memref<32x128xf32, #tpu.memory_space<hbm>>
      %dma_start3A_1038 = arith.constant 0 : i32
      %dma_start3A_1039 = tpu.memref_slice %arg5[%select_n3A_834, %add3A_1028, %dma_start3A_1038] : memref<200x4096x128xf32, #tpu.memory_space<hbm>> -> memref<1x32x128xf32, #tpu.memory_space<hbm>>
      %dma_start3A_1040 = tpu.memref_squeeze %dma_start3A_1039 : memref<1x32x128xf32, #tpu.memory_space<hbm>> -> memref<32x128xf32, #tpu.memory_space<hbm>>
      %dma_start3A_1041 = arith.constant 0 : i32
      %dma_start3A_1042 = arith.constant 0 : i32
      %dma_start3A_1043 = tpu.memref_slice %arg9[%dma_start3A_1029, %dma_start3A_1030, %dma_start3A_1041, %dma_start3A_1042] : memref<2x4x40x129xf32, #tpu.memory_space<vmem>> -> memref<1x1x32x128xf32, #tpu.memory_space<vmem>>
      %dma_start3A_1044 = tpu.memref_squeeze %dma_start3A_1043 : memref<1x1x32x128xf32, #tpu.memory_space<vmem>> -> memref<32x128xf32, #tpu.memory_space<vmem>>
      tpu.enqueue_dma source(%dma_start3A_1044 : memref<32x128xf32, #tpu.memory_space<vmem>>) target(%dma_start3A_1040 : memref<32x128xf32, #tpu.memory_space<hbm>>) target_semaphore(%arg16 : memref<!tpu.dma_semaphore, #tpu.memory_space<semaphore_mem>>)
      %add3A_1045 = arith.addi %mul3A_2, %add3A_575 : i32
      %add3A_1046 = arith.constant 2 : i32
      %add3A_1047 = arith.addi %add3A_1045, %add3A_1046 : i32
      %jit3A_1048 = arith.constant 32 : i32
      %div3A_1049 = arith.divsi %add3A_1047, %jit3A_1048 : i32
      %sign3A_1050 = arith.constant 0 : i32
      %sign3A_1051 = arith.cmpi sgt, %add3A_1047, %sign3A_1050 : i32
      %sign3A_1052 = arith.extui %sign3A_1051 : i1 to i32
      %sign3A_1053 = arith.constant 0 : i32
      %sign3A_1054 = arith.cmpi slt, %add3A_1047, %sign3A_1053 : i32
      %sign3A_1055 = arith.extui %sign3A_1054 : i1 to i32
      %sign3A_1056 = arith.subi %sign3A_1052, %sign3A_1055 : i32
      %sign3A_1057 = arith.constant 0 : i32
      %sign3A_1058 = arith.cmpi sgt, %jit3A_1048, %sign3A_1057 : i32
      %sign3A_1059 = arith.extui %sign3A_1058 : i1 to i32
      %sign3A_1060 = arith.constant 0 : i32
      %sign3A_1061 = arith.cmpi slt, %jit3A_1048, %sign3A_1060 : i32
      %sign3A_1062 = arith.extui %sign3A_1061 : i1 to i32
      %sign3A_1063 = arith.subi %sign3A_1059, %sign3A_1062 : i32
      %ne3A_1064 = arith.cmpi ne, %sign3A_1056, %sign3A_1063 : i32
      %rem3A_1065 = arith.remsi %add3A_1047, %jit3A_1048 : i32
      %ne3A_1066 = arith.constant 0 : i32
      %ne3A_1067 = arith.cmpi ne, %rem3A_1065, %ne3A_1066 : i32
      %and3A_1068 = arith.andi %ne3A_1064, %ne3A_1067 : i1
      %sub3A_1069 = arith.constant 1 : i32
      %sub3A_1070 = arith.subi %div3A_1049, %sub3A_1069 : i32
      %select_n3A_1071 = arith.select %and3A_1068, %sub3A_1070, %div3A_1049 : i32
      %jit3A_1072 = arith.constant 32 : i32
      %eq3A_1073 = arith.constant 0 : i32
      %eq3A_1074 = arith.cmpi eq, %jit3A_1072, %eq3A_1073 : i32
      %jit3A_1075 = arith.constant 1 : i32
      %select_n3A_1076 = arith.select %eq3A_1074, %jit3A_1075, %jit3A_1072 : i32
      %rem3A_1077 = arith.remsi %add3A_1047, %select_n3A_1076 : i32
      %ne3A_1078 = arith.constant 0 : i32
      %ne3A_1079 = arith.cmpi ne, %rem3A_1077, %ne3A_1078 : i32
      %lt3A_1080 = arith.constant 0 : i32
      %lt3A_1081 = arith.cmpi slt, %rem3A_1077, %lt3A_1080 : i32
      %lt3A_1082 = arith.constant 0 : i32
      %lt3A_1083 = arith.cmpi slt, %select_n3A_1076, %lt3A_1082 : i32
      %ne3A_1084 = arith.xori %lt3A_1081, %lt3A_1083 : i1
      %and3A_1085 = arith.andi %ne3A_1084, %ne3A_1079 : i1
      %add3A_1086 = arith.addi %rem3A_1077, %select_n3A_1076 : i32
      %select_n3A_1087 = arith.select %and3A_1085, %add3A_1086, %rem3A_1077 : i32
      %add3A_1088 = arith.constant 2 : i32
      %add3A_1089 = arith.addi %add3A_575, %add3A_1088 : i32
      %add3A_1090 = arith.constant 2 : i32
      %add3A_1091 = arith.addi %add3A_1089, %add3A_1090 : i32
      %lt3A_1092 = arith.constant 200 : i32
      %lt3A_1093 = arith.cmpi slt, %add3A_1091, %lt3A_1092 : i32
      %convert_element_type3A_1094 = arith.extui %lt3A_1093 : i1 to i32
      %cond3A_1095 = arith.constant 0 : i32
      %cond3A_1096 = arith.cmpi ne, %convert_element_type3A_1094, %cond3A_1095 : i32
      scf.if %cond3A_1096 {
        %dma_wait3A_1519 = arith.constant 0 : i32
        %dma_wait3A_1520 = arith.constant 0 : i32
        %dma_wait3A_1521 = arith.constant 0 : i32
        %dma_wait3A_1522 = arith.constant 0 : i32
        %dma_wait3A_1523 = arith.constant 0 : i32
        %dma_wait3A_1524 = tpu.memref_slice %arg7[%dma_wait3A_1521, %dma_wait3A_1522, %dma_wait3A_1523] : memref<4x4x128xi32, #tpu.memory_space<vmem>> -> memref<1x4x128xi32, #tpu.memory_space<vmem>>
        %dma_wait3A_1525 = tpu.memref_squeeze %dma_wait3A_1524 : memref<1x4x128xi32, #tpu.memory_space<vmem>> -> memref<4x128xi32, #tpu.memory_space<vmem>>
        %dma_wait3A_1526 = arith.constant 0 : i32
        %dma_wait3A_1527 = arith.constant 0 : i32
        %dma_wait3A_1528 = tpu.memref_slice %arg3[%dma_wait3A_1519, %dma_wait3A_1526, %dma_wait3A_1520, %dma_wait3A_1527] : memref<25x128x8x128xi32, #tpu.memory_space<hbm>> -> memref<1x4x1x128xi32, #tpu.memory_space<hbm>>
        %dma_wait3A_1529 = tpu.memref_squeeze %dma_wait3A_1528 : memref<1x4x1x128xi32, #tpu.memory_space<hbm>> -> memref<4x128xi32, #tpu.memory_space<hbm>>
        %dma_wait3A_1530 = arith.constant 0 : i32
        %dma_wait3A_1531 = arith.constant 0 : i32
        %dma_wait3A_1532 = tpu.memref_slice %arg7[%dma_wait3A_1521, %dma_wait3A_1530, %dma_wait3A_1531] : memref<4x4x128xi32, #tpu.memory_space<vmem>> -> memref<1x4x128xi32, #tpu.memory_space<vmem>>
        %dma_wait3A_1533 = tpu.memref_squeeze %dma_wait3A_1532 : memref<1x4x128xi32, #tpu.memory_space<vmem>> -> memref<4x128xi32, #tpu.memory_space<vmem>>
        %dma_wait3A_1534 = arith.constant 0 : i32
        %dma_wait3A_1535 = arith.constant 0 : i32
        %dma_wait3A_1536 = tpu.memref_slice %arg3[%dma_wait3A_1519, %dma_wait3A_1534, %dma_wait3A_1520, %dma_wait3A_1535] : memref<25x128x8x128xi32, #tpu.memory_space<hbm>> -> memref<1x4x1x128xi32, #tpu.memory_space<hbm>>
        %dma_wait3A_1537 = tpu.memref_squeeze %dma_wait3A_1536 : memref<1x4x1x128xi32, #tpu.memory_space<hbm>> -> memref<4x128xi32, #tpu.memory_space<hbm>>
        tpu.wait_dma2 semaphore(%arg10 : memref<!tpu.dma_semaphore, #tpu.memory_space<semaphore_mem>>) src(%dma_wait3A_1537 : memref<4x128xi32, #tpu.memory_space<hbm>>) dst(%dma_wait3A_1533 : memref<4x128xi32, #tpu.memory_space<vmem>>)
        %dma_start3A_1538 = arith.constant 0 : i32
        %dma_start3A_1539 = arith.constant 0 : i32
        %dma_start3A_1540 = arith.constant 0 : i32
        %dma_start3A_1541 = arith.constant 0 : i32
        %dma_start3A_1542 = arith.constant 0 : i32
        %dma_start3A_1543 = tpu.memref_slice %arg8[%dma_start3A_1540, %dma_start3A_1541, %dma_start3A_1542] : memref<4x512x32xf32, #tpu.memory_space<vmem>> -> memref<1x128x32xf32, #tpu.memory_space<vmem>>
        %dma_start3A_1544 = tpu.memref_squeeze %dma_start3A_1543 : memref<1x128x32xf32, #tpu.memory_space<vmem>> -> memref<128x32xf32, #tpu.memory_space<vmem>>
        %dma_start3A_1545 = arith.constant 0 : i32
        %dma_start3A_1546 = tpu.memref_slice %arg7[%dma_start3A_1538, %dma_start3A_1539, %dma_start3A_1545] : memref<4x4x128xi32, #tpu.memory_space<vmem>> -> memref<1x1x128xi32, #tpu.memory_space<vmem>>
        %dma_start3A_1547 = tpu.memref_squeeze %dma_start3A_1546 : memref<1x1x128xi32, #tpu.memory_space<vmem>> -> memref<128xi32, #tpu.memory_space<vmem>>
        %dma_start3A_1548 = arith.constant 0 : i32
        %dma_start3A_1549 = arith.constant 0 : i32
        %dma_start3A_1550 = tpu.memref_slice %arg2[%dma_start3A_1548, %dma_start3A_1549] : memref<1000000x32xf32, #tpu.memory_space<hbm>> -> memref<1000000x32xf32, #tpu.memory_space<hbm>>
        tpu.enqueue_indirect_dma source(%dma_start3A_1550 : memref<1000000x32xf32, #tpu.memory_space<hbm>>) target(%dma_start3A_1544 : memref<128x32xf32, #tpu.memory_space<vmem>>) offsets(%dma_start3A_1547 : memref<128xi32, #tpu.memory_space<vmem>>) semaphore(%arg11 : memref<!tpu.dma_semaphore, #tpu.memory_space<semaphore_mem>>)
        %dma_start3A_1551 = arith.constant 0 : i32
        %dma_start3A_1552 = arith.constant 1 : i32
        %dma_start3A_1553 = arith.constant 0 : i32
        %dma_start3A_1554 = arith.constant 128 : i32
        %dma_start3A_1555 = arith.constant 0 : i32
        %dma_start3A_1556 = tpu.memref_slice %arg8[%dma_start3A_1553, %dma_start3A_1554, %dma_start3A_1555] : memref<4x512x32xf32, #tpu.memory_space<vmem>> -> memref<1x128x32xf32, #tpu.memory_space<vmem>>
        %dma_start3A_1557 = tpu.memref_squeeze %dma_start3A_1556 : memref<1x128x32xf32, #tpu.memory_space<vmem>> -> memref<128x32xf32, #tpu.memory_space<vmem>>
        %dma_start3A_1558 = arith.constant 0 : i32
        %dma_start3A_1559 = tpu.memref_slice %arg7[%dma_start3A_1551, %dma_start3A_1552, %dma_start3A_1558] : memref<4x4x128xi32, #tpu.memory_space<vmem>> -> memref<1x1x128xi32, #tpu.memory_space<vmem>>
        %dma_start3A_1560 = tpu.memref_squeeze %dma_start3A_1559 : memref<1x1x128xi32, #tpu.memory_space<vmem>> -> memref<128xi32, #tpu.memory_space<vmem>>
        %dma_start3A_1561 = arith.constant 0 : i32
        %dma_start3A_1562 = arith.constant 0 : i32
        %dma_start3A_1563 = tpu.memref_slice %arg2[%dma_start3A_1561, %dma_start3A_1562] : memref<1000000x32xf32, #tpu.memory_space<hbm>> -> memref<1000000x32xf32, #tpu.memory_space<hbm>>
        tpu.enqueue_indirect_dma source(%dma_start3A_1563 : memref<1000000x32xf32, #tpu.memory_space<hbm>>) target(%dma_start3A_1557 : memref<128x32xf32, #tpu.memory_space<vmem>>) offsets(%dma_start3A_1560 : memref<128xi32, #tpu.memory_space<vmem>>) semaphore(%arg11 : memref<!tpu.dma_semaphore, #tpu.memory_space<semaphore_mem>>)
        %dma_start3A_1564 = arith.constant 0 : i32
        %dma_start3A_1565 = arith.constant 2 : i32
        %dma_start3A_1566 = arith.constant 0 : i32
        %dma_start3A_1567 = arith.constant 256 : i32
        %dma_start3A_1568 = arith.constant 0 : i32
        %dma_start3A_1569 = tpu.memref_slice %arg8[%dma_start3A_1566, %dma_start3A_1567, %dma_start3A_1568] : memref<4x512x32xf32, #tpu.memory_space<vmem>> -> memref<1x128x32xf32, #tpu.memory_space<vmem>>
        %dma_start3A_1570 = tpu.memref_squeeze %dma_start3A_1569 : memref<1x128x32xf32, #tpu.memory_space<vmem>> -> memref<128x32xf32, #tpu.memory_space<vmem>>
        %dma_start3A_1571 = arith.constant 0 : i32
        %dma_start3A_1572 = tpu.memref_slice %arg7[%dma_start3A_1564, %dma_start3A_1565, %dma_start3A_1571] : memref<4x4x128xi32, #tpu.memory_space<vmem>> -> memref<1x1x128xi32, #tpu.memory_space<vmem>>
        %dma_start3A_1573 = tpu.memref_squeeze %dma_start3A_1572 : memref<1x1x128xi32, #tpu.memory_space<vmem>> -> memref<128xi32, #tpu.memory_space<vmem>>
        %dma_start3A_1574 = arith.constant 0 : i32
        %dma_start3A_1575 = arith.constant 0 : i32
        %dma_start3A_1576 = tpu.memref_slice %arg2[%dma_start3A_1574, %dma_start3A_1575] : memref<1000000x32xf32, #tpu.memory_space<hbm>> -> memref<1000000x32xf32, #tpu.memory_space<hbm>>
        tpu.enqueue_indirect_dma source(%dma_start3A_1576 : memref<1000000x32xf32, #tpu.memory_space<hbm>>) target(%dma_start3A_1570 : memref<128x32xf32, #tpu.memory_space<vmem>>) offsets(%dma_start3A_1573 : memref<128xi32, #tpu.memory_space<vmem>>) semaphore(%arg11 : memref<!tpu.dma_semaphore, #tpu.memory_space<semaphore_mem>>)
        %dma_start3A_1577 = arith.constant 0 : i32
        %dma_start3A_1578 = arith.constant 3 : i32
        %dma_start3A_1579 = arith.constant 0 : i32
        %dma_start3A_1580 = arith.constant 384 : i32
        %dma_start3A_1581 = arith.constant 0 : i32
        %dma_start3A_1582 = tpu.memref_slice %arg8[%dma_start3A_1579, %dma_start3A_1580, %dma_start3A_1581] : memref<4x512x32xf32, #tpu.memory_space<vmem>> -> memref<1x128x32xf32, #tpu.memory_space<vmem>>
        %dma_start3A_1583 = tpu.memref_squeeze %dma_start3A_1582 : memref<1x128x32xf32, #tpu.memory_space<vmem>> -> memref<128x32xf32, #tpu.memory_space<vmem>>
        %dma_start3A_1584 = arith.constant 0 : i32
        %dma_start3A_1585 = tpu.memref_slice %arg7[%dma_start3A_1577, %dma_start3A_1578, %dma_start3A_1584] : memref<4x4x128xi32, #tpu.memory_space<vmem>> -> memref<1x1x128xi32, #tpu.memory_space<vmem>>
        %dma_start3A_1586 = tpu.memref_squeeze %dma_start3A_1585 : memref<1x1x128xi32, #tpu.memory_space<vmem>> -> memref<128xi32, #tpu.memory_space<vmem>>
        %dma_start3A_1587 = arith.constant 0 : i32
        %dma_start3A_1588 = arith.constant 0 : i32
        %dma_start3A_1589 = tpu.memref_slice %arg2[%dma_start3A_1587, %dma_start3A_1588] : memref<1000000x32xf32, #tpu.memory_space<hbm>> -> memref<1000000x32xf32, #tpu.memory_space<hbm>>
        tpu.enqueue_indirect_dma source(%dma_start3A_1589 : memref<1000000x32xf32, #tpu.memory_space<hbm>>) target(%dma_start3A_1583 : memref<128x32xf32, #tpu.memory_space<vmem>>) offsets(%dma_start3A_1586 : memref<128xi32, #tpu.memory_space<vmem>>) semaphore(%arg11 : memref<!tpu.dma_semaphore, #tpu.memory_space<semaphore_mem>>)
      } else {
      }
      %dma_wait3A_1097 = arith.constant 2 : i32
      %dma_wait3A_1098 = arith.constant 0 : i32
      %dma_wait3A_1099 = arith.constant 0 : i32
      %dma_wait3A_1100 = tpu.memref_slice %arg8[%dma_wait3A_1097, %dma_wait3A_1098, %dma_wait3A_1099] : memref<4x512x32xf32, #tpu.memory_space<vmem>> -> memref<1x512x32xf32, #tpu.memory_space<vmem>>
      %dma_wait3A_1101 = tpu.memref_squeeze %dma_wait3A_1100 : memref<1x512x32xf32, #tpu.memory_space<vmem>> -> memref<512x32xf32, #tpu.memory_space<vmem>>
      %dma_wait3A_1102 = arith.constant 0 : i32
      %dma_wait3A_1103 = arith.constant 0 : i32
      %dma_wait3A_1104 = tpu.memref_slice %arg2[%dma_wait3A_1102, %dma_wait3A_1103] : memref<1000000x32xf32, #tpu.memory_space<hbm>> -> memref<512x32xf32, #tpu.memory_space<hbm>>
      %dma_wait3A_1105 = arith.constant 0 : i32
      %dma_wait3A_1106 = arith.constant 0 : i32
      %dma_wait3A_1107 = tpu.memref_slice %arg8[%dma_wait3A_1097, %dma_wait3A_1105, %dma_wait3A_1106] : memref<4x512x32xf32, #tpu.memory_space<vmem>> -> memref<1x512x32xf32, #tpu.memory_space<vmem>>
      %dma_wait3A_1108 = tpu.memref_squeeze %dma_wait3A_1107 : memref<1x512x32xf32, #tpu.memory_space<vmem>> -> memref<512x32xf32, #tpu.memory_space<vmem>>
      %dma_wait3A_1109 = arith.constant 0 : i32
      %dma_wait3A_1110 = arith.constant 0 : i32
      %dma_wait3A_1111 = tpu.memref_slice %arg2[%dma_wait3A_1109, %dma_wait3A_1110] : memref<1000000x32xf32, #tpu.memory_space<hbm>> -> memref<512x32xf32, #tpu.memory_space<hbm>>
      tpu.wait_dma2 semaphore(%arg13 : memref<!tpu.dma_semaphore, #tpu.memory_space<semaphore_mem>>) src(%dma_wait3A_1111 : memref<512x32xf32, #tpu.memory_space<hbm>>) dst(%dma_wait3A_1108 : memref<512x32xf32, #tpu.memory_space<vmem>>)
      %add3A_1112 = arith.constant 2 : i32
      %add3A_1113 = arith.addi %add3A_575, %add3A_1112 : i32
      %add3A_1114 = arith.constant 4 : i32
      %add3A_1115 = arith.addi %add3A_1113, %add3A_1114 : i32
      %lt3A_1116 = arith.constant 200 : i32
      %lt3A_1117 = arith.cmpi slt, %add3A_1115, %lt3A_1116 : i32
      %convert_element_type3A_1118 = arith.extui %lt3A_1117 : i1 to i32
      %cond3A_1119 = arith.constant 0 : i32
      %cond3A_1120 = arith.cmpi ne, %convert_element_type3A_1118, %cond3A_1119 : i32
      scf.if %cond3A_1120 {
        %add3A_1519 = arith.constant 4 : i32
        %add3A_1520 = arith.addi %add3A_1047, %add3A_1519 : i32
        %jit3A_1521 = arith.constant 32 : i32
        %div3A_1522 = arith.divsi %add3A_1520, %jit3A_1521 : i32
        %sign3A_1523 = arith.constant 0 : i32
        %sign3A_1524 = arith.cmpi sgt, %add3A_1520, %sign3A_1523 : i32
        %sign3A_1525 = arith.extui %sign3A_1524 : i1 to i32
        %sign3A_1526 = arith.constant 0 : i32
        %sign3A_1527 = arith.cmpi slt, %add3A_1520, %sign3A_1526 : i32
        %sign3A_1528 = arith.extui %sign3A_1527 : i1 to i32
        %sign3A_1529 = arith.subi %sign3A_1525, %sign3A_1528 : i32
        %sign3A_1530 = arith.constant 0 : i32
        %sign3A_1531 = arith.cmpi sgt, %jit3A_1521, %sign3A_1530 : i32
        %sign3A_1532 = arith.extui %sign3A_1531 : i1 to i32
        %sign3A_1533 = arith.constant 0 : i32
        %sign3A_1534 = arith.cmpi slt, %jit3A_1521, %sign3A_1533 : i32
        %sign3A_1535 = arith.extui %sign3A_1534 : i1 to i32
        %sign3A_1536 = arith.subi %sign3A_1532, %sign3A_1535 : i32
        %ne3A_1537 = arith.cmpi ne, %sign3A_1529, %sign3A_1536 : i32
        %rem3A_1538 = arith.remsi %add3A_1520, %jit3A_1521 : i32
        %ne3A_1539 = arith.constant 0 : i32
        %ne3A_1540 = arith.cmpi ne, %rem3A_1538, %ne3A_1539 : i32
        %and3A_1541 = arith.andi %ne3A_1537, %ne3A_1540 : i1
        %sub3A_1542 = arith.constant 1 : i32
        %sub3A_1543 = arith.subi %div3A_1522, %sub3A_1542 : i32
        %select_n3A_1544 = arith.select %and3A_1541, %sub3A_1543, %div3A_1522 : i32
        %jit3A_1545 = arith.constant 32 : i32
        %eq3A_1546 = arith.constant 0 : i32
        %eq3A_1547 = arith.cmpi eq, %jit3A_1545, %eq3A_1546 : i32
        %jit3A_1548 = arith.constant 1 : i32
        %select_n3A_1549 = arith.select %eq3A_1547, %jit3A_1548, %jit3A_1545 : i32
        %rem3A_1550 = arith.remsi %add3A_1520, %select_n3A_1549 : i32
        %ne3A_1551 = arith.constant 0 : i32
        %ne3A_1552 = arith.cmpi ne, %rem3A_1550, %ne3A_1551 : i32
        %lt3A_1553 = arith.constant 0 : i32
        %lt3A_1554 = arith.cmpi slt, %rem3A_1550, %lt3A_1553 : i32
        %lt3A_1555 = arith.constant 0 : i32
        %lt3A_1556 = arith.cmpi slt, %select_n3A_1549, %lt3A_1555 : i32
        %ne3A_1557 = arith.xori %lt3A_1554, %lt3A_1556 : i1
        %and3A_1558 = arith.andi %ne3A_1557, %ne3A_1552 : i1
        %add3A_1559 = arith.addi %rem3A_1550, %select_n3A_1549 : i32
        %select_n3A_1560 = arith.select %and3A_1558, %add3A_1559, %rem3A_1550 : i32
        %jit3A_1561 = arith.constant 8 : i32
        %div3A_1562 = arith.divsi %select_n3A_1544, %jit3A_1561 : i32
        %sign3A_1563 = arith.constant 0 : i32
        %sign3A_1564 = arith.cmpi sgt, %select_n3A_1544, %sign3A_1563 : i32
        %sign3A_1565 = arith.extui %sign3A_1564 : i1 to i32
        %sign3A_1566 = arith.constant 0 : i32
        %sign3A_1567 = arith.cmpi slt, %select_n3A_1544, %sign3A_1566 : i32
        %sign3A_1568 = arith.extui %sign3A_1567 : i1 to i32
        %sign3A_1569 = arith.subi %sign3A_1565, %sign3A_1568 : i32
        %sign3A_1570 = arith.constant 0 : i32
        %sign3A_1571 = arith.cmpi sgt, %jit3A_1561, %sign3A_1570 : i32
        %sign3A_1572 = arith.extui %sign3A_1571 : i1 to i32
        %sign3A_1573 = arith.constant 0 : i32
        %sign3A_1574 = arith.cmpi slt, %jit3A_1561, %sign3A_1573 : i32
        %sign3A_1575 = arith.extui %sign3A_1574 : i1 to i32
        %sign3A_1576 = arith.subi %sign3A_1572, %sign3A_1575 : i32
        %ne3A_1577 = arith.cmpi ne, %sign3A_1569, %sign3A_1576 : i32
        %rem3A_1578 = arith.remsi %select_n3A_1544, %jit3A_1561 : i32
        %ne3A_1579 = arith.constant 0 : i32
        %ne3A_1580 = arith.cmpi ne, %rem3A_1578, %ne3A_1579 : i32
        %and3A_1581 = arith.andi %ne3A_1577, %ne3A_1580 : i1
        %sub3A_1582 = arith.constant 1 : i32
        %sub3A_1583 = arith.subi %div3A_1562, %sub3A_1582 : i32
        %select_n3A_1584 = arith.select %and3A_1581, %sub3A_1583, %div3A_1562 : i32
        %mul3A_1585 = arith.constant 4 : i32
        %mul3A_1586 = arith.muli %select_n3A_1560, %mul3A_1585 : i32
        %jit3A_1587 = arith.constant 8 : i32
        %eq3A_1588 = arith.constant 0 : i32
        %eq3A_1589 = arith.cmpi eq, %jit3A_1587, %eq3A_1588 : i32
        %jit3A_1590 = arith.constant 1 : i32
        %select_n3A_1591 = arith.select %eq3A_1589, %jit3A_1590, %jit3A_1587 : i32
        %rem3A_1592 = arith.remsi %select_n3A_1544, %select_n3A_1591 : i32
        %ne3A_1593 = arith.constant 0 : i32
        %ne3A_1594 = arith.cmpi ne, %rem3A_1592, %ne3A_1593 : i32
        %lt3A_1595 = arith.constant 0 : i32
        %lt3A_1596 = arith.cmpi slt, %rem3A_1592, %lt3A_1595 : i32
        %lt3A_1597 = arith.constant 0 : i32
        %lt3A_1598 = arith.cmpi slt, %select_n3A_1591, %lt3A_1597 : i32
        %ne3A_1599 = arith.xori %lt3A_1596, %lt3A_1598 : i1
        %and3A_1600 = arith.andi %ne3A_1599, %ne3A_1594 : i1
        %add3A_1601 = arith.addi %rem3A_1592, %select_n3A_1591 : i32
        %select_n3A_1602 = arith.select %and3A_1600, %add3A_1601, %rem3A_1592 : i32
        %dma_start3A_1603 = arith.constant 2 : i32
        %dma_start3A_1604 = arith.constant 0 : i32
        %dma_start3A_1605 = arith.constant 0 : i32
        %dma_start3A_1606 = tpu.memref_slice %arg7[%dma_start3A_1603, %dma_start3A_1604, %dma_start3A_1605] : memref<4x4x128xi32, #tpu.memory_space<vmem>> -> memref<1x4x128xi32, #tpu.memory_space<vmem>>
        %dma_start3A_1607 = tpu.memref_squeeze %dma_start3A_1606 : memref<1x4x128xi32, #tpu.memory_space<vmem>> -> memref<4x128xi32, #tpu.memory_space<vmem>>
        %dma_start3A_1608 = arith.constant 0 : i32
        %dma_start3A_1609 = tpu.memref_slice %arg3[%select_n3A_1584, %mul3A_1586, %select_n3A_1602, %dma_start3A_1608] : memref<25x128x8x128xi32, #tpu.memory_space<hbm>> -> memref<1x4x1x128xi32, #tpu.memory_space<hbm>>
        %dma_start3A_1610 = tpu.memref_squeeze %dma_start3A_1609 : memref<1x4x1x128xi32, #tpu.memory_space<hbm>> -> memref<4x128xi32, #tpu.memory_space<hbm>>
        %dma_start3A_1611 = arith.constant 0 : i32
        %dma_start3A_1612 = arith.constant 0 : i32
        %dma_start3A_1613 = tpu.memref_slice %arg7[%dma_start3A_1603, %dma_start3A_1611, %dma_start3A_1612] : memref<4x4x128xi32, #tpu.memory_space<vmem>> -> memref<1x4x128xi32, #tpu.memory_space<vmem>>
        %dma_start3A_1614 = tpu.memref_squeeze %dma_start3A_1613 : memref<1x4x128xi32, #tpu.memory_space<vmem>> -> memref<4x128xi32, #tpu.memory_space<vmem>>
        %dma_start3A_1615 = arith.constant 0 : i32
        %dma_start3A_1616 = tpu.memref_slice %arg3[%select_n3A_1584, %mul3A_1586, %select_n3A_1602, %dma_start3A_1615] : memref<25x128x8x128xi32, #tpu.memory_space<hbm>> -> memref<1x4x1x128xi32, #tpu.memory_space<hbm>>
        %dma_start3A_1617 = tpu.memref_squeeze %dma_start3A_1616 : memref<1x4x1x128xi32, #tpu.memory_space<hbm>> -> memref<4x128xi32, #tpu.memory_space<hbm>>
        tpu.enqueue_dma source(%dma_start3A_1617 : memref<4x128xi32, #tpu.memory_space<hbm>>) target(%dma_start3A_1614 : memref<4x128xi32, #tpu.memory_space<vmem>>) target_semaphore(%arg10 : memref<!tpu.dma_semaphore, #tpu.memory_space<semaphore_mem>>)
      } else {
      }
      %add3A_1121 = arith.constant 2 : i32
      %add3A_1122 = arith.addi %add3A_575, %add3A_1121 : i32
      %ge3A_1123 = arith.constant 2 : i32
      %ge3A_1124 = arith.cmpi sge, %add3A_1122, %ge3A_1123 : i32
      %convert_element_type3A_1125 = arith.extui %ge3A_1124 : i1 to i32
      %cond3A_1126 = arith.constant 0 : i32
      %cond3A_1127 = arith.cmpi ne, %convert_element_type3A_1125, %cond3A_1126 : i32
      scf.if %cond3A_1127 {
        %dma_wait3A_1519 = arith.constant 0 : i32
        %dma_wait3A_1520 = arith.constant 0 : i32
        %dma_wait3A_1521 = arith.constant 0 : i32
        %dma_wait3A_1522 = arith.constant 0 : i32
        %dma_wait3A_1523 = arith.constant 0 : i32
        %dma_wait3A_1524 = tpu.memref_slice %arg9[%dma_wait3A_1519, %dma_wait3A_1521, %dma_wait3A_1522, %dma_wait3A_1523] : memref<2x4x40x129xf32, #tpu.memory_space<vmem>> -> memref<1x4x32x128xf32, #tpu.memory_space<vmem>>
        %dma_wait3A_1525 = tpu.memref_squeeze %dma_wait3A_1524 : memref<1x4x32x128xf32, #tpu.memory_space<vmem>> -> memref<4x32x128xf32, #tpu.memory_space<vmem>>
        %dma_wait3A_1526 = arith.constant 0 : i32
        %dma_wait3A_1527 = arith.constant 0 : i32
        %dma_wait3A_1528 = tpu.memref_slice %arg5[%dma_wait3A_1520, %dma_wait3A_1526, %dma_wait3A_1527] : memref<200x4096x128xf32, #tpu.memory_space<hbm>> -> memref<1x128x128xf32, #tpu.memory_space<hbm>>
        %dma_wait3A_1529 = tpu.memref_squeeze %dma_wait3A_1528 : memref<1x128x128xf32, #tpu.memory_space<hbm>> -> memref<128x128xf32, #tpu.memory_space<hbm>>
        %dma_wait3A_1530 = arith.constant 0 : i32
        %dma_wait3A_1531 = arith.constant 0 : i32
        %dma_wait3A_1532 = tpu.memref_slice %arg5[%dma_wait3A_1520, %dma_wait3A_1530, %dma_wait3A_1531] : memref<200x4096x128xf32, #tpu.memory_space<hbm>> -> memref<1x128x128xf32, #tpu.memory_space<hbm>>
        %dma_wait3A_1533 = tpu.memref_squeeze %dma_wait3A_1532 : memref<1x128x128xf32, #tpu.memory_space<hbm>> -> memref<128x128xf32, #tpu.memory_space<hbm>>
        %dma_wait3A_1534 = arith.constant 0 : i32
        %dma_wait3A_1535 = arith.constant 0 : i32
        %dma_wait3A_1536 = arith.constant 0 : i32
        %dma_wait3A_1537 = tpu.memref_slice %arg9[%dma_wait3A_1519, %dma_wait3A_1534, %dma_wait3A_1535, %dma_wait3A_1536] : memref<2x4x40x129xf32, #tpu.memory_space<vmem>> -> memref<1x4x32x128xf32, #tpu.memory_space<vmem>>
        %dma_wait3A_1538 = tpu.memref_squeeze %dma_wait3A_1537 : memref<1x4x32x128xf32, #tpu.memory_space<vmem>> -> memref<4x32x128xf32, #tpu.memory_space<vmem>>
        tpu.wait_dma2 semaphore(%arg15 : memref<!tpu.dma_semaphore, #tpu.memory_space<semaphore_mem>>) src(%dma_wait3A_1538 : memref<4x32x128xf32, #tpu.memory_space<vmem>>) dst(%dma_wait3A_1533 : memref<128x128xf32, #tpu.memory_space<hbm>>)
      } else {
      }
      %get3A_1128 = arith.index_cast %select_n3A_1071 : i32 to index
      %get3A_1129 = arith.constant 0 : index
      %get3A_1130 = tpu.vector_load %arg6[%get3A_1128, %get3A_1129] {strides = array<i32>} : memref<200x32xf32, #tpu.memory_space<vmem>>, vector<16xf32>,
      %get3A_1131 = arith.index_cast %select_n3A_1071 : i32 to index
      %get3A_1132 = arith.constant 16 : index
      %get3A_1133 = tpu.vector_load %arg6[%get3A_1131, %get3A_1132] {strides = array<i32>} : memref<200x32xf32, #tpu.memory_space<vmem>>, vector<16xf32>,
      %jit3A_1134 = arith.constant 8 : i32
      %div3A_1135 = vector.broadcast %jit3A_1134 : i32 to vector<16xi32>
      %div3A_1136 = arith.divsi %iota3A, %div3A_1135 : vector<16xi32>
      %sign3A_1137 = arith.constant 0 : i32
      %sign3A_1138 = vector.broadcast %sign3A_1137 : i32 to vector<16xi32>
      %sign3A_1139 = arith.cmpi sgt, %iota3A, %sign3A_1138 : vector<16xi32>
      %sign3A_1140 = arith.extui %sign3A_1139 : vector<16xi1> to vector<16xi32>
      %sign3A_1141 = arith.constant 0 : i32
      %sign3A_1142 = vector.broadcast %sign3A_1141 : i32 to vector<16xi32>
      %sign3A_1143 = arith.cmpi slt, %iota3A, %sign3A_1142 : vector<16xi32>
      %sign3A_1144 = arith.extui %sign3A_1143 : vector<16xi1> to vector<16xi32>
      %sign3A_1145 = arith.subi %sign3A_1140, %sign3A_1144 : vector<16xi32>
      %sign3A_1146 = arith.constant 0 : i32
      %sign3A_1147 = arith.cmpi sgt, %jit3A_1134, %sign3A_1146 : i32
      %sign3A_1148 = arith.extui %sign3A_1147 : i1 to i32
      %sign3A_1149 = arith.constant 0 : i32
      %sign3A_1150 = arith.cmpi slt, %jit3A_1134, %sign3A_1149 : i32
      %sign3A_1151 = arith.extui %sign3A_1150 : i1 to i32
      %sign3A_1152 = arith.subi %sign3A_1148, %sign3A_1151 : i32
      %ne3A_1153 = vector.broadcast %sign3A_1152 : i32 to vector<16xi32>
      %ne3A_1154 = arith.cmpi ne, %sign3A_1145, %ne3A_1153 : vector<16xi32>
      %rem3A_1155 = vector.broadcast %jit3A_1134 : i32 to vector<16xi32>
      %rem3A_1156 = arith.remsi %iota3A, %rem3A_1155 : vector<16xi32>
      %ne3A_1157 = arith.constant 0 : i32
      %ne3A_1158 = vector.broadcast %ne3A_1157 : i32 to vector<16xi32>
      %ne3A_1159 = arith.cmpi ne, %rem3A_1156, %ne3A_1158 : vector<16xi32>
      %and3A_1160 = arith.andi %ne3A_1154, %ne3A_1159 : vector<16xi1>
      %sub3A_1161 = arith.constant 1 : i32
      %sub3A_1162 = vector.broadcast %sub3A_1161 : i32 to vector<16xi32>
      %sub3A_1163 = arith.subi %div3A_1136, %sub3A_1162 : vector<16xi32>
      %select_n3A_1164 = arith.select %and3A_1160, %sub3A_1163, %div3A_1136 : vector<16xi1>, vector<16xi32>
      %jit3A_1165 = arith.constant 8 : i32
      %eq3A_1166 = arith.constant 0 : i32
      %eq3A_1167 = arith.cmpi eq, %jit3A_1165, %eq3A_1166 : i32
      %jit3A_1168 = arith.constant 1 : i32
      %select_n3A_1169 = arith.select %eq3A_1167, %jit3A_1168, %jit3A_1165 : i32
      %rem3A_1170 = vector.broadcast %select_n3A_1169 : i32 to vector<16xi32>
      %rem3A_1171 = arith.remsi %iota3A, %rem3A_1170 : vector<16xi32>
      %ne3A_1172 = arith.constant 0 : i32
      %ne3A_1173 = vector.broadcast %ne3A_1172 : i32 to vector<16xi32>
      %ne3A_1174 = arith.cmpi ne, %rem3A_1171, %ne3A_1173 : vector<16xi32>
      %lt3A_1175 = arith.constant 0 : i32
      %lt3A_1176 = vector.broadcast %lt3A_1175 : i32 to vector<16xi32>
      %lt3A_1177 = arith.cmpi slt, %rem3A_1171, %lt3A_1176 : vector<16xi32>
      %lt3A_1178 = arith.constant 0 : i32
      %lt3A_1179 = arith.cmpi slt, %select_n3A_1169, %lt3A_1178 : i32
      %ne3A_1180 = vector.broadcast %lt3A_1179 : i1 to vector<16xi1>
      %ne3A_1181 = vector.broadcast %ne3A_1180 : vector<16xi1> to vector<16xi1>
      %ne3A_1182 = arith.xori %lt3A_1177, %ne3A_1181 : vector<16xi1>
      %and3A_1183 = arith.andi %ne3A_1182, %ne3A_1174 : vector<16xi1>
      %add3A_1184 = vector.broadcast %select_n3A_1169 : i32 to vector<16xi32>
      %add3A_1185 = arith.addi %rem3A_1171, %add3A_1184 : vector<16xi32>
      %select_n3A_1186 = arith.select %and3A_1183, %add3A_1185, %rem3A_1171 : vector<16xi1>, vector<16xi32>
      %broadcast_in_dim3A_1187 = arith.constant 0 : i32
      %broadcast_in_dim3A_1188 = vector.broadcast %broadcast_in_dim3A_1187 : i32 to vector<16xi32>
      %scan3A_1189 = arith.constant 0 : i32
      %scan3A_1190 = arith.constant 4 : i32
      %scan3A_1191 = arith.addi %scan3A_1189, %scan3A_1190 : i32
      %scan3A_1192 = arith.constant 1 : i32
      scf.for %scan3A_1519 = %scan3A_1189 to %scan3A_1191 step %scan3A_1192  : i32 {
        %mul3A_1520 = arith.constant 1 : i32
        %mul3A_1521 = arith.muli %scan3A_1519, %mul3A_1520 : i32
        %add3A_1522 = arith.constant 0 : i32
        %add3A_1523 = arith.addi %add3A_1522, %mul3A_1521 : i32
        %mul3A_1524 = arith.constant 8 : i32
        %mul3A_1525 = arith.muli %add3A_1523, %mul3A_1524 : i32
        %add3A_1526 = vector.broadcast %mul3A_1525 : i32 to vector<16xi32>
        %add3A_1527 = arith.addi %select_n3A_1186, %add3A_1526 : vector<16xi32>
        %mul3A_1528 = arith.constant 128 : i32
        %mul3A_1529 = arith.muli %add3A_1523, %mul3A_1528 : i32
        %scan3A_1530 = arith.constant 0 : i32
        %scan3A_1531 = arith.constant 128 : i32
        %scan3A_1532 = arith.addi %scan3A_1530, %scan3A_1531 : i32
        %scan3A_1533 = arith.constant 16 : i32
        %scan3A_1534 = scf.for %scan3A_1536 = %scan3A_1530 to %scan3A_1532 step %scan3A_1533 iter_args(%scan3A_1537 = %broadcast_in_dim3A_1188) -> (vector<16xi32>)  : i32 {
          %mul3A_1538 = arith.constant 1 : i32
          %mul3A_1539 = arith.muli %scan3A_1536, %mul3A_1538 : i32
          %add3A_1540 = arith.constant 0 : i32
          %add3A_1541 = arith.addi %add3A_1540, %mul3A_1539 : i32
          %add3A_1542 = arith.addi %mul3A_1529, %add3A_1541 : i32
          %get3A_1543 = arith.constant 2 : i32
          %get3A_1544 = arith.index_cast %get3A_1543 : i32 to index
          %get3A_1545 = arith.index_cast %add3A_1542 : i32 to index
          %get3A_1546 = arith.constant 0 : index
          %get3A_1547 = tpu.vector_load %arg8[%get3A_1544, %get3A_1545, %get3A_1546] {strides = array<i32>} : memref<4x512x32xf32, #tpu.memory_space<vmem>>, vector<16xf32>,
          %add3A_1548 = arith.addf %get3A_1547, %get3A_1130 : vector<16xf32>
          %get3A_1549 = arith.constant 2 : i32
          %get3A_1550 = arith.index_cast %get3A_1549 : i32 to index
          %get3A_1551 = arith.index_cast %add3A_1542 : i32 to index
          %get3A_1552 = arith.constant 16 : index
          %get3A_1553 = tpu.vector_load %arg8[%get3A_1550, %get3A_1551, %get3A_1552] {strides = array<i32>} : memref<4x512x32xf32, #tpu.memory_space<vmem>>, vector<16xf32>,
          %add3A_1554 = arith.addf %get3A_1553, %get3A_1133 : vector<16xf32>
          %scatter3A = arith.constant 0 : i32
          %scatter3A_1555 = arith.constant 0 : i32
          %scatter3A_1556 = arith.constant 0 : i32
          %scatter3A_1557 = arith.constant 0 : i32
          %scatter3A_1558 = tpu.memref_slice %arg9[%scatter3A, %scatter3A_1555, %scatter3A_1556, %scatter3A_1557] : memref<2x4x40x129xf32, #tpu.memory_space<vmem>> -> memref<1x4x40x129xf32, #tpu.memory_space<vmem>>
          %scatter3A_1559 = tpu.memref_squeeze %scatter3A_1558 : memref<1x4x40x129xf32, #tpu.memory_space<vmem>> -> memref<4x40x129xf32, #tpu.memory_space<vmem>>
          tpu.vector_store_idx %scatter3A_1559[%select_n3A_1164, %add3A_1527, %scan3A_1537], %add3A_1548 : memref<4x40x129xf32, #tpu.memory_space<vmem>>[vector<16xi32>, vector<16xi32>, vector<16xi32>], vector<16xf32>,
          %add3A_1560 = arith.constant 2 : i32
          %add3A_1561 = vector.broadcast %add3A_1560 : i32 to vector<16xi32>
          %add3A_1562 = arith.addi %select_n3A_1164, %add3A_1561 : vector<16xi32>
          %scatter3A_1563 = arith.constant 0 : i32
          %scatter3A_1564 = arith.constant 0 : i32
          %scatter3A_1565 = arith.constant 0 : i32
          %scatter3A_1566 = arith.constant 0 : i32
          %scatter3A_1567 = tpu.memref_slice %arg9[%scatter3A_1563, %scatter3A_1564, %scatter3A_1565, %scatter3A_1566] : memref<2x4x40x129xf32, #tpu.memory_space<vmem>> -> memref<1x4x40x129xf32, #tpu.memory_space<vmem>>
          %scatter3A_1568 = tpu.memref_squeeze %scatter3A_1567 : memref<1x4x40x129xf32, #tpu.memory_space<vmem>> -> memref<4x40x129xf32, #tpu.memory_space<vmem>>
          tpu.vector_store_idx %scatter3A_1568[%add3A_1562, %add3A_1527, %scan3A_1537], %add3A_1554 : memref<4x40x129xf32, #tpu.memory_space<vmem>>[vector<16xi32>, vector<16xi32>, vector<16xi32>], vector<16xf32>,
          %add3A_1569 = arith.constant 1 : i32
          %add3A_1570 = vector.broadcast %add3A_1569 : i32 to vector<16xi32>
          %add3A_1571 = arith.addi %scan3A_1537, %add3A_1570 : vector<16xi32>
          %scan3A_1572 = arith.constant 1 : i32
          %scan3A_1573 = arith.addi %scan3A_1536, %scan3A_1572 : i32
          %mul3A_1574 = arith.constant 1 : i32
          %mul3A_1575 = arith.muli %scan3A_1573, %mul3A_1574 : i32
          %add3A_1576 = arith.constant 0 : i32
          %add3A_1577 = arith.addi %add3A_1576, %mul3A_1575 : i32
          %add3A_1578 = arith.addi %mul3A_1529, %add3A_1577 : i32
          %get3A_1579 = arith.constant 2 : i32
          %get3A_1580 = arith.index_cast %get3A_1579 : i32 to index
          %get3A_1581 = arith.index_cast %add3A_1578 : i32 to index
          %get3A_1582 = arith.constant 0 : index
          %get3A_1583 = tpu.vector_load %arg8[%get3A_1580, %get3A_1581, %get3A_1582] {strides = array<i32>} : memref<4x512x32xf32, #tpu.memory_space<vmem>>, vector<16xf32>,
          %add3A_1584 = arith.addf %get3A_1583, %get3A_1130 : vector<16xf32>
          %get3A_1585 = arith.constant 2 : i32
          %get3A_1586 = arith.index_cast %get3A_1585 : i32 to index
          %get3A_1587 = arith.index_cast %add3A_1578 : i32 to index
          %get3A_1588 = arith.constant 16 : index
          %get3A_1589 = tpu.vector_load %arg8[%get3A_1586, %get3A_1587, %get3A_1588] {strides = array<i32>} : memref<4x512x32xf32, #tpu.memory_space<vmem>>, vector<16xf32>,
          %add3A_1590 = arith.addf %get3A_1589, %get3A_1133 : vector<16xf32>
          %scatter3A_1591 = arith.constant 0 : i32
          %scatter3A_1592 = arith.constant 0 : i32
          %scatter3A_1593 = arith.constant 0 : i32
          %scatter3A_1594 = arith.constant 0 : i32
          %scatter3A_1595 = tpu.memref_slice %arg9[%scatter3A_1591, %scatter3A_1592, %scatter3A_1593, %scatter3A_1594] : memref<2x4x40x129xf32, #tpu.memory_space<vmem>> -> memref<1x4x40x129xf32, #tpu.memory_space<vmem>>
          %scatter3A_1596 = tpu.memref_squeeze %scatter3A_1595 : memref<1x4x40x129xf32, #tpu.memory_space<vmem>> -> memref<4x40x129xf32, #tpu.memory_space<vmem>>
          tpu.vector_store_idx %scatter3A_1596[%select_n3A_1164, %add3A_1527, %add3A_1571], %add3A_1584 : memref<4x40x129xf32, #tpu.memory_space<vmem>>[vector<16xi32>, vector<16xi32>, vector<16xi32>], vector<16xf32>,
          %add3A_1597 = arith.constant 2 : i32
          %add3A_1598 = vector.broadcast %add3A_1597 : i32 to vector<16xi32>
          %add3A_1599 = arith.addi %select_n3A_1164, %add3A_1598 : vector<16xi32>
          %scatter3A_1600 = arith.constant 0 : i32
          %scatter3A_1601 = arith.constant 0 : i32
          %scatter3A_1602 = arith.constant 0 : i32
          %scatter3A_1603 = arith.constant 0 : i32
          %scatter3A_1604 = tpu.memref_slice %arg9[%scatter3A_1600, %scatter3A_1601, %scatter3A_1602, %scatter3A_1603] : memref<2x4x40x129xf32, #tpu.memory_space<vmem>> -> memref<1x4x40x129xf32, #tpu.memory_space<vmem>>
          %scatter3A_1605 = tpu.memref_squeeze %scatter3A_1604 : memref<1x4x40x129xf32, #tpu.memory_space<vmem>> -> memref<4x40x129xf32, #tpu.memory_space<vmem>>
          tpu.vector_store_idx %scatter3A_1605[%add3A_1599, %add3A_1527, %add3A_1571], %add3A_1590 : memref<4x40x129xf32, #tpu.memory_space<vmem>>[vector<16xi32>, vector<16xi32>, vector<16xi32>], vector<16xf32>,
          %add3A_1606 = arith.constant 1 : i32
          %add3A_1607 = vector.broadcast %add3A_1606 : i32 to vector<16xi32>
          %add3A_1608 = arith.addi %add3A_1571, %add3A_1607 : vector<16xi32>
          %scan3A_1609 = arith.constant 2 : i32
          %scan3A_1610 = arith.addi %scan3A_1536, %scan3A_1609 : i32
          %mul3A_1611 = arith.constant 1 : i32
          %mul3A_1612 = arith.muli %scan3A_1610, %mul3A_1611 : i32
          %add3A_1613 = arith.constant 0 : i32
          %add3A_1614 = arith.addi %add3A_1613, %mul3A_1612 : i32
          %add3A_1615 = arith.addi %mul3A_1529, %add3A_1614 : i32
          %get3A_1616 = arith.constant 2 : i32
          %get3A_1617 = arith.index_cast %get3A_1616 : i32 to index
          %get3A_1618 = arith.index_cast %add3A_1615 : i32 to index
          %get3A_1619 = arith.constant 0 : index
          %get3A_1620 = tpu.vector_load %arg8[%get3A_1617, %get3A_1618, %get3A_1619] {strides = array<i32>} : memref<4x512x32xf32, #tpu.memory_space<vmem>>, vector<16xf32>,
          %add3A_1621 = arith.addf %get3A_1620, %get3A_1130 : vector<16xf32>
          %get3A_1622 = arith.constant 2 : i32
          %get3A_1623 = arith.index_cast %get3A_1622 : i32 to index
          %get3A_1624 = arith.index_cast %add3A_1615 : i32 to index
          %get3A_1625 = arith.constant 16 : index
          %get3A_1626 = tpu.vector_load %arg8[%get3A_1623, %get3A_1624, %get3A_1625] {strides = array<i32>} : memref<4x512x32xf32, #tpu.memory_space<vmem>>, vector<16xf32>,
          %add3A_1627 = arith.addf %get3A_1626, %get3A_1133 : vector<16xf32>
          %scatter3A_1628 = arith.constant 0 : i32
          %scatter3A_1629 = arith.constant 0 : i32
          %scatter3A_1630 = arith.constant 0 : i32
          %scatter3A_1631 = arith.constant 0 : i32
          %scatter3A_1632 = tpu.memref_slice %arg9[%scatter3A_1628, %scatter3A_1629, %scatter3A_1630, %scatter3A_1631] : memref<2x4x40x129xf32, #tpu.memory_space<vmem>> -> memref<1x4x40x129xf32, #tpu.memory_space<vmem>>
          %scatter3A_1633 = tpu.memref_squeeze %scatter3A_1632 : memref<1x4x40x129xf32, #tpu.memory_space<vmem>> -> memref<4x40x129xf32, #tpu.memory_space<vmem>>
          tpu.vector_store_idx %scatter3A_1633[%select_n3A_1164, %add3A_1527, %add3A_1608], %add3A_1621 : memref<4x40x129xf32, #tpu.memory_space<vmem>>[vector<16xi32>, vector<16xi32>, vector<16xi32>], vector<16xf32>,
          %add3A_1634 = arith.constant 2 : i32
          %add3A_1635 = vector.broadcast %add3A_1634 : i32 to vector<16xi32>
          %add3A_1636 = arith.addi %select_n3A_1164, %add3A_1635 : vector<16xi32>
          %scatter3A_1637 = arith.constant 0 : i32
          %scatter3A_1638 = arith.constant 0 : i32
          %scatter3A_1639 = arith.constant 0 : i32
          %scatter3A_1640 = arith.constant 0 : i32
          %scatter3A_1641 = tpu.memref_slice %arg9[%scatter3A_1637, %scatter3A_1638, %scatter3A_1639, %scatter3A_1640] : memref<2x4x40x129xf32, #tpu.memory_space<vmem>> -> memref<1x4x40x129xf32, #tpu.memory_space<vmem>>
          %scatter3A_1642 = tpu.memref_squeeze %scatter3A_1641 : memref<1x4x40x129xf32, #tpu.memory_space<vmem>> -> memref<4x40x129xf32, #tpu.memory_space<vmem>>
          tpu.vector_store_idx %scatter3A_1642[%add3A_1636, %add3A_1527, %add3A_1608], %add3A_1627 : memref<4x40x129xf32, #tpu.memory_space<vmem>>[vector<16xi32>, vector<16xi32>, vector<16xi32>], vector<16xf32>,
          %add3A_1643 = arith.constant 1 : i32
          %add3A_1644 = vector.broadcast %add3A_1643 : i32 to vector<16xi32>
          %add3A_1645 = arith.addi %add3A_1608, %add3A_1644 : vector<16xi32>
          %scan3A_1646 = arith.constant 3 : i32
          %scan3A_1647 = arith.addi %scan3A_1536, %scan3A_1646 : i32
          %mul3A_1648 = arith.constant 1 : i32
          %mul3A_1649 = arith.muli %scan3A_1647, %mul3A_1648 : i32
          %add3A_1650 = arith.constant 0 : i32
          %add3A_1651 = arith.addi %add3A_1650, %mul3A_1649 : i32
          %add3A_1652 = arith.addi %mul3A_1529, %add3A_1651 : i32
          %get3A_1653 = arith.constant 2 : i32
          %get3A_1654 = arith.index_cast %get3A_1653 : i32 to index
          %get3A_1655 = arith.index_cast %add3A_1652 : i32 to index
          %get3A_1656 = arith.constant 0 : index
          %get3A_1657 = tpu.vector_load %arg8[%get3A_1654, %get3A_1655, %get3A_1656] {strides = array<i32>} : memref<4x512x32xf32, #tpu.memory_space<vmem>>, vector<16xf32>,
          %add3A_1658 = arith.addf %get3A_1657, %get3A_1130 : vector<16xf32>
          %get3A_1659 = arith.constant 2 : i32
          %get3A_1660 = arith.index_cast %get3A_1659 : i32 to index
          %get3A_1661 = arith.index_cast %add3A_1652 : i32 to index
          %get3A_1662 = arith.constant 16 : index
          %get3A_1663 = tpu.vector_load %arg8[%get3A_1660, %get3A_1661, %get3A_1662] {strides = array<i32>} : memref<4x512x32xf32, #tpu.memory_space<vmem>>, vector<16xf32>,
          %add3A_1664 = arith.addf %get3A_1663, %get3A_1133 : vector<16xf32>
          %scatter3A_1665 = arith.constant 0 : i32
          %scatter3A_1666 = arith.constant 0 : i32
          %scatter3A_1667 = arith.constant 0 : i32
          %scatter3A_1668 = arith.constant 0 : i32
          %scatter3A_1669 = tpu.memref_slice %arg9[%scatter3A_1665, %scatter3A_1666, %scatter3A_1667, %scatter3A_1668] : memref<2x4x40x129xf32, #tpu.memory_space<vmem>> -> memref<1x4x40x129xf32, #tpu.memory_space<vmem>>
          %scatter3A_1670 = tpu.memref_squeeze %scatter3A_1669 : memref<1x4x40x129xf32, #tpu.memory_space<vmem>> -> memref<4x40x129xf32, #tpu.memory_space<vmem>>
          tpu.vector_store_idx %scatter3A_1670[%select_n3A_1164, %add3A_1527, %add3A_1645], %add3A_1658 : memref<4x40x129xf32, #tpu.memory_space<vmem>>[vector<16xi32>, vector<16xi32>, vector<16xi32>], vector<16xf32>,
          %add3A_1671 = arith.constant 2 : i32
          %add3A_1672 = vector.broadcast %add3A_1671 : i32 to vector<16xi32>
          %add3A_1673 = arith.addi %select_n3A_1164, %add3A_1672 : vector<16xi32>
          %scatter3A_1674 = arith.constant 0 : i32
          %scatter3A_1675 = arith.constant 0 : i32
          %scatter3A_1676 = arith.constant 0 : i32
          %scatter3A_1677 = arith.constant 0 : i32
          %scatter3A_1678 = tpu.memref_slice %arg9[%scatter3A_1674, %scatter3A_1675, %scatter3A_1676, %scatter3A_1677] : memref<2x4x40x129xf32, #tpu.memory_space<vmem>> -> memref<1x4x40x129xf32, #tpu.memory_space<vmem>>
          %scatter3A_1679 = tpu.memref_squeeze %scatter3A_1678 : memref<1x4x40x129xf32, #tpu.memory_space<vmem>> -> memref<4x40x129xf32, #tpu.memory_space<vmem>>
          tpu.vector_store_idx %scatter3A_1679[%add3A_1673, %add3A_1527, %add3A_1645], %add3A_1664 : memref<4x40x129xf32, #tpu.memory_space<vmem>>[vector<16xi32>, vector<16xi32>, vector<16xi32>], vector<16xf32>,
          %add3A_1680 = arith.constant 1 : i32
          %add3A_1681 = vector.broadcast %add3A_1680 : i32 to vector<16xi32>
          %add3A_1682 = arith.addi %add3A_1645, %add3A_1681 : vector<16xi32>
          %scan3A_1683 = arith.constant 4 : i32
          %scan3A_1684 = arith.addi %scan3A_1536, %scan3A_1683 : i32
          %mul3A_1685 = arith.constant 1 : i32
          %mul3A_1686 = arith.muli %scan3A_1684, %mul3A_1685 : i32
          %add3A_1687 = arith.constant 0 : i32
          %add3A_1688 = arith.addi %add3A_1687, %mul3A_1686 : i32
          %add3A_1689 = arith.addi %mul3A_1529, %add3A_1688 : i32
          %get3A_1690 = arith.constant 2 : i32
          %get3A_1691 = arith.index_cast %get3A_1690 : i32 to index
          %get3A_1692 = arith.index_cast %add3A_1689 : i32 to index
          %get3A_1693 = arith.constant 0 : index
          %get3A_1694 = tpu.vector_load %arg8[%get3A_1691, %get3A_1692, %get3A_1693] {strides = array<i32>} : memref<4x512x32xf32, #tpu.memory_space<vmem>>, vector<16xf32>,
          %add3A_1695 = arith.addf %get3A_1694, %get3A_1130 : vector<16xf32>
          %get3A_1696 = arith.constant 2 : i32
          %get3A_1697 = arith.index_cast %get3A_1696 : i32 to index
          %get3A_1698 = arith.index_cast %add3A_1689 : i32 to index
          %get3A_1699 = arith.constant 16 : index
          %get3A_1700 = tpu.vector_load %arg8[%get3A_1697, %get3A_1698, %get3A_1699] {strides = array<i32>} : memref<4x512x32xf32, #tpu.memory_space<vmem>>, vector<16xf32>,
          %add3A_1701 = arith.addf %get3A_1700, %get3A_1133 : vector<16xf32>
          %scatter3A_1702 = arith.constant 0 : i32
          %scatter3A_1703 = arith.constant 0 : i32
          %scatter3A_1704 = arith.constant 0 : i32
          %scatter3A_1705 = arith.constant 0 : i32
          %scatter3A_1706 = tpu.memref_slice %arg9[%scatter3A_1702, %scatter3A_1703, %scatter3A_1704, %scatter3A_1705] : memref<2x4x40x129xf32, #tpu.memory_space<vmem>> -> memref<1x4x40x129xf32, #tpu.memory_space<vmem>>
          %scatter3A_1707 = tpu.memref_squeeze %scatter3A_1706 : memref<1x4x40x129xf32, #tpu.memory_space<vmem>> -> memref<4x40x129xf32, #tpu.memory_space<vmem>>
          tpu.vector_store_idx %scatter3A_1707[%select_n3A_1164, %add3A_1527, %add3A_1682], %add3A_1695 : memref<4x40x129xf32, #tpu.memory_space<vmem>>[vector<16xi32>, vector<16xi32>, vector<16xi32>], vector<16xf32>,
          %add3A_1708 = arith.constant 2 : i32
          %add3A_1709 = vector.broadcast %add3A_1708 : i32 to vector<16xi32>
          %add3A_1710 = arith.addi %select_n3A_1164, %add3A_1709 : vector<16xi32>
          %scatter3A_1711 = arith.constant 0 : i32
          %scatter3A_1712 = arith.constant 0 : i32
          %scatter3A_1713 = arith.constant 0 : i32
          %scatter3A_1714 = arith.constant 0 : i32
          %scatter3A_1715 = tpu.memref_slice %arg9[%scatter3A_1711, %scatter3A_1712, %scatter3A_1713, %scatter3A_1714] : memref<2x4x40x129xf32, #tpu.memory_space<vmem>> -> memref<1x4x40x129xf32, #tpu.memory_space<vmem>>
          %scatter3A_1716 = tpu.memref_squeeze %scatter3A_1715 : memref<1x4x40x129xf32, #tpu.memory_space<vmem>> -> memref<4x40x129xf32, #tpu.memory_space<vmem>>
          tpu.vector_store_idx %scatter3A_1716[%add3A_1710, %add3A_1527, %add3A_1682], %add3A_1701 : memref<4x40x129xf32, #tpu.memory_space<vmem>>[vector<16xi32>, vector<16xi32>, vector<16xi32>], vector<16xf32>,
          %add3A_1717 = arith.constant 1 : i32
          %add3A_1718 = vector.broadcast %add3A_1717 : i32 to vector<16xi32>
          %add3A_1719 = arith.addi %add3A_1682, %add3A_1718 : vector<16xi32>
          %scan3A_1720 = arith.constant 5 : i32
          %scan3A_1721 = arith.addi %scan3A_1536, %scan3A_1720 : i32
          %mul3A_1722 = arith.constant 1 : i32
          %mul3A_1723 = arith.muli %scan3A_1721, %mul3A_1722 : i32
          %add3A_1724 = arith.constant 0 : i32
          %add3A_1725 = arith.addi %add3A_1724, %mul3A_1723 : i32
          %add3A_1726 = arith.addi %mul3A_1529, %add3A_1725 : i32
          %get3A_1727 = arith.constant 2 : i32
          %get3A_1728 = arith.index_cast %get3A_1727 : i32 to index
          %get3A_1729 = arith.index_cast %add3A_1726 : i32 to index
          %get3A_1730 = arith.constant 0 : index
          %get3A_1731 = tpu.vector_load %arg8[%get3A_1728, %get3A_1729, %get3A_1730] {strides = array<i32>} : memref<4x512x32xf32, #tpu.memory_space<vmem>>, vector<16xf32>,
          %add3A_1732 = arith.addf %get3A_1731, %get3A_1130 : vector<16xf32>
          %get3A_1733 = arith.constant 2 : i32
          %get3A_1734 = arith.index_cast %get3A_1733 : i32 to index
          %get3A_1735 = arith.index_cast %add3A_1726 : i32 to index
          %get3A_1736 = arith.constant 16 : index
          %get3A_1737 = tpu.vector_load %arg8[%get3A_1734, %get3A_1735, %get3A_1736] {strides = array<i32>} : memref<4x512x32xf32, #tpu.memory_space<vmem>>, vector<16xf32>,
          %add3A_1738 = arith.addf %get3A_1737, %get3A_1133 : vector<16xf32>
          %scatter3A_1739 = arith.constant 0 : i32
          %scatter3A_1740 = arith.constant 0 : i32
          %scatter3A_1741 = arith.constant 0 : i32
          %scatter3A_1742 = arith.constant 0 : i32
          %scatter3A_1743 = tpu.memref_slice %arg9[%scatter3A_1739, %scatter3A_1740, %scatter3A_1741, %scatter3A_1742] : memref<2x4x40x129xf32, #tpu.memory_space<vmem>> -> memref<1x4x40x129xf32, #tpu.memory_space<vmem>>
          %scatter3A_1744 = tpu.memref_squeeze %scatter3A_1743 : memref<1x4x40x129xf32, #tpu.memory_space<vmem>> -> memref<4x40x129xf32, #tpu.memory_space<vmem>>
          tpu.vector_store_idx %scatter3A_1744[%select_n3A_1164, %add3A_1527, %add3A_1719], %add3A_1732 : memref<4x40x129xf32, #tpu.memory_space<vmem>>[vector<16xi32>, vector<16xi32>, vector<16xi32>], vector<16xf32>,
          %add3A_1745 = arith.constant 2 : i32
          %add3A_1746 = vector.broadcast %add3A_1745 : i32 to vector<16xi32>
          %add3A_1747 = arith.addi %select_n3A_1164, %add3A_1746 : vector<16xi32>
          %scatter3A_1748 = arith.constant 0 : i32
          %scatter3A_1749 = arith.constant 0 : i32
          %scatter3A_1750 = arith.constant 0 : i32
          %scatter3A_1751 = arith.constant 0 : i32
          %scatter3A_1752 = tpu.memref_slice %arg9[%scatter3A_1748, %scatter3A_1749, %scatter3A_1750, %scatter3A_1751] : memref<2x4x40x129xf32, #tpu.memory_space<vmem>> -> memref<1x4x40x129xf32, #tpu.memory_space<vmem>>
          %scatter3A_1753 = tpu.memref_squeeze %scatter3A_1752 : memref<1x4x40x129xf32, #tpu.memory_space<vmem>> -> memref<4x40x129xf32, #tpu.memory_space<vmem>>
          tpu.vector_store_idx %scatter3A_1753[%add3A_1747, %add3A_1527, %add3A_1719], %add3A_1738 : memref<4x40x129xf32, #tpu.memory_space<vmem>>[vector<16xi32>, vector<16xi32>, vector<16xi32>], vector<16xf32>,
          %add3A_1754 = arith.constant 1 : i32
          %add3A_1755 = vector.broadcast %add3A_1754 : i32 to vector<16xi32>
          %add3A_1756 = arith.addi %add3A_1719, %add3A_1755 : vector<16xi32>
          %scan3A_1757 = arith.constant 6 : i32
          %scan3A_1758 = arith.addi %scan3A_1536, %scan3A_1757 : i32
          %mul3A_1759 = arith.constant 1 : i32
          %mul3A_1760 = arith.muli %scan3A_1758, %mul3A_1759 : i32
          %add3A_1761 = arith.constant 0 : i32
          %add3A_1762 = arith.addi %add3A_1761, %mul3A_1760 : i32
          %add3A_1763 = arith.addi %mul3A_1529, %add3A_1762 : i32
          %get3A_1764 = arith.constant 2 : i32
          %get3A_1765 = arith.index_cast %get3A_1764 : i32 to index
          %get3A_1766 = arith.index_cast %add3A_1763 : i32 to index
          %get3A_1767 = arith.constant 0 : index
          %get3A_1768 = tpu.vector_load %arg8[%get3A_1765, %get3A_1766, %get3A_1767] {strides = array<i32>} : memref<4x512x32xf32, #tpu.memory_space<vmem>>, vector<16xf32>,
          %add3A_1769 = arith.addf %get3A_1768, %get3A_1130 : vector<16xf32>
          %get3A_1770 = arith.constant 2 : i32
          %get3A_1771 = arith.index_cast %get3A_1770 : i32 to index
          %get3A_1772 = arith.index_cast %add3A_1763 : i32 to index
          %get3A_1773 = arith.constant 16 : index
          %get3A_1774 = tpu.vector_load %arg8[%get3A_1771, %get3A_1772, %get3A_1773] {strides = array<i32>} : memref<4x512x32xf32, #tpu.memory_space<vmem>>, vector<16xf32>,
          %add3A_1775 = arith.addf %get3A_1774, %get3A_1133 : vector<16xf32>
          %scatter3A_1776 = arith.constant 0 : i32
          %scatter3A_1777 = arith.constant 0 : i32
          %scatter3A_1778 = arith.constant 0 : i32
          %scatter3A_1779 = arith.constant 0 : i32
          %scatter3A_1780 = tpu.memref_slice %arg9[%scatter3A_1776, %scatter3A_1777, %scatter3A_1778, %scatter3A_1779] : memref<2x4x40x129xf32, #tpu.memory_space<vmem>> -> memref<1x4x40x129xf32, #tpu.memory_space<vmem>>
          %scatter3A_1781 = tpu.memref_squeeze %scatter3A_1780 : memref<1x4x40x129xf32, #tpu.memory_space<vmem>> -> memref<4x40x129xf32, #tpu.memory_space<vmem>>
          tpu.vector_store_idx %scatter3A_1781[%select_n3A_1164, %add3A_1527, %add3A_1756], %add3A_1769 : memref<4x40x129xf32, #tpu.memory_space<vmem>>[vector<16xi32>, vector<16xi32>, vector<16xi32>], vector<16xf32>,
          %add3A_1782 = arith.constant 2 : i32
          %add3A_1783 = vector.broadcast %add3A_1782 : i32 to vector<16xi32>
          %add3A_1784 = arith.addi %select_n3A_1164, %add3A_1783 : vector<16xi32>
          %scatter3A_1785 = arith.constant 0 : i32
          %scatter3A_1786 = arith.constant 0 : i32
          %scatter3A_1787 = arith.constant 0 : i32
          %scatter3A_1788 = arith.constant 0 : i32
          %scatter3A_1789 = tpu.memref_slice %arg9[%scatter3A_1785, %scatter3A_1786, %scatter3A_1787, %scatter3A_1788] : memref<2x4x40x129xf32, #tpu.memory_space<vmem>> -> memref<1x4x40x129xf32, #tpu.memory_space<vmem>>
          %scatter3A_1790 = tpu.memref_squeeze %scatter3A_1789 : memref<1x4x40x129xf32, #tpu.memory_space<vmem>> -> memref<4x40x129xf32, #tpu.memory_space<vmem>>
          tpu.vector_store_idx %scatter3A_1790[%add3A_1784, %add3A_1527, %add3A_1756], %add3A_1775 : memref<4x40x129xf32, #tpu.memory_space<vmem>>[vector<16xi32>, vector<16xi32>, vector<16xi32>], vector<16xf32>,
          %add3A_1791 = arith.constant 1 : i32
          %add3A_1792 = vector.broadcast %add3A_1791 : i32 to vector<16xi32>
          %add3A_1793 = arith.addi %add3A_1756, %add3A_1792 : vector<16xi32>
          %scan3A_1794 = arith.constant 7 : i32
          %scan3A_1795 = arith.addi %scan3A_1536, %scan3A_1794 : i32
          %mul3A_1796 = arith.constant 1 : i32
          %mul3A_1797 = arith.muli %scan3A_1795, %mul3A_1796 : i32
          %add3A_1798 = arith.constant 0 : i32
          %add3A_1799 = arith.addi %add3A_1798, %mul3A_1797 : i32
          %add3A_1800 = arith.addi %mul3A_1529, %add3A_1799 : i32
          %get3A_1801 = arith.constant 2 : i32
          %get3A_1802 = arith.index_cast %get3A_1801 : i32 to index
          %get3A_1803 = arith.index_cast %add3A_1800 : i32 to index
          %get3A_1804 = arith.constant 0 : index
          %get3A_1805 = tpu.vector_load %arg8[%get3A_1802, %get3A_1803, %get3A_1804] {strides = array<i32>} : memref<4x512x32xf32, #tpu.memory_space<vmem>>, vector<16xf32>,
          %add3A_1806 = arith.addf %get3A_1805, %get3A_1130 : vector<16xf32>
          %get3A_1807 = arith.constant 2 : i32
          %get3A_1808 = arith.index_cast %get3A_1807 : i32 to index
          %get3A_1809 = arith.index_cast %add3A_1800 : i32 to index
          %get3A_1810 = arith.constant 16 : index
          %get3A_1811 = tpu.vector_load %arg8[%get3A_1808, %get3A_1809, %get3A_1810] {strides = array<i32>} : memref<4x512x32xf32, #tpu.memory_space<vmem>>, vector<16xf32>,
          %add3A_1812 = arith.addf %get3A_1811, %get3A_1133 : vector<16xf32>
          %scatter3A_1813 = arith.constant 0 : i32
          %scatter3A_1814 = arith.constant 0 : i32
          %scatter3A_1815 = arith.constant 0 : i32
          %scatter3A_1816 = arith.constant 0 : i32
          %scatter3A_1817 = tpu.memref_slice %arg9[%scatter3A_1813, %scatter3A_1814, %scatter3A_1815, %scatter3A_1816] : memref<2x4x40x129xf32, #tpu.memory_space<vmem>> -> memref<1x4x40x129xf32, #tpu.memory_space<vmem>>
          %scatter3A_1818 = tpu.memref_squeeze %scatter3A_1817 : memref<1x4x40x129xf32, #tpu.memory_space<vmem>> -> memref<4x40x129xf32, #tpu.memory_space<vmem>>
          tpu.vector_store_idx %scatter3A_1818[%select_n3A_1164, %add3A_1527, %add3A_1793], %add3A_1806 : memref<4x40x129xf32, #tpu.memory_space<vmem>>[vector<16xi32>, vector<16xi32>, vector<16xi32>], vector<16xf32>,
          %add3A_1819 = arith.constant 2 : i32
          %add3A_1820 = vector.broadcast %add3A_1819 : i32 to vector<16xi32>
          %add3A_1821 = arith.addi %select_n3A_1164, %add3A_1820 : vector<16xi32>
          %scatter3A_1822 = arith.constant 0 : i32
          %scatter3A_1823 = arith.constant 0 : i32
          %scatter3A_1824 = arith.constant 0 : i32
          %scatter3A_1825 = arith.constant 0 : i32
          %scatter3A_1826 = tpu.memref_slice %arg9[%scatter3A_1822, %scatter3A_1823, %scatter3A_1824, %scatter3A_1825] : memref<2x4x40x129xf32, #tpu.memory_space<vmem>> -> memref<1x4x40x129xf32, #tpu.memory_space<vmem>>
          %scatter3A_1827 = tpu.memref_squeeze %scatter3A_1826 : memref<1x4x40x129xf32, #tpu.memory_space<vmem>> -> memref<4x40x129xf32, #tpu.memory_space<vmem>>
          tpu.vector_store_idx %scatter3A_1827[%add3A_1821, %add3A_1527, %add3A_1793], %add3A_1812 : memref<4x40x129xf32, #tpu.memory_space<vmem>>[vector<16xi32>, vector<16xi32>, vector<16xi32>], vector<16xf32>,
          %add3A_1828 = arith.constant 1 : i32
          %add3A_1829 = vector.broadcast %add3A_1828 : i32 to vector<16xi32>
          %add3A_1830 = arith.addi %add3A_1793, %add3A_1829 : vector<16xi32>
          %scan3A_1831 = arith.constant 8 : i32
          %scan3A_1832 = arith.addi %scan3A_1536, %scan3A_1831 : i32
          %mul3A_1833 = arith.constant 1 : i32
          %mul3A_1834 = arith.muli %scan3A_1832, %mul3A_1833 : i32
          %add3A_1835 = arith.constant 0 : i32
          %add3A_1836 = arith.addi %add3A_1835, %mul3A_1834 : i32
          %add3A_1837 = arith.addi %mul3A_1529, %add3A_1836 : i32
          %get3A_1838 = arith.constant 2 : i32
          %get3A_1839 = arith.index_cast %get3A_1838 : i32 to index
          %get3A_1840 = arith.index_cast %add3A_1837 : i32 to index
          %get3A_1841 = arith.constant 0 : index
          %get3A_1842 = tpu.vector_load %arg8[%get3A_1839, %get3A_1840, %get3A_1841] {strides = array<i32>} : memref<4x512x32xf32, #tpu.memory_space<vmem>>, vector<16xf32>,
          %add3A_1843 = arith.addf %get3A_1842, %get3A_1130 : vector<16xf32>
          %get3A_1844 = arith.constant 2 : i32
          %get3A_1845 = arith.index_cast %get3A_1844 : i32 to index
          %get3A_1846 = arith.index_cast %add3A_1837 : i32 to index
          %get3A_1847 = arith.constant 16 : index
          %get3A_1848 = tpu.vector_load %arg8[%get3A_1845, %get3A_1846, %get3A_1847] {strides = array<i32>} : memref<4x512x32xf32, #tpu.memory_space<vmem>>, vector<16xf32>,
          %add3A_1849 = arith.addf %get3A_1848, %get3A_1133 : vector<16xf32>
          %scatter3A_1850 = arith.constant 0 : i32
          %scatter3A_1851 = arith.constant 0 : i32
          %scatter3A_1852 = arith.constant 0 : i32
          %scatter3A_1853 = arith.constant 0 : i32
          %scatter3A_1854 = tpu.memref_slice %arg9[%scatter3A_1850, %scatter3A_1851, %scatter3A_1852, %scatter3A_1853] : memref<2x4x40x129xf32, #tpu.memory_space<vmem>> -> memref<1x4x40x129xf32, #tpu.memory_space<vmem>>
          %scatter3A_1855 = tpu.memref_squeeze %scatter3A_1854 : memref<1x4x40x129xf32, #tpu.memory_space<vmem>> -> memref<4x40x129xf32, #tpu.memory_space<vmem>>
          tpu.vector_store_idx %scatter3A_1855[%select_n3A_1164, %add3A_1527, %add3A_1830], %add3A_1843 : memref<4x40x129xf32, #tpu.memory_space<vmem>>[vector<16xi32>, vector<16xi32>, vector<16xi32>], vector<16xf32>,
          %add3A_1856 = arith.constant 2 : i32
          %add3A_1857 = vector.broadcast %add3A_1856 : i32 to vector<16xi32>
          %add3A_1858 = arith.addi %select_n3A_1164, %add3A_1857 : vector<16xi32>
          %scatter3A_1859 = arith.constant 0 : i32
          %scatter3A_1860 = arith.constant 0 : i32
          %scatter3A_1861 = arith.constant 0 : i32
          %scatter3A_1862 = arith.constant 0 : i32
          %scatter3A_1863 = tpu.memref_slice %arg9[%scatter3A_1859, %scatter3A_1860, %scatter3A_1861, %scatter3A_1862] : memref<2x4x40x129xf32, #tpu.memory_space<vmem>> -> memref<1x4x40x129xf32, #tpu.memory_space<vmem>>
          %scatter3A_1864 = tpu.memref_squeeze %scatter3A_1863 : memref<1x4x40x129xf32, #tpu.memory_space<vmem>> -> memref<4x40x129xf32, #tpu.memory_space<vmem>>
          tpu.vector_store_idx %scatter3A_1864[%add3A_1858, %add3A_1527, %add3A_1830], %add3A_1849 : memref<4x40x129xf32, #tpu.memory_space<vmem>>[vector<16xi32>, vector<16xi32>, vector<16xi32>], vector<16xf32>,
          %add3A_1865 = arith.constant 1 : i32
          %add3A_1866 = vector.broadcast %add3A_1865 : i32 to vector<16xi32>
          %add3A_1867 = arith.addi %add3A_1830, %add3A_1866 : vector<16xi32>
          %scan3A_1868 = arith.constant 9 : i32
          %scan3A_1869 = arith.addi %scan3A_1536, %scan3A_1868 : i32
          %mul3A_1870 = arith.constant 1 : i32
          %mul3A_1871 = arith.muli %scan3A_1869, %mul3A_1870 : i32
          %add3A_1872 = arith.constant 0 : i32
          %add3A_1873 = arith.addi %add3A_1872, %mul3A_1871 : i32
          %add3A_1874 = arith.addi %mul3A_1529, %add3A_1873 : i32
          %get3A_1875 = arith.constant 2 : i32
          %get3A_1876 = arith.index_cast %get3A_1875 : i32 to index
          %get3A_1877 = arith.index_cast %add3A_1874 : i32 to index
          %get3A_1878 = arith.constant 0 : index
          %get3A_1879 = tpu.vector_load %arg8[%get3A_1876, %get3A_1877, %get3A_1878] {strides = array<i32>} : memref<4x512x32xf32, #tpu.memory_space<vmem>>, vector<16xf32>,
          %add3A_1880 = arith.addf %get3A_1879, %get3A_1130 : vector<16xf32>
          %get3A_1881 = arith.constant 2 : i32
          %get3A_1882 = arith.index_cast %get3A_1881 : i32 to index
          %get3A_1883 = arith.index_cast %add3A_1874 : i32 to index
          %get3A_1884 = arith.constant 16 : index
          %get3A_1885 = tpu.vector_load %arg8[%get3A_1882, %get3A_1883, %get3A_1884] {strides = array<i32>} : memref<4x512x32xf32, #tpu.memory_space<vmem>>, vector<16xf32>,
          %add3A_1886 = arith.addf %get3A_1885, %get3A_1133 : vector<16xf32>
          %scatter3A_1887 = arith.constant 0 : i32
          %scatter3A_1888 = arith.constant 0 : i32
          %scatter3A_1889 = arith.constant 0 : i32
          %scatter3A_1890 = arith.constant 0 : i32
          %scatter3A_1891 = tpu.memref_slice %arg9[%scatter3A_1887, %scatter3A_1888, %scatter3A_1889, %scatter3A_1890] : memref<2x4x40x129xf32, #tpu.memory_space<vmem>> -> memref<1x4x40x129xf32, #tpu.memory_space<vmem>>
          %scatter3A_1892 = tpu.memref_squeeze %scatter3A_1891 : memref<1x4x40x129xf32, #tpu.memory_space<vmem>> -> memref<4x40x129xf32, #tpu.memory_space<vmem>>
          tpu.vector_store_idx %scatter3A_1892[%select_n3A_1164, %add3A_1527, %add3A_1867], %add3A_1880 : memref<4x40x129xf32, #tpu.memory_space<vmem>>[vector<16xi32>, vector<16xi32>, vector<16xi32>], vector<16xf32>,
          %add3A_1893 = arith.constant 2 : i32
          %add3A_1894 = vector.broadcast %add3A_1893 : i32 to vector<16xi32>
          %add3A_1895 = arith.addi %select_n3A_1164, %add3A_1894 : vector<16xi32>
          %scatter3A_1896 = arith.constant 0 : i32
          %scatter3A_1897 = arith.constant 0 : i32
          %scatter3A_1898 = arith.constant 0 : i32
          %scatter3A_1899 = arith.constant 0 : i32
          %scatter3A_1900 = tpu.memref_slice %arg9[%scatter3A_1896, %scatter3A_1897, %scatter3A_1898, %scatter3A_1899] : memref<2x4x40x129xf32, #tpu.memory_space<vmem>> -> memref<1x4x40x129xf32, #tpu.memory_space<vmem>>
          %scatter3A_1901 = tpu.memref_squeeze %scatter3A_1900 : memref<1x4x40x129xf32, #tpu.memory_space<vmem>> -> memref<4x40x129xf32, #tpu.memory_space<vmem>>
          tpu.vector_store_idx %scatter3A_1901[%add3A_1895, %add3A_1527, %add3A_1867], %add3A_1886 : memref<4x40x129xf32, #tpu.memory_space<vmem>>[vector<16xi32>, vector<16xi32>, vector<16xi32>], vector<16xf32>,
          %add3A_1902 = arith.constant 1 : i32
          %add3A_1903 = vector.broadcast %add3A_1902 : i32 to vector<16xi32>
          %add3A_1904 = arith.addi %add3A_1867, %add3A_1903 : vector<16xi32>
          %scan3A_1905 = arith.constant 10 : i32
          %scan3A_1906 = arith.addi %scan3A_1536, %scan3A_1905 : i32
          %mul3A_1907 = arith.constant 1 : i32
          %mul3A_1908 = arith.muli %scan3A_1906, %mul3A_1907 : i32
          %add3A_1909 = arith.constant 0 : i32
          %add3A_1910 = arith.addi %add3A_1909, %mul3A_1908 : i32
          %add3A_1911 = arith.addi %mul3A_1529, %add3A_1910 : i32
          %get3A_1912 = arith.constant 2 : i32
          %get3A_1913 = arith.index_cast %get3A_1912 : i32 to index
          %get3A_1914 = arith.index_cast %add3A_1911 : i32 to index
          %get3A_1915 = arith.constant 0 : index
          %get3A_1916 = tpu.vector_load %arg8[%get3A_1913, %get3A_1914, %get3A_1915] {strides = array<i32>} : memref<4x512x32xf32, #tpu.memory_space<vmem>>, vector<16xf32>,
          %add3A_1917 = arith.addf %get3A_1916, %get3A_1130 : vector<16xf32>
          %get3A_1918 = arith.constant 2 : i32
          %get3A_1919 = arith.index_cast %get3A_1918 : i32 to index
          %get3A_1920 = arith.index_cast %add3A_1911 : i32 to index
          %get3A_1921 = arith.constant 16 : index
          %get3A_1922 = tpu.vector_load %arg8[%get3A_1919, %get3A_1920, %get3A_1921] {strides = array<i32>} : memref<4x512x32xf32, #tpu.memory_space<vmem>>, vector<16xf32>,
          %add3A_1923 = arith.addf %get3A_1922, %get3A_1133 : vector<16xf32>
          %scatter3A_1924 = arith.constant 0 : i32
          %scatter3A_1925 = arith.constant 0 : i32
          %scatter3A_1926 = arith.constant 0 : i32
          %scatter3A_1927 = arith.constant 0 : i32
          %scatter3A_1928 = tpu.memref_slice %arg9[%scatter3A_1924, %scatter3A_1925, %scatter3A_1926, %scatter3A_1927] : memref<2x4x40x129xf32, #tpu.memory_space<vmem>> -> memref<1x4x40x129xf32, #tpu.memory_space<vmem>>
          %scatter3A_1929 = tpu.memref_squeeze %scatter3A_1928 : memref<1x4x40x129xf32, #tpu.memory_space<vmem>> -> memref<4x40x129xf32, #tpu.memory_space<vmem>>
          tpu.vector_store_idx %scatter3A_1929[%select_n3A_1164, %add3A_1527, %add3A_1904], %add3A_1917 : memref<4x40x129xf32, #tpu.memory_space<vmem>>[vector<16xi32>, vector<16xi32>, vector<16xi32>], vector<16xf32>,
          %add3A_1930 = arith.constant 2 : i32
          %add3A_1931 = vector.broadcast %add3A_1930 : i32 to vector<16xi32>
          %add3A_1932 = arith.addi %select_n3A_1164, %add3A_1931 : vector<16xi32>
          %scatter3A_1933 = arith.constant 0 : i32
          %scatter3A_1934 = arith.constant 0 : i32
          %scatter3A_1935 = arith.constant 0 : i32
          %scatter3A_1936 = arith.constant 0 : i32
          %scatter3A_1937 = tpu.memref_slice %arg9[%scatter3A_1933, %scatter3A_1934, %scatter3A_1935, %scatter3A_1936] : memref<2x4x40x129xf32, #tpu.memory_space<vmem>> -> memref<1x4x40x129xf32, #tpu.memory_space<vmem>>
          %scatter3A_1938 = tpu.memref_squeeze %scatter3A_1937 : memref<1x4x40x129xf32, #tpu.memory_space<vmem>> -> memref<4x40x129xf32, #tpu.memory_space<vmem>>
          tpu.vector_store_idx %scatter3A_1938[%add3A_1932, %add3A_1527, %add3A_1904], %add3A_1923 : memref<4x40x129xf32, #tpu.memory_space<vmem>>[vector<16xi32>, vector<16xi32>, vector<16xi32>], vector<16xf32>,
          %add3A_1939 = arith.constant 1 : i32
          %add3A_1940 = vector.broadcast %add3A_1939 : i32 to vector<16xi32>
          %add3A_1941 = arith.addi %add3A_1904, %add3A_1940 : vector<16xi32>
          %scan3A_1942 = arith.constant 11 : i32
          %scan3A_1943 = arith.addi %scan3A_1536, %scan3A_1942 : i32
          %mul3A_1944 = arith.constant 1 : i32
          %mul3A_1945 = arith.muli %scan3A_1943, %mul3A_1944 : i32
          %add3A_1946 = arith.constant 0 : i32
          %add3A_1947 = arith.addi %add3A_1946, %mul3A_1945 : i32
          %add3A_1948 = arith.addi %mul3A_1529, %add3A_1947 : i32
          %get3A_1949 = arith.constant 2 : i32
          %get3A_1950 = arith.index_cast %get3A_1949 : i32 to index
          %get3A_1951 = arith.index_cast %add3A_1948 : i32 to index
          %get3A_1952 = arith.constant 0 : index
          %get3A_1953 = tpu.vector_load %arg8[%get3A_1950, %get3A_1951, %get3A_1952] {strides = array<i32>} : memref<4x512x32xf32, #tpu.memory_space<vmem>>, vector<16xf32>,
          %add3A_1954 = arith.addf %get3A_1953, %get3A_1130 : vector<16xf32>
          %get3A_1955 = arith.constant 2 : i32
          %get3A_1956 = arith.index_cast %get3A_1955 : i32 to index
          %get3A_1957 = arith.index_cast %add3A_1948 : i32 to index
          %get3A_1958 = arith.constant 16 : index
          %get3A_1959 = tpu.vector_load %arg8[%get3A_1956, %get3A_1957, %get3A_1958] {strides = array<i32>} : memref<4x512x32xf32, #tpu.memory_space<vmem>>, vector<16xf32>,
          %add3A_1960 = arith.addf %get3A_1959, %get3A_1133 : vector<16xf32>
          %scatter3A_1961 = arith.constant 0 : i32
          %scatter3A_1962 = arith.constant 0 : i32
          %scatter3A_1963 = arith.constant 0 : i32
          %scatter3A_1964 = arith.constant 0 : i32
          %scatter3A_1965 = tpu.memref_slice %arg9[%scatter3A_1961, %scatter3A_1962, %scatter3A_1963, %scatter3A_1964] : memref<2x4x40x129xf32, #tpu.memory_space<vmem>> -> memref<1x4x40x129xf32, #tpu.memory_space<vmem>>
          %scatter3A_1966 = tpu.memref_squeeze %scatter3A_1965 : memref<1x4x40x129xf32, #tpu.memory_space<vmem>> -> memref<4x40x129xf32, #tpu.memory_space<vmem>>
          tpu.vector_store_idx %scatter3A_1966[%select_n3A_1164, %add3A_1527, %add3A_1941], %add3A_1954 : memref<4x40x129xf32, #tpu.memory_space<vmem>>[vector<16xi32>, vector<16xi32>, vector<16xi32>], vector<16xf32>,
          %add3A_1967 = arith.constant 2 : i32
          %add3A_1968 = vector.broadcast %add3A_1967 : i32 to vector<16xi32>
          %add3A_1969 = arith.addi %select_n3A_1164, %add3A_1968 : vector<16xi32>
          %scatter3A_1970 = arith.constant 0 : i32
          %scatter3A_1971 = arith.constant 0 : i32
          %scatter3A_1972 = arith.constant 0 : i32
          %scatter3A_1973 = arith.constant 0 : i32
          %scatter3A_1974 = tpu.memref_slice %arg9[%scatter3A_1970, %scatter3A_1971, %scatter3A_1972, %scatter3A_1973] : memref<2x4x40x129xf32, #tpu.memory_space<vmem>> -> memref<1x4x40x129xf32, #tpu.memory_space<vmem>>
          %scatter3A_1975 = tpu.memref_squeeze %scatter3A_1974 : memref<1x4x40x129xf32, #tpu.memory_space<vmem>> -> memref<4x40x129xf32, #tpu.memory_space<vmem>>
          tpu.vector_store_idx %scatter3A_1975[%add3A_1969, %add3A_1527, %add3A_1941], %add3A_1960 : memref<4x40x129xf32, #tpu.memory_space<vmem>>[vector<16xi32>, vector<16xi32>, vector<16xi32>], vector<16xf32>,
          %add3A_1976 = arith.constant 1 : i32
          %add3A_1977 = vector.broadcast %add3A_1976 : i32 to vector<16xi32>
          %add3A_1978 = arith.addi %add3A_1941, %add3A_1977 : vector<16xi32>
          %scan3A_1979 = arith.constant 12 : i32
          %scan3A_1980 = arith.addi %scan3A_1536, %scan3A_1979 : i32
          %mul3A_1981 = arith.constant 1 : i32
          %mul3A_1982 = arith.muli %scan3A_1980, %mul3A_1981 : i32
          %add3A_1983 = arith.constant 0 : i32
          %add3A_1984 = arith.addi %add3A_1983, %mul3A_1982 : i32
          %add3A_1985 = arith.addi %mul3A_1529, %add3A_1984 : i32
          %get3A_1986 = arith.constant 2 : i32
          %get3A_1987 = arith.index_cast %get3A_1986 : i32 to index
          %get3A_1988 = arith.index_cast %add3A_1985 : i32 to index
          %get3A_1989 = arith.constant 0 : index
          %get3A_1990 = tpu.vector_load %arg8[%get3A_1987, %get3A_1988, %get3A_1989] {strides = array<i32>} : memref<4x512x32xf32, #tpu.memory_space<vmem>>, vector<16xf32>,
          %add3A_1991 = arith.addf %get3A_1990, %get3A_1130 : vector<16xf32>
          %get3A_1992 = arith.constant 2 : i32
          %get3A_1993 = arith.index_cast %get3A_1992 : i32 to index
          %get3A_1994 = arith.index_cast %add3A_1985 : i32 to index
          %get3A_1995 = arith.constant 16 : index
          %get3A_1996 = tpu.vector_load %arg8[%get3A_1993, %get3A_1994, %get3A_1995] {strides = array<i32>} : memref<4x512x32xf32, #tpu.memory_space<vmem>>, vector<16xf32>,
          %add3A_1997 = arith.addf %get3A_1996, %get3A_1133 : vector<16xf32>
          %scatter3A_1998 = arith.constant 0 : i32
          %scatter3A_1999 = arith.constant 0 : i32
          %scatter3A_2000 = arith.constant 0 : i32
          %scatter3A_2001 = arith.constant 0 : i32
          %scatter3A_2002 = tpu.memref_slice %arg9[%scatter3A_1998, %scatter3A_1999, %scatter3A_2000, %scatter3A_2001] : memref<2x4x40x129xf32, #tpu.memory_space<vmem>> -> memref<1x4x40x129xf32, #tpu.memory_space<vmem>>
          %scatter3A_2003 = tpu.memref_squeeze %scatter3A_2002 : memref<1x4x40x129xf32, #tpu.memory_space<vmem>> -> memref<4x40x129xf32, #tpu.memory_space<vmem>>
          tpu.vector_store_idx %scatter3A_2003[%select_n3A_1164, %add3A_1527, %add3A_1978], %add3A_1991 : memref<4x40x129xf32, #tpu.memory_space<vmem>>[vector<16xi32>, vector<16xi32>, vector<16xi32>], vector<16xf32>,
          %add3A_2004 = arith.constant 2 : i32
          %add3A_2005 = vector.broadcast %add3A_2004 : i32 to vector<16xi32>
          %add3A_2006 = arith.addi %select_n3A_1164, %add3A_2005 : vector<16xi32>
          %scatter3A_2007 = arith.constant 0 : i32
          %scatter3A_2008 = arith.constant 0 : i32
          %scatter3A_2009 = arith.constant 0 : i32
          %scatter3A_2010 = arith.constant 0 : i32
          %scatter3A_2011 = tpu.memref_slice %arg9[%scatter3A_2007, %scatter3A_2008, %scatter3A_2009, %scatter3A_2010] : memref<2x4x40x129xf32, #tpu.memory_space<vmem>> -> memref<1x4x40x129xf32, #tpu.memory_space<vmem>>
          %scatter3A_2012 = tpu.memref_squeeze %scatter3A_2011 : memref<1x4x40x129xf32, #tpu.memory_space<vmem>> -> memref<4x40x129xf32, #tpu.memory_space<vmem>>
          tpu.vector_store_idx %scatter3A_2012[%add3A_2006, %add3A_1527, %add3A_1978], %add3A_1997 : memref<4x40x129xf32, #tpu.memory_space<vmem>>[vector<16xi32>, vector<16xi32>, vector<16xi32>], vector<16xf32>,
          %add3A_2013 = arith.constant 1 : i32
          %add3A_2014 = vector.broadcast %add3A_2013 : i32 to vector<16xi32>
          %add3A_2015 = arith.addi %add3A_1978, %add3A_2014 : vector<16xi32>
          %scan3A_2016 = arith.constant 13 : i32
          %scan3A_2017 = arith.addi %scan3A_1536, %scan3A_2016 : i32
          %mul3A_2018 = arith.constant 1 : i32
          %mul3A_2019 = arith.muli %scan3A_2017, %mul3A_2018 : i32
          %add3A_2020 = arith.constant 0 : i32
          %add3A_2021 = arith.addi %add3A_2020, %mul3A_2019 : i32
          %add3A_2022 = arith.addi %mul3A_1529, %add3A_2021 : i32
          %get3A_2023 = arith.constant 2 : i32
          %get3A_2024 = arith.index_cast %get3A_2023 : i32 to index
          %get3A_2025 = arith.index_cast %add3A_2022 : i32 to index
          %get3A_2026 = arith.constant 0 : index
          %get3A_2027 = tpu.vector_load %arg8[%get3A_2024, %get3A_2025, %get3A_2026] {strides = array<i32>} : memref<4x512x32xf32, #tpu.memory_space<vmem>>, vector<16xf32>,
          %add3A_2028 = arith.addf %get3A_2027, %get3A_1130 : vector<16xf32>
          %get3A_2029 = arith.constant 2 : i32
          %get3A_2030 = arith.index_cast %get3A_2029 : i32 to index
          %get3A_2031 = arith.index_cast %add3A_2022 : i32 to index
          %get3A_2032 = arith.constant 16 : index
          %get3A_2033 = tpu.vector_load %arg8[%get3A_2030, %get3A_2031, %get3A_2032] {strides = array<i32>} : memref<4x512x32xf32, #tpu.memory_space<vmem>>, vector<16xf32>,
          %add3A_2034 = arith.addf %get3A_2033, %get3A_1133 : vector<16xf32>
          %scatter3A_2035 = arith.constant 0 : i32
          %scatter3A_2036 = arith.constant 0 : i32
          %scatter3A_2037 = arith.constant 0 : i32
          %scatter3A_2038 = arith.constant 0 : i32
          %scatter3A_2039 = tpu.memref_slice %arg9[%scatter3A_2035, %scatter3A_2036, %scatter3A_2037, %scatter3A_2038] : memref<2x4x40x129xf32, #tpu.memory_space<vmem>> -> memref<1x4x40x129xf32, #tpu.memory_space<vmem>>
          %scatter3A_2040 = tpu.memref_squeeze %scatter3A_2039 : memref<1x4x40x129xf32, #tpu.memory_space<vmem>> -> memref<4x40x129xf32, #tpu.memory_space<vmem>>
          tpu.vector_store_idx %scatter3A_2040[%select_n3A_1164, %add3A_1527, %add3A_2015], %add3A_2028 : memref<4x40x129xf32, #tpu.memory_space<vmem>>[vector<16xi32>, vector<16xi32>, vector<16xi32>], vector<16xf32>,
          %add3A_2041 = arith.constant 2 : i32
          %add3A_2042 = vector.broadcast %add3A_2041 : i32 to vector<16xi32>
          %add3A_2043 = arith.addi %select_n3A_1164, %add3A_2042 : vector<16xi32>
          %scatter3A_2044 = arith.constant 0 : i32
          %scatter3A_2045 = arith.constant 0 : i32
          %scatter3A_2046 = arith.constant 0 : i32
          %scatter3A_2047 = arith.constant 0 : i32
          %scatter3A_2048 = tpu.memref_slice %arg9[%scatter3A_2044, %scatter3A_2045, %scatter3A_2046, %scatter3A_2047] : memref<2x4x40x129xf32, #tpu.memory_space<vmem>> -> memref<1x4x40x129xf32, #tpu.memory_space<vmem>>
          %scatter3A_2049 = tpu.memref_squeeze %scatter3A_2048 : memref<1x4x40x129xf32, #tpu.memory_space<vmem>> -> memref<4x40x129xf32, #tpu.memory_space<vmem>>
          tpu.vector_store_idx %scatter3A_2049[%add3A_2043, %add3A_1527, %add3A_2015], %add3A_2034 : memref<4x40x129xf32, #tpu.memory_space<vmem>>[vector<16xi32>, vector<16xi32>, vector<16xi32>], vector<16xf32>,
          %add3A_2050 = arith.constant 1 : i32
          %add3A_2051 = vector.broadcast %add3A_2050 : i32 to vector<16xi32>
          %add3A_2052 = arith.addi %add3A_2015, %add3A_2051 : vector<16xi32>
          %scan3A_2053 = arith.constant 14 : i32
          %scan3A_2054 = arith.addi %scan3A_1536, %scan3A_2053 : i32
          %mul3A_2055 = arith.constant 1 : i32
          %mul3A_2056 = arith.muli %scan3A_2054, %mul3A_2055 : i32
          %add3A_2057 = arith.constant 0 : i32
          %add3A_2058 = arith.addi %add3A_2057, %mul3A_2056 : i32
          %add3A_2059 = arith.addi %mul3A_1529, %add3A_2058 : i32
          %get3A_2060 = arith.constant 2 : i32
          %get3A_2061 = arith.index_cast %get3A_2060 : i32 to index
          %get3A_2062 = arith.index_cast %add3A_2059 : i32 to index
          %get3A_2063 = arith.constant 0 : index
          %get3A_2064 = tpu.vector_load %arg8[%get3A_2061, %get3A_2062, %get3A_2063] {strides = array<i32>} : memref<4x512x32xf32, #tpu.memory_space<vmem>>, vector<16xf32>,
          %add3A_2065 = arith.addf %get3A_2064, %get3A_1130 : vector<16xf32>
          %get3A_2066 = arith.constant 2 : i32
          %get3A_2067 = arith.index_cast %get3A_2066 : i32 to index
          %get3A_2068 = arith.index_cast %add3A_2059 : i32 to index
          %get3A_2069 = arith.constant 16 : index
          %get3A_2070 = tpu.vector_load %arg8[%get3A_2067, %get3A_2068, %get3A_2069] {strides = array<i32>} : memref<4x512x32xf32, #tpu.memory_space<vmem>>, vector<16xf32>,
          %add3A_2071 = arith.addf %get3A_2070, %get3A_1133 : vector<16xf32>
          %scatter3A_2072 = arith.constant 0 : i32
          %scatter3A_2073 = arith.constant 0 : i32
          %scatter3A_2074 = arith.constant 0 : i32
          %scatter3A_2075 = arith.constant 0 : i32
          %scatter3A_2076 = tpu.memref_slice %arg9[%scatter3A_2072, %scatter3A_2073, %scatter3A_2074, %scatter3A_2075] : memref<2x4x40x129xf32, #tpu.memory_space<vmem>> -> memref<1x4x40x129xf32, #tpu.memory_space<vmem>>
          %scatter3A_2077 = tpu.memref_squeeze %scatter3A_2076 : memref<1x4x40x129xf32, #tpu.memory_space<vmem>> -> memref<4x40x129xf32, #tpu.memory_space<vmem>>
          tpu.vector_store_idx %scatter3A_2077[%select_n3A_1164, %add3A_1527, %add3A_2052], %add3A_2065 : memref<4x40x129xf32, #tpu.memory_space<vmem>>[vector<16xi32>, vector<16xi32>, vector<16xi32>], vector<16xf32>,
          %add3A_2078 = arith.constant 2 : i32
          %add3A_2079 = vector.broadcast %add3A_2078 : i32 to vector<16xi32>
          %add3A_2080 = arith.addi %select_n3A_1164, %add3A_2079 : vector<16xi32>
          %scatter3A_2081 = arith.constant 0 : i32
          %scatter3A_2082 = arith.constant 0 : i32
          %scatter3A_2083 = arith.constant 0 : i32
          %scatter3A_2084 = arith.constant 0 : i32
          %scatter3A_2085 = tpu.memref_slice %arg9[%scatter3A_2081, %scatter3A_2082, %scatter3A_2083, %scatter3A_2084] : memref<2x4x40x129xf32, #tpu.memory_space<vmem>> -> memref<1x4x40x129xf32, #tpu.memory_space<vmem>>
          %scatter3A_2086 = tpu.memref_squeeze %scatter3A_2085 : memref<1x4x40x129xf32, #tpu.memory_space<vmem>> -> memref<4x40x129xf32, #tpu.memory_space<vmem>>
          tpu.vector_store_idx %scatter3A_2086[%add3A_2080, %add3A_1527, %add3A_2052], %add3A_2071 : memref<4x40x129xf32, #tpu.memory_space<vmem>>[vector<16xi32>, vector<16xi32>, vector<16xi32>], vector<16xf32>,
          %add3A_2087 = arith.constant 1 : i32
          %add3A_2088 = vector.broadcast %add3A_2087 : i32 to vector<16xi32>
          %add3A_2089 = arith.addi %add3A_2052, %add3A_2088 : vector<16xi32>
          %scan3A_2090 = arith.constant 15 : i32
          %scan3A_2091 = arith.addi %scan3A_1536, %scan3A_2090 : i32
          %mul3A_2092 = arith.constant 1 : i32
          %mul3A_2093 = arith.muli %scan3A_2091, %mul3A_2092 : i32
          %add3A_2094 = arith.constant 0 : i32
          %add3A_2095 = arith.addi %add3A_2094, %mul3A_2093 : i32
          %add3A_2096 = arith.addi %mul3A_1529, %add3A_2095 : i32
          %get3A_2097 = arith.constant 2 : i32
          %get3A_2098 = arith.index_cast %get3A_2097 : i32 to index
          %get3A_2099 = arith.index_cast %add3A_2096 : i32 to index
          %get3A_2100 = arith.constant 0 : index
          %get3A_2101 = tpu.vector_load %arg8[%get3A_2098, %get3A_2099, %get3A_2100] {strides = array<i32>} : memref<4x512x32xf32, #tpu.memory_space<vmem>>, vector<16xf32>,
          %add3A_2102 = arith.addf %get3A_2101, %get3A_1130 : vector<16xf32>
          %get3A_2103 = arith.constant 2 : i32
          %get3A_2104 = arith.index_cast %get3A_2103 : i32 to index
          %get3A_2105 = arith.index_cast %add3A_2096 : i32 to index
          %get3A_2106 = arith.constant 16 : index
          %get3A_2107 = tpu.vector_load %arg8[%get3A_2104, %get3A_2105, %get3A_2106] {strides = array<i32>} : memref<4x512x32xf32, #tpu.memory_space<vmem>>, vector<16xf32>,
          %add3A_2108 = arith.addf %get3A_2107, %get3A_1133 : vector<16xf32>
          %scatter3A_2109 = arith.constant 0 : i32
          %scatter3A_2110 = arith.constant 0 : i32
          %scatter3A_2111 = arith.constant 0 : i32
          %scatter3A_2112 = arith.constant 0 : i32
          %scatter3A_2113 = tpu.memref_slice %arg9[%scatter3A_2109, %scatter3A_2110, %scatter3A_2111, %scatter3A_2112] : memref<2x4x40x129xf32, #tpu.memory_space<vmem>> -> memref<1x4x40x129xf32, #tpu.memory_space<vmem>>
          %scatter3A_2114 = tpu.memref_squeeze %scatter3A_2113 : memref<1x4x40x129xf32, #tpu.memory_space<vmem>> -> memref<4x40x129xf32, #tpu.memory_space<vmem>>
          tpu.vector_store_idx %scatter3A_2114[%select_n3A_1164, %add3A_1527, %add3A_2089], %add3A_2102 : memref<4x40x129xf32, #tpu.memory_space<vmem>>[vector<16xi32>, vector<16xi32>, vector<16xi32>], vector<16xf32>,
          %add3A_2115 = arith.constant 2 : i32
          %add3A_2116 = vector.broadcast %add3A_2115 : i32 to vector<16xi32>
          %add3A_2117 = arith.addi %select_n3A_1164, %add3A_2116 : vector<16xi32>
          %scatter3A_2118 = arith.constant 0 : i32
          %scatter3A_2119 = arith.constant 0 : i32
          %scatter3A_2120 = arith.constant 0 : i32
          %scatter3A_2121 = arith.constant 0 : i32
          %scatter3A_2122 = tpu.memref_slice %arg9[%scatter3A_2118, %scatter3A_2119, %scatter3A_2120, %scatter3A_2121] : memref<2x4x40x129xf32, #tpu.memory_space<vmem>> -> memref<1x4x40x129xf32, #tpu.memory_space<vmem>>
          %scatter3A_2123 = tpu.memref_squeeze %scatter3A_2122 : memref<1x4x40x129xf32, #tpu.memory_space<vmem>> -> memref<4x40x129xf32, #tpu.memory_space<vmem>>
          tpu.vector_store_idx %scatter3A_2123[%add3A_2117, %add3A_1527, %add3A_2089], %add3A_2108 : memref<4x40x129xf32, #tpu.memory_space<vmem>>[vector<16xi32>, vector<16xi32>, vector<16xi32>], vector<16xf32>,
          %add3A_2124 = arith.constant 1 : i32
          %add3A_2125 = vector.broadcast %add3A_2124 : i32 to vector<16xi32>
          %add3A_2126 = arith.addi %add3A_2089, %add3A_2125 : vector<16xi32>
          scf.yield %add3A_2126 : vector<16xi32>
        }
        %scan3A_1535 = arith.constant 128 : i32
      }
      %scan3A_1193 = arith.constant 4 : i32
      %mul3A_1194 = arith.constant 4 : i32
      %mul3A_1195 = arith.muli %select_n3A_1087, %mul3A_1194 : i32
      %mul3A_1196 = arith.constant 8 : i32
      %mul3A_1197 = arith.muli %mul3A_1195, %mul3A_1196 : i32
      %add3A_1198 = arith.constant 0 : i32
      %add3A_1199 = arith.addi %add3A_1198, %mul3A_1197 : i32
      %dma_start3A_1200 = arith.constant 0 : i32
      %dma_start3A_1201 = arith.constant 0 : i32
      %dma_start3A_1202 = arith.constant 0 : i32
      %dma_start3A_1203 = arith.constant 0 : i32
      %dma_start3A_1204 = tpu.memref_slice %arg9[%dma_start3A_1200, %dma_start3A_1201, %dma_start3A_1202, %dma_start3A_1203] : memref<2x4x40x129xf32, #tpu.memory_space<vmem>> -> memref<1x1x32x128xf32, #tpu.memory_space<vmem>>
      %dma_start3A_1205 = tpu.memref_squeeze %dma_start3A_1204 : memref<1x1x32x128xf32, #tpu.memory_space<vmem>> -> memref<32x128xf32, #tpu.memory_space<vmem>>
      %dma_start3A_1206 = arith.constant 0 : i32
      %dma_start3A_1207 = tpu.memref_slice %arg5[%select_n3A_1071, %add3A_1199, %dma_start3A_1206] : memref<200x4096x128xf32, #tpu.memory_space<hbm>> -> memref<1x32x128xf32, #tpu.memory_space<hbm>>
      %dma_start3A_1208 = tpu.memref_squeeze %dma_start3A_1207 : memref<1x32x128xf32, #tpu.memory_space<hbm>> -> memref<32x128xf32, #tpu.memory_space<hbm>>
      %dma_start3A_1209 = arith.constant 0 : i32
      %dma_start3A_1210 = tpu.memref_slice %arg5[%select_n3A_1071, %add3A_1199, %dma_start3A_1209] : memref<200x4096x128xf32, #tpu.memory_space<hbm>> -> memref<1x32x128xf32, #tpu.memory_space<hbm>>
      %dma_start3A_1211 = tpu.memref_squeeze %dma_start3A_1210 : memref<1x32x128xf32, #tpu.memory_space<hbm>> -> memref<32x128xf32, #tpu.memory_space<hbm>>
      %dma_start3A_1212 = arith.constant 0 : i32
      %dma_start3A_1213 = arith.constant 0 : i32
      %dma_start3A_1214 = tpu.memref_slice %arg9[%dma_start3A_1200, %dma_start3A_1201, %dma_start3A_1212, %dma_start3A_1213] : memref<2x4x40x129xf32, #tpu.memory_space<vmem>> -> memref<1x1x32x128xf32, #tpu.memory_space<vmem>>
      %dma_start3A_1215 = tpu.memref_squeeze %dma_start3A_1214 : memref<1x1x32x128xf32, #tpu.memory_space<vmem>> -> memref<32x128xf32, #tpu.memory_space<vmem>>
      tpu.enqueue_dma source(%dma_start3A_1215 : memref<32x128xf32, #tpu.memory_space<vmem>>) target(%dma_start3A_1211 : memref<32x128xf32, #tpu.memory_space<hbm>>) target_semaphore(%arg15 : memref<!tpu.dma_semaphore, #tpu.memory_space<semaphore_mem>>)
      %mul3A_1216 = arith.constant 4 : i32
      %mul3A_1217 = arith.muli %select_n3A_1087, %mul3A_1216 : i32
      %mul3A_1218 = arith.constant 8 : i32
      %mul3A_1219 = arith.muli %mul3A_1217, %mul3A_1218 : i32
      %add3A_1220 = arith.constant 1024 : i32
      %add3A_1221 = arith.addi %add3A_1220, %mul3A_1219 : i32
      %dma_start3A_1222 = arith.constant 0 : i32
      %dma_start3A_1223 = arith.constant 1 : i32
      %dma_start3A_1224 = arith.constant 0 : i32
      %dma_start3A_1225 = arith.constant 0 : i32
      %dma_start3A_1226 = tpu.memref_slice %arg9[%dma_start3A_1222, %dma_start3A_1223, %dma_start3A_1224, %dma_start3A_1225] : memref<2x4x40x129xf32, #tpu.memory_space<vmem>> -> memref<1x1x32x128xf32, #tpu.memory_space<vmem>>
      %dma_start3A_1227 = tpu.memref_squeeze %dma_start3A_1226 : memref<1x1x32x128xf32, #tpu.memory_space<vmem>> -> memref<32x128xf32, #tpu.memory_space<vmem>>
      %dma_start3A_1228 = arith.constant 0 : i32
      %dma_start3A_1229 = tpu.memref_slice %arg5[%select_n3A_1071, %add3A_1221, %dma_start3A_1228] : memref<200x4096x128xf32, #tpu.memory_space<hbm>> -> memref<1x32x128xf32, #tpu.memory_space<hbm>>
      %dma_start3A_1230 = tpu.memref_squeeze %dma_start3A_1229 : memref<1x32x128xf32, #tpu.memory_space<hbm>> -> memref<32x128xf32, #tpu.memory_space<hbm>>
      %dma_start3A_1231 = arith.constant 0 : i32
      %dma_start3A_1232 = tpu.memref_slice %arg5[%select_n3A_1071, %add3A_1221, %dma_start3A_1231] : memref<200x4096x128xf32, #tpu.memory_space<hbm>> -> memref<1x32x128xf32, #tpu.memory_space<hbm>>
      %dma_start3A_1233 = tpu.memref_squeeze %dma_start3A_1232 : memref<1x32x128xf32, #tpu.memory_space<hbm>> -> memref<32x128xf32, #tpu.memory_space<hbm>>
      %dma_start3A_1234 = arith.constant 0 : i32
      %dma_start3A_1235 = arith.constant 0 : i32
      %dma_start3A_1236 = tpu.memref_slice %arg9[%dma_start3A_1222, %dma_start3A_1223, %dma_start3A_1234, %dma_start3A_1235] : memref<2x4x40x129xf32, #tpu.memory_space<vmem>> -> memref<1x1x32x128xf32, #tpu.memory_space<vmem>>
      %dma_start3A_1237 = tpu.memref_squeeze %dma_start3A_1236 : memref<1x1x32x128xf32, #tpu.memory_space<vmem>> -> memref<32x128xf32, #tpu.memory_space<vmem>>
      tpu.enqueue_dma source(%dma_start3A_1237 : memref<32x128xf32, #tpu.memory_space<vmem>>) target(%dma_start3A_1233 : memref<32x128xf32, #tpu.memory_space<hbm>>) target_semaphore(%arg15 : memref<!tpu.dma_semaphore, #tpu.memory_space<semaphore_mem>>)
      %mul3A_1238 = arith.constant 4 : i32
      %mul3A_1239 = arith.muli %select_n3A_1087, %mul3A_1238 : i32
      %mul3A_1240 = arith.constant 8 : i32
      %mul3A_1241 = arith.muli %mul3A_1239, %mul3A_1240 : i32
      %add3A_1242 = arith.constant 2048 : i32
      %add3A_1243 = arith.addi %add3A_1242, %mul3A_1241 : i32
      %dma_start3A_1244 = arith.constant 0 : i32
      %dma_start3A_1245 = arith.constant 2 : i32
      %dma_start3A_1246 = arith.constant 0 : i32
      %dma_start3A_1247 = arith.constant 0 : i32
      %dma_start3A_1248 = tpu.memref_slice %arg9[%dma_start3A_1244, %dma_start3A_1245, %dma_start3A_1246, %dma_start3A_1247] : memref<2x4x40x129xf32, #tpu.memory_space<vmem>> -> memref<1x1x32x128xf32, #tpu.memory_space<vmem>>
      %dma_start3A_1249 = tpu.memref_squeeze %dma_start3A_1248 : memref<1x1x32x128xf32, #tpu.memory_space<vmem>> -> memref<32x128xf32, #tpu.memory_space<vmem>>
      %dma_start3A_1250 = arith.constant 0 : i32
      %dma_start3A_1251 = tpu.memref_slice %arg5[%select_n3A_1071, %add3A_1243, %dma_start3A_1250] : memref<200x4096x128xf32, #tpu.memory_space<hbm>> -> memref<1x32x128xf32, #tpu.memory_space<hbm>>
      %dma_start3A_1252 = tpu.memref_squeeze %dma_start3A_1251 : memref<1x32x128xf32, #tpu.memory_space<hbm>> -> memref<32x128xf32, #tpu.memory_space<hbm>>
      %dma_start3A_1253 = arith.constant 0 : i32
      %dma_start3A_1254 = tpu.memref_slice %arg5[%select_n3A_1071, %add3A_1243, %dma_start3A_1253] : memref<200x4096x128xf32, #tpu.memory_space<hbm>> -> memref<1x32x128xf32, #tpu.memory_space<hbm>>
      %dma_start3A_1255 = tpu.memref_squeeze %dma_start3A_1254 : memref<1x32x128xf32, #tpu.memory_space<hbm>> -> memref<32x128xf32, #tpu.memory_space<hbm>>
      %dma_start3A_1256 = arith.constant 0 : i32
      %dma_start3A_1257 = arith.constant 0 : i32
      %dma_start3A_1258 = tpu.memref_slice %arg9[%dma_start3A_1244, %dma_start3A_1245, %dma_start3A_1256, %dma_start3A_1257] : memref<2x4x40x129xf32, #tpu.memory_space<vmem>> -> memref<1x1x32x128xf32, #tpu.memory_space<vmem>>
      %dma_start3A_1259 = tpu.memref_squeeze %dma_start3A_1258 : memref<1x1x32x128xf32, #tpu.memory_space<vmem>> -> memref<32x128xf32, #tpu.memory_space<vmem>>
      tpu.enqueue_dma source(%dma_start3A_1259 : memref<32x128xf32, #tpu.memory_space<vmem>>) target(%dma_start3A_1255 : memref<32x128xf32, #tpu.memory_space<hbm>>) target_semaphore(%arg15 : memref<!tpu.dma_semaphore, #tpu.memory_space<semaphore_mem>>)
      %mul3A_1260 = arith.constant 4 : i32
      %mul3A_1261 = arith.muli %select_n3A_1087, %mul3A_1260 : i32
      %mul3A_1262 = arith.constant 8 : i32
      %mul3A_1263 = arith.muli %mul3A_1261, %mul3A_1262 : i32
      %add3A_1264 = arith.constant 3072 : i32
      %add3A_1265 = arith.addi %add3A_1264, %mul3A_1263 : i32
      %dma_start3A_1266 = arith.constant 0 : i32
      %dma_start3A_1267 = arith.constant 3 : i32
      %dma_start3A_1268 = arith.constant 0 : i32
      %dma_start3A_1269 = arith.constant 0 : i32
      %dma_start3A_1270 = tpu.memref_slice %arg9[%dma_start3A_1266, %dma_start3A_1267, %dma_start3A_1268, %dma_start3A_1269] : memref<2x4x40x129xf32, #tpu.memory_space<vmem>> -> memref<1x1x32x128xf32, #tpu.memory_space<vmem>>
      %dma_start3A_1271 = tpu.memref_squeeze %dma_start3A_1270 : memref<1x1x32x128xf32, #tpu.memory_space<vmem>> -> memref<32x128xf32, #tpu.memory_space<vmem>>
      %dma_start3A_1272 = arith.constant 0 : i32
      %dma_start3A_1273 = tpu.memref_slice %arg5[%select_n3A_1071, %add3A_1265, %dma_start3A_1272] : memref<200x4096x128xf32, #tpu.memory_space<hbm>> -> memref<1x32x128xf32, #tpu.memory_space<hbm>>
      %dma_start3A_1274 = tpu.memref_squeeze %dma_start3A_1273 : memref<1x32x128xf32, #tpu.memory_space<hbm>> -> memref<32x128xf32, #tpu.memory_space<hbm>>
      %dma_start3A_1275 = arith.constant 0 : i32
      %dma_start3A_1276 = tpu.memref_slice %arg5[%select_n3A_1071, %add3A_1265, %dma_start3A_1275] : memref<200x4096x128xf32, #tpu.memory_space<hbm>> -> memref<1x32x128xf32, #tpu.memory_space<hbm>>
      %dma_start3A_1277 = tpu.memref_squeeze %dma_start3A_1276 : memref<1x32x128xf32, #tpu.memory_space<hbm>> -> memref<32x128xf32, #tpu.memory_space<hbm>>
      %dma_start3A_1278 = arith.constant 0 : i32
      %dma_start3A_1279 = arith.constant 0 : i32
      %dma_start3A_1280 = tpu.memref_slice %arg9[%dma_start3A_1266, %dma_start3A_1267, %dma_start3A_1278, %dma_start3A_1279] : memref<2x4x40x129xf32, #tpu.memory_space<vmem>> -> memref<1x1x32x128xf32, #tpu.memory_space<vmem>>
      %dma_start3A_1281 = tpu.memref_squeeze %dma_start3A_1280 : memref<1x1x32x128xf32, #tpu.memory_space<vmem>> -> memref<32x128xf32, #tpu.memory_space<vmem>>
      tpu.enqueue_dma source(%dma_start3A_1281 : memref<32x128xf32, #tpu.memory_space<vmem>>) target(%dma_start3A_1277 : memref<32x128xf32, #tpu.memory_space<hbm>>) target_semaphore(%arg15 : memref<!tpu.dma_semaphore, #tpu.memory_space<semaphore_mem>>)
      %add3A_1282 = arith.addi %mul3A_2, %add3A_575 : i32
      %add3A_1283 = arith.constant 3 : i32
      %add3A_1284 = arith.addi %add3A_1282, %add3A_1283 : i32
      %jit3A_1285 = arith.constant 32 : i32
      %div3A_1286 = arith.divsi %add3A_1284, %jit3A_1285 : i32
      %sign3A_1287 = arith.constant 0 : i32
      %sign3A_1288 = arith.cmpi sgt, %add3A_1284, %sign3A_1287 : i32
      %sign3A_1289 = arith.extui %sign3A_1288 : i1 to i32
      %sign3A_1290 = arith.constant 0 : i32
      %sign3A_1291 = arith.cmpi slt, %add3A_1284, %sign3A_1290 : i32
      %sign3A_1292 = arith.extui %sign3A_1291 : i1 to i32
      %sign3A_1293 = arith.subi %sign3A_1289, %sign3A_1292 : i32
      %sign3A_1294 = arith.constant 0 : i32
      %sign3A_1295 = arith.cmpi sgt, %jit3A_1285, %sign3A_1294 : i32
      %sign3A_1296 = arith.extui %sign3A_1295 : i1 to i32
      %sign3A_1297 = arith.constant 0 : i32
      %sign3A_1298 = arith.cmpi slt, %jit3A_1285, %sign3A_1297 : i32
      %sign3A_1299 = arith.extui %sign3A_1298 : i1 to i32
      %sign3A_1300 = arith.subi %sign3A_1296, %sign3A_1299 : i32
      %ne3A_1301 = arith.cmpi ne, %sign3A_1293, %sign3A_1300 : i32
      %rem3A_1302 = arith.remsi %add3A_1284, %jit3A_1285 : i32
      %ne3A_1303 = arith.constant 0 : i32
      %ne3A_1304 = arith.cmpi ne, %rem3A_1302, %ne3A_1303 : i32
      %and3A_1305 = arith.andi %ne3A_1301, %ne3A_1304 : i1
      %sub3A_1306 = arith.constant 1 : i32
      %sub3A_1307 = arith.subi %div3A_1286, %sub3A_1306 : i32
      %select_n3A_1308 = arith.select %and3A_1305, %sub3A_1307, %div3A_1286 : i32
      %jit3A_1309 = arith.constant 32 : i32
      %eq3A_1310 = arith.constant 0 : i32
      %eq3A_1311 = arith.cmpi eq, %jit3A_1309, %eq3A_1310 : i32
      %jit3A_1312 = arith.constant 1 : i32
      %select_n3A_1313 = arith.select %eq3A_1311, %jit3A_1312, %jit3A_1309 : i32
      %rem3A_1314 = arith.remsi %add3A_1284, %select_n3A_1313 : i32
      %ne3A_1315 = arith.constant 0 : i32
      %ne3A_1316 = arith.cmpi ne, %rem3A_1314, %ne3A_1315 : i32
      %lt3A_1317 = arith.constant 0 : i32
      %lt3A_1318 = arith.cmpi slt, %rem3A_1314, %lt3A_1317 : i32
      %lt3A_1319 = arith.constant 0 : i32
      %lt3A_1320 = arith.cmpi slt, %select_n3A_1313, %lt3A_1319 : i32
      %ne3A_1321 = arith.xori %lt3A_1318, %lt3A_1320 : i1
      %and3A_1322 = arith.andi %ne3A_1321, %ne3A_1316 : i1
      %add3A_1323 = arith.addi %rem3A_1314, %select_n3A_1313 : i32
      %select_n3A_1324 = arith.select %and3A_1322, %add3A_1323, %rem3A_1314 : i32
      %add3A_1325 = arith.constant 3 : i32
      %add3A_1326 = arith.addi %add3A_575, %add3A_1325 : i32
      %add3A_1327 = arith.constant 2 : i32
      %add3A_1328 = arith.addi %add3A_1326, %add3A_1327 : i32
      %lt3A_1329 = arith.constant 200 : i32
      %lt3A_1330 = arith.cmpi slt, %add3A_1328, %lt3A_1329 : i32
      %convert_element_type3A_1331 = arith.extui %lt3A_1330 : i1 to i32
      %cond3A_1332 = arith.constant 0 : i32
      %cond3A_1333 = arith.cmpi ne, %convert_element_type3A_1331, %cond3A_1332 : i32
      scf.if %cond3A_1333 {
        %dma_wait3A_1519 = arith.constant 0 : i32
        %dma_wait3A_1520 = arith.constant 0 : i32
        %dma_wait3A_1521 = arith.constant 1 : i32
        %dma_wait3A_1522 = arith.constant 0 : i32
        %dma_wait3A_1523 = arith.constant 0 : i32
        %dma_wait3A_1524 = tpu.memref_slice %arg7[%dma_wait3A_1521, %dma_wait3A_1522, %dma_wait3A_1523] : memref<4x4x128xi32, #tpu.memory_space<vmem>> -> memref<1x4x128xi32, #tpu.memory_space<vmem>>
        %dma_wait3A_1525 = tpu.memref_squeeze %dma_wait3A_1524 : memref<1x4x128xi32, #tpu.memory_space<vmem>> -> memref<4x128xi32, #tpu.memory_space<vmem>>
        %dma_wait3A_1526 = arith.constant 0 : i32
        %dma_wait3A_1527 = arith.constant 0 : i32
        %dma_wait3A_1528 = tpu.memref_slice %arg3[%dma_wait3A_1519, %dma_wait3A_1526, %dma_wait3A_1520, %dma_wait3A_1527] : memref<25x128x8x128xi32, #tpu.memory_space<hbm>> -> memref<1x4x1x128xi32, #tpu.memory_space<hbm>>
        %dma_wait3A_1529 = tpu.memref_squeeze %dma_wait3A_1528 : memref<1x4x1x128xi32, #tpu.memory_space<hbm>> -> memref<4x128xi32, #tpu.memory_space<hbm>>
        %dma_wait3A_1530 = arith.constant 0 : i32
        %dma_wait3A_1531 = arith.constant 0 : i32
        %dma_wait3A_1532 = tpu.memref_slice %arg7[%dma_wait3A_1521, %dma_wait3A_1530, %dma_wait3A_1531] : memref<4x4x128xi32, #tpu.memory_space<vmem>> -> memref<1x4x128xi32, #tpu.memory_space<vmem>>
        %dma_wait3A_1533 = tpu.memref_squeeze %dma_wait3A_1532 : memref<1x4x128xi32, #tpu.memory_space<vmem>> -> memref<4x128xi32, #tpu.memory_space<vmem>>
        %dma_wait3A_1534 = arith.constant 0 : i32
        %dma_wait3A_1535 = arith.constant 0 : i32
        %dma_wait3A_1536 = tpu.memref_slice %arg3[%dma_wait3A_1519, %dma_wait3A_1534, %dma_wait3A_1520, %dma_wait3A_1535] : memref<25x128x8x128xi32, #tpu.memory_space<hbm>> -> memref<1x4x1x128xi32, #tpu.memory_space<hbm>>
        %dma_wait3A_1537 = tpu.memref_squeeze %dma_wait3A_1536 : memref<1x4x1x128xi32, #tpu.memory_space<hbm>> -> memref<4x128xi32, #tpu.memory_space<hbm>>
        tpu.wait_dma2 semaphore(%arg10 : memref<!tpu.dma_semaphore, #tpu.memory_space<semaphore_mem>>) src(%dma_wait3A_1537 : memref<4x128xi32, #tpu.memory_space<hbm>>) dst(%dma_wait3A_1533 : memref<4x128xi32, #tpu.memory_space<vmem>>)
        %dma_start3A_1538 = arith.constant 1 : i32
        %dma_start3A_1539 = arith.constant 0 : i32
        %dma_start3A_1540 = arith.constant 1 : i32
        %dma_start3A_1541 = arith.constant 0 : i32
        %dma_start3A_1542 = arith.constant 0 : i32
        %dma_start3A_1543 = tpu.memref_slice %arg8[%dma_start3A_1540, %dma_start3A_1541, %dma_start3A_1542] : memref<4x512x32xf32, #tpu.memory_space<vmem>> -> memref<1x128x32xf32, #tpu.memory_space<vmem>>
        %dma_start3A_1544 = tpu.memref_squeeze %dma_start3A_1543 : memref<1x128x32xf32, #tpu.memory_space<vmem>> -> memref<128x32xf32, #tpu.memory_space<vmem>>
        %dma_start3A_1545 = arith.constant 0 : i32
        %dma_start3A_1546 = tpu.memref_slice %arg7[%dma_start3A_1538, %dma_start3A_1539, %dma_start3A_1545] : memref<4x4x128xi32, #tpu.memory_space<vmem>> -> memref<1x1x128xi32, #tpu.memory_space<vmem>>
        %dma_start3A_1547 = tpu.memref_squeeze %dma_start3A_1546 : memref<1x1x128xi32, #tpu.memory_space<vmem>> -> memref<128xi32, #tpu.memory_space<vmem>>
        %dma_start3A_1548 = arith.constant 0 : i32
        %dma_start3A_1549 = arith.constant 0 : i32
        %dma_start3A_1550 = tpu.memref_slice %arg2[%dma_start3A_1548, %dma_start3A_1549] : memref<1000000x32xf32, #tpu.memory_space<hbm>> -> memref<1000000x32xf32, #tpu.memory_space<hbm>>
        tpu.enqueue_indirect_dma source(%dma_start3A_1550 : memref<1000000x32xf32, #tpu.memory_space<hbm>>) target(%dma_start3A_1544 : memref<128x32xf32, #tpu.memory_space<vmem>>) offsets(%dma_start3A_1547 : memref<128xi32, #tpu.memory_space<vmem>>) semaphore(%arg12 : memref<!tpu.dma_semaphore, #tpu.memory_space<semaphore_mem>>)
        %dma_start3A_1551 = arith.constant 1 : i32
        %dma_start3A_1552 = arith.constant 1 : i32
        %dma_start3A_1553 = arith.constant 1 : i32
        %dma_start3A_1554 = arith.constant 128 : i32
        %dma_start3A_1555 = arith.constant 0 : i32
        %dma_start3A_1556 = tpu.memref_slice %arg8[%dma_start3A_1553, %dma_start3A_1554, %dma_start3A_1555] : memref<4x512x32xf32, #tpu.memory_space<vmem>> -> memref<1x128x32xf32, #tpu.memory_space<vmem>>
        %dma_start3A_1557 = tpu.memref_squeeze %dma_start3A_1556 : memref<1x128x32xf32, #tpu.memory_space<vmem>> -> memref<128x32xf32, #tpu.memory_space<vmem>>
        %dma_start3A_1558 = arith.constant 0 : i32
        %dma_start3A_1559 = tpu.memref_slice %arg7[%dma_start3A_1551, %dma_start3A_1552, %dma_start3A_1558] : memref<4x4x128xi32, #tpu.memory_space<vmem>> -> memref<1x1x128xi32, #tpu.memory_space<vmem>>
        %dma_start3A_1560 = tpu.memref_squeeze %dma_start3A_1559 : memref<1x1x128xi32, #tpu.memory_space<vmem>> -> memref<128xi32, #tpu.memory_space<vmem>>
        %dma_start3A_1561 = arith.constant 0 : i32
        %dma_start3A_1562 = arith.constant 0 : i32
        %dma_start3A_1563 = tpu.memref_slice %arg2[%dma_start3A_1561, %dma_start3A_1562] : memref<1000000x32xf32, #tpu.memory_space<hbm>> -> memref<1000000x32xf32, #tpu.memory_space<hbm>>
        tpu.enqueue_indirect_dma source(%dma_start3A_1563 : memref<1000000x32xf32, #tpu.memory_space<hbm>>) target(%dma_start3A_1557 : memref<128x32xf32, #tpu.memory_space<vmem>>) offsets(%dma_start3A_1560 : memref<128xi32, #tpu.memory_space<vmem>>) semaphore(%arg12 : memref<!tpu.dma_semaphore, #tpu.memory_space<semaphore_mem>>)
        %dma_start3A_1564 = arith.constant 1 : i32
        %dma_start3A_1565 = arith.constant 2 : i32
        %dma_start3A_1566 = arith.constant 1 : i32
        %dma_start3A_1567 = arith.constant 256 : i32
        %dma_start3A_1568 = arith.constant 0 : i32
        %dma_start3A_1569 = tpu.memref_slice %arg8[%dma_start3A_1566, %dma_start3A_1567, %dma_start3A_1568] : memref<4x512x32xf32, #tpu.memory_space<vmem>> -> memref<1x128x32xf32, #tpu.memory_space<vmem>>
        %dma_start3A_1570 = tpu.memref_squeeze %dma_start3A_1569 : memref<1x128x32xf32, #tpu.memory_space<vmem>> -> memref<128x32xf32, #tpu.memory_space<vmem>>
        %dma_start3A_1571 = arith.constant 0 : i32
        %dma_start3A_1572 = tpu.memref_slice %arg7[%dma_start3A_1564, %dma_start3A_1565, %dma_start3A_1571] : memref<4x4x128xi32, #tpu.memory_space<vmem>> -> memref<1x1x128xi32, #tpu.memory_space<vmem>>
        %dma_start3A_1573 = tpu.memref_squeeze %dma_start3A_1572 : memref<1x1x128xi32, #tpu.memory_space<vmem>> -> memref<128xi32, #tpu.memory_space<vmem>>
        %dma_start3A_1574 = arith.constant 0 : i32
        %dma_start3A_1575 = arith.constant 0 : i32
        %dma_start3A_1576 = tpu.memref_slice %arg2[%dma_start3A_1574, %dma_start3A_1575] : memref<1000000x32xf32, #tpu.memory_space<hbm>> -> memref<1000000x32xf32, #tpu.memory_space<hbm>>
        tpu.enqueue_indirect_dma source(%dma_start3A_1576 : memref<1000000x32xf32, #tpu.memory_space<hbm>>) target(%dma_start3A_1570 : memref<128x32xf32, #tpu.memory_space<vmem>>) offsets(%dma_start3A_1573 : memref<128xi32, #tpu.memory_space<vmem>>) semaphore(%arg12 : memref<!tpu.dma_semaphore, #tpu.memory_space<semaphore_mem>>)
        %dma_start3A_1577 = arith.constant 1 : i32
        %dma_start3A_1578 = arith.constant 3 : i32
        %dma_start3A_1579 = arith.constant 1 : i32
        %dma_start3A_1580 = arith.constant 384 : i32
        %dma_start3A_1581 = arith.constant 0 : i32
        %dma_start3A_1582 = tpu.memref_slice %arg8[%dma_start3A_1579, %dma_start3A_1580, %dma_start3A_1581] : memref<4x512x32xf32, #tpu.memory_space<vmem>> -> memref<1x128x32xf32, #tpu.memory_space<vmem>>
        %dma_start3A_1583 = tpu.memref_squeeze %dma_start3A_1582 : memref<1x128x32xf32, #tpu.memory_space<vmem>> -> memref<128x32xf32, #tpu.memory_space<vmem>>
        %dma_start3A_1584 = arith.constant 0 : i32
        %dma_start3A_1585 = tpu.memref_slice %arg7[%dma_start3A_1577, %dma_start3A_1578, %dma_start3A_1584] : memref<4x4x128xi32, #tpu.memory_space<vmem>> -> memref<1x1x128xi32, #tpu.memory_space<vmem>>
        %dma_start3A_1586 = tpu.memref_squeeze %dma_start3A_1585 : memref<1x1x128xi32, #tpu.memory_space<vmem>> -> memref<128xi32, #tpu.memory_space<vmem>>
        %dma_start3A_1587 = arith.constant 0 : i32
        %dma_start3A_1588 = arith.constant 0 : i32
        %dma_start3A_1589 = tpu.memref_slice %arg2[%dma_start3A_1587, %dma_start3A_1588] : memref<1000000x32xf32, #tpu.memory_space<hbm>> -> memref<1000000x32xf32, #tpu.memory_space<hbm>>
        tpu.enqueue_indirect_dma source(%dma_start3A_1589 : memref<1000000x32xf32, #tpu.memory_space<hbm>>) target(%dma_start3A_1583 : memref<128x32xf32, #tpu.memory_space<vmem>>) offsets(%dma_start3A_1586 : memref<128xi32, #tpu.memory_space<vmem>>) semaphore(%arg12 : memref<!tpu.dma_semaphore, #tpu.memory_space<semaphore_mem>>)
      } else {
      }
      %dma_wait3A_1334 = arith.constant 3 : i32
      %dma_wait3A_1335 = arith.constant 0 : i32
      %dma_wait3A_1336 = arith.constant 0 : i32
      %dma_wait3A_1337 = tpu.memref_slice %arg8[%dma_wait3A_1334, %dma_wait3A_1335, %dma_wait3A_1336] : memref<4x512x32xf32, #tpu.memory_space<vmem>> -> memref<1x512x32xf32, #tpu.memory_space<vmem>>
      %dma_wait3A_1338 = tpu.memref_squeeze %dma_wait3A_1337 : memref<1x512x32xf32, #tpu.memory_space<vmem>> -> memref<512x32xf32, #tpu.memory_space<vmem>>
      %dma_wait3A_1339 = arith.constant 0 : i32
      %dma_wait3A_1340 = arith.constant 0 : i32
      %dma_wait3A_1341 = tpu.memref_slice %arg2[%dma_wait3A_1339, %dma_wait3A_1340] : memref<1000000x32xf32, #tpu.memory_space<hbm>> -> memref<512x32xf32, #tpu.memory_space<hbm>>
      %dma_wait3A_1342 = arith.constant 0 : i32
      %dma_wait3A_1343 = arith.constant 0 : i32
      %dma_wait3A_1344 = tpu.memref_slice %arg8[%dma_wait3A_1334, %dma_wait3A_1342, %dma_wait3A_1343] : memref<4x512x32xf32, #tpu.memory_space<vmem>> -> memref<1x512x32xf32, #tpu.memory_space<vmem>>
      %dma_wait3A_1345 = tpu.memref_squeeze %dma_wait3A_1344 : memref<1x512x32xf32, #tpu.memory_space<vmem>> -> memref<512x32xf32, #tpu.memory_space<vmem>>
      %dma_wait3A_1346 = arith.constant 0 : i32
      %dma_wait3A_1347 = arith.constant 0 : i32
      %dma_wait3A_1348 = tpu.memref_slice %arg2[%dma_wait3A_1346, %dma_wait3A_1347] : memref<1000000x32xf32, #tpu.memory_space<hbm>> -> memref<512x32xf32, #tpu.memory_space<hbm>>
      tpu.wait_dma2 semaphore(%arg14 : memref<!tpu.dma_semaphore, #tpu.memory_space<semaphore_mem>>) src(%dma_wait3A_1348 : memref<512x32xf32, #tpu.memory_space<hbm>>) dst(%dma_wait3A_1345 : memref<512x32xf32, #tpu.memory_space<vmem>>)
      %add3A_1349 = arith.constant 3 : i32
      %add3A_1350 = arith.addi %add3A_575, %add3A_1349 : i32
      %add3A_1351 = arith.constant 4 : i32
      %add3A_1352 = arith.addi %add3A_1350, %add3A_1351 : i32
      %lt3A_1353 = arith.constant 200 : i32
      %lt3A_1354 = arith.cmpi slt, %add3A_1352, %lt3A_1353 : i32
      %convert_element_type3A_1355 = arith.extui %lt3A_1354 : i1 to i32
      %cond3A_1356 = arith.constant 0 : i32
      %cond3A_1357 = arith.cmpi ne, %convert_element_type3A_1355, %cond3A_1356 : i32
      scf.if %cond3A_1357 {
        %add3A_1519 = arith.constant 4 : i32
        %add3A_1520 = arith.addi %add3A_1284, %add3A_1519 : i32
        %jit3A_1521 = arith.constant 32 : i32
        %div3A_1522 = arith.divsi %add3A_1520, %jit3A_1521 : i32
        %sign3A_1523 = arith.constant 0 : i32
        %sign3A_1524 = arith.cmpi sgt, %add3A_1520, %sign3A_1523 : i32
        %sign3A_1525 = arith.extui %sign3A_1524 : i1 to i32
        %sign3A_1526 = arith.constant 0 : i32
        %sign3A_1527 = arith.cmpi slt, %add3A_1520, %sign3A_1526 : i32
        %sign3A_1528 = arith.extui %sign3A_1527 : i1 to i32
        %sign3A_1529 = arith.subi %sign3A_1525, %sign3A_1528 : i32
        %sign3A_1530 = arith.constant 0 : i32
        %sign3A_1531 = arith.cmpi sgt, %jit3A_1521, %sign3A_1530 : i32
        %sign3A_1532 = arith.extui %sign3A_1531 : i1 to i32
        %sign3A_1533 = arith.constant 0 : i32
        %sign3A_1534 = arith.cmpi slt, %jit3A_1521, %sign3A_1533 : i32
        %sign3A_1535 = arith.extui %sign3A_1534 : i1 to i32
        %sign3A_1536 = arith.subi %sign3A_1532, %sign3A_1535 : i32
        %ne3A_1537 = arith.cmpi ne, %sign3A_1529, %sign3A_1536 : i32
        %rem3A_1538 = arith.remsi %add3A_1520, %jit3A_1521 : i32
        %ne3A_1539 = arith.constant 0 : i32
        %ne3A_1540 = arith.cmpi ne, %rem3A_1538, %ne3A_1539 : i32
        %and3A_1541 = arith.andi %ne3A_1537, %ne3A_1540 : i1
        %sub3A_1542 = arith.constant 1 : i32
        %sub3A_1543 = arith.subi %div3A_1522, %sub3A_1542 : i32
        %select_n3A_1544 = arith.select %and3A_1541, %sub3A_1543, %div3A_1522 : i32
        %jit3A_1545 = arith.constant 32 : i32
        %eq3A_1546 = arith.constant 0 : i32
        %eq3A_1547 = arith.cmpi eq, %jit3A_1545, %eq3A_1546 : i32
        %jit3A_1548 = arith.constant 1 : i32
        %select_n3A_1549 = arith.select %eq3A_1547, %jit3A_1548, %jit3A_1545 : i32
        %rem3A_1550 = arith.remsi %add3A_1520, %select_n3A_1549 : i32
        %ne3A_1551 = arith.constant 0 : i32
        %ne3A_1552 = arith.cmpi ne, %rem3A_1550, %ne3A_1551 : i32
        %lt3A_1553 = arith.constant 0 : i32
        %lt3A_1554 = arith.cmpi slt, %rem3A_1550, %lt3A_1553 : i32
        %lt3A_1555 = arith.constant 0 : i32
        %lt3A_1556 = arith.cmpi slt, %select_n3A_1549, %lt3A_1555 : i32
        %ne3A_1557 = arith.xori %lt3A_1554, %lt3A_1556 : i1
        %and3A_1558 = arith.andi %ne3A_1557, %ne3A_1552 : i1
        %add3A_1559 = arith.addi %rem3A_1550, %select_n3A_1549 : i32
        %select_n3A_1560 = arith.select %and3A_1558, %add3A_1559, %rem3A_1550 : i32
        %jit3A_1561 = arith.constant 8 : i32
        %div3A_1562 = arith.divsi %select_n3A_1544, %jit3A_1561 : i32
        %sign3A_1563 = arith.constant 0 : i32
        %sign3A_1564 = arith.cmpi sgt, %select_n3A_1544, %sign3A_1563 : i32
        %sign3A_1565 = arith.extui %sign3A_1564 : i1 to i32
        %sign3A_1566 = arith.constant 0 : i32
        %sign3A_1567 = arith.cmpi slt, %select_n3A_1544, %sign3A_1566 : i32
        %sign3A_1568 = arith.extui %sign3A_1567 : i1 to i32
        %sign3A_1569 = arith.subi %sign3A_1565, %sign3A_1568 : i32
        %sign3A_1570 = arith.constant 0 : i32
        %sign3A_1571 = arith.cmpi sgt, %jit3A_1561, %sign3A_1570 : i32
        %sign3A_1572 = arith.extui %sign3A_1571 : i1 to i32
        %sign3A_1573 = arith.constant 0 : i32
        %sign3A_1574 = arith.cmpi slt, %jit3A_1561, %sign3A_1573 : i32
        %sign3A_1575 = arith.extui %sign3A_1574 : i1 to i32
        %sign3A_1576 = arith.subi %sign3A_1572, %sign3A_1575 : i32
        %ne3A_1577 = arith.cmpi ne, %sign3A_1569, %sign3A_1576 : i32
        %rem3A_1578 = arith.remsi %select_n3A_1544, %jit3A_1561 : i32
        %ne3A_1579 = arith.constant 0 : i32
        %ne3A_1580 = arith.cmpi ne, %rem3A_1578, %ne3A_1579 : i32
        %and3A_1581 = arith.andi %ne3A_1577, %ne3A_1580 : i1
        %sub3A_1582 = arith.constant 1 : i32
        %sub3A_1583 = arith.subi %div3A_1562, %sub3A_1582 : i32
        %select_n3A_1584 = arith.select %and3A_1581, %sub3A_1583, %div3A_1562 : i32
        %mul3A_1585 = arith.constant 4 : i32
        %mul3A_1586 = arith.muli %select_n3A_1560, %mul3A_1585 : i32
        %jit3A_1587 = arith.constant 8 : i32
        %eq3A_1588 = arith.constant 0 : i32
        %eq3A_1589 = arith.cmpi eq, %jit3A_1587, %eq3A_1588 : i32
        %jit3A_1590 = arith.constant 1 : i32
        %select_n3A_1591 = arith.select %eq3A_1589, %jit3A_1590, %jit3A_1587 : i32
        %rem3A_1592 = arith.remsi %select_n3A_1544, %select_n3A_1591 : i32
        %ne3A_1593 = arith.constant 0 : i32
        %ne3A_1594 = arith.cmpi ne, %rem3A_1592, %ne3A_1593 : i32
        %lt3A_1595 = arith.constant 0 : i32
        %lt3A_1596 = arith.cmpi slt, %rem3A_1592, %lt3A_1595 : i32
        %lt3A_1597 = arith.constant 0 : i32
        %lt3A_1598 = arith.cmpi slt, %select_n3A_1591, %lt3A_1597 : i32
        %ne3A_1599 = arith.xori %lt3A_1596, %lt3A_1598 : i1
        %and3A_1600 = arith.andi %ne3A_1599, %ne3A_1594 : i1
        %add3A_1601 = arith.addi %rem3A_1592, %select_n3A_1591 : i32
        %select_n3A_1602 = arith.select %and3A_1600, %add3A_1601, %rem3A_1592 : i32
        %dma_start3A_1603 = arith.constant 3 : i32
        %dma_start3A_1604 = arith.constant 0 : i32
        %dma_start3A_1605 = arith.constant 0 : i32
        %dma_start3A_1606 = tpu.memref_slice %arg7[%dma_start3A_1603, %dma_start3A_1604, %dma_start3A_1605] : memref<4x4x128xi32, #tpu.memory_space<vmem>> -> memref<1x4x128xi32, #tpu.memory_space<vmem>>
        %dma_start3A_1607 = tpu.memref_squeeze %dma_start3A_1606 : memref<1x4x128xi32, #tpu.memory_space<vmem>> -> memref<4x128xi32, #tpu.memory_space<vmem>>
        %dma_start3A_1608 = arith.constant 0 : i32
        %dma_start3A_1609 = tpu.memref_slice %arg3[%select_n3A_1584, %mul3A_1586, %select_n3A_1602, %dma_start3A_1608] : memref<25x128x8x128xi32, #tpu.memory_space<hbm>> -> memref<1x4x1x128xi32, #tpu.memory_space<hbm>>
        %dma_start3A_1610 = tpu.memref_squeeze %dma_start3A_1609 : memref<1x4x1x128xi32, #tpu.memory_space<hbm>> -> memref<4x128xi32, #tpu.memory_space<hbm>>
        %dma_start3A_1611 = arith.constant 0 : i32
        %dma_start3A_1612 = arith.constant 0 : i32
        %dma_start3A_1613 = tpu.memref_slice %arg7[%dma_start3A_1603, %dma_start3A_1611, %dma_start3A_1612] : memref<4x4x128xi32, #tpu.memory_space<vmem>> -> memref<1x4x128xi32, #tpu.memory_space<vmem>>
        %dma_start3A_1614 = tpu.memref_squeeze %dma_start3A_1613 : memref<1x4x128xi32, #tpu.memory_space<vmem>> -> memref<4x128xi32, #tpu.memory_space<vmem>>
        %dma_start3A_1615 = arith.constant 0 : i32
        %dma_start3A_1616 = tpu.memref_slice %arg3[%select_n3A_1584, %mul3A_1586, %select_n3A_1602, %dma_start3A_1615] : memref<25x128x8x128xi32, #tpu.memory_space<hbm>> -> memref<1x4x1x128xi32, #tpu.memory_space<hbm>>
        %dma_start3A_1617 = tpu.memref_squeeze %dma_start3A_1616 : memref<1x4x1x128xi32, #tpu.memory_space<hbm>> -> memref<4x128xi32, #tpu.memory_space<hbm>>
        tpu.enqueue_dma source(%dma_start3A_1617 : memref<4x128xi32, #tpu.memory_space<hbm>>) target(%dma_start3A_1614 : memref<4x128xi32, #tpu.memory_space<vmem>>) target_semaphore(%arg10 : memref<!tpu.dma_semaphore, #tpu.memory_space<semaphore_mem>>)
      } else {
      }
      %add3A_1358 = arith.constant 3 : i32
      %add3A_1359 = arith.addi %add3A_575, %add3A_1358 : i32
      %ge3A_1360 = arith.constant 2 : i32
      %ge3A_1361 = arith.cmpi sge, %add3A_1359, %ge3A_1360 : i32
      %convert_element_type3A_1362 = arith.extui %ge3A_1361 : i1 to i32
      %cond3A_1363 = arith.constant 0 : i32
      %cond3A_1364 = arith.cmpi ne, %convert_element_type3A_1362, %cond3A_1363 : i32
      scf.if %cond3A_1364 {
        %dma_wait3A_1519 = arith.constant 1 : i32
        %dma_wait3A_1520 = arith.constant 0 : i32
        %dma_wait3A_1521 = arith.constant 0 : i32
        %dma_wait3A_1522 = arith.constant 0 : i32
        %dma_wait3A_1523 = arith.constant 0 : i32
        %dma_wait3A_1524 = tpu.memref_slice %arg9[%dma_wait3A_1519, %dma_wait3A_1521, %dma_wait3A_1522, %dma_wait3A_1523] : memref<2x4x40x129xf32, #tpu.memory_space<vmem>> -> memref<1x4x32x128xf32, #tpu.memory_space<vmem>>
        %dma_wait3A_1525 = tpu.memref_squeeze %dma_wait3A_1524 : memref<1x4x32x128xf32, #tpu.memory_space<vmem>> -> memref<4x32x128xf32, #tpu.memory_space<vmem>>
        %dma_wait3A_1526 = arith.constant 0 : i32
        %dma_wait3A_1527 = arith.constant 0 : i32
        %dma_wait3A_1528 = tpu.memref_slice %arg5[%dma_wait3A_1520, %dma_wait3A_1526, %dma_wait3A_1527] : memref<200x4096x128xf32, #tpu.memory_space<hbm>> -> memref<1x128x128xf32, #tpu.memory_space<hbm>>
        %dma_wait3A_1529 = tpu.memref_squeeze %dma_wait3A_1528 : memref<1x128x128xf32, #tpu.memory_space<hbm>> -> memref<128x128xf32, #tpu.memory_space<hbm>>
        %dma_wait3A_1530 = arith.constant 0 : i32
        %dma_wait3A_1531 = arith.constant 0 : i32
        %dma_wait3A_1532 = tpu.memref_slice %arg5[%dma_wait3A_1520, %dma_wait3A_1530, %dma_wait3A_1531] : memref<200x4096x128xf32, #tpu.memory_space<hbm>> -> memref<1x128x128xf32, #tpu.memory_space<hbm>>
        %dma_wait3A_1533 = tpu.memref_squeeze %dma_wait3A_1532 : memref<1x128x128xf32, #tpu.memory_space<hbm>> -> memref<128x128xf32, #tpu.memory_space<hbm>>
        %dma_wait3A_1534 = arith.constant 0 : i32
        %dma_wait3A_1535 = arith.constant 0 : i32
        %dma_wait3A_1536 = arith.constant 0 : i32
        %dma_wait3A_1537 = tpu.memref_slice %arg9[%dma_wait3A_1519, %dma_wait3A_1534, %dma_wait3A_1535, %dma_wait3A_1536] : memref<2x4x40x129xf32, #tpu.memory_space<vmem>> -> memref<1x4x32x128xf32, #tpu.memory_space<vmem>>
        %dma_wait3A_1538 = tpu.memref_squeeze %dma_wait3A_1537 : memref<1x4x32x128xf32, #tpu.memory_space<vmem>> -> memref<4x32x128xf32, #tpu.memory_space<vmem>>
        tpu.wait_dma2 semaphore(%arg16 : memref<!tpu.dma_semaphore, #tpu.memory_space<semaphore_mem>>) src(%dma_wait3A_1538 : memref<4x32x128xf32, #tpu.memory_space<vmem>>) dst(%dma_wait3A_1533 : memref<128x128xf32, #tpu.memory_space<hbm>>)
      } else {
      }
      %get3A_1365 = arith.index_cast %select_n3A_1308 : i32 to index
      %get3A_1366 = arith.constant 0 : index
      %get3A_1367 = tpu.vector_load %arg6[%get3A_1365, %get3A_1366] {strides = array<i32>} : memref<200x32xf32, #tpu.memory_space<vmem>>, vector<16xf32>,
      %get3A_1368 = arith.index_cast %select_n3A_1308 : i32 to index
      %get3A_1369 = arith.constant 16 : index
      %get3A_1370 = tpu.vector_load %arg6[%get3A_1368, %get3A_1369] {strides = array<i32>} : memref<200x32xf32, #tpu.memory_space<vmem>>, vector<16xf32>,
      %jit3A_1371 = arith.constant 8 : i32
      %div3A_1372 = vector.broadcast %jit3A_1371 : i32 to vector<16xi32>
      %div3A_1373 = arith.divsi %iota3A, %div3A_1372 : vector<16xi32>
      %sign3A_1374 = arith.constant 0 : i32
      %sign3A_1375 = vector.broadcast %sign3A_1374 : i32 to vector<16xi32>
      %sign3A_1376 = arith.cmpi sgt, %iota3A, %sign3A_1375 : vector<16xi32>
      %sign3A_1377 = arith.extui %sign3A_1376 : vector<16xi1> to vector<16xi32>
      %sign3A_1378 = arith.constant 0 : i32
      %sign3A_1379 = vector.broadcast %sign3A_1378 : i32 to vector<16xi32>
      %sign3A_1380 = arith.cmpi slt, %iota3A, %sign3A_1379 : vector<16xi32>
      %sign3A_1381 = arith.extui %sign3A_1380 : vector<16xi1> to vector<16xi32>
      %sign3A_1382 = arith.subi %sign3A_1377, %sign3A_1381 : vector<16xi32>
      %sign3A_1383 = arith.constant 0 : i32
      %sign3A_1384 = arith.cmpi sgt, %jit3A_1371, %sign3A_1383 : i32
      %sign3A_1385 = arith.extui %sign3A_1384 : i1 to i32
      %sign3A_1386 = arith.constant 0 : i32
      %sign3A_1387 = arith.cmpi slt, %jit3A_1371, %sign3A_1386 : i32
      %sign3A_1388 = arith.extui %sign3A_1387 : i1 to i32
      %sign3A_1389 = arith.subi %sign3A_1385, %sign3A_1388 : i32
      %ne3A_1390 = vector.broadcast %sign3A_1389 : i32 to vector<16xi32>
      %ne3A_1391 = arith.cmpi ne, %sign3A_1382, %ne3A_1390 : vector<16xi32>
      %rem3A_1392 = vector.broadcast %jit3A_1371 : i32 to vector<16xi32>
      %rem3A_1393 = arith.remsi %iota3A, %rem3A_1392 : vector<16xi32>
      %ne3A_1394 = arith.constant 0 : i32
      %ne3A_1395 = vector.broadcast %ne3A_1394 : i32 to vector<16xi32>
      %ne3A_1396 = arith.cmpi ne, %rem3A_1393, %ne3A_1395 : vector<16xi32>
      %and3A_1397 = arith.andi %ne3A_1391, %ne3A_1396 : vector<16xi1>
      %sub3A_1398 = arith.constant 1 : i32
      %sub3A_1399 = vector.broadcast %sub3A_1398 : i32 to vector<16xi32>
      %sub3A_1400 = arith.subi %div3A_1373, %sub3A_1399 : vector<16xi32>
      %select_n3A_1401 = arith.select %and3A_1397, %sub3A_1400, %div3A_1373 : vector<16xi1>, vector<16xi32>
      %jit3A_1402 = arith.constant 8 : i32
      %eq3A_1403 = arith.constant 0 : i32
      %eq3A_1404 = arith.cmpi eq, %jit3A_1402, %eq3A_1403 : i32
      %jit3A_1405 = arith.constant 1 : i32
      %select_n3A_1406 = arith.select %eq3A_1404, %jit3A_1405, %jit3A_1402 : i32
      %rem3A_1407 = vector.broadcast %select_n3A_1406 : i32 to vector<16xi32>
      %rem3A_1408 = arith.remsi %iota3A, %rem3A_1407 : vector<16xi32>
      %ne3A_1409 = arith.constant 0 : i32
      %ne3A_1410 = vector.broadcast %ne3A_1409 : i32 to vector<16xi32>
      %ne3A_1411 = arith.cmpi ne, %rem3A_1408, %ne3A_1410 : vector<16xi32>
      %lt3A_1412 = arith.constant 0 : i32
      %lt3A_1413 = vector.broadcast %lt3A_1412 : i32 to vector<16xi32>
      %lt3A_1414 = arith.cmpi slt, %rem3A_1408, %lt3A_1413 : vector<16xi32>
      %lt3A_1415 = arith.constant 0 : i32
      %lt3A_1416 = arith.cmpi slt, %select_n3A_1406, %lt3A_1415 : i32
      %ne3A_1417 = vector.broadcast %lt3A_1416 : i1 to vector<16xi1>
      %ne3A_1418 = vector.broadcast %ne3A_1417 : vector<16xi1> to vector<16xi1>
      %ne3A_1419 = arith.xori %lt3A_1414, %ne3A_1418 : vector<16xi1>
      %and3A_1420 = arith.andi %ne3A_1419, %ne3A_1411 : vector<16xi1>
      %add3A_1421 = vector.broadcast %select_n3A_1406 : i32 to vector<16xi32>
      %add3A_1422 = arith.addi %rem3A_1408, %add3A_1421 : vector<16xi32>
      %select_n3A_1423 = arith.select %and3A_1420, %add3A_1422, %rem3A_1408 : vector<16xi1>, vector<16xi32>
      %broadcast_in_dim3A_1424 = arith.constant 0 : i32
      %broadcast_in_dim3A_1425 = vector.broadcast %broadcast_in_dim3A_1424 : i32 to vector<16xi32>
      %scan3A_1426 = arith.constant 0 : i32
      %scan3A_1427 = arith.constant 4 : i32
      %scan3A_1428 = arith.addi %scan3A_1426, %scan3A_1427 : i32
      %scan3A_1429 = arith.constant 1 : i32
      scf.for %scan3A_1519 = %scan3A_1426 to %scan3A_1428 step %scan3A_1429  : i32 {
        %mul3A_1520 = arith.constant 1 : i32
        %mul3A_1521 = arith.muli %scan3A_1519, %mul3A_1520 : i32
        %add3A_1522 = arith.constant 0 : i32
        %add3A_1523 = arith.addi %add3A_1522, %mul3A_1521 : i32
        %mul3A_1524 = arith.constant 8 : i32
        %mul3A_1525 = arith.muli %add3A_1523, %mul3A_1524 : i32
        %add3A_1526 = vector.broadcast %mul3A_1525 : i32 to vector<16xi32>
        %add3A_1527 = arith.addi %select_n3A_1423, %add3A_1526 : vector<16xi32>
        %mul3A_1528 = arith.constant 128 : i32
        %mul3A_1529 = arith.muli %add3A_1523, %mul3A_1528 : i32
        %scan3A_1530 = arith.constant 0 : i32
        %scan3A_1531 = arith.constant 128 : i32
        %scan3A_1532 = arith.addi %scan3A_1530, %scan3A_1531 : i32
        %scan3A_1533 = arith.constant 16 : i32
        %scan3A_1534 = scf.for %scan3A_1536 = %scan3A_1530 to %scan3A_1532 step %scan3A_1533 iter_args(%scan3A_1537 = %broadcast_in_dim3A_1425) -> (vector<16xi32>)  : i32 {
          %mul3A_1538 = arith.constant 1 : i32
          %mul3A_1539 = arith.muli %scan3A_1536, %mul3A_1538 : i32
          %add3A_1540 = arith.constant 0 : i32
          %add3A_1541 = arith.addi %add3A_1540, %mul3A_1539 : i32
          %add3A_1542 = arith.addi %mul3A_1529, %add3A_1541 : i32
          %get3A_1543 = arith.constant 3 : i32
          %get3A_1544 = arith.index_cast %get3A_1543 : i32 to index
          %get3A_1545 = arith.index_cast %add3A_1542 : i32 to index
          %get3A_1546 = arith.constant 0 : index
          %get3A_1547 = tpu.vector_load %arg8[%get3A_1544, %get3A_1545, %get3A_1546] {strides = array<i32>} : memref<4x512x32xf32, #tpu.memory_space<vmem>>, vector<16xf32>,
          %add3A_1548 = arith.addf %get3A_1547, %get3A_1367 : vector<16xf32>
          %get3A_1549 = arith.constant 3 : i32
          %get3A_1550 = arith.index_cast %get3A_1549 : i32 to index
          %get3A_1551 = arith.index_cast %add3A_1542 : i32 to index
          %get3A_1552 = arith.constant 16 : index
          %get3A_1553 = tpu.vector_load %arg8[%get3A_1550, %get3A_1551, %get3A_1552] {strides = array<i32>} : memref<4x512x32xf32, #tpu.memory_space<vmem>>, vector<16xf32>,
          %add3A_1554 = arith.addf %get3A_1553, %get3A_1370 : vector<16xf32>
          %scatter3A = arith.constant 1 : i32
          %scatter3A_1555 = arith.constant 0 : i32
          %scatter3A_1556 = arith.constant 0 : i32
          %scatter3A_1557 = arith.constant 0 : i32
          %scatter3A_1558 = tpu.memref_slice %arg9[%scatter3A, %scatter3A_1555, %scatter3A_1556, %scatter3A_1557] : memref<2x4x40x129xf32, #tpu.memory_space<vmem>> -> memref<1x4x40x129xf32, #tpu.memory_space<vmem>>
          %scatter3A_1559 = tpu.memref_squeeze %scatter3A_1558 : memref<1x4x40x129xf32, #tpu.memory_space<vmem>> -> memref<4x40x129xf32, #tpu.memory_space<vmem>>
          tpu.vector_store_idx %scatter3A_1559[%select_n3A_1401, %add3A_1527, %scan3A_1537], %add3A_1548 : memref<4x40x129xf32, #tpu.memory_space<vmem>>[vector<16xi32>, vector<16xi32>, vector<16xi32>], vector<16xf32>,
          %add3A_1560 = arith.constant 2 : i32
          %add3A_1561 = vector.broadcast %add3A_1560 : i32 to vector<16xi32>
          %add3A_1562 = arith.addi %select_n3A_1401, %add3A_1561 : vector<16xi32>
          %scatter3A_1563 = arith.constant 1 : i32
          %scatter3A_1564 = arith.constant 0 : i32
          %scatter3A_1565 = arith.constant 0 : i32
          %scatter3A_1566 = arith.constant 0 : i32
          %scatter3A_1567 = tpu.memref_slice %arg9[%scatter3A_1563, %scatter3A_1564, %scatter3A_1565, %scatter3A_1566] : memref<2x4x40x129xf32, #tpu.memory_space<vmem>> -> memref<1x4x40x129xf32, #tpu.memory_space<vmem>>
          %scatter3A_1568 = tpu.memref_squeeze %scatter3A_1567 : memref<1x4x40x129xf32, #tpu.memory_space<vmem>> -> memref<4x40x129xf32, #tpu.memory_space<vmem>>
          tpu.vector_store_idx %scatter3A_1568[%add3A_1562, %add3A_1527, %scan3A_1537], %add3A_1554 : memref<4x40x129xf32, #tpu.memory_space<vmem>>[vector<16xi32>, vector<16xi32>, vector<16xi32>], vector<16xf32>,
          %add3A_1569 = arith.constant 1 : i32
          %add3A_1570 = vector.broadcast %add3A_1569 : i32 to vector<16xi32>
          %add3A_1571 = arith.addi %scan3A_1537, %add3A_1570 : vector<16xi32>
          %scan3A_1572 = arith.constant 1 : i32
          %scan3A_1573 = arith.addi %scan3A_1536, %scan3A_1572 : i32
          %mul3A_1574 = arith.constant 1 : i32
          %mul3A_1575 = arith.muli %scan3A_1573, %mul3A_1574 : i32
          %add3A_1576 = arith.constant 0 : i32
          %add3A_1577 = arith.addi %add3A_1576, %mul3A_1575 : i32
          %add3A_1578 = arith.addi %mul3A_1529, %add3A_1577 : i32
          %get3A_1579 = arith.constant 3 : i32
          %get3A_1580 = arith.index_cast %get3A_1579 : i32 to index
          %get3A_1581 = arith.index_cast %add3A_1578 : i32 to index
          %get3A_1582 = arith.constant 0 : index
          %get3A_1583 = tpu.vector_load %arg8[%get3A_1580, %get3A_1581, %get3A_1582] {strides = array<i32>} : memref<4x512x32xf32, #tpu.memory_space<vmem>>, vector<16xf32>,
          %add3A_1584 = arith.addf %get3A_1583, %get3A_1367 : vector<16xf32>
          %get3A_1585 = arith.constant 3 : i32
          %get3A_1586 = arith.index_cast %get3A_1585 : i32 to index
          %get3A_1587 = arith.index_cast %add3A_1578 : i32 to index
          %get3A_1588 = arith.constant 16 : index
          %get3A_1589 = tpu.vector_load %arg8[%get3A_1586, %get3A_1587, %get3A_1588] {strides = array<i32>} : memref<4x512x32xf32, #tpu.memory_space<vmem>>, vector<16xf32>,
          %add3A_1590 = arith.addf %get3A_1589, %get3A_1370 : vector<16xf32>
          %scatter3A_1591 = arith.constant 1 : i32
          %scatter3A_1592 = arith.constant 0 : i32
          %scatter3A_1593 = arith.constant 0 : i32
          %scatter3A_1594 = arith.constant 0 : i32
          %scatter3A_1595 = tpu.memref_slice %arg9[%scatter3A_1591, %scatter3A_1592, %scatter3A_1593, %scatter3A_1594] : memref<2x4x40x129xf32, #tpu.memory_space<vmem>> -> memref<1x4x40x129xf32, #tpu.memory_space<vmem>>
          %scatter3A_1596 = tpu.memref_squeeze %scatter3A_1595 : memref<1x4x40x129xf32, #tpu.memory_space<vmem>> -> memref<4x40x129xf32, #tpu.memory_space<vmem>>
          tpu.vector_store_idx %scatter3A_1596[%select_n3A_1401, %add3A_1527, %add3A_1571], %add3A_1584 : memref<4x40x129xf32, #tpu.memory_space<vmem>>[vector<16xi32>, vector<16xi32>, vector<16xi32>], vector<16xf32>,
          %add3A_1597 = arith.constant 2 : i32
          %add3A_1598 = vector.broadcast %add3A_1597 : i32 to vector<16xi32>
          %add3A_1599 = arith.addi %select_n3A_1401, %add3A_1598 : vector<16xi32>
          %scatter3A_1600 = arith.constant 1 : i32
          %scatter3A_1601 = arith.constant 0 : i32
          %scatter3A_1602 = arith.constant 0 : i32
          %scatter3A_1603 = arith.constant 0 : i32
          %scatter3A_1604 = tpu.memref_slice %arg9[%scatter3A_1600, %scatter3A_1601, %scatter3A_1602, %scatter3A_1603] : memref<2x4x40x129xf32, #tpu.memory_space<vmem>> -> memref<1x4x40x129xf32, #tpu.memory_space<vmem>>
          %scatter3A_1605 = tpu.memref_squeeze %scatter3A_1604 : memref<1x4x40x129xf32, #tpu.memory_space<vmem>> -> memref<4x40x129xf32, #tpu.memory_space<vmem>>
          tpu.vector_store_idx %scatter3A_1605[%add3A_1599, %add3A_1527, %add3A_1571], %add3A_1590 : memref<4x40x129xf32, #tpu.memory_space<vmem>>[vector<16xi32>, vector<16xi32>, vector<16xi32>], vector<16xf32>,
          %add3A_1606 = arith.constant 1 : i32
          %add3A_1607 = vector.broadcast %add3A_1606 : i32 to vector<16xi32>
          %add3A_1608 = arith.addi %add3A_1571, %add3A_1607 : vector<16xi32>
          %scan3A_1609 = arith.constant 2 : i32
          %scan3A_1610 = arith.addi %scan3A_1536, %scan3A_1609 : i32
          %mul3A_1611 = arith.constant 1 : i32
          %mul3A_1612 = arith.muli %scan3A_1610, %mul3A_1611 : i32
          %add3A_1613 = arith.constant 0 : i32
          %add3A_1614 = arith.addi %add3A_1613, %mul3A_1612 : i32
          %add3A_1615 = arith.addi %mul3A_1529, %add3A_1614 : i32
          %get3A_1616 = arith.constant 3 : i32
          %get3A_1617 = arith.index_cast %get3A_1616 : i32 to index
          %get3A_1618 = arith.index_cast %add3A_1615 : i32 to index
          %get3A_1619 = arith.constant 0 : index
          %get3A_1620 = tpu.vector_load %arg8[%get3A_1617, %get3A_1618, %get3A_1619] {strides = array<i32>} : memref<4x512x32xf32, #tpu.memory_space<vmem>>, vector<16xf32>,
          %add3A_1621 = arith.addf %get3A_1620, %get3A_1367 : vector<16xf32>
          %get3A_1622 = arith.constant 3 : i32
          %get3A_1623 = arith.index_cast %get3A_1622 : i32 to index
          %get3A_1624 = arith.index_cast %add3A_1615 : i32 to index
          %get3A_1625 = arith.constant 16 : index
          %get3A_1626 = tpu.vector_load %arg8[%get3A_1623, %get3A_1624, %get3A_1625] {strides = array<i32>} : memref<4x512x32xf32, #tpu.memory_space<vmem>>, vector<16xf32>,
          %add3A_1627 = arith.addf %get3A_1626, %get3A_1370 : vector<16xf32>
          %scatter3A_1628 = arith.constant 1 : i32
          %scatter3A_1629 = arith.constant 0 : i32
          %scatter3A_1630 = arith.constant 0 : i32
          %scatter3A_1631 = arith.constant 0 : i32
          %scatter3A_1632 = tpu.memref_slice %arg9[%scatter3A_1628, %scatter3A_1629, %scatter3A_1630, %scatter3A_1631] : memref<2x4x40x129xf32, #tpu.memory_space<vmem>> -> memref<1x4x40x129xf32, #tpu.memory_space<vmem>>
          %scatter3A_1633 = tpu.memref_squeeze %scatter3A_1632 : memref<1x4x40x129xf32, #tpu.memory_space<vmem>> -> memref<4x40x129xf32, #tpu.memory_space<vmem>>
          tpu.vector_store_idx %scatter3A_1633[%select_n3A_1401, %add3A_1527, %add3A_1608], %add3A_1621 : memref<4x40x129xf32, #tpu.memory_space<vmem>>[vector<16xi32>, vector<16xi32>, vector<16xi32>], vector<16xf32>,
          %add3A_1634 = arith.constant 2 : i32
          %add3A_1635 = vector.broadcast %add3A_1634 : i32 to vector<16xi32>
          %add3A_1636 = arith.addi %select_n3A_1401, %add3A_1635 : vector<16xi32>
          %scatter3A_1637 = arith.constant 1 : i32
          %scatter3A_1638 = arith.constant 0 : i32
          %scatter3A_1639 = arith.constant 0 : i32
          %scatter3A_1640 = arith.constant 0 : i32
          %scatter3A_1641 = tpu.memref_slice %arg9[%scatter3A_1637, %scatter3A_1638, %scatter3A_1639, %scatter3A_1640] : memref<2x4x40x129xf32, #tpu.memory_space<vmem>> -> memref<1x4x40x129xf32, #tpu.memory_space<vmem>>
          %scatter3A_1642 = tpu.memref_squeeze %scatter3A_1641 : memref<1x4x40x129xf32, #tpu.memory_space<vmem>> -> memref<4x40x129xf32, #tpu.memory_space<vmem>>
          tpu.vector_store_idx %scatter3A_1642[%add3A_1636, %add3A_1527, %add3A_1608], %add3A_1627 : memref<4x40x129xf32, #tpu.memory_space<vmem>>[vector<16xi32>, vector<16xi32>, vector<16xi32>], vector<16xf32>,
          %add3A_1643 = arith.constant 1 : i32
          %add3A_1644 = vector.broadcast %add3A_1643 : i32 to vector<16xi32>
          %add3A_1645 = arith.addi %add3A_1608, %add3A_1644 : vector<16xi32>
          %scan3A_1646 = arith.constant 3 : i32
          %scan3A_1647 = arith.addi %scan3A_1536, %scan3A_1646 : i32
          %mul3A_1648 = arith.constant 1 : i32
          %mul3A_1649 = arith.muli %scan3A_1647, %mul3A_1648 : i32
          %add3A_1650 = arith.constant 0 : i32
          %add3A_1651 = arith.addi %add3A_1650, %mul3A_1649 : i32
          %add3A_1652 = arith.addi %mul3A_1529, %add3A_1651 : i32
          %get3A_1653 = arith.constant 3 : i32
          %get3A_1654 = arith.index_cast %get3A_1653 : i32 to index
          %get3A_1655 = arith.index_cast %add3A_1652 : i32 to index
          %get3A_1656 = arith.constant 0 : index
          %get3A_1657 = tpu.vector_load %arg8[%get3A_1654, %get3A_1655, %get3A_1656] {strides = array<i32>} : memref<4x512x32xf32, #tpu.memory_space<vmem>>, vector<16xf32>,
          %add3A_1658 = arith.addf %get3A_1657, %get3A_1367 : vector<16xf32>
          %get3A_1659 = arith.constant 3 : i32
          %get3A_1660 = arith.index_cast %get3A_1659 : i32 to index
          %get3A_1661 = arith.index_cast %add3A_1652 : i32 to index
          %get3A_1662 = arith.constant 16 : index
          %get3A_1663 = tpu.vector_load %arg8[%get3A_1660, %get3A_1661, %get3A_1662] {strides = array<i32>} : memref<4x512x32xf32, #tpu.memory_space<vmem>>, vector<16xf32>,
          %add3A_1664 = arith.addf %get3A_1663, %get3A_1370 : vector<16xf32>
          %scatter3A_1665 = arith.constant 1 : i32
          %scatter3A_1666 = arith.constant 0 : i32
          %scatter3A_1667 = arith.constant 0 : i32
          %scatter3A_1668 = arith.constant 0 : i32
          %scatter3A_1669 = tpu.memref_slice %arg9[%scatter3A_1665, %scatter3A_1666, %scatter3A_1667, %scatter3A_1668] : memref<2x4x40x129xf32, #tpu.memory_space<vmem>> -> memref<1x4x40x129xf32, #tpu.memory_space<vmem>>
          %scatter3A_1670 = tpu.memref_squeeze %scatter3A_1669 : memref<1x4x40x129xf32, #tpu.memory_space<vmem>> -> memref<4x40x129xf32, #tpu.memory_space<vmem>>
          tpu.vector_store_idx %scatter3A_1670[%select_n3A_1401, %add3A_1527, %add3A_1645], %add3A_1658 : memref<4x40x129xf32, #tpu.memory_space<vmem>>[vector<16xi32>, vector<16xi32>, vector<16xi32>], vector<16xf32>,
          %add3A_1671 = arith.constant 2 : i32
          %add3A_1672 = vector.broadcast %add3A_1671 : i32 to vector<16xi32>
          %add3A_1673 = arith.addi %select_n3A_1401, %add3A_1672 : vector<16xi32>
          %scatter3A_1674 = arith.constant 1 : i32
          %scatter3A_1675 = arith.constant 0 : i32
          %scatter3A_1676 = arith.constant 0 : i32
          %scatter3A_1677 = arith.constant 0 : i32
          %scatter3A_1678 = tpu.memref_slice %arg9[%scatter3A_1674, %scatter3A_1675, %scatter3A_1676, %scatter3A_1677] : memref<2x4x40x129xf32, #tpu.memory_space<vmem>> -> memref<1x4x40x129xf32, #tpu.memory_space<vmem>>
          %scatter3A_1679 = tpu.memref_squeeze %scatter3A_1678 : memref<1x4x40x129xf32, #tpu.memory_space<vmem>> -> memref<4x40x129xf32, #tpu.memory_space<vmem>>
          tpu.vector_store_idx %scatter3A_1679[%add3A_1673, %add3A_1527, %add3A_1645], %add3A_1664 : memref<4x40x129xf32, #tpu.memory_space<vmem>>[vector<16xi32>, vector<16xi32>, vector<16xi32>], vector<16xf32>,
          %add3A_1680 = arith.constant 1 : i32
          %add3A_1681 = vector.broadcast %add3A_1680 : i32 to vector<16xi32>
          %add3A_1682 = arith.addi %add3A_1645, %add3A_1681 : vector<16xi32>
          %scan3A_1683 = arith.constant 4 : i32
          %scan3A_1684 = arith.addi %scan3A_1536, %scan3A_1683 : i32
          %mul3A_1685 = arith.constant 1 : i32
          %mul3A_1686 = arith.muli %scan3A_1684, %mul3A_1685 : i32
          %add3A_1687 = arith.constant 0 : i32
          %add3A_1688 = arith.addi %add3A_1687, %mul3A_1686 : i32
          %add3A_1689 = arith.addi %mul3A_1529, %add3A_1688 : i32
          %get3A_1690 = arith.constant 3 : i32
          %get3A_1691 = arith.index_cast %get3A_1690 : i32 to index
          %get3A_1692 = arith.index_cast %add3A_1689 : i32 to index
          %get3A_1693 = arith.constant 0 : index
          %get3A_1694 = tpu.vector_load %arg8[%get3A_1691, %get3A_1692, %get3A_1693] {strides = array<i32>} : memref<4x512x32xf32, #tpu.memory_space<vmem>>, vector<16xf32>,
          %add3A_1695 = arith.addf %get3A_1694, %get3A_1367 : vector<16xf32>
          %get3A_1696 = arith.constant 3 : i32
          %get3A_1697 = arith.index_cast %get3A_1696 : i32 to index
          %get3A_1698 = arith.index_cast %add3A_1689 : i32 to index
          %get3A_1699 = arith.constant 16 : index
          %get3A_1700 = tpu.vector_load %arg8[%get3A_1697, %get3A_1698, %get3A_1699] {strides = array<i32>} : memref<4x512x32xf32, #tpu.memory_space<vmem>>, vector<16xf32>,
          %add3A_1701 = arith.addf %get3A_1700, %get3A_1370 : vector<16xf32>
          %scatter3A_1702 = arith.constant 1 : i32
          %scatter3A_1703 = arith.constant 0 : i32
          %scatter3A_1704 = arith.constant 0 : i32
          %scatter3A_1705 = arith.constant 0 : i32
          %scatter3A_1706 = tpu.memref_slice %arg9[%scatter3A_1702, %scatter3A_1703, %scatter3A_1704, %scatter3A_1705] : memref<2x4x40x129xf32, #tpu.memory_space<vmem>> -> memref<1x4x40x129xf32, #tpu.memory_space<vmem>>
          %scatter3A_1707 = tpu.memref_squeeze %scatter3A_1706 : memref<1x4x40x129xf32, #tpu.memory_space<vmem>> -> memref<4x40x129xf32, #tpu.memory_space<vmem>>
          tpu.vector_store_idx %scatter3A_1707[%select_n3A_1401, %add3A_1527, %add3A_1682], %add3A_1695 : memref<4x40x129xf32, #tpu.memory_space<vmem>>[vector<16xi32>, vector<16xi32>, vector<16xi32>], vector<16xf32>,
          %add3A_1708 = arith.constant 2 : i32
          %add3A_1709 = vector.broadcast %add3A_1708 : i32 to vector<16xi32>
          %add3A_1710 = arith.addi %select_n3A_1401, %add3A_1709 : vector<16xi32>
          %scatter3A_1711 = arith.constant 1 : i32
          %scatter3A_1712 = arith.constant 0 : i32
          %scatter3A_1713 = arith.constant 0 : i32
          %scatter3A_1714 = arith.constant 0 : i32
          %scatter3A_1715 = tpu.memref_slice %arg9[%scatter3A_1711, %scatter3A_1712, %scatter3A_1713, %scatter3A_1714] : memref<2x4x40x129xf32, #tpu.memory_space<vmem>> -> memref<1x4x40x129xf32, #tpu.memory_space<vmem>>
          %scatter3A_1716 = tpu.memref_squeeze %scatter3A_1715 : memref<1x4x40x129xf32, #tpu.memory_space<vmem>> -> memref<4x40x129xf32, #tpu.memory_space<vmem>>
          tpu.vector_store_idx %scatter3A_1716[%add3A_1710, %add3A_1527, %add3A_1682], %add3A_1701 : memref<4x40x129xf32, #tpu.memory_space<vmem>>[vector<16xi32>, vector<16xi32>, vector<16xi32>], vector<16xf32>,
          %add3A_1717 = arith.constant 1 : i32
          %add3A_1718 = vector.broadcast %add3A_1717 : i32 to vector<16xi32>
          %add3A_1719 = arith.addi %add3A_1682, %add3A_1718 : vector<16xi32>
          %scan3A_1720 = arith.constant 5 : i32
          %scan3A_1721 = arith.addi %scan3A_1536, %scan3A_1720 : i32
          %mul3A_1722 = arith.constant 1 : i32
          %mul3A_1723 = arith.muli %scan3A_1721, %mul3A_1722 : i32
          %add3A_1724 = arith.constant 0 : i32
          %add3A_1725 = arith.addi %add3A_1724, %mul3A_1723 : i32
          %add3A_1726 = arith.addi %mul3A_1529, %add3A_1725 : i32
          %get3A_1727 = arith.constant 3 : i32
          %get3A_1728 = arith.index_cast %get3A_1727 : i32 to index
          %get3A_1729 = arith.index_cast %add3A_1726 : i32 to index
          %get3A_1730 = arith.constant 0 : index
          %get3A_1731 = tpu.vector_load %arg8[%get3A_1728, %get3A_1729, %get3A_1730] {strides = array<i32>} : memref<4x512x32xf32, #tpu.memory_space<vmem>>, vector<16xf32>,
          %add3A_1732 = arith.addf %get3A_1731, %get3A_1367 : vector<16xf32>
          %get3A_1733 = arith.constant 3 : i32
          %get3A_1734 = arith.index_cast %get3A_1733 : i32 to index
          %get3A_1735 = arith.index_cast %add3A_1726 : i32 to index
          %get3A_1736 = arith.constant 16 : index
          %get3A_1737 = tpu.vector_load %arg8[%get3A_1734, %get3A_1735, %get3A_1736] {strides = array<i32>} : memref<4x512x32xf32, #tpu.memory_space<vmem>>, vector<16xf32>,
          %add3A_1738 = arith.addf %get3A_1737, %get3A_1370 : vector<16xf32>
          %scatter3A_1739 = arith.constant 1 : i32
          %scatter3A_1740 = arith.constant 0 : i32
          %scatter3A_1741 = arith.constant 0 : i32
          %scatter3A_1742 = arith.constant 0 : i32
          %scatter3A_1743 = tpu.memref_slice %arg9[%scatter3A_1739, %scatter3A_1740, %scatter3A_1741, %scatter3A_1742] : memref<2x4x40x129xf32, #tpu.memory_space<vmem>> -> memref<1x4x40x129xf32, #tpu.memory_space<vmem>>
          %scatter3A_1744 = tpu.memref_squeeze %scatter3A_1743 : memref<1x4x40x129xf32, #tpu.memory_space<vmem>> -> memref<4x40x129xf32, #tpu.memory_space<vmem>>
          tpu.vector_store_idx %scatter3A_1744[%select_n3A_1401, %add3A_1527, %add3A_1719], %add3A_1732 : memref<4x40x129xf32, #tpu.memory_space<vmem>>[vector<16xi32>, vector<16xi32>, vector<16xi32>], vector<16xf32>,
          %add3A_1745 = arith.constant 2 : i32
          %add3A_1746 = vector.broadcast %add3A_1745 : i32 to vector<16xi32>
          %add3A_1747 = arith.addi %select_n3A_1401, %add3A_1746 : vector<16xi32>
          %scatter3A_1748 = arith.constant 1 : i32
          %scatter3A_1749 = arith.constant 0 : i32
          %scatter3A_1750 = arith.constant 0 : i32
          %scatter3A_1751 = arith.constant 0 : i32
          %scatter3A_1752 = tpu.memref_slice %arg9[%scatter3A_1748, %scatter3A_1749, %scatter3A_1750, %scatter3A_1751] : memref<2x4x40x129xf32, #tpu.memory_space<vmem>> -> memref<1x4x40x129xf32, #tpu.memory_space<vmem>>
          %scatter3A_1753 = tpu.memref_squeeze %scatter3A_1752 : memref<1x4x40x129xf32, #tpu.memory_space<vmem>> -> memref<4x40x129xf32, #tpu.memory_space<vmem>>
          tpu.vector_store_idx %scatter3A_1753[%add3A_1747, %add3A_1527, %add3A_1719], %add3A_1738 : memref<4x40x129xf32, #tpu.memory_space<vmem>>[vector<16xi32>, vector<16xi32>, vector<16xi32>], vector<16xf32>,
          %add3A_1754 = arith.constant 1 : i32
          %add3A_1755 = vector.broadcast %add3A_1754 : i32 to vector<16xi32>
          %add3A_1756 = arith.addi %add3A_1719, %add3A_1755 : vector<16xi32>
          %scan3A_1757 = arith.constant 6 : i32
          %scan3A_1758 = arith.addi %scan3A_1536, %scan3A_1757 : i32
          %mul3A_1759 = arith.constant 1 : i32
          %mul3A_1760 = arith.muli %scan3A_1758, %mul3A_1759 : i32
          %add3A_1761 = arith.constant 0 : i32
          %add3A_1762 = arith.addi %add3A_1761, %mul3A_1760 : i32
          %add3A_1763 = arith.addi %mul3A_1529, %add3A_1762 : i32
          %get3A_1764 = arith.constant 3 : i32
          %get3A_1765 = arith.index_cast %get3A_1764 : i32 to index
          %get3A_1766 = arith.index_cast %add3A_1763 : i32 to index
          %get3A_1767 = arith.constant 0 : index
          %get3A_1768 = tpu.vector_load %arg8[%get3A_1765, %get3A_1766, %get3A_1767] {strides = array<i32>} : memref<4x512x32xf32, #tpu.memory_space<vmem>>, vector<16xf32>,
          %add3A_1769 = arith.addf %get3A_1768, %get3A_1367 : vector<16xf32>
          %get3A_1770 = arith.constant 3 : i32
          %get3A_1771 = arith.index_cast %get3A_1770 : i32 to index
          %get3A_1772 = arith.index_cast %add3A_1763 : i32 to index
          %get3A_1773 = arith.constant 16 : index
          %get3A_1774 = tpu.vector_load %arg8[%get3A_1771, %get3A_1772, %get3A_1773] {strides = array<i32>} : memref<4x512x32xf32, #tpu.memory_space<vmem>>, vector<16xf32>,
          %add3A_1775 = arith.addf %get3A_1774, %get3A_1370 : vector<16xf32>
          %scatter3A_1776 = arith.constant 1 : i32
          %scatter3A_1777 = arith.constant 0 : i32
          %scatter3A_1778 = arith.constant 0 : i32
          %scatter3A_1779 = arith.constant 0 : i32
          %scatter3A_1780 = tpu.memref_slice %arg9[%scatter3A_1776, %scatter3A_1777, %scatter3A_1778, %scatter3A_1779] : memref<2x4x40x129xf32, #tpu.memory_space<vmem>> -> memref<1x4x40x129xf32, #tpu.memory_space<vmem>>
          %scatter3A_1781 = tpu.memref_squeeze %scatter3A_1780 : memref<1x4x40x129xf32, #tpu.memory_space<vmem>> -> memref<4x40x129xf32, #tpu.memory_space<vmem>>
          tpu.vector_store_idx %scatter3A_1781[%select_n3A_1401, %add3A_1527, %add3A_1756], %add3A_1769 : memref<4x40x129xf32, #tpu.memory_space<vmem>>[vector<16xi32>, vector<16xi32>, vector<16xi32>], vector<16xf32>,
          %add3A_1782 = arith.constant 2 : i32
          %add3A_1783 = vector.broadcast %add3A_1782 : i32 to vector<16xi32>
          %add3A_1784 = arith.addi %select_n3A_1401, %add3A_1783 : vector<16xi32>
          %scatter3A_1785 = arith.constant 1 : i32
          %scatter3A_1786 = arith.constant 0 : i32
          %scatter3A_1787 = arith.constant 0 : i32
          %scatter3A_1788 = arith.constant 0 : i32
          %scatter3A_1789 = tpu.memref_slice %arg9[%scatter3A_1785, %scatter3A_1786, %scatter3A_1787, %scatter3A_1788] : memref<2x4x40x129xf32, #tpu.memory_space<vmem>> -> memref<1x4x40x129xf32, #tpu.memory_space<vmem>>
          %scatter3A_1790 = tpu.memref_squeeze %scatter3A_1789 : memref<1x4x40x129xf32, #tpu.memory_space<vmem>> -> memref<4x40x129xf32, #tpu.memory_space<vmem>>
          tpu.vector_store_idx %scatter3A_1790[%add3A_1784, %add3A_1527, %add3A_1756], %add3A_1775 : memref<4x40x129xf32, #tpu.memory_space<vmem>>[vector<16xi32>, vector<16xi32>, vector<16xi32>], vector<16xf32>,
          %add3A_1791 = arith.constant 1 : i32
          %add3A_1792 = vector.broadcast %add3A_1791 : i32 to vector<16xi32>
          %add3A_1793 = arith.addi %add3A_1756, %add3A_1792 : vector<16xi32>
          %scan3A_1794 = arith.constant 7 : i32
          %scan3A_1795 = arith.addi %scan3A_1536, %scan3A_1794 : i32
          %mul3A_1796 = arith.constant 1 : i32
          %mul3A_1797 = arith.muli %scan3A_1795, %mul3A_1796 : i32
          %add3A_1798 = arith.constant 0 : i32
          %add3A_1799 = arith.addi %add3A_1798, %mul3A_1797 : i32
          %add3A_1800 = arith.addi %mul3A_1529, %add3A_1799 : i32
          %get3A_1801 = arith.constant 3 : i32
          %get3A_1802 = arith.index_cast %get3A_1801 : i32 to index
          %get3A_1803 = arith.index_cast %add3A_1800 : i32 to index
          %get3A_1804 = arith.constant 0 : index
          %get3A_1805 = tpu.vector_load %arg8[%get3A_1802, %get3A_1803, %get3A_1804] {strides = array<i32>} : memref<4x512x32xf32, #tpu.memory_space<vmem>>, vector<16xf32>,
          %add3A_1806 = arith.addf %get3A_1805, %get3A_1367 : vector<16xf32>
          %get3A_1807 = arith.constant 3 : i32
          %get3A_1808 = arith.index_cast %get3A_1807 : i32 to index
          %get3A_1809 = arith.index_cast %add3A_1800 : i32 to index
          %get3A_1810 = arith.constant 16 : index
          %get3A_1811 = tpu.vector_load %arg8[%get3A_1808, %get3A_1809, %get3A_1810] {strides = array<i32>} : memref<4x512x32xf32, #tpu.memory_space<vmem>>, vector<16xf32>,
          %add3A_1812 = arith.addf %get3A_1811, %get3A_1370 : vector<16xf32>
          %scatter3A_1813 = arith.constant 1 : i32
          %scatter3A_1814 = arith.constant 0 : i32
          %scatter3A_1815 = arith.constant 0 : i32
          %scatter3A_1816 = arith.constant 0 : i32
          %scatter3A_1817 = tpu.memref_slice %arg9[%scatter3A_1813, %scatter3A_1814, %scatter3A_1815, %scatter3A_1816] : memref<2x4x40x129xf32, #tpu.memory_space<vmem>> -> memref<1x4x40x129xf32, #tpu.memory_space<vmem>>
          %scatter3A_1818 = tpu.memref_squeeze %scatter3A_1817 : memref<1x4x40x129xf32, #tpu.memory_space<vmem>> -> memref<4x40x129xf32, #tpu.memory_space<vmem>>
          tpu.vector_store_idx %scatter3A_1818[%select_n3A_1401, %add3A_1527, %add3A_1793], %add3A_1806 : memref<4x40x129xf32, #tpu.memory_space<vmem>>[vector<16xi32>, vector<16xi32>, vector<16xi32>], vector<16xf32>,
          %add3A_1819 = arith.constant 2 : i32
          %add3A_1820 = vector.broadcast %add3A_1819 : i32 to vector<16xi32>
          %add3A_1821 = arith.addi %select_n3A_1401, %add3A_1820 : vector<16xi32>
          %scatter3A_1822 = arith.constant 1 : i32
          %scatter3A_1823 = arith.constant 0 : i32
          %scatter3A_1824 = arith.constant 0 : i32
          %scatter3A_1825 = arith.constant 0 : i32
          %scatter3A_1826 = tpu.memref_slice %arg9[%scatter3A_1822, %scatter3A_1823, %scatter3A_1824, %scatter3A_1825] : memref<2x4x40x129xf32, #tpu.memory_space<vmem>> -> memref<1x4x40x129xf32, #tpu.memory_space<vmem>>
          %scatter3A_1827 = tpu.memref_squeeze %scatter3A_1826 : memref<1x4x40x129xf32, #tpu.memory_space<vmem>> -> memref<4x40x129xf32, #tpu.memory_space<vmem>>
          tpu.vector_store_idx %scatter3A_1827[%add3A_1821, %add3A_1527, %add3A_1793], %add3A_1812 : memref<4x40x129xf32, #tpu.memory_space<vmem>>[vector<16xi32>, vector<16xi32>, vector<16xi32>], vector<16xf32>,
          %add3A_1828 = arith.constant 1 : i32
          %add3A_1829 = vector.broadcast %add3A_1828 : i32 to vector<16xi32>
          %add3A_1830 = arith.addi %add3A_1793, %add3A_1829 : vector<16xi32>
          %scan3A_1831 = arith.constant 8 : i32
          %scan3A_1832 = arith.addi %scan3A_1536, %scan3A_1831 : i32
          %mul3A_1833 = arith.constant 1 : i32
          %mul3A_1834 = arith.muli %scan3A_1832, %mul3A_1833 : i32
          %add3A_1835 = arith.constant 0 : i32
          %add3A_1836 = arith.addi %add3A_1835, %mul3A_1834 : i32
          %add3A_1837 = arith.addi %mul3A_1529, %add3A_1836 : i32
          %get3A_1838 = arith.constant 3 : i32
          %get3A_1839 = arith.index_cast %get3A_1838 : i32 to index
          %get3A_1840 = arith.index_cast %add3A_1837 : i32 to index
          %get3A_1841 = arith.constant 0 : index
          %get3A_1842 = tpu.vector_load %arg8[%get3A_1839, %get3A_1840, %get3A_1841] {strides = array<i32>} : memref<4x512x32xf32, #tpu.memory_space<vmem>>, vector<16xf32>,
          %add3A_1843 = arith.addf %get3A_1842, %get3A_1367 : vector<16xf32>
          %get3A_1844 = arith.constant 3 : i32
          %get3A_1845 = arith.index_cast %get3A_1844 : i32 to index
          %get3A_1846 = arith.index_cast %add3A_1837 : i32 to index
          %get3A_1847 = arith.constant 16 : index
          %get3A_1848 = tpu.vector_load %arg8[%get3A_1845, %get3A_1846, %get3A_1847] {strides = array<i32>} : memref<4x512x32xf32, #tpu.memory_space<vmem>>, vector<16xf32>,
          %add3A_1849 = arith.addf %get3A_1848, %get3A_1370 : vector<16xf32>
          %scatter3A_1850 = arith.constant 1 : i32
          %scatter3A_1851 = arith.constant 0 : i32
          %scatter3A_1852 = arith.constant 0 : i32
          %scatter3A_1853 = arith.constant 0 : i32
          %scatter3A_1854 = tpu.memref_slice %arg9[%scatter3A_1850, %scatter3A_1851, %scatter3A_1852, %scatter3A_1853] : memref<2x4x40x129xf32, #tpu.memory_space<vmem>> -> memref<1x4x40x129xf32, #tpu.memory_space<vmem>>
          %scatter3A_1855 = tpu.memref_squeeze %scatter3A_1854 : memref<1x4x40x129xf32, #tpu.memory_space<vmem>> -> memref<4x40x129xf32, #tpu.memory_space<vmem>>
          tpu.vector_store_idx %scatter3A_1855[%select_n3A_1401, %add3A_1527, %add3A_1830], %add3A_1843 : memref<4x40x129xf32, #tpu.memory_space<vmem>>[vector<16xi32>, vector<16xi32>, vector<16xi32>], vector<16xf32>,
          %add3A_1856 = arith.constant 2 : i32
          %add3A_1857 = vector.broadcast %add3A_1856 : i32 to vector<16xi32>
          %add3A_1858 = arith.addi %select_n3A_1401, %add3A_1857 : vector<16xi32>
          %scatter3A_1859 = arith.constant 1 : i32
          %scatter3A_1860 = arith.constant 0 : i32
          %scatter3A_1861 = arith.constant 0 : i32
          %scatter3A_1862 = arith.constant 0 : i32
          %scatter3A_1863 = tpu.memref_slice %arg9[%scatter3A_1859, %scatter3A_1860, %scatter3A_1861, %scatter3A_1862] : memref<2x4x40x129xf32, #tpu.memory_space<vmem>> -> memref<1x4x40x129xf32, #tpu.memory_space<vmem>>
          %scatter3A_1864 = tpu.memref_squeeze %scatter3A_1863 : memref<1x4x40x129xf32, #tpu.memory_space<vmem>> -> memref<4x40x129xf32, #tpu.memory_space<vmem>>
          tpu.vector_store_idx %scatter3A_1864[%add3A_1858, %add3A_1527, %add3A_1830], %add3A_1849 : memref<4x40x129xf32, #tpu.memory_space<vmem>>[vector<16xi32>, vector<16xi32>, vector<16xi32>], vector<16xf32>,
          %add3A_1865 = arith.constant 1 : i32
          %add3A_1866 = vector.broadcast %add3A_1865 : i32 to vector<16xi32>
          %add3A_1867 = arith.addi %add3A_1830, %add3A_1866 : vector<16xi32>
          %scan3A_1868 = arith.constant 9 : i32
          %scan3A_1869 = arith.addi %scan3A_1536, %scan3A_1868 : i32
          %mul3A_1870 = arith.constant 1 : i32
          %mul3A_1871 = arith.muli %scan3A_1869, %mul3A_1870 : i32
          %add3A_1872 = arith.constant 0 : i32
          %add3A_1873 = arith.addi %add3A_1872, %mul3A_1871 : i32
          %add3A_1874 = arith.addi %mul3A_1529, %add3A_1873 : i32
          %get3A_1875 = arith.constant 3 : i32
          %get3A_1876 = arith.index_cast %get3A_1875 : i32 to index
          %get3A_1877 = arith.index_cast %add3A_1874 : i32 to index
          %get3A_1878 = arith.constant 0 : index
          %get3A_1879 = tpu.vector_load %arg8[%get3A_1876, %get3A_1877, %get3A_1878] {strides = array<i32>} : memref<4x512x32xf32, #tpu.memory_space<vmem>>, vector<16xf32>,
          %add3A_1880 = arith.addf %get3A_1879, %get3A_1367 : vector<16xf32>
          %get3A_1881 = arith.constant 3 : i32
          %get3A_1882 = arith.index_cast %get3A_1881 : i32 to index
          %get3A_1883 = arith.index_cast %add3A_1874 : i32 to index
          %get3A_1884 = arith.constant 16 : index
          %get3A_1885 = tpu.vector_load %arg8[%get3A_1882, %get3A_1883, %get3A_1884] {strides = array<i32>} : memref<4x512x32xf32, #tpu.memory_space<vmem>>, vector<16xf32>,
          %add3A_1886 = arith.addf %get3A_1885, %get3A_1370 : vector<16xf32>
          %scatter3A_1887 = arith.constant 1 : i32
          %scatter3A_1888 = arith.constant 0 : i32
          %scatter3A_1889 = arith.constant 0 : i32
          %scatter3A_1890 = arith.constant 0 : i32
          %scatter3A_1891 = tpu.memref_slice %arg9[%scatter3A_1887, %scatter3A_1888, %scatter3A_1889, %scatter3A_1890] : memref<2x4x40x129xf32, #tpu.memory_space<vmem>> -> memref<1x4x40x129xf32, #tpu.memory_space<vmem>>
          %scatter3A_1892 = tpu.memref_squeeze %scatter3A_1891 : memref<1x4x40x129xf32, #tpu.memory_space<vmem>> -> memref<4x40x129xf32, #tpu.memory_space<vmem>>
          tpu.vector_store_idx %scatter3A_1892[%select_n3A_1401, %add3A_1527, %add3A_1867], %add3A_1880 : memref<4x40x129xf32, #tpu.memory_space<vmem>>[vector<16xi32>, vector<16xi32>, vector<16xi32>], vector<16xf32>,
          %add3A_1893 = arith.constant 2 : i32
          %add3A_1894 = vector.broadcast %add3A_1893 : i32 to vector<16xi32>
          %add3A_1895 = arith.addi %select_n3A_1401, %add3A_1894 : vector<16xi32>
          %scatter3A_1896 = arith.constant 1 : i32
          %scatter3A_1897 = arith.constant 0 : i32
          %scatter3A_1898 = arith.constant 0 : i32
          %scatter3A_1899 = arith.constant 0 : i32
          %scatter3A_1900 = tpu.memref_slice %arg9[%scatter3A_1896, %scatter3A_1897, %scatter3A_1898, %scatter3A_1899] : memref<2x4x40x129xf32, #tpu.memory_space<vmem>> -> memref<1x4x40x129xf32, #tpu.memory_space<vmem>>
          %scatter3A_1901 = tpu.memref_squeeze %scatter3A_1900 : memref<1x4x40x129xf32, #tpu.memory_space<vmem>> -> memref<4x40x129xf32, #tpu.memory_space<vmem>>
          tpu.vector_store_idx %scatter3A_1901[%add3A_1895, %add3A_1527, %add3A_1867], %add3A_1886 : memref<4x40x129xf32, #tpu.memory_space<vmem>>[vector<16xi32>, vector<16xi32>, vector<16xi32>], vector<16xf32>,
          %add3A_1902 = arith.constant 1 : i32
          %add3A_1903 = vector.broadcast %add3A_1902 : i32 to vector<16xi32>
          %add3A_1904 = arith.addi %add3A_1867, %add3A_1903 : vector<16xi32>
          %scan3A_1905 = arith.constant 10 : i32
          %scan3A_1906 = arith.addi %scan3A_1536, %scan3A_1905 : i32
          %mul3A_1907 = arith.constant 1 : i32
          %mul3A_1908 = arith.muli %scan3A_1906, %mul3A_1907 : i32
          %add3A_1909 = arith.constant 0 : i32
          %add3A_1910 = arith.addi %add3A_1909, %mul3A_1908 : i32
          %add3A_1911 = arith.addi %mul3A_1529, %add3A_1910 : i32
          %get3A_1912 = arith.constant 3 : i32
          %get3A_1913 = arith.index_cast %get3A_1912 : i32 to index
          %get3A_1914 = arith.index_cast %add3A_1911 : i32 to index
          %get3A_1915 = arith.constant 0 : index
          %get3A_1916 = tpu.vector_load %arg8[%get3A_1913, %get3A_1914, %get3A_1915] {strides = array<i32>} : memref<4x512x32xf32, #tpu.memory_space<vmem>>, vector<16xf32>,
          %add3A_1917 = arith.addf %get3A_1916, %get3A_1367 : vector<16xf32>
          %get3A_1918 = arith.constant 3 : i32
          %get3A_1919 = arith.index_cast %get3A_1918 : i32 to index
          %get3A_1920 = arith.index_cast %add3A_1911 : i32 to index
          %get3A_1921 = arith.constant 16 : index
          %get3A_1922 = tpu.vector_load %arg8[%get3A_1919, %get3A_1920, %get3A_1921] {strides = array<i32>} : memref<4x512x32xf32, #tpu.memory_space<vmem>>, vector<16xf32>,
          %add3A_1923 = arith.addf %get3A_1922, %get3A_1370 : vector<16xf32>
          %scatter3A_1924 = arith.constant 1 : i32
          %scatter3A_1925 = arith.constant 0 : i32
          %scatter3A_1926 = arith.constant 0 : i32
          %scatter3A_1927 = arith.constant 0 : i32
          %scatter3A_1928 = tpu.memref_slice %arg9[%scatter3A_1924, %scatter3A_1925, %scatter3A_1926, %scatter3A_1927] : memref<2x4x40x129xf32, #tpu.memory_space<vmem>> -> memref<1x4x40x129xf32, #tpu.memory_space<vmem>>
          %scatter3A_1929 = tpu.memref_squeeze %scatter3A_1928 : memref<1x4x40x129xf32, #tpu.memory_space<vmem>> -> memref<4x40x129xf32, #tpu.memory_space<vmem>>
          tpu.vector_store_idx %scatter3A_1929[%select_n3A_1401, %add3A_1527, %add3A_1904], %add3A_1917 : memref<4x40x129xf32, #tpu.memory_space<vmem>>[vector<16xi32>, vector<16xi32>, vector<16xi32>], vector<16xf32>,
          %add3A_1930 = arith.constant 2 : i32
          %add3A_1931 = vector.broadcast %add3A_1930 : i32 to vector<16xi32>
          %add3A_1932 = arith.addi %select_n3A_1401, %add3A_1931 : vector<16xi32>
          %scatter3A_1933 = arith.constant 1 : i32
          %scatter3A_1934 = arith.constant 0 : i32
          %scatter3A_1935 = arith.constant 0 : i32
          %scatter3A_1936 = arith.constant 0 : i32
          %scatter3A_1937 = tpu.memref_slice %arg9[%scatter3A_1933, %scatter3A_1934, %scatter3A_1935, %scatter3A_1936] : memref<2x4x40x129xf32, #tpu.memory_space<vmem>> -> memref<1x4x40x129xf32, #tpu.memory_space<vmem>>
          %scatter3A_1938 = tpu.memref_squeeze %scatter3A_1937 : memref<1x4x40x129xf32, #tpu.memory_space<vmem>> -> memref<4x40x129xf32, #tpu.memory_space<vmem>>
          tpu.vector_store_idx %scatter3A_1938[%add3A_1932, %add3A_1527, %add3A_1904], %add3A_1923 : memref<4x40x129xf32, #tpu.memory_space<vmem>>[vector<16xi32>, vector<16xi32>, vector<16xi32>], vector<16xf32>,
          %add3A_1939 = arith.constant 1 : i32
          %add3A_1940 = vector.broadcast %add3A_1939 : i32 to vector<16xi32>
          %add3A_1941 = arith.addi %add3A_1904, %add3A_1940 : vector<16xi32>
          %scan3A_1942 = arith.constant 11 : i32
          %scan3A_1943 = arith.addi %scan3A_1536, %scan3A_1942 : i32
          %mul3A_1944 = arith.constant 1 : i32
          %mul3A_1945 = arith.muli %scan3A_1943, %mul3A_1944 : i32
          %add3A_1946 = arith.constant 0 : i32
          %add3A_1947 = arith.addi %add3A_1946, %mul3A_1945 : i32
          %add3A_1948 = arith.addi %mul3A_1529, %add3A_1947 : i32
          %get3A_1949 = arith.constant 3 : i32
          %get3A_1950 = arith.index_cast %get3A_1949 : i32 to index
          %get3A_1951 = arith.index_cast %add3A_1948 : i32 to index
          %get3A_1952 = arith.constant 0 : index
          %get3A_1953 = tpu.vector_load %arg8[%get3A_1950, %get3A_1951, %get3A_1952] {strides = array<i32>} : memref<4x512x32xf32, #tpu.memory_space<vmem>>, vector<16xf32>,
          %add3A_1954 = arith.addf %get3A_1953, %get3A_1367 : vector<16xf32>
          %get3A_1955 = arith.constant 3 : i32
          %get3A_1956 = arith.index_cast %get3A_1955 : i32 to index
          %get3A_1957 = arith.index_cast %add3A_1948 : i32 to index
          %get3A_1958 = arith.constant 16 : index
          %get3A_1959 = tpu.vector_load %arg8[%get3A_1956, %get3A_1957, %get3A_1958] {strides = array<i32>} : memref<4x512x32xf32, #tpu.memory_space<vmem>>, vector<16xf32>,
          %add3A_1960 = arith.addf %get3A_1959, %get3A_1370 : vector<16xf32>
          %scatter3A_1961 = arith.constant 1 : i32
          %scatter3A_1962 = arith.constant 0 : i32
          %scatter3A_1963 = arith.constant 0 : i32
          %scatter3A_1964 = arith.constant 0 : i32
          %scatter3A_1965 = tpu.memref_slice %arg9[%scatter3A_1961, %scatter3A_1962, %scatter3A_1963, %scatter3A_1964] : memref<2x4x40x129xf32, #tpu.memory_space<vmem>> -> memref<1x4x40x129xf32, #tpu.memory_space<vmem>>
          %scatter3A_1966 = tpu.memref_squeeze %scatter3A_1965 : memref<1x4x40x129xf32, #tpu.memory_space<vmem>> -> memref<4x40x129xf32, #tpu.memory_space<vmem>>
          tpu.vector_store_idx %scatter3A_1966[%select_n3A_1401, %add3A_1527, %add3A_1941], %add3A_1954 : memref<4x40x129xf32, #tpu.memory_space<vmem>>[vector<16xi32>, vector<16xi32>, vector<16xi32>], vector<16xf32>,
          %add3A_1967 = arith.constant 2 : i32
          %add3A_1968 = vector.broadcast %add3A_1967 : i32 to vector<16xi32>
          %add3A_1969 = arith.addi %select_n3A_1401, %add3A_1968 : vector<16xi32>
          %scatter3A_1970 = arith.constant 1 : i32
          %scatter3A_1971 = arith.constant 0 : i32
          %scatter3A_1972 = arith.constant 0 : i32
          %scatter3A_1973 = arith.constant 0 : i32
          %scatter3A_1974 = tpu.memref_slice %arg9[%scatter3A_1970, %scatter3A_1971, %scatter3A_1972, %scatter3A_1973] : memref<2x4x40x129xf32, #tpu.memory_space<vmem>> -> memref<1x4x40x129xf32, #tpu.memory_space<vmem>>
          %scatter3A_1975 = tpu.memref_squeeze %scatter3A_1974 : memref<1x4x40x129xf32, #tpu.memory_space<vmem>> -> memref<4x40x129xf32, #tpu.memory_space<vmem>>
          tpu.vector_store_idx %scatter3A_1975[%add3A_1969, %add3A_1527, %add3A_1941], %add3A_1960 : memref<4x40x129xf32, #tpu.memory_space<vmem>>[vector<16xi32>, vector<16xi32>, vector<16xi32>], vector<16xf32>,
          %add3A_1976 = arith.constant 1 : i32
          %add3A_1977 = vector.broadcast %add3A_1976 : i32 to vector<16xi32>
          %add3A_1978 = arith.addi %add3A_1941, %add3A_1977 : vector<16xi32>
          %scan3A_1979 = arith.constant 12 : i32
          %scan3A_1980 = arith.addi %scan3A_1536, %scan3A_1979 : i32
          %mul3A_1981 = arith.constant 1 : i32
          %mul3A_1982 = arith.muli %scan3A_1980, %mul3A_1981 : i32
          %add3A_1983 = arith.constant 0 : i32
          %add3A_1984 = arith.addi %add3A_1983, %mul3A_1982 : i32
          %add3A_1985 = arith.addi %mul3A_1529, %add3A_1984 : i32
          %get3A_1986 = arith.constant 3 : i32
          %get3A_1987 = arith.index_cast %get3A_1986 : i32 to index
          %get3A_1988 = arith.index_cast %add3A_1985 : i32 to index
          %get3A_1989 = arith.constant 0 : index
          %get3A_1990 = tpu.vector_load %arg8[%get3A_1987, %get3A_1988, %get3A_1989] {strides = array<i32>} : memref<4x512x32xf32, #tpu.memory_space<vmem>>, vector<16xf32>,
          %add3A_1991 = arith.addf %get3A_1990, %get3A_1367 : vector<16xf32>
          %get3A_1992 = arith.constant 3 : i32
          %get3A_1993 = arith.index_cast %get3A_1992 : i32 to index
          %get3A_1994 = arith.index_cast %add3A_1985 : i32 to index
          %get3A_1995 = arith.constant 16 : index
          %get3A_1996 = tpu.vector_load %arg8[%get3A_1993, %get3A_1994, %get3A_1995] {strides = array<i32>} : memref<4x512x32xf32, #tpu.memory_space<vmem>>, vector<16xf32>,
          %add3A_1997 = arith.addf %get3A_1996, %get3A_1370 : vector<16xf32>
          %scatter3A_1998 = arith.constant 1 : i32
          %scatter3A_1999 = arith.constant 0 : i32
          %scatter3A_2000 = arith.constant 0 : i32
          %scatter3A_2001 = arith.constant 0 : i32
          %scatter3A_2002 = tpu.memref_slice %arg9[%scatter3A_1998, %scatter3A_1999, %scatter3A_2000, %scatter3A_2001] : memref<2x4x40x129xf32, #tpu.memory_space<vmem>> -> memref<1x4x40x129xf32, #tpu.memory_space<vmem>>
          %scatter3A_2003 = tpu.memref_squeeze %scatter3A_2002 : memref<1x4x40x129xf32, #tpu.memory_space<vmem>> -> memref<4x40x129xf32, #tpu.memory_space<vmem>>
          tpu.vector_store_idx %scatter3A_2003[%select_n3A_1401, %add3A_1527, %add3A_1978], %add3A_1991 : memref<4x40x129xf32, #tpu.memory_space<vmem>>[vector<16xi32>, vector<16xi32>, vector<16xi32>], vector<16xf32>,
          %add3A_2004 = arith.constant 2 : i32
          %add3A_2005 = vector.broadcast %add3A_2004 : i32 to vector<16xi32>
          %add3A_2006 = arith.addi %select_n3A_1401, %add3A_2005 : vector<16xi32>
          %scatter3A_2007 = arith.constant 1 : i32
          %scatter3A_2008 = arith.constant 0 : i32
          %scatter3A_2009 = arith.constant 0 : i32
          %scatter3A_2010 = arith.constant 0 : i32
          %scatter3A_2011 = tpu.memref_slice %arg9[%scatter3A_2007, %scatter3A_2008, %scatter3A_2009, %scatter3A_2010] : memref<2x4x40x129xf32, #tpu.memory_space<vmem>> -> memref<1x4x40x129xf32, #tpu.memory_space<vmem>>
          %scatter3A_2012 = tpu.memref_squeeze %scatter3A_2011 : memref<1x4x40x129xf32, #tpu.memory_space<vmem>> -> memref<4x40x129xf32, #tpu.memory_space<vmem>>
          tpu.vector_store_idx %scatter3A_2012[%add3A_2006, %add3A_1527, %add3A_1978], %add3A_1997 : memref<4x40x129xf32, #tpu.memory_space<vmem>>[vector<16xi32>, vector<16xi32>, vector<16xi32>], vector<16xf32>,
          %add3A_2013 = arith.constant 1 : i32
          %add3A_2014 = vector.broadcast %add3A_2013 : i32 to vector<16xi32>
          %add3A_2015 = arith.addi %add3A_1978, %add3A_2014 : vector<16xi32>
          %scan3A_2016 = arith.constant 13 : i32
          %scan3A_2017 = arith.addi %scan3A_1536, %scan3A_2016 : i32
          %mul3A_2018 = arith.constant 1 : i32
          %mul3A_2019 = arith.muli %scan3A_2017, %mul3A_2018 : i32
          %add3A_2020 = arith.constant 0 : i32
          %add3A_2021 = arith.addi %add3A_2020, %mul3A_2019 : i32
          %add3A_2022 = arith.addi %mul3A_1529, %add3A_2021 : i32
          %get3A_2023 = arith.constant 3 : i32
          %get3A_2024 = arith.index_cast %get3A_2023 : i32 to index
          %get3A_2025 = arith.index_cast %add3A_2022 : i32 to index
          %get3A_2026 = arith.constant 0 : index
          %get3A_2027 = tpu.vector_load %arg8[%get3A_2024, %get3A_2025, %get3A_2026] {strides = array<i32>} : memref<4x512x32xf32, #tpu.memory_space<vmem>>, vector<16xf32>,
          %add3A_2028 = arith.addf %get3A_2027, %get3A_1367 : vector<16xf32>
          %get3A_2029 = arith.constant 3 : i32
          %get3A_2030 = arith.index_cast %get3A_2029 : i32 to index
          %get3A_2031 = arith.index_cast %add3A_2022 : i32 to index
          %get3A_2032 = arith.constant 16 : index
          %get3A_2033 = tpu.vector_load %arg8[%get3A_2030, %get3A_2031, %get3A_2032] {strides = array<i32>} : memref<4x512x32xf32, #tpu.memory_space<vmem>>, vector<16xf32>,
          %add3A_2034 = arith.addf %get3A_2033, %get3A_1370 : vector<16xf32>
          %scatter3A_2035 = arith.constant 1 : i32
          %scatter3A_2036 = arith.constant 0 : i32
          %scatter3A_2037 = arith.constant 0 : i32
          %scatter3A_2038 = arith.constant 0 : i32
          %scatter3A_2039 = tpu.memref_slice %arg9[%scatter3A_2035, %scatter3A_2036, %scatter3A_2037, %scatter3A_2038] : memref<2x4x40x129xf32, #tpu.memory_space<vmem>> -> memref<1x4x40x129xf32, #tpu.memory_space<vmem>>
          %scatter3A_2040 = tpu.memref_squeeze %scatter3A_2039 : memref<1x4x40x129xf32, #tpu.memory_space<vmem>> -> memref<4x40x129xf32, #tpu.memory_space<vmem>>
          tpu.vector_store_idx %scatter3A_2040[%select_n3A_1401, %add3A_1527, %add3A_2015], %add3A_2028 : memref<4x40x129xf32, #tpu.memory_space<vmem>>[vector<16xi32>, vector<16xi32>, vector<16xi32>], vector<16xf32>,
          %add3A_2041 = arith.constant 2 : i32
          %add3A_2042 = vector.broadcast %add3A_2041 : i32 to vector<16xi32>
          %add3A_2043 = arith.addi %select_n3A_1401, %add3A_2042 : vector<16xi32>
          %scatter3A_2044 = arith.constant 1 : i32
          %scatter3A_2045 = arith.constant 0 : i32
          %scatter3A_2046 = arith.constant 0 : i32
          %scatter3A_2047 = arith.constant 0 : i32
          %scatter3A_2048 = tpu.memref_slice %arg9[%scatter3A_2044, %scatter3A_2045, %scatter3A_2046, %scatter3A_2047] : memref<2x4x40x129xf32, #tpu.memory_space<vmem>> -> memref<1x4x40x129xf32, #tpu.memory_space<vmem>>
          %scatter3A_2049 = tpu.memref_squeeze %scatter3A_2048 : memref<1x4x40x129xf32, #tpu.memory_space<vmem>> -> memref<4x40x129xf32, #tpu.memory_space<vmem>>
          tpu.vector_store_idx %scatter3A_2049[%add3A_2043, %add3A_1527, %add3A_2015], %add3A_2034 : memref<4x40x129xf32, #tpu.memory_space<vmem>>[vector<16xi32>, vector<16xi32>, vector<16xi32>], vector<16xf32>,
          %add3A_2050 = arith.constant 1 : i32
          %add3A_2051 = vector.broadcast %add3A_2050 : i32 to vector<16xi32>
          %add3A_2052 = arith.addi %add3A_2015, %add3A_2051 : vector<16xi32>
          %scan3A_2053 = arith.constant 14 : i32
          %scan3A_2054 = arith.addi %scan3A_1536, %scan3A_2053 : i32
          %mul3A_2055 = arith.constant 1 : i32
          %mul3A_2056 = arith.muli %scan3A_2054, %mul3A_2055 : i32
          %add3A_2057 = arith.constant 0 : i32
          %add3A_2058 = arith.addi %add3A_2057, %mul3A_2056 : i32
          %add3A_2059 = arith.addi %mul3A_1529, %add3A_2058 : i32
          %get3A_2060 = arith.constant 3 : i32
          %get3A_2061 = arith.index_cast %get3A_2060 : i32 to index
          %get3A_2062 = arith.index_cast %add3A_2059 : i32 to index
          %get3A_2063 = arith.constant 0 : index
          %get3A_2064 = tpu.vector_load %arg8[%get3A_2061, %get3A_2062, %get3A_2063] {strides = array<i32>} : memref<4x512x32xf32, #tpu.memory_space<vmem>>, vector<16xf32>,
          %add3A_2065 = arith.addf %get3A_2064, %get3A_1367 : vector<16xf32>
          %get3A_2066 = arith.constant 3 : i32
          %get3A_2067 = arith.index_cast %get3A_2066 : i32 to index
          %get3A_2068 = arith.index_cast %add3A_2059 : i32 to index
          %get3A_2069 = arith.constant 16 : index
          %get3A_2070 = tpu.vector_load %arg8[%get3A_2067, %get3A_2068, %get3A_2069] {strides = array<i32>} : memref<4x512x32xf32, #tpu.memory_space<vmem>>, vector<16xf32>,
          %add3A_2071 = arith.addf %get3A_2070, %get3A_1370 : vector<16xf32>
          %scatter3A_2072 = arith.constant 1 : i32
          %scatter3A_2073 = arith.constant 0 : i32
          %scatter3A_2074 = arith.constant 0 : i32
          %scatter3A_2075 = arith.constant 0 : i32
          %scatter3A_2076 = tpu.memref_slice %arg9[%scatter3A_2072, %scatter3A_2073, %scatter3A_2074, %scatter3A_2075] : memref<2x4x40x129xf32, #tpu.memory_space<vmem>> -> memref<1x4x40x129xf32, #tpu.memory_space<vmem>>
          %scatter3A_2077 = tpu.memref_squeeze %scatter3A_2076 : memref<1x4x40x129xf32, #tpu.memory_space<vmem>> -> memref<4x40x129xf32, #tpu.memory_space<vmem>>
          tpu.vector_store_idx %scatter3A_2077[%select_n3A_1401, %add3A_1527, %add3A_2052], %add3A_2065 : memref<4x40x129xf32, #tpu.memory_space<vmem>>[vector<16xi32>, vector<16xi32>, vector<16xi32>], vector<16xf32>,
          %add3A_2078 = arith.constant 2 : i32
          %add3A_2079 = vector.broadcast %add3A_2078 : i32 to vector<16xi32>
          %add3A_2080 = arith.addi %select_n3A_1401, %add3A_2079 : vector<16xi32>
          %scatter3A_2081 = arith.constant 1 : i32
          %scatter3A_2082 = arith.constant 0 : i32
          %scatter3A_2083 = arith.constant 0 : i32
          %scatter3A_2084 = arith.constant 0 : i32
          %scatter3A_2085 = tpu.memref_slice %arg9[%scatter3A_2081, %scatter3A_2082, %scatter3A_2083, %scatter3A_2084] : memref<2x4x40x129xf32, #tpu.memory_space<vmem>> -> memref<1x4x40x129xf32, #tpu.memory_space<vmem>>
          %scatter3A_2086 = tpu.memref_squeeze %scatter3A_2085 : memref<1x4x40x129xf32, #tpu.memory_space<vmem>> -> memref<4x40x129xf32, #tpu.memory_space<vmem>>
          tpu.vector_store_idx %scatter3A_2086[%add3A_2080, %add3A_1527, %add3A_2052], %add3A_2071 : memref<4x40x129xf32, #tpu.memory_space<vmem>>[vector<16xi32>, vector<16xi32>, vector<16xi32>], vector<16xf32>,
          %add3A_2087 = arith.constant 1 : i32
          %add3A_2088 = vector.broadcast %add3A_2087 : i32 to vector<16xi32>
          %add3A_2089 = arith.addi %add3A_2052, %add3A_2088 : vector<16xi32>
          %scan3A_2090 = arith.constant 15 : i32
          %scan3A_2091 = arith.addi %scan3A_1536, %scan3A_2090 : i32
          %mul3A_2092 = arith.constant 1 : i32
          %mul3A_2093 = arith.muli %scan3A_2091, %mul3A_2092 : i32
          %add3A_2094 = arith.constant 0 : i32
          %add3A_2095 = arith.addi %add3A_2094, %mul3A_2093 : i32
          %add3A_2096 = arith.addi %mul3A_1529, %add3A_2095 : i32
          %get3A_2097 = arith.constant 3 : i32
          %get3A_2098 = arith.index_cast %get3A_2097 : i32 to index
          %get3A_2099 = arith.index_cast %add3A_2096 : i32 to index
          %get3A_2100 = arith.constant 0 : index
          %get3A_2101 = tpu.vector_load %arg8[%get3A_2098, %get3A_2099, %get3A_2100] {strides = array<i32>} : memref<4x512x32xf32, #tpu.memory_space<vmem>>, vector<16xf32>,
          %add3A_2102 = arith.addf %get3A_2101, %get3A_1367 : vector<16xf32>
          %get3A_2103 = arith.constant 3 : i32
          %get3A_2104 = arith.index_cast %get3A_2103 : i32 to index
          %get3A_2105 = arith.index_cast %add3A_2096 : i32 to index
          %get3A_2106 = arith.constant 16 : index
          %get3A_2107 = tpu.vector_load %arg8[%get3A_2104, %get3A_2105, %get3A_2106] {strides = array<i32>} : memref<4x512x32xf32, #tpu.memory_space<vmem>>, vector<16xf32>,
          %add3A_2108 = arith.addf %get3A_2107, %get3A_1370 : vector<16xf32>
          %scatter3A_2109 = arith.constant 1 : i32
          %scatter3A_2110 = arith.constant 0 : i32
          %scatter3A_2111 = arith.constant 0 : i32
          %scatter3A_2112 = arith.constant 0 : i32
          %scatter3A_2113 = tpu.memref_slice %arg9[%scatter3A_2109, %scatter3A_2110, %scatter3A_2111, %scatter3A_2112] : memref<2x4x40x129xf32, #tpu.memory_space<vmem>> -> memref<1x4x40x129xf32, #tpu.memory_space<vmem>>
          %scatter3A_2114 = tpu.memref_squeeze %scatter3A_2113 : memref<1x4x40x129xf32, #tpu.memory_space<vmem>> -> memref<4x40x129xf32, #tpu.memory_space<vmem>>
          tpu.vector_store_idx %scatter3A_2114[%select_n3A_1401, %add3A_1527, %add3A_2089], %add3A_2102 : memref<4x40x129xf32, #tpu.memory_space<vmem>>[vector<16xi32>, vector<16xi32>, vector<16xi32>], vector<16xf32>,
          %add3A_2115 = arith.constant 2 : i32
          %add3A_2116 = vector.broadcast %add3A_2115 : i32 to vector<16xi32>
          %add3A_2117 = arith.addi %select_n3A_1401, %add3A_2116 : vector<16xi32>
          %scatter3A_2118 = arith.constant 1 : i32
          %scatter3A_2119 = arith.constant 0 : i32
          %scatter3A_2120 = arith.constant 0 : i32
          %scatter3A_2121 = arith.constant 0 : i32
          %scatter3A_2122 = tpu.memref_slice %arg9[%scatter3A_2118, %scatter3A_2119, %scatter3A_2120, %scatter3A_2121] : memref<2x4x40x129xf32, #tpu.memory_space<vmem>> -> memref<1x4x40x129xf32, #tpu.memory_space<vmem>>
          %scatter3A_2123 = tpu.memref_squeeze %scatter3A_2122 : memref<1x4x40x129xf32, #tpu.memory_space<vmem>> -> memref<4x40x129xf32, #tpu.memory_space<vmem>>
          tpu.vector_store_idx %scatter3A_2123[%add3A_2117, %add3A_1527, %add3A_2089], %add3A_2108 : memref<4x40x129xf32, #tpu.memory_space<vmem>>[vector<16xi32>, vector<16xi32>, vector<16xi32>], vector<16xf32>,
          %add3A_2124 = arith.constant 1 : i32
          %add3A_2125 = vector.broadcast %add3A_2124 : i32 to vector<16xi32>
          %add3A_2126 = arith.addi %add3A_2089, %add3A_2125 : vector<16xi32>
          scf.yield %add3A_2126 : vector<16xi32>
        }
        %scan3A_1535 = arith.constant 128 : i32
      }
      %scan3A_1430 = arith.constant 4 : i32
      %mul3A_1431 = arith.constant 4 : i32
      %mul3A_1432 = arith.muli %select_n3A_1324, %mul3A_1431 : i32
      %mul3A_1433 = arith.constant 8 : i32
      %mul3A_1434 = arith.muli %mul3A_1432, %mul3A_1433 : i32
      %add3A_1435 = arith.constant 0 : i32
      %add3A_1436 = arith.addi %add3A_1435, %mul3A_1434 : i32
      %dma_start3A_1437 = arith.constant 1 : i32
      %dma_start3A_1438 = arith.constant 0 : i32
      %dma_start3A_1439 = arith.constant 0 : i32
      %dma_start3A_1440 = arith.constant 0 : i32
      %dma_start3A_1441 = tpu.memref_slice %arg9[%dma_start3A_1437, %dma_start3A_1438, %dma_start3A_1439, %dma_start3A_1440] : memref<2x4x40x129xf32, #tpu.memory_space<vmem>> -> memref<1x1x32x128xf32, #tpu.memory_space<vmem>>
      %dma_start3A_1442 = tpu.memref_squeeze %dma_start3A_1441 : memref<1x1x32x128xf32, #tpu.memory_space<vmem>> -> memref<32x128xf32, #tpu.memory_space<vmem>>
      %dma_start3A_1443 = arith.constant 0 : i32
      %dma_start3A_1444 = tpu.memref_slice %arg5[%select_n3A_1308, %add3A_1436, %dma_start3A_1443] : memref<200x4096x128xf32, #tpu.memory_space<hbm>> -> memref<1x32x128xf32, #tpu.memory_space<hbm>>
      %dma_start3A_1445 = tpu.memref_squeeze %dma_start3A_1444 : memref<1x32x128xf32, #tpu.memory_space<hbm>> -> memref<32x128xf32, #tpu.memory_space<hbm>>
      %dma_start3A_1446 = arith.constant 0 : i32
      %dma_start3A_1447 = tpu.memref_slice %arg5[%select_n3A_1308, %add3A_1436, %dma_start3A_1446] : memref<200x4096x128xf32, #tpu.memory_space<hbm>> -> memref<1x32x128xf32, #tpu.memory_space<hbm>>
      %dma_start3A_1448 = tpu.memref_squeeze %dma_start3A_1447 : memref<1x32x128xf32, #tpu.memory_space<hbm>> -> memref<32x128xf32, #tpu.memory_space<hbm>>
      %dma_start3A_1449 = arith.constant 0 : i32
      %dma_start3A_1450 = arith.constant 0 : i32
      %dma_start3A_1451 = tpu.memref_slice %arg9[%dma_start3A_1437, %dma_start3A_1438, %dma_start3A_1449, %dma_start3A_1450] : memref<2x4x40x129xf32, #tpu.memory_space<vmem>> -> memref<1x1x32x128xf32, #tpu.memory_space<vmem>>
      %dma_start3A_1452 = tpu.memref_squeeze %dma_start3A_1451 : memref<1x1x32x128xf32, #tpu.memory_space<vmem>> -> memref<32x128xf32, #tpu.memory_space<vmem>>
      tpu.enqueue_dma source(%dma_start3A_1452 : memref<32x128xf32, #tpu.memory_space<vmem>>) target(%dma_start3A_1448 : memref<32x128xf32, #tpu.memory_space<hbm>>) target_semaphore(%arg16 : memref<!tpu.dma_semaphore, #tpu.memory_space<semaphore_mem>>)
      %mul3A_1453 = arith.constant 4 : i32
      %mul3A_1454 = arith.muli %select_n3A_1324, %mul3A_1453 : i32
      %mul3A_1455 = arith.constant 8 : i32
      %mul3A_1456 = arith.muli %mul3A_1454, %mul3A_1455 : i32
      %add3A_1457 = arith.constant 1024 : i32
      %add3A_1458 = arith.addi %add3A_1457, %mul3A_1456 : i32
      %dma_start3A_1459 = arith.constant 1 : i32
      %dma_start3A_1460 = arith.constant 1 : i32
      %dma_start3A_1461 = arith.constant 0 : i32
      %dma_start3A_1462 = arith.constant 0 : i32
      %dma_start3A_1463 = tpu.memref_slice %arg9[%dma_start3A_1459, %dma_start3A_1460, %dma_start3A_1461, %dma_start3A_1462] : memref<2x4x40x129xf32, #tpu.memory_space<vmem>> -> memref<1x1x32x128xf32, #tpu.memory_space<vmem>>
      %dma_start3A_1464 = tpu.memref_squeeze %dma_start3A_1463 : memref<1x1x32x128xf32, #tpu.memory_space<vmem>> -> memref<32x128xf32, #tpu.memory_space<vmem>>
      %dma_start3A_1465 = arith.constant 0 : i32
      %dma_start3A_1466 = tpu.memref_slice %arg5[%select_n3A_1308, %add3A_1458, %dma_start3A_1465] : memref<200x4096x128xf32, #tpu.memory_space<hbm>> -> memref<1x32x128xf32, #tpu.memory_space<hbm>>
      %dma_start3A_1467 = tpu.memref_squeeze %dma_start3A_1466 : memref<1x32x128xf32, #tpu.memory_space<hbm>> -> memref<32x128xf32, #tpu.memory_space<hbm>>
      %dma_start3A_1468 = arith.constant 0 : i32
      %dma_start3A_1469 = tpu.memref_slice %arg5[%select_n3A_1308, %add3A_1458, %dma_start3A_1468] : memref<200x4096x128xf32, #tpu.memory_space<hbm>> -> memref<1x32x128xf32, #tpu.memory_space<hbm>>
      %dma_start3A_1470 = tpu.memref_squeeze %dma_start3A_1469 : memref<1x32x128xf32, #tpu.memory_space<hbm>> -> memref<32x128xf32, #tpu.memory_space<hbm>>
      %dma_start3A_1471 = arith.constant 0 : i32
      %dma_start3A_1472 = arith.constant 0 : i32
      %dma_start3A_1473 = tpu.memref_slice %arg9[%dma_start3A_1459, %dma_start3A_1460, %dma_start3A_1471, %dma_start3A_1472] : memref<2x4x40x129xf32, #tpu.memory_space<vmem>> -> memref<1x1x32x128xf32, #tpu.memory_space<vmem>>
      %dma_start3A_1474 = tpu.memref_squeeze %dma_start3A_1473 : memref<1x1x32x128xf32, #tpu.memory_space<vmem>> -> memref<32x128xf32, #tpu.memory_space<vmem>>
      tpu.enqueue_dma source(%dma_start3A_1474 : memref<32x128xf32, #tpu.memory_space<vmem>>) target(%dma_start3A_1470 : memref<32x128xf32, #tpu.memory_space<hbm>>) target_semaphore(%arg16 : memref<!tpu.dma_semaphore, #tpu.memory_space<semaphore_mem>>)
      %mul3A_1475 = arith.constant 4 : i32
      %mul3A_1476 = arith.muli %select_n3A_1324, %mul3A_1475 : i32
      %mul3A_1477 = arith.constant 8 : i32
      %mul3A_1478 = arith.muli %mul3A_1476, %mul3A_1477 : i32
      %add3A_1479 = arith.constant 2048 : i32
      %add3A_1480 = arith.addi %add3A_1479, %mul3A_1478 : i32
      %dma_start3A_1481 = arith.constant 1 : i32
      %dma_start3A_1482 = arith.constant 2 : i32
      %dma_start3A_1483 = arith.constant 0 : i32
      %dma_start3A_1484 = arith.constant 0 : i32
      %dma_start3A_1485 = tpu.memref_slice %arg9[%dma_start3A_1481, %dma_start3A_1482, %dma_start3A_1483, %dma_start3A_1484] : memref<2x4x40x129xf32, #tpu.memory_space<vmem>> -> memref<1x1x32x128xf32, #tpu.memory_space<vmem>>
      %dma_start3A_1486 = tpu.memref_squeeze %dma_start3A_1485 : memref<1x1x32x128xf32, #tpu.memory_space<vmem>> -> memref<32x128xf32, #tpu.memory_space<vmem>>
      %dma_start3A_1487 = arith.constant 0 : i32
      %dma_start3A_1488 = tpu.memref_slice %arg5[%select_n3A_1308, %add3A_1480, %dma_start3A_1487] : memref<200x4096x128xf32, #tpu.memory_space<hbm>> -> memref<1x32x128xf32, #tpu.memory_space<hbm>>
      %dma_start3A_1489 = tpu.memref_squeeze %dma_start3A_1488 : memref<1x32x128xf32, #tpu.memory_space<hbm>> -> memref<32x128xf32, #tpu.memory_space<hbm>>
      %dma_start3A_1490 = arith.constant 0 : i32
      %dma_start3A_1491 = tpu.memref_slice %arg5[%select_n3A_1308, %add3A_1480, %dma_start3A_1490] : memref<200x4096x128xf32, #tpu.memory_space<hbm>> -> memref<1x32x128xf32, #tpu.memory_space<hbm>>
      %dma_start3A_1492 = tpu.memref_squeeze %dma_start3A_1491 : memref<1x32x128xf32, #tpu.memory_space<hbm>> -> memref<32x128xf32, #tpu.memory_space<hbm>>
      %dma_start3A_1493 = arith.constant 0 : i32
      %dma_start3A_1494 = arith.constant 0 : i32
      %dma_start3A_1495 = tpu.memref_slice %arg9[%dma_start3A_1481, %dma_start3A_1482, %dma_start3A_1493, %dma_start3A_1494] : memref<2x4x40x129xf32, #tpu.memory_space<vmem>> -> memref<1x1x32x128xf32, #tpu.memory_space<vmem>>
      %dma_start3A_1496 = tpu.memref_squeeze %dma_start3A_1495 : memref<1x1x32x128xf32, #tpu.memory_space<vmem>> -> memref<32x128xf32, #tpu.memory_space<vmem>>
      tpu.enqueue_dma source(%dma_start3A_1496 : memref<32x128xf32, #tpu.memory_space<vmem>>) target(%dma_start3A_1492 : memref<32x128xf32, #tpu.memory_space<hbm>>) target_semaphore(%arg16 : memref<!tpu.dma_semaphore, #tpu.memory_space<semaphore_mem>>)
      %mul3A_1497 = arith.constant 4 : i32
      %mul3A_1498 = arith.muli %select_n3A_1324, %mul3A_1497 : i32
      %mul3A_1499 = arith.constant 8 : i32
      %mul3A_1500 = arith.muli %mul3A_1498, %mul3A_1499 : i32
      %add3A_1501 = arith.constant 3072 : i32
      %add3A_1502 = arith.addi %add3A_1501, %mul3A_1500 : i32
      %dma_start3A_1503 = arith.constant 1 : i32
      %dma_start3A_1504 = arith.constant 3 : i32
      %dma_start3A_1505 = arith.constant 0 : i32
      %dma_start3A_1506 = arith.constant 0 : i32
      %dma_start3A_1507 = tpu.memref_slice %arg9[%dma_start3A_1503, %dma_start3A_1504, %dma_start3A_1505, %dma_start3A_1506] : memref<2x4x40x129xf32, #tpu.memory_space<vmem>> -> memref<1x1x32x128xf32, #tpu.memory_space<vmem>>
      %dma_start3A_1508 = tpu.memref_squeeze %dma_start3A_1507 : memref<1x1x32x128xf32, #tpu.memory_space<vmem>> -> memref<32x128xf32, #tpu.memory_space<vmem>>
      %dma_start3A_1509 = arith.constant 0 : i32
      %dma_start3A_1510 = tpu.memref_slice %arg5[%select_n3A_1308, %add3A_1502, %dma_start3A_1509] : memref<200x4096x128xf32, #tpu.memory_space<hbm>> -> memref<1x32x128xf32, #tpu.memory_space<hbm>>
      %dma_start3A_1511 = tpu.memref_squeeze %dma_start3A_1510 : memref<1x32x128xf32, #tpu.memory_space<hbm>> -> memref<32x128xf32, #tpu.memory_space<hbm>>
      %dma_start3A_1512 = arith.constant 0 : i32
      %dma_start3A_1513 = tpu.memref_slice %arg5[%select_n3A_1308, %add3A_1502, %dma_start3A_1512] : memref<200x4096x128xf32, #tpu.memory_space<hbm>> -> memref<1x32x128xf32, #tpu.memory_space<hbm>>
      %dma_start3A_1514 = tpu.memref_squeeze %dma_start3A_1513 : memref<1x32x128xf32, #tpu.memory_space<hbm>> -> memref<32x128xf32, #tpu.memory_space<hbm>>
      %dma_start3A_1515 = arith.constant 0 : i32
      %dma_start3A_1516 = arith.constant 0 : i32
      %dma_start3A_1517 = tpu.memref_slice %arg9[%dma_start3A_1503, %dma_start3A_1504, %dma_start3A_1515, %dma_start3A_1516] : memref<2x4x40x129xf32, #tpu.memory_space<vmem>> -> memref<1x1x32x128xf32, #tpu.memory_space<vmem>>
      %dma_start3A_1518 = tpu.memref_squeeze %dma_start3A_1517 : memref<1x1x32x128xf32, #tpu.memory_space<vmem>> -> memref<32x128xf32, #tpu.memory_space<vmem>>
      tpu.enqueue_dma source(%dma_start3A_1518 : memref<32x128xf32, #tpu.memory_space<vmem>>) target(%dma_start3A_1514 : memref<32x128xf32, #tpu.memory_space<hbm>>) target_semaphore(%arg16 : memref<!tpu.dma_semaphore, #tpu.memory_space<semaphore_mem>>)
    }
    %scan3A_530 = arith.constant 50 : i32
    %dma_wait3A_531 = arith.constant 0 : i32
    %dma_wait3A_532 = arith.constant 0 : i32
    %dma_wait3A_533 = arith.constant 0 : i32
    %dma_wait3A_534 = arith.constant 0 : i32
    %dma_wait3A_535 = arith.constant 0 : i32
    %dma_wait3A_536 = tpu.memref_slice %arg9[%dma_wait3A_531, %dma_wait3A_533, %dma_wait3A_534, %dma_wait3A_535] : memref<2x4x40x129xf32, #tpu.memory_space<vmem>> -> memref<1x4x32x128xf32, #tpu.memory_space<vmem>>
    %dma_wait3A_537 = tpu.memref_squeeze %dma_wait3A_536 : memref<1x4x32x128xf32, #tpu.memory_space<vmem>> -> memref<4x32x128xf32, #tpu.memory_space<vmem>>
    %dma_wait3A_538 = arith.constant 0 : i32
    %dma_wait3A_539 = arith.constant 0 : i32
    %dma_wait3A_540 = tpu.memref_slice %arg5[%dma_wait3A_532, %dma_wait3A_538, %dma_wait3A_539] : memref<200x4096x128xf32, #tpu.memory_space<hbm>> -> memref<1x128x128xf32, #tpu.memory_space<hbm>>
    %dma_wait3A_541 = tpu.memref_squeeze %dma_wait3A_540 : memref<1x128x128xf32, #tpu.memory_space<hbm>> -> memref<128x128xf32, #tpu.memory_space<hbm>>
    %dma_wait3A_542 = arith.constant 0 : i32
    %dma_wait3A_543 = arith.constant 0 : i32
    %dma_wait3A_544 = tpu.memref_slice %arg5[%dma_wait3A_532, %dma_wait3A_542, %dma_wait3A_543] : memref<200x4096x128xf32, #tpu.memory_space<hbm>> -> memref<1x128x128xf32, #tpu.memory_space<hbm>>
    %dma_wait3A_545 = tpu.memref_squeeze %dma_wait3A_544 : memref<1x128x128xf32, #tpu.memory_space<hbm>> -> memref<128x128xf32, #tpu.memory_space<hbm>>
    %dma_wait3A_546 = arith.constant 0 : i32
    %dma_wait3A_547 = arith.constant 0 : i32
    %dma_wait3A_548 = arith.constant 0 : i32
    %dma_wait3A_549 = tpu.memref_slice %arg9[%dma_wait3A_531, %dma_wait3A_546, %dma_wait3A_547, %dma_wait3A_548] : memref<2x4x40x129xf32, #tpu.memory_space<vmem>> -> memref<1x4x32x128xf32, #tpu.memory_space<vmem>>
    %dma_wait3A_550 = tpu.memref_squeeze %dma_wait3A_549 : memref<1x4x32x128xf32, #tpu.memory_space<vmem>> -> memref<4x32x128xf32, #tpu.memory_space<vmem>>
    tpu.wait_dma2 semaphore(%arg15 : memref<!tpu.dma_semaphore, #tpu.memory_space<semaphore_mem>>) src(%dma_wait3A_550 : memref<4x32x128xf32, #tpu.memory_space<vmem>>) dst(%dma_wait3A_545 : memref<128x128xf32, #tpu.memory_space<hbm>>)
    %dma_wait3A_551 = arith.constant 1 : i32
    %dma_wait3A_552 = arith.constant 0 : i32
    %dma_wait3A_553 = arith.constant 0 : i32
    %dma_wait3A_554 = arith.constant 0 : i32
    %dma_wait3A_555 = arith.constant 0 : i32
    %dma_wait3A_556 = tpu.memref_slice %arg9[%dma_wait3A_551, %dma_wait3A_553, %dma_wait3A_554, %dma_wait3A_555] : memref<2x4x40x129xf32, #tpu.memory_space<vmem>> -> memref<1x4x32x128xf32, #tpu.memory_space<vmem>>
    %dma_wait3A_557 = tpu.memref_squeeze %dma_wait3A_556 : memref<1x4x32x128xf32, #tpu.memory_space<vmem>> -> memref<4x32x128xf32, #tpu.memory_space<vmem>>
    %dma_wait3A_558 = arith.constant 0 : i32
    %dma_wait3A_559 = arith.constant 0 : i32
    %dma_wait3A_560 = tpu.memref_slice %arg5[%dma_wait3A_552, %dma_wait3A_558, %dma_wait3A_559] : memref<200x4096x128xf32, #tpu.memory_space<hbm>> -> memref<1x128x128xf32, #tpu.memory_space<hbm>>
    %dma_wait3A_561 = tpu.memref_squeeze %dma_wait3A_560 : memref<1x128x128xf32, #tpu.memory_space<hbm>> -> memref<128x128xf32, #tpu.memory_space<hbm>>
    %dma_wait3A_562 = arith.constant 0 : i32
    %dma_wait3A_563 = arith.constant 0 : i32
    %dma_wait3A_564 = tpu.memref_slice %arg5[%dma_wait3A_552, %dma_wait3A_562, %dma_wait3A_563] : memref<200x4096x128xf32, #tpu.memory_space<hbm>> -> memref<1x128x128xf32, #tpu.memory_space<hbm>>
    %dma_wait3A_565 = tpu.memref_squeeze %dma_wait3A_564 : memref<1x128x128xf32, #tpu.memory_space<hbm>> -> memref<128x128xf32, #tpu.memory_space<hbm>>
    %dma_wait3A_566 = arith.constant 0 : i32
    %dma_wait3A_567 = arith.constant 0 : i32
    %dma_wait3A_568 = arith.constant 0 : i32
    %dma_wait3A_569 = tpu.memref_slice %arg9[%dma_wait3A_551, %dma_wait3A_566, %dma_wait3A_567, %dma_wait3A_568] : memref<2x4x40x129xf32, #tpu.memory_space<vmem>> -> memref<1x4x32x128xf32, #tpu.memory_space<vmem>>
    %dma_wait3A_570 = tpu.memref_squeeze %dma_wait3A_569 : memref<1x4x32x128xf32, #tpu.memory_space<vmem>> -> memref<4x32x128xf32, #tpu.memory_space<vmem>>
    tpu.wait_dma2 semaphore(%arg16 : memref<!tpu.dma_semaphore, #tpu.memory_space<semaphore_mem>>) src(%dma_wait3A_570 : memref<4x32x128xf32, #tpu.memory_space<vmem>>) dst(%dma_wait3A_565 : memref<128x128xf32, #tpu.memory_space<hbm>>)
    return
  }
}

</mosaic_0001>

<sc_bundles>
// kernel: kernel.3.cloned.1.call-start
scs
__scs_entry_jumppad:
0x0: {  	(pc) =	sbr.rel $0x88, $3  }
0x1: {  	(tag) =	ssettag $0x0;
	lr =	simm.s32 $0x1  }
0x2: {  	[smem:$0x3F9E] =	sst lr;
	_ =	strace $0xD0000000  }
0x3: {  	_ = 	snop  }
0x4: {  	_ = 	snop  }
0x5: {  	_ = 	snop  }
0x6: {  	_ = 	snop  }
0x7: {  	_ = 	snop  }
__scs_overlays_trampoline_lowered:
0x8: {  	[smem:$0x3FAD] =	sst s0  }
0x9: {  	[smem:$0x3FAE] =	sst s1  }
0xa: {  	[smem:$0x3FAF] =	sst s2  }
0xb: {  	[smem:$0x3FB0] =	sst s3  }
0xc: {  	[smem:$0x3FB1] =	sst s4  }
0xd: {  	[smem:$0x3FB2] =	sst s5  }
0xe: {  	[smem:$0x3FB3] =	sst s6  }
0xf: {  	[smem:$0x3FB4] =	sst s7  }
0x10: {  	[smem:$0x3FB5] =	sst s8  }
0x11: {  	[smem:$0x3FB6] =	sst s9;
	s0 =	simm.s32 @!p0 $0x0  }
0x12: {  	s1 =	sld [smem:$0x3F9C];
	s0 =	simm.s32 @p0 $0x1  }
0x13: {  	[smem:$0x3FB7] =	sst s0;
	s0 =	simm.s32 @!p1 $0x0  }
0x14: {  	s2 =	sld [smem:$0x3F9B];
	s0 =	simm.s32 @p1 $0x1  }
0x15: {  	[smem:$0x3FB8] =	sst s0;
	s0 =	simm.s32 @!p2 $0x0  }
0x16: {  	s3 =	sld [smem:$0x3FDB];
	s0 =	simm.s32 @p2 $0x1  }
0x17: {  	s4 =	simm.s32 $0x1BF5;
	[smem:$0x3FBA] =	sst s0  }
0x18: {  	s0 =	sld [smem:$0x3F9D];
	_ =	swait.ge [sflag:s4], $0x0  }
0x19: {  	s7 =	sld [smem:$0x3F9E]  }
0x1a: {  	s8 =	sadd.s32 $0xFFFFE003, lr  }
0x1b: {  	s9 =	sadd.s32 $0xFFFFFEF7, lr;
	s5 =	simm.s32 $0xFFFFFFFF;
	p2 =	slt.u32 s8, $0xFFFFF086  }
0x1c: {  	p1 =	slt.u32 s9, $0xF7A;
	s5 =	simm.s32 @!p2 $0x0  }
0x1d: {  	s5 =	simm.s32 @p1 $0x1;
	p0 =	seq.s32 s7, s2  }
0x1e: {  	s7 =	smul.u32 @!p0 $0xF7A, s2;
	p2 =	seq.s32 @!p0 s5, $0x0  }
0x1f: {  	s9 =	smul.u32 $0xF7A, s1;
	s8 =	simm.s32 @!p0 $0x1BF5;
	p2 =	por !p2, p0  }
0x20: {  	[sflag:s8] =	ssyncset.s32 @!p0 $0xFFFFF086;
	s6 =	sadd.s32 @!p0 s3, s7;
	s7 =	simm.s32 @!p0 $0x108  }
0x21: {  	s3 =	sadd.s32 s3, s9;
	s6 =	sadd.s32 @!p0 $0x88, s6;
	s7 =	simm.s32 @p2 $0x1082  }
0x22: {  	[simem:s7], [sflag:s8] =	dma.local @!p0 [hbm:s6], $0xF7A  }
0x23: {  	s9 =	sor.u32 $0xD0000000, s2;
	s6 =	simm.s32 $0x108;
	_ =	swait.ge @!p0 [sflag:s8], $0x0  }
0x24: {  	s3 =	sadd.s32 $0x88, s3;
	s6 =	simm.s32 @!p1 $0x1082;
	[sflag:s4] =	ssyncset.s32 $0xFFFFF086  }
0x25: {  	[simem:s6], [sflag:s4] =	dma.local [hbm:s3], $0xF7A  }
0x26: {  	[smem:$0x3F9E] =	sst s1;
	(tag) =	ssettag s2;
	_ =	strace s9  }
0x27: {  	s1 =	sld [smem:$0x3FAE]  }
0x28: {  	s2 =	sld [smem:$0x3FAF]  }
0x29: {  	s4 =	sld [smem:$0x3FB1]  }
0x2a: {  	p0 =	seq.s32 s5, $0x0;
	s5 =	sld [smem:$0x3FB2]  }
0x2b: {  	s6 =	sld [smem:$0x3FB3]  }
0x2c: {  	s7 =	sld [smem:$0x3FB4]  }
0x2d: {  	s3 =	simm.s32 $0x108;
	s8 =	sld [smem:$0x3FB5]  }
0x2e: {  	s3 =	simm.s32 @!p0 $0x1082;
	s9 =	sld [smem:$0x3FB6]  }
0x2f: {  	lr =	sadd.s32 s0, s3;
	s0 =	sld [smem:$0x3FAD]  }
0x30: {  	s3 =	sld [smem:$0x3FB0]  }
0x31: {  	[smem:$0x3FB9] =	sst s10  }
0x32: {  	s10 =	sld [smem:$0x3FB7];
	_ =	sdelay $0x3  }
0x33: {  	p0 =	seq.s32 s10, $0x1;
	s10 =	sld [smem:$0x3FB9];
	_ =	sdelay $0x3  }
0x34: {  	[smem:$0x3FB9] =	sst s10  }
0x35: {  	s10 =	sld [smem:$0x3FB8];
	_ =	sdelay $0x3  }
0x36: {  	p1 =	seq.s32 s10, $0x1;
	s10 =	sld [smem:$0x3FB9];
	_ =	sdelay $0x3  }
0x37: {  	[smem:$0x3FB9] =	sst s10  }
0x38: {  	s10 =	sld [smem:$0x3FBA]  }
0x39: {  	_ = 	snop;
	(pc) =	sbr.ind lr, $3  }
0x3a: {  	_ = 	snop  }
0x3b: {  	_ = 	snop  }
0x3c: {  	p2 =	seq.s32 s10, $0x1;
	s10 =	sld [smem:$0x3FB9]  }
0x3d: {  	_ =	shalt  }
0x3e: {  	_ =	shalt  }
0x3f: {  	_ =	shalt  }
0x40: {  	_ =	shalt  }
0x41: {  	_ =	shalt  }
0x42: {  	_ =	shalt  }
0x43: {  	_ =	shalt  }
0x44: {  	_ =	shalt  }
0x45: {  	_ =	shalt  }
0x46: {  	_ =	shalt  }
0x47: {  	_ =	shalt  }
0x48: {  	_ =	shalt  }
0x49: {  	_ =	shalt  }
0x4a: {  	_ =	shalt  }
0x4b: {  	_ =	shalt  }
0x4c: {  	_ =	shalt  }
0x4d: {  	_ =	shalt  }
0x4e: {  	_ =	shalt  }
0x4f: {  	_ =	shalt  }
0x50: {  	_ =	shalt  }
0x51: {  	_ =	shalt  }
0x52: {  	_ =	shalt  }
0x53: {  	_ =	shalt  }
0x54: {  	_ =	shalt  }
0x55: {  	_ =	shalt  }
0x56: {  	_ =	shalt  }
0x57: {  	_ =	shalt  }
0x58: {  	_ =	shalt  }
0x59: {  	_ =	shalt  }
0x5a: {  	_ =	shalt  }
0x5b: {  	_ =	shalt  }
0x5c: {  	_ =	shalt  }
0x5d: {  	_ =	shalt  }
0x5e: {  	_ =	shalt  }
0x5f: {  	_ =	shalt  }
0x60: {  	_ =	shalt  }
0x61: {  	_ =	shalt  }
0x62: {  	_ =	shalt  }
0x63: {  	_ =	shalt  }
0x64: {  	_ =	shalt  }
0x65: {  	_ =	shalt  }
0x66: {  	_ =	shalt  }
0x67: {  	_ =	shalt  }
0x68: {  	_ =	shalt  }
0x69: {  	_ =	shalt  }
0x6a: {  	_ =	shalt  }
0x6b: {  	_ =	shalt  }
0x6c: {  	_ =	shalt  }
0x6d: {  	_ =	shalt  }
0x6e: {  	_ =	shalt  }
0x6f: {  	_ =	shalt  }
0x70: {  	_ =	shalt  }
0x71: {  	_ =	shalt  }
0x72: {  	_ =	shalt  }
0x73: {  	_ =	shalt  }
0x74: {  	_ =	shalt  }
0x75: {  	_ =	shalt  }
0x76: {  	_ =	shalt  }
0x77: {  	_ =	shalt  }
0x78: {  	_ =	shalt  }
0x79: {  	_ =	shalt  }
0x7a: {  	_ =	shalt  }
0x7b: {  	_ =	shalt  }
0x7c: {  	_ =	shalt  }
0x7d: {  	_ =	shalt  }
0x7e: {  	_ =	shalt  }
0x7f: {  	_ =	shalt  }
0x80: {  	_ =	shalt  }
0x81: {  	_ =	shalt  }
0x82: {  	_ =	shalt  }
0x83: {  	_ =	shalt  }
0x84: {  	_ =	shalt  }
0x85: {  	_ =	shalt  }
0x86: {  	_ =	shalt  }
0x87: {  	_ =	shalt  }
.Lfunc_end0:
.L_simem_size_0:
called_computation_lowered:
.L_overlay_start_0:
0x88: {  	s2 =	sld [smem:$0x3FD9]  }
0x89: {  	s3 =	sld [smem:$0x3FFE];
	_ =	sdelay $0x1  }
0x8a: {  	s1 =	srdreg.scid  }
0x8b: {  	s0 =	sand.u32 $0x1, s1  }
0x8c: {  	s17 =	sshll.u32 s0, $0xA;
	s2 =	sadd.s32 s3, s2  }
0x8d: {  	s2 =	sadd.s32 s2, s17  }
0x8e: {  	[smem:$0x3FC5] =	sst s2  }
0x8f: {  	_ = 	snop  }
0x90: {  	s2 =	sld [smem:$0x3FC9]  }
0x91: {  	s18 =	sld [smem:$0x3FD0];
	(tm) =	ssettm $0x1  }
0x92: {  	s4 =	sld [smem:$0x3FFB];
	_ =	sdelay $0x3  }
0x93: {  	_ =	strace s4  }
0x94: {  	s4 =	sld [smem:$0x3FFC];
	_ =	sdelay $0x3  }
0x95: {  	_ =	strace s4  }
0x96: {  	s4 =	sld [smem:$0x3FFD];
	_ =	sdelay $0x3  }
0x97: {  	_ =	strace s4  }
0x98: {  	_ =	strace $0x8FFFFFFF  }
0x99: {  	s19 =	sld [smem:$0x3FDB];
	_ =	sdelay $0x1  }
0x9a: {  	s5 =	simm.s32 $_scs_section_size  }
0x9b: {  	s6 =	simm.s32 $_size__tile_overlayer_lowered;
	s7 =	simm.s32 $_tile_overlayer_lowered  }
0x9c: {  	s22 =	simm.s32 $0x1BFF;
	s21 =	sshll.u32 s7, $0x1;
	s4 =	sadd.s32 s5, s19  }
0x9d: {  	s8 =	simm.s32 $0x0;
	s20 =	sshll.u32 s6, $0x1;
	s6 =	sadd.s32 s21, s4  }
0x9e: {  	[timem:s8], [sflag:s22] =	dma.local [hbm:s6], s20  }
0x9f: {  	_ =	swait.ge [sflag:s22], s20  }
0xa0: {  	s5 =	ssub.s32 $0x0, s20;
	[sflag:s22] =	ssyncset.done $0x0  }
0xa1: {  	[sflag:s22] =	ssyncadd.s32 s5;
	_ =	sdelay $0x1  }
0xa2: {  	s23 =	simm.s32 $0x1B8B  }
0xa3: {  	_ =	swait.ge [sflag:s23], $0x1  }
0xa4: {  	[sflag:s23] =	ssyncset.done $0x0  }
0xa5: {  	s25 =	simm.s32 $0x1B8E;
	s24 =	sld [smem:$0x3FFE];
	[sflag:s23] =	ssyncadd.s32 $0xFFFFFFFF  }
0xa6: {  	s26 =	simm.s32 $execute0_lowered;
	[smem:$0x3FD2] =	sst s25  }
0xa7: {  	s6 =	sshll.u32 s26, $0x1;
	_ =	strace $0x80000046;
	[dreg:$0x1] =	wrdreg $0xFFFFFFFF  }
0xa8: {  	s28 =	simm.s32 $_size_execute0_lowered;
	s4 =	sadd.s32 s4, s6;
	[dreg:$0x0] =	wrdreg $0x0  }
0xa9: {  	s6 =	sshll.u32 s28, $0x1;
	[dreg:$0x2] =	wrdreg s4  }
0xaa: {  	[dreg:$0x3] =	wrdreg s6  }
0xab: {  	[dreg:$0x4] =	wrdreg $0xC0  }
0xac: {  	_ =	task [dreg:s8], $0x5FFFF  }
0xad: {  	[dreg:$0x1] =	wrdreg $0xFFFFFFFF  }
0xae: {  	[dreg:$0x0] =	wrdreg $0x60  }
0xaf: {  	[dreg:$0x2] =	wrdreg s24  }
0xb0: {  	[dreg:$0x3] =	wrdreg s2  }
0xb1: {  	[dreg:$0x4] =	wrdreg s18  }
0xb2: {  	[dreg:$0x5] =	wrdreg $0x9  }
0xb3: {  	_ =	task.clear_ibuf [dreg:s8], $0x6FFFF;
	_ =	strace $0x90000046  }
0xb4: {  	s29 =	simm.s32 $0x9;
	_ =	strace $0x80000048  }
0xb5: {  	_ =	swait.ge [sflag:s29], $0x1  }
0xb6: {  	[sflag:s29] =	ssyncadd.s32 $0xFFFFFFFF  }
0xb7: {  	_ =	strace $0x90000048  }
0xb8: {  	_ =	sfence  }
0xb9: {  	s30 =	sld [smem:$0x0];
	_ =	sdelay $0x2  }
0xba: {  	s31 =	sshll.u32 s1, $0xD;
	s1 =	sshrl.u32 s1, $0x2  }
0xbb: {  	s3 =	sand.u32 $0x4000, s31;
	s1 =	sadd.s32 s1, s30  }
0xbc: {  	s0 =	sor.u32 s3, s0;
	s1 =	sshll.u32 s1, $0x11  }
0xbd: {  	s0 =	sor.u32 s1, s0  }
0xbe: {  	s0 =	sadd.s32 $0x8F2B, s0  }
0xbf: {  	[sflag:s0] =	ssyncadd.remote.s32 $0x1  }
0xc0: {  	_ =	sfence.sel $0xFFFF  }
0xc1: {  	[dreg:$0x0] =	wrdreg $0xFFFFFFFF;
	(pc) =	sbr.abs _section_cstart, $3  }
0xc2: {  	[dreg:$0x1] =	wrdreg $0xFFFFFFFF  }
0xc3: {  	_ =	task.clear_ibuf [dreg:s8], $0x2FFFF;
	_ =	strace $0x9FFFFFFF  }
0xc4: {  	(tm) =	ssettm $0x7FFFFFFF  }
0xc5: {  	_ =	shalt  }
tec
execute0_lowered:
.L_overlay_start_1:
0x0: {  	(tag) =	ssettag $0x1  }
0x1: {  	s0 =	srdreg.scid  }
0x2: {  	s2 =	stileid.u32;
	s1 =	rddreg [dreg:$0x0];
	s4 =	simm.s32 $0x0  }
0x3: {  	s14 =	simm.s32 $0x80;
	s18 =	simm.s32 $0x1D00;
	s19 =	simm.s32 $0x1  }
0x4: {  	v0 =	vimm.s32 $0x18F8;
	vm0 =	vcmask $0x300;
	v1 =	vimm.s32 $0x4378;
	s21 =	simm.s32 $0x1F00;
	s30 =	simm.s32 $0x2;
	s31 =	simm.s32 $0x12100  }
0x5: {  	vm1 =	vcmask $0x704;
	s20 =	simm.s32 $0xF100;
	s16 =	simm.s32 $0x2000;
	s17 =	simm.s32 $0x10100;
	v0 =	vsel vm0, $0x0, v0;
	v1 =	vsel vm0, $0x2A80, v1  }
0x6: {  	vm15 =	vcmask $0xB08;
	s9 =	simm.s32 $0x11100;
	s10 =	simm.s32 $0x3;
	s11 =	simm.s32 $0x17600;
	v0 =	vsel vm1, $0x88, v0;
	v1 =	vsel vm1, $0x2B08, v1  }
0x7: {  	vm4 =	vcmask $0xF0C;
	s0 =	sand.u32 $0x1, s0;
	s3 =	sshll.u32 s2, $0x1;
	s2 =	rddreg [dreg:$0x1];
	v0 =	vsel vm15, $0x110, v0;
	v1 =	vsel vm15, $0x2B90, v1  }
0x8: {  	vm5 =	vcmask $0x1310;
	s12 =	simm.s32 $0x6;
	[smem:$0x7FF] =	sst s4;
	s6 =	sor.u32 s0, s3;
	v0 =	vsel vm4, $0x198, v0;
	v1 =	vsel vm4, $0x2C18, v1  }
0x9: {  	vm6 =	vcmask $0x1714;
	s3 =	rddreg [dreg:$0x2];
	s0 =	ssub.s32 $0x2, s0;
	s5 =	smul.u32 $0x19000, s6;
	v0 =	vsel vm5, $0x220, v0;
	v1 =	vsel vm5, $0x2CA0, v1  }
0xa: {  	vm7 =	vcmask $0x1B18;
	s7 =	sshll.u32 s6, $0xF;
	s8 =	smul.u32 $0x320, s6;
	s25 =	sshrl.u32 s0, $0x1;
	v0 =	vsel vm6, $0x2A8, v0;
	v1 =	vsel vm6, $0x2D28, v1  }
0xb: {  	vm8 =	vcmask $0x1F1C;
	s7 =	sand.u32 $0x18000, s7;
	s0 =	ssub.s32 s0, s25;
	s5 =	sand.u32 $0x3E0000, s5;
	v0 =	vsel vm7, $0x330, v0;
	v1 =	vsel vm7, $0x2DB0, v1  }
0xc: {  	vm9 =	vcmask $0x2320;
	s24 =	sand.u32 $0x380, s8;
	s0 =	smax.u32 s0, $0x1;
	s5 =	sor.u32 s7, s5;
	v0 =	vsel vm8, $0x3B8, v0;
	v1 =	vsel vm8, $0x2E38, v1  }
0xd: {  	vm10 =	vcmask $0x2724;
	_ =	strace $0x80000047;
	[dreg:$0x9] =	wrdreg s0;
	s7 =	sor.u32 s24, s5;
	v0 =	vsel vm9, $0x1540, v0;
	v1 =	vsel vm9, $0x3FC0, v1  }
0xe: {  	vm11 =	vcmask $0x2B28;
	s5 =	sadd.s32 $0xF42A00, s1;
	s1 =	sadd.s32 $0x600, s1;
	s7 =	sshrl.u32 s7, $0x3;
	v0 =	vsel vm10, $0x15C8, v0;
	v1 =	vsel vm10, $0x4048, v1  }
0xf: {  	vm12 =	vcmask $0x2F2C;
	s15 =	simm.s32 $0x0;
	[dreg:$0x4] =	wrdreg s1;
	s26 =	sadd.s32 s2, s7;
	v0 =	vsel vm11, $0x1650, v0;
	v1 =	vsel vm11, $0x40D0, v1  }
0x10: {  	vm13 =	vcmask $0x3330;
	s8 =	smul.u32 $0xC8, s6;
	s28 =	sadd.s32 $0x200, s26;
	[dreg:$0x5] =	wrdreg s26;
	v0 =	vsel vm12, $0x16D8, v0;
	v1 =	vsel vm12, $0x4158, v1  }
0x11: {  	vm14 =	vcmask $0x3734;
	s6 =	simm.s32 $0x2080;
	s29 =	sadd.s32 $0x400, s26;
	[dreg:$0x6] =	wrdreg s28;
	v0 =	vsel vm13, $0x1760, v0;
	v1 =	vsel vm13, $0x41E0, v1  }
0x12: {  	vm15 =	vcmask $0x3B38;
	s0 =	simm.s32 $0x1F80;
	s1 =	sadd.s32 $0x600, s26;
	[dreg:$0x7] =	wrdreg s29;
	v0 =	vsel vm14, $0x17E8, v0;
	v1 =	vsel vm14, $0x4268, v1  }
0x13: {  	s7 =	simm.s32 $0x7;
	[dreg:$0x8] =	wrdreg s1;
	s1 =	simm.s32 $0xE100;
	v0 =	vsel vm15, $0x1870, v0;
	v1 =	vsel vm15, $0x42F0, v1  }
.LBB2_1:
0x14: {  	[dreg:$0xa] =	wrdreg s15  }
0x15: {  	s13 =	rddreg [dreg:$0x4];
	s22 =	simm.s32 $0x8  }
0x16: {  	[tilespmem:s4], [sflag:$0x8] =	stream.linear.gather [hbm4b:s13+s4], $0x1900, $0x38;
	[tilespmem:$0x1CB00] =	vst v63  }
0x17: {  	_ =	swait.ge [sflag:s22], $0x1900  }
0x18: {  	s15 =	simm.s32 $0x400;
	[sflag:s22] =	ssyncset.done $0x0  }
0x19: {  	s23 =	rddreg [dreg:$0x5];
	[sflag:s22] =	ssyncadd.s32 $0xFFFFE700;
	s22 =	simm.s32 $0x1900  }
0x1a: {  	[tilespmem:s22], [sflag:$0x1] =	stream.strided.gather [hbm4b:s23+s14], $0x200, s15, s14, $0x38;
	[tilespmem:$0x1CB00] =	vst v63  }
0x1b: {  	s24 =	rddreg [dreg:$0x6];
	s23 =	simm.s32 $0x1B00  }
0x1c: {  	[tilespmem:s23], [sflag:$0x1] =	stream.strided.gather [hbm4b:s24+s14], $0x200, s15, s14, $0x38;
	[tilespmem:$0x1CB00] =	vst v63  }
0x1d: {  	s25 =	rddreg [dreg:$0x7]  }
0x1e: {  	[tilespmem:s18], [sflag:$0x1] =	stream.strided.gather [hbm4b:s25+s14], $0x200, s15, s14, $0x38;
	[tilespmem:$0x1CB00] =	vst v63  }
0x1f: {  	_ =	swait.ge [sflag:s19], $0x200  }
0x20: {  	[sflag:s19] =	ssyncset.done $0x0  }
0x21: {  	s26 =	simm.s32 $0x2100;
	[sflag:s19] =	ssyncadd.s32 $0xFFFFFE00  }
0x22: {  	[tilespmem:s26], [sflag:$0x2] =	stream.indirect.gather [hbm4b:s5+s14], $0x20, s22, s14, $0xb8;
	[tilespmem:$0x1CB00] =	vst v63  }
0x23: {  	s28 =	simm.s32 $0x1980;
	s29 =	simm.s32 $0x3100  }
0x24: {  	[tilespmem:s29], [sflag:$0x2] =	stream.indirect.gather [hbm4b:s5+s14], $0x20, s28, s14, $0xb8;
	[tilespmem:$0x1CB00] =	vst v63  }
0x25: {  	s24 =	simm.s32 $0x1A00;
	s25 =	simm.s32 $0x4100  }
0x26: {  	[tilespmem:s25], [sflag:$0x2] =	stream.indirect.gather [hbm4b:s5+s14], $0x20, s24, s14, $0xb8;
	[tilespmem:$0x1CB00] =	vst v63  }
0x27: {  	s26 =	simm.s32 $0x1A80;
	s28 =	simm.s32 $0x5100  }
0x28: {  	[tilespmem:s28], [sflag:$0x2] =	stream.indirect.gather [hbm4b:s5+s14], $0x20, s26, s14, $0xb8;
	[tilespmem:$0x1CB00] =	vst v63  }
0x29: {  	_ =	swait.ge [sflag:s19], $0x200  }
0x2a: {  	[sflag:s19] =	ssyncset.done $0x0  }
0x2b: {  	s29 =	simm.s32 $0x6100;
	[sflag:s19] =	ssyncadd.s32 $0xFFFFFE00  }
0x2c: {  	[tilespmem:s29], [sflag:$0x3] =	stream.indirect.gather [hbm4b:s5+s14], $0x20, s23, s14, $0xb8;
	[tilespmem:$0x1CB00] =	vst v63  }
0x2d: {  	s22 =	simm.s32 $0x1B80;
	s23 =	simm.s32 $0x7100  }
0x2e: {  	[tilespmem:s23], [sflag:$0x3] =	stream.indirect.gather [hbm4b:s5+s14], $0x20, s22, s14, $0xb8;
	[tilespmem:$0x1CB00] =	vst v63  }
0x2f: {  	s24 =	simm.s32 $0x1C00;
	s25 =	simm.s32 $0x8100  }
0x30: {  	[tilespmem:s25], [sflag:$0x3] =	stream.indirect.gather [hbm4b:s5+s14], $0x20, s24, s14, $0xb8;
	[tilespmem:$0x1CB00] =	vst v63  }
0x31: {  	s26 =	simm.s32 $0x1C80;
	s28 =	simm.s32 $0x9100  }
0x32: {  	[tilespmem:s28], [sflag:$0x3] =	stream.indirect.gather [hbm4b:s5+s14], $0x20, s26, s14, $0xb8;
	[tilespmem:$0x1CB00] =	vst v63  }
0x33: {  	s29 =	rddreg [dreg:$0x8]  }
0x34: {  	[tilespmem:s21], [sflag:$0x1] =	stream.strided.gather [hbm4b:s29+s14], $0x200, s15, s14, $0x38;
	[tilespmem:$0x1CB00] =	vst v63  }
0x35: {  	s15 =	simm.s32 $0x0  }
.LBB2_2:
0x36: {  	_ =	swait.ge [sflag:s19], $0x200  }
0x37: {  	s13 =	simm.s32 $0xA100;
	[sflag:s19] =	ssyncset.done $0x0  }
0x38: {  	s24 =	simm.s32 $0x1D80;
	s22 =	simm.s32 $0xB100;
	[sflag:s19] =	ssyncadd.s32 $0xFFFFFE00  }
0x39: {  	[tilespmem:s13], [sflag:$0x4] =	stream.indirect.gather [hbm4b:s5+s14], $0x20, s18, s14, $0xb8;
	[tilespmem:$0x1CB00] =	vst v63  }
0x3a: {  	s25 =	simm.s32 $0x1E00;
	s26 =	simm.s32 $0xC100;
	s28 =	sshll.u32 s15, $0x2  }
0x3b: {  	[tilespmem:s22], [sflag:$0x4] =	stream.indirect.gather [hbm4b:s5+s14], $0x20, s24, s14, $0xb8;
	[tilespmem:$0x1CB00] =	vst v63  }
0x3c: {  	s29 =	simm.s32 $0x1E80;
	p0 =	seq.s32 s15, $0x31;
	s22 =	sadd.s32 s8, s28  }
0x3d: {  	[tilespmem:s26], [sflag:$0x4] =	stream.indirect.gather [hbm4b:s5+s14], $0x20, s25, s14, $0xb8;
	[tilespmem:$0x1CB00] =	vst v63  }
0x3e: {  	s23 =	simm.s32 $0xD100;
	p1 =	seq.s32 @!p0 s15, $0x0;
	s13 =	sadd.s32 @!p0 $0x4, s22  }
0x3f: {  	[tilespmem:s23], [sflag:$0x4] =	stream.indirect.gather [hbm4b:s5+s14], $0x20, s29, s14, $0xb8;
	[tilespmem:$0x1CB00] =	vst v63  }
0x40: {  	p1 =	por p0, !p1;
	s24 =	sshll.u32 @!p0 s13, $0xC;
	s23 =	sshll.u32 @!p0 s13, $0x9  }
0x41: {  	s24 =	sand.u32 @!p0 $0x1C000, s24;
	s13 =	sshll.u32 @!p0 s13, $0x2;
	s23 =	sand.u32 @!p0 $0x7FFE0000, s23  }
.Ltmp0:
0x42: {  	s13 =	sand.u32 @!p0 $0x380, s13;
	s23 =	sor.u32 @!p0 s24, s23;
	(pc) =	sbr.rel @!p1 .LBB2_3-.Ltmp0, $4  }
0x43: {  	s25 =	simm.s32 @!p0 $0x1900;
	_ =	swait.ge [sflag:s30], $0x4000;
	s13 =	sor.u32 @!p0 s13, s23  }
0x44: {  	[sflag:s30] =	ssyncset.done $0x0;
	s24 =	simm.s32 @!p0 $0x400;
	s13 =	sshrl.u32 @!p0 s13, $0x3  }
0x45: {  	[sflag:s30] =	ssyncadd.s32 $0xFFFFC000;
	s23 =	simm.s32 @!p0 $0x80;
	s13 =	sadd.s32 @!p0 s2, s13  }
0x46: {  	[tilespmem:s25], [sflag:$0x1] =	stream.strided.gather @!p0 [hbm4b:s13+s23], $0x200, s24, s23, $0x38;
	[tilespmem:$0x1CB00] =	vst v63  }
.Ltmp1:
0x47: {  	(pc) =	sbr.rel .LBB2_5-.Ltmp1, $4  }
0x48: {  	_ = 	snop  }
0x49: {  	_ =	swait.ge [sflag:s12], $0x4000  }
0x4a: {  	[sflag:s12] =	ssyncset.done $0x0  }
0x4b: {  	p1 =	por $0x0, $0x0;
	[sflag:s12] =	ssyncadd.s32 $0xFFFFC000  }
.LBB2_3:
0x4c: {  	p1 =	por @!p0 $0x1, $0x1  }
.LBB2_5:
0x4d: {  	s23 =	sand.u32 $0x3FE0, s22  }
0x4e: {  	v2 =	vld [tilespmem:s23+$0x0]  }
0x4f: {  	s13 =	simm.s32 $0x0;
	s24 =	simm.s32 $0x2200;
	v3 =	vld [tilespmem:s23+$0x10]  }
.LBB2_6:
0x50: {  	s25 =	sshll.u32 s13, $0x3  }
0x51: {  	v4 =	vmov s25  }
0x52: {  	v4 =	vmul.u32 $0x88, v4;
	_ =	sdelay $0x1  }
0x53: {  	v6 =	vbroadcast v4, $0x0  }
0x54: {  	v7 =	vld [tilespmem:s24+$0xFFFFFF00]  }
0x55: {  	v5 =	vimm.s32 $0x0;
	v8 =	vld [tilespmem:s24+$0xFFFFFF10];
	v4 =	vadd.s32 v0, v6  }
0x56: {  	v6 =	vadd.s32 v1, v6;
	v9 =	vadd.s32 v4, v5  }
0x57: {  	v10 =	vadd.s32 v6, v5;
	_ =	sdelay $0x1  }
0x58: {  	v7 =	vadd.f32 v7, v2  }
0x59: {  	v8 =	vadd.f32 v8, v3  }
0x5a: {  	[tilespmem:v9+s31+$0x0] =	vst.idx.msk $0xffff, v7  }
0x5b: {  	[tilespmem:v10+s31+$0x0] =	vst.idx.msk $0xffff, v8  }
0x5c: {  	v7 =	vld [tilespmem:s24+$0xFFFFFF20]  }
0x5d: {  	v8 =	vld [tilespmem:s24+$0xFFFFFF30]  }
0x5e: {  	v11 =	vor.u32 $0x1, v9  }
0x5f: {  	v12 =	vor.u32 $0x1, v10;
	_ =	sdelay $0x1  }
0x60: {  	v7 =	vadd.f32 v7, v2  }
0x61: {  	v8 =	vadd.f32 v8, v3  }
0x62: {  	[tilespmem:v11+s31+$0x0] =	vst.idx.msk $0xffff, v7  }
0x63: {  	[tilespmem:v12+s31+$0x0] =	vst.idx.msk $0xffff, v8  }
0x64: {  	v7 =	vld [tilespmem:s24+$0xFFFFFF40]  }
0x65: {  	v8 =	vld [tilespmem:s24+$0xFFFFFF50]  }
0x66: {  	v11 =	vor.u32 $0x2, v9  }
0x67: {  	v53 =	vor.u32 $0x2, v10;
	_ =	sdelay $0x1  }
0x68: {  	v7 =	vadd.f32 v7, v2  }
0x69: {  	v8 =	vadd.f32 v8, v3  }
0x6a: {  	[tilespmem:v11+s31+$0x0] =	vst.idx.msk $0xffff, v7  }
0x6b: {  	[tilespmem:v53+s31+$0x0] =	vst.idx.msk $0xffff, v8  }
0x6c: {  	v7 =	vld [tilespmem:s24+$0xFFFFFF60]  }
0x6d: {  	v8 =	vld [tilespmem:s24+$0xFFFFFF70]  }
0x6e: {  	v11 =	vor.u32 $0x3, v9  }
0x6f: {  	v54 =	vor.u32 $0x3, v10;
	_ =	sdelay $0x1  }
0x70: {  	v7 =	vadd.f32 v7, v2  }
0x71: {  	v8 =	vadd.f32 v8, v3  }
0x72: {  	[tilespmem:v11+s31+$0x0] =	vst.idx.msk $0xffff, v7  }
0x73: {  	[tilespmem:v54+s31+$0x0] =	vst.idx.msk $0xffff, v8  }
0x74: {  	v7 =	vld [tilespmem:s24+$0xFFFFFF80]  }
0x75: {  	v8 =	vld [tilespmem:s24+$0xFFFFFF90]  }
0x76: {  	v11 =	vor.u32 $0x4, v9  }
0x77: {  	v55 =	vor.u32 $0x4, v10;
	_ =	sdelay $0x1  }
0x78: {  	v7 =	vadd.f32 v7, v2  }
0x79: {  	v8 =	vadd.f32 v8, v3  }
0x7a: {  	[tilespmem:v11+s31+$0x0] =	vst.idx.msk $0xffff, v7  }
0x7b: {  	[tilespmem:v55+s31+$0x0] =	vst.idx.msk $0xffff, v8  }
0x7c: {  	v7 =	vld [tilespmem:s24+$0xFFFFFFA0]  }
0x7d: {  	v8 =	vld [tilespmem:s24+$0xFFFFFFB0]  }
0x7e: {  	v11 =	vor.u32 $0x5, v9  }
0x7f: {  	v56 =	vor.u32 $0x5, v10;
	_ =	sdelay $0x1  }
0x80: {  	v7 =	vadd.f32 v7, v2  }
0x81: {  	v8 =	vadd.f32 v8, v3  }
0x82: {  	[tilespmem:v11+s31+$0x0] =	vst.idx.msk $0xffff, v7  }
0x83: {  	[tilespmem:v56+s31+$0x0] =	vst.idx.msk $0xffff, v8  }
0x84: {  	v7 =	vld [tilespmem:s24+$0xFFFFFFC0]  }
0x85: {  	v8 =	vld [tilespmem:s24+$0xFFFFFFD0]  }
0x86: {  	v11 =	vor.u32 $0x6, v9  }
0x87: {  	v57 =	vor.u32 $0x6, v10;
	_ =	sdelay $0x1  }
0x88: {  	v7 =	vadd.f32 v7, v2  }
0x89: {  	v8 =	vadd.f32 v8, v3  }
0x8a: {  	[tilespmem:v11+s31+$0x0] =	vst.idx.msk $0xffff, v7  }
0x8b: {  	[tilespmem:v57+s31+$0x0] =	vst.idx.msk $0xffff, v8  }
0x8c: {  	v7 =	vld [tilespmem:s24+$0xFFFFFFE0]  }
0x8d: {  	v8 =	vld [tilespmem:s24+$0xFFFFFFF0]  }
0x8e: {  	v9 =	vor.u32 $0x7, v9  }
0x8f: {  	v10 =	vor.u32 $0x7, v10;
	_ =	sdelay $0x1  }
0x90: {  	v7 =	vadd.f32 v7, v2  }
0x91: {  	v8 =	vadd.f32 v8, v3  }
0x92: {  	[tilespmem:v9+s31+$0x0] =	vst.idx.msk $0xffff, v7  }
0x93: {  	[tilespmem:v10+s31+$0x0] =	vst.idx.msk $0xffff, v8  }
0x94: {  	v7 =	vld [tilespmem:s24+$0x0]  }
0x95: {  	v9 =	vor.u32 $0x8, v5;
	v8 =	vld [tilespmem:s24+$0x10]  }
0x96: {  	v10 =	vadd.s32 v4, v9  }
0x97: {  	v9 =	vadd.s32 v6, v9;
	_ =	sdelay $0x1  }
0x98: {  	v7 =	vadd.f32 v7, v2  }
0x99: {  	v8 =	vadd.f32 v8, v3  }
0x9a: {  	[tilespmem:v10+s31+$0x0] =	vst.idx.msk $0xffff, v7  }
0x9b: {  	[tilespmem:v9+s31+$0x0] =	vst.idx.msk $0xffff, v8  }
0x9c: {  	v7 =	vld [tilespmem:s24+$0x20]  }
0x9d: {  	v8 =	vld [tilespmem:s24+$0x30]  }
0x9e: {  	v11 =	vor.u32 $0x1, v10  }
0x9f: {  	v58 =	vor.u32 $0x1, v9;
	_ =	sdelay $0x1  }
0xa0: {  	v7 =	vadd.f32 v7, v2  }
0xa1: {  	v8 =	vadd.f32 v8, v3  }
0xa2: {  	[tilespmem:v11+s31+$0x0] =	vst.idx.msk $0xffff, v7  }
0xa3: {  	[tilespmem:v58+s31+$0x0] =	vst.idx.msk $0xffff, v8  }
0xa4: {  	v7 =	vld [tilespmem:s24+$0x40]  }
0xa5: {  	v8 =	vld [tilespmem:s24+$0x50]  }
0xa6: {  	v11 =	vor.u32 $0x2, v10  }
0xa7: {  	v59 =	vor.u32 $0x2, v9;
	_ =	sdelay $0x1  }
0xa8: {  	v7 =	vadd.f32 v7, v2  }
0xa9: {  	v8 =	vadd.f32 v8, v3  }
0xaa: {  	[tilespmem:v11+s31+$0x0] =	vst.idx.msk $0xffff, v7  }
0xab: {  	[tilespmem:v59+s31+$0x0] =	vst.idx.msk $0xffff, v8  }
0xac: {  	v7 =	vld [tilespmem:s24+$0x60]  }
0xad: {  	v8 =	vld [tilespmem:s24+$0x70]  }
0xae: {  	v11 =	vor.u32 $0x3, v10  }
0xaf: {  	v60 =	vor.u32 $0x3, v9;
	_ =	sdelay $0x1  }
0xb0: {  	v7 =	vadd.f32 v7, v2  }
0xb1: {  	v8 =	vadd.f32 v8, v3  }
0xb2: {  	[tilespmem:v11+s31+$0x0] =	vst.idx.msk $0xffff, v7  }
0xb3: {  	[tilespmem:v60+s31+$0x0] =	vst.idx.msk $0xffff, v8  }
0xb4: {  	v7 =	vld [tilespmem:s24+$0x80]  }
0xb5: {  	v8 =	vld [tilespmem:s24+$0x90]  }
0xb6: {  	v11 =	vor.u32 $0x4, v10  }
0xb7: {  	v61 =	vor.u32 $0x4, v9;
	_ =	sdelay $0x1  }
0xb8: {  	v7 =	vadd.f32 v7, v2  }
0xb9: {  	v8 =	vadd.f32 v8, v3  }
0xba: {  	[tilespmem:v11+s31+$0x0] =	vst.idx.msk $0xffff, v7  }
0xbb: {  	[tilespmem:v61+s31+$0x0] =	vst.idx.msk $0xffff, v8  }
0xbc: {  	v7 =	vld [tilespmem:s24+$0xA0]  }
0xbd: {  	v8 =	vld [tilespmem:s24+$0xB0]  }
0xbe: {  	v11 =	vor.u32 $0x5, v10  }
0xbf: {  	v62 =	vor.u32 $0x5, v9;
	_ =	sdelay $0x1  }
0xc0: {  	v7 =	vadd.f32 v7, v2  }
0xc1: {  	v8 =	vadd.f32 v8, v3  }
0xc2: {  	[tilespmem:v11+s31+$0x0] =	vst.idx.msk $0xffff, v7  }
0xc3: {  	[tilespmem:v62+s31+$0x0] =	vst.idx.msk $0xffff, v8  }
0xc4: {  	v7 =	vld [tilespmem:s24+$0xC0]  }
0xc5: {  	v8 =	vld [tilespmem:s24+$0xD0]  }
0xc6: {  	v11 =	vor.u32 $0x6, v10  }
0xc7: {  	v63 =	vor.u32 $0x6, v9;
	_ =	sdelay $0x1  }
0xc8: {  	v7 =	vadd.f32 v7, v2  }
0xc9: {  	v8 =	vadd.f32 v8, v3  }
0xca: {  	[tilespmem:v11+s31+$0x0] =	vst.idx.msk $0xffff, v7  }
0xcb: {  	[tilespmem:v63+s31+$0x0] =	vst.idx.msk $0xffff, v8  }
0xcc: {  	v7 =	vld [tilespmem:s24+$0xE0];
	_ =	sdelay $0x2  }
0xcd: {  	v8 =	vld [tilespmem:s24+$0xF0]  }
0xce: {  	v10 =	vor.u32 $0x7, v10  }
0xcf: {  	v11 =	vadd.f32 v7, v2;
	v7 =	vor.u32 $0x7, v9;
	_ =	sdelay $0x2  }
0xd0: {  	v8 =	vadd.f32 v8, v3  }
0xd1: {  	s26 =	smov.u32 s24;
	s25 =	simm.s32 $0x0;
	[tilespmem:v10+s31+$0x0] =	vst.idx.msk $0xffff, v11  }
.LBB2_7:
0xd2: {  	s25 =	sadd.s32 $0x10, s25;
	[tilespmem:v7+s31+$0x0] =	vst.idx.msk $0xffff, v8;
	v5 =	vadd.s32 $0x10, v5;
	s26 =	sadd.s32 $0x200, s26  }
0xd3: {  	v7 =	vld [tilespmem:s26+$0xFFFFFF00];
	p2 =	slt.u32 s25, $0x70  }
0xd4: {  	v8 =	vld [tilespmem:s26+$0xFFFFFF10]  }
0xd5: {  	v9 =	vadd.s32 v4, v5  }
0xd6: {  	v10 =	vadd.s32 v6, v5;
	_ =	sdelay $0x1  }
0xd7: {  	v7 =	vadd.f32 v7, v2  }
0xd8: {  	v8 =	vadd.f32 v8, v3  }
0xd9: {  	[tilespmem:v9+s31+$0x0] =	vst.idx.msk $0xffff, v7  }
0xda: {  	[tilespmem:v10+s31+$0x0] =	vst.idx.msk $0xffff, v8  }
0xdb: {  	v7 =	vld [tilespmem:s26+$0xFFFFFF20]  }
0xdc: {  	v8 =	vld [tilespmem:s26+$0xFFFFFF30]  }
0xdd: {  	v11 =	vor.u32 $0x1, v9  }
0xde: {  	v12 =	vor.u32 $0x1, v10;
	_ =	sdelay $0x1  }
0xdf: {  	v7 =	vadd.f32 v7, v2  }
0xe0: {  	v8 =	vadd.f32 v8, v3  }
0xe1: {  	[tilespmem:v11+s31+$0x0] =	vst.idx.msk $0xffff, v7  }
0xe2: {  	[tilespmem:v12+s31+$0x0] =	vst.idx.msk $0xffff, v8  }
0xe3: {  	v7 =	vld [tilespmem:s26+$0xFFFFFF40]  }
0xe4: {  	v8 =	vld [tilespmem:s26+$0xFFFFFF50]  }
0xe5: {  	v11 =	vor.u32 $0x2, v9  }
0xe6: {  	v12 =	vor.u32 $0x2, v10;
	_ =	sdelay $0x1  }
0xe7: {  	v7 =	vadd.f32 v7, v2  }
0xe8: {  	v8 =	vadd.f32 v8, v3  }
0xe9: {  	[tilespmem:v11+s31+$0x0] =	vst.idx.msk $0xffff, v7  }
0xea: {  	[tilespmem:v12+s31+$0x0] =	vst.idx.msk $0xffff, v8  }
0xeb: {  	v7 =	vld [tilespmem:s26+$0xFFFFFF60]  }
0xec: {  	v8 =	vld [tilespmem:s26+$0xFFFFFF70]  }
0xed: {  	v11 =	vor.u32 $0x3, v9  }
0xee: {  	v12 =	vor.u32 $0x3, v10;
	_ =	sdelay $0x1  }
0xef: {  	v7 =	vadd.f32 v7, v2  }
0xf0: {  	v8 =	vadd.f32 v8, v3  }
0xf1: {  	[tilespmem:v11+s31+$0x0] =	vst.idx.msk $0xffff, v7  }
0xf2: {  	[tilespmem:v12+s31+$0x0] =	vst.idx.msk $0xffff, v8  }
0xf3: {  	v7 =	vld [tilespmem:s26+$0xFFFFFF80]  }
0xf4: {  	v8 =	vld [tilespmem:s26+$0xFFFFFF90]  }
0xf5: {  	v11 =	vor.u32 $0x4, v9  }
0xf6: {  	v12 =	vor.u32 $0x4, v10;
	_ =	sdelay $0x1  }
0xf7: {  	v7 =	vadd.f32 v7, v2  }
0xf8: {  	v8 =	vadd.f32 v8, v3  }
0xf9: {  	[tilespmem:v11+s31+$0x0] =	vst.idx.msk $0xffff, v7  }
0xfa: {  	[tilespmem:v12+s31+$0x0] =	vst.idx.msk $0xffff, v8  }
0xfb: {  	v7 =	vld [tilespmem:s26+$0xFFFFFFA0]  }
0xfc: {  	v8 =	vld [tilespmem:s26+$0xFFFFFFB0]  }
0xfd: {  	v11 =	vor.u32 $0x5, v9  }
0xfe: {  	v12 =	vor.u32 $0x5, v10;
	_ =	sdelay $0x1  }
0xff: {  	v7 =	vadd.f32 v7, v2  }
0x100: {  	v8 =	vadd.f32 v8, v3  }
0x101: {  	[tilespmem:v11+s31+$0x0] =	vst.idx.msk $0xffff, v7  }
0x102: {  	[tilespmem:v12+s31+$0x0] =	vst.idx.msk $0xffff, v8  }
0x103: {  	v7 =	vld [tilespmem:s26+$0xFFFFFFC0]  }
0x104: {  	v8 =	vld [tilespmem:s26+$0xFFFFFFD0]  }
0x105: {  	v11 =	vor.u32 $0x6, v9  }
0x106: {  	v12 =	vor.u32 $0x6, v10;
	_ =	sdelay $0x1  }
0x107: {  	v7 =	vadd.f32 v7, v2  }
0x108: {  	v8 =	vadd.f32 v8, v3  }
0x109: {  	[tilespmem:v11+s31+$0x0] =	vst.idx.msk $0xffff, v7  }
0x10a: {  	[tilespmem:v12+s31+$0x0] =	vst.idx.msk $0xffff, v8  }
0x10b: {  	v7 =	vld [tilespmem:s26+$0xFFFFFFE0]  }
0x10c: {  	v8 =	vld [tilespmem:s26+$0xFFFFFFF0]  }
0x10d: {  	v9 =	vor.u32 $0x7, v9  }
0x10e: {  	v10 =	vor.u32 $0x7, v10;
	_ =	sdelay $0x1  }
0x10f: {  	v7 =	vadd.f32 v7, v2  }
0x110: {  	v8 =	vadd.f32 v8, v3  }
0x111: {  	[tilespmem:v9+s31+$0x0] =	vst.idx.msk $0xffff, v7  }
0x112: {  	[tilespmem:v10+s31+$0x0] =	vst.idx.msk $0xffff, v8  }
0x113: {  	v7 =	vld [tilespmem:s26+$0x0]  }
0x114: {  	v9 =	vor.u32 $0x8, v5;
	v8 =	vld [tilespmem:s26+$0x10]  }
0x115: {  	v10 =	vadd.s32 v4, v9  }
0x116: {  	v9 =	vadd.s32 v6, v9;
	_ =	sdelay $0x1  }
0x117: {  	v7 =	vadd.f32 v7, v2  }
0x118: {  	v8 =	vadd.f32 v8, v3  }
0x119: {  	[tilespmem:v10+s31+$0x0] =	vst.idx.msk $0xffff, v7  }
0x11a: {  	[tilespmem:v9+s31+$0x0] =	vst.idx.msk $0xffff, v8  }
0x11b: {  	v7 =	vld [tilespmem:s26+$0x20]  }
0x11c: {  	v8 =	vld [tilespmem:s26+$0x30]  }
0x11d: {  	v11 =	vor.u32 $0x1, v10  }
0x11e: {  	v12 =	vor.u32 $0x1, v9;
	_ =	sdelay $0x1  }
0x11f: {  	v7 =	vadd.f32 v7, v2  }
0x120: {  	v8 =	vadd.f32 v8, v3  }
0x121: {  	[tilespmem:v11+s31+$0x0] =	vst.idx.msk $0xffff, v7  }
0x122: {  	[tilespmem:v12+s31+$0x0] =	vst.idx.msk $0xffff, v8  }
0x123: {  	v7 =	vld [tilespmem:s26+$0x40]  }
0x124: {  	v8 =	vld [tilespmem:s26+$0x50]  }
0x125: {  	v11 =	vor.u32 $0x2, v10  }
0x126: {  	v12 =	vor.u32 $0x2, v9;
	_ =	sdelay $0x1  }
0x127: {  	v7 =	vadd.f32 v7, v2  }
0x128: {  	v8 =	vadd.f32 v8, v3  }
0x129: {  	[tilespmem:v11+s31+$0x0] =	vst.idx.msk $0xffff, v7  }
0x12a: {  	[tilespmem:v12+s31+$0x0] =	vst.idx.msk $0xffff, v8  }
0x12b: {  	v7 =	vld [tilespmem:s26+$0x60]  }
0x12c: {  	v8 =	vld [tilespmem:s26+$0x70]  }
0x12d: {  	v11 =	vor.u32 $0x3, v10  }
0x12e: {  	v12 =	vor.u32 $0x3, v9;
	_ =	sdelay $0x1  }
0x12f: {  	v7 =	vadd.f32 v7, v2  }
0x130: {  	v8 =	vadd.f32 v8, v3  }
0x131: {  	[tilespmem:v11+s31+$0x0] =	vst.idx.msk $0xffff, v7  }
0x132: {  	[tilespmem:v12+s31+$0x0] =	vst.idx.msk $0xffff, v8  }
0x133: {  	v7 =	vld [tilespmem:s26+$0x80]  }
0x134: {  	v8 =	vld [tilespmem:s26+$0x90]  }
0x135: {  	v11 =	vor.u32 $0x4, v10  }
0x136: {  	v12 =	vor.u32 $0x4, v9;
	_ =	sdelay $0x1  }
0x137: {  	v7 =	vadd.f32 v7, v2  }
0x138: {  	v8 =	vadd.f32 v8, v3  }
0x139: {  	[tilespmem:v11+s31+$0x0] =	vst.idx.msk $0xffff, v7  }
0x13a: {  	[tilespmem:v12+s31+$0x0] =	vst.idx.msk $0xffff, v8  }
0x13b: {  	v7 =	vld [tilespmem:s26+$0xA0]  }
0x13c: {  	v8 =	vld [tilespmem:s26+$0xB0]  }
0x13d: {  	v11 =	vor.u32 $0x5, v10  }
0x13e: {  	v12 =	vor.u32 $0x5, v9;
	_ =	sdelay $0x1  }
0x13f: {  	v7 =	vadd.f32 v7, v2  }
0x140: {  	v8 =	vadd.f32 v8, v3  }
0x141: {  	[tilespmem:v11+s31+$0x0] =	vst.idx.msk $0xffff, v7  }
0x142: {  	[tilespmem:v12+s31+$0x0] =	vst.idx.msk $0xffff, v8  }
0x143: {  	v7 =	vld [tilespmem:s26+$0xC0]  }
0x144: {  	v8 =	vld [tilespmem:s26+$0xD0]  }
0x145: {  	v11 =	vor.u32 $0x6, v10  }
0x146: {  	v12 =	vor.u32 $0x6, v9;
	_ =	sdelay $0x1  }
0x147: {  	v7 =	vadd.f32 v7, v2  }
0x148: {  	v8 =	vadd.f32 v8, v3  }
0x149: {  	[tilespmem:v11+s31+$0x0] =	vst.idx.msk $0xffff, v7  }
0x14a: {  	[tilespmem:v12+s31+$0x0] =	vst.idx.msk $0xffff, v8  }
0x14b: {  	v8 =	vld [tilespmem:s26+$0xE0]  }
0x14c: {  	v11 =	vld [tilespmem:s26+$0xF0]  }
0x14d: {  	v10 =	vor.u32 $0x7, v10  }
.Ltmp2:
0x14e: {  	v7 =	vor.u32 $0x7, v9;
	(pc) =	sbr.rel @p2 .LBB2_7-.Ltmp2, $4  }
0x14f: {  	_ = 	snop  }
0x150: {  	v9 =	vadd.f32 v8, v2  }
0x151: {  	v8 =	vadd.f32 v11, v3  }
0x152: {  	[tilespmem:v10+s31+$0x0] =	vst.idx.msk $0xffff, v9  }
0x153: {  	s13 =	sadd.s32 $0x1, s13  }
0x154: {  	p2 =	sne.s32 s13, $0x4  }
.Ltmp3:
0x155: {  	_ = 	snop;
	(pc) =	sbr.rel @p2 .LBB2_6-.Ltmp3, $2  }
0x156: {  	_ =	sdelay $0x2  }
0x157: {  	[tilespmem:v7+s31+$0x0] =	vst.idx.msk $0xffff, v8;
	s24 =	sadd.s32 $0x1000, s24  }
0x158: {  	s13 =	sshll.u32 s22, $0xC;
	s24 =	sshll.u32 s22, $0xE  }
0x159: {  	s13 =	sand.u32 $0x1C000, s13;
	s24 =	sand.u32 $0x7FF80000, s24  }
0x15a: {  	s13 =	sor.u32 s24, s13  }
0x15b: {  	s13 =	sshrl.u32 s13, $0x3  }
0x15c: {  	s25 =	simm.s32 $0x12100;
	s24 =	sadd.s32 s3, s13  }
0x15d: {  	s26 =	simm.s32 $0x10;
	s28 =	simm.s32 $0x12188;
	s29 =	sadd.s32 $0x0, s24  }
.LBB2_10:
0x15e: {  	[hbm4b:s29+s4] =	stream.linear.scatter [tilespmem:s25], [sflag:$0x6], $0x80, $0x38;
	[tilespmem:$0x1CB00] =	vst v63  }
0x15f: {  	s29 =	smov.u32 s26;
	s25 =	smov.u32 s28;
	p2 =	sne.s32 s26, $0x1F0  }
.Ltmp4:
0x160: {  	s26 =	sadd.s32 $0x10, s26;
	(pc) =	sbr.rel @p2 .LBB2_10-.Ltmp4, $2  }
0x161: {  	_ =	sdelay $0x2  }
0x162: {  	s28 =	sadd.s32 $0x88, s28;
	s29 =	sadd.s32 s29, s24  }
0x163: {  	[hbm4b:s29+s4] =	stream.linear.scatter [tilespmem:s25], [sflag:$0x6], $0x80, $0x38;
	[tilespmem:$0x1CB00] =	vst v63  }
0x164: {  	s13 =	sadd.s32 s13, s3  }
0x165: {  	s25 =	simm.s32 $0x13640;
	s24 =	sadd.s32 $0x4000, s13  }
0x166: {  	s26 =	simm.s32 $0x10;
	s28 =	simm.s32 $0x136C8;
	s29 =	sadd.s32 $0x0, s24  }
.LBB2_12:
0x167: {  	[hbm4b:s29+s4] =	stream.linear.scatter [tilespmem:s25], [sflag:$0x6], $0x80, $0x38;
	[tilespmem:$0x1CB00] =	vst v63  }
0x168: {  	s29 =	smov.u32 s26;
	s25 =	smov.u32 s28;
	p2 =	sne.s32 s26, $0x1F0  }
.Ltmp5:
0x169: {  	s26 =	sadd.s32 $0x10, s26;
	(pc) =	sbr.rel @p2 .LBB2_12-.Ltmp5, $2  }
0x16a: {  	_ =	sdelay $0x2  }
0x16b: {  	s28 =	sadd.s32 $0x88, s28;
	s29 =	sadd.s32 s29, s24  }
0x16c: {  	[hbm4b:s29+s4] =	stream.linear.scatter [tilespmem:s25], [sflag:$0x6], $0x80, $0x38;
	[tilespmem:$0x1CB00] =	vst v63  }
0x16d: {  	s24 =	sadd.s32 $0x8000, s13;
	s25 =	simm.s32 $0x14B80  }
0x16e: {  	s26 =	simm.s32 $0x10;
	s28 =	simm.s32 $0x14C08;
	s29 =	sadd.s32 $0x0, s24  }
.LBB2_14:
0x16f: {  	[hbm4b:s29+s4] =	stream.linear.scatter [tilespmem:s25], [sflag:$0x6], $0x80, $0x38;
	[tilespmem:$0x1CB00] =	vst v63  }
0x170: {  	s29 =	smov.u32 s26;
	s25 =	smov.u32 s28;
	p2 =	sne.s32 s26, $0x1F0  }
.Ltmp6:
0x171: {  	s26 =	sadd.s32 $0x10, s26;
	(pc) =	sbr.rel @p2 .LBB2_14-.Ltmp6, $2  }
0x172: {  	_ =	sdelay $0x2  }
0x173: {  	s28 =	sadd.s32 $0x88, s28;
	s29 =	sadd.s32 s29, s24  }
0x174: {  	[hbm4b:s29+s4] =	stream.linear.scatter [tilespmem:s25], [sflag:$0x6], $0x80, $0x38;
	[tilespmem:$0x1CB00] =	vst v63  }
0x175: {  	s24 =	sadd.s32 $0xC000, s13;
	s25 =	simm.s32 $0x160C0  }
0x176: {  	s26 =	simm.s32 $0x10;
	s28 =	simm.s32 $0x16148;
	s29 =	sadd.s32 $0x0, s24  }
.LBB2_16:
0x177: {  	[hbm4b:s29+s4] =	stream.linear.scatter [tilespmem:s25], [sflag:$0x6], $0x80, $0x38;
	[tilespmem:$0x1CB00] =	vst v63  }
0x178: {  	s29 =	smov.u32 s26;
	s25 =	smov.u32 s28;
	p2 =	sne.s32 s26, $0x1F0  }
.Ltmp7:
0x179: {  	s26 =	sadd.s32 $0x10, s26;
	(pc) =	sbr.rel @p2 .LBB2_16-.Ltmp7, $2  }
0x17a: {  	_ =	sdelay $0x2  }
0x17b: {  	s28 =	sadd.s32 $0x88, s28;
	s29 =	sadd.s32 s29, s24  }
0x17c: {  	[hbm4b:s29+s4] =	stream.linear.scatter [tilespmem:s25], [sflag:$0x6], $0x80, $0x38;
	[tilespmem:$0x1CB00] =	vst v63  }
0x17d: {  	_ =	swait.ge [sflag:s19], $0x200  }
0x17e: {  	[sflag:s19] =	ssyncset.done $0x0  }
0x17f: {  	s24 =	sadd.s32 @!p0 $0x5, s22;
	[sflag:s19] =	ssyncadd.s32 $0xFFFFFE00  }
0x180: {  	[tilespmem:s1], [sflag:$0x5] =	stream.indirect.gather [hbm4b:s5+s14], $0x20, s21, s14, $0xb8;
	[tilespmem:$0x1CB00] =	vst v63  }
0x181: {  	s25 =	sshll.u32 @!p0 s24, $0x9;
	s26 =	sshll.u32 @!p0 s24, $0xC  }
0x182: {  	[tilespmem:s20], [sflag:$0x5] =	stream.indirect.gather [hbm4b:s5+s14], $0x20, s0, s14, $0xb8;
	[tilespmem:$0x1CB00] =	vst v63  }
0x183: {  	s24 =	sshll.u32 @!p0 s24, $0x2;
	s25 =	sand.u32 @!p0 $0x7FFE0000, s25;
	s26 =	sand.u32 @!p0 $0x1D000, s26  }
0x184: {  	[tilespmem:s17], [sflag:$0x5] =	stream.indirect.gather [hbm4b:s5+s14], $0x20, s16, s14, $0xb8;
	[tilespmem:$0x1CB00] =	vst v63  }
0x185: {  	s24 =	sand.u32 @!p0 $0x380, s24;
	s25 =	sor.u32 @!p0 s26, s25  }
0x186: {  	[tilespmem:s9], [sflag:$0x5] =	stream.indirect.gather [hbm4b:s5+s14], $0x20, s6, s14, $0xb8;
	[tilespmem:$0x1CB00] =	vst v63  }
0x187: {  	s28 =	simm.s32 @!p0 $0x1B00;
	s24 =	sor.u32 @!p0 s24, s25;
	_ =	swait.ge [sflag:s10], $0x4000  }
0x188: {  	s26 =	simm.s32 @!p0 $0x400;
	s24 =	sshrl.u32 @!p0 s24, $0x3;
	[sflag:s10] =	ssyncset.done $0x0  }
0x189: {  	s25 =	simm.s32 @!p0 $0x80;
	s24 =	sadd.s32 @!p0 s2, s24;
	[sflag:s10] =	ssyncadd.s32 $0xFFFFC000  }
0x18a: {  	[tilespmem:s28], [sflag:$0x1] =	stream.strided.gather @!p0 [hbm4b:s24+s25], $0x200, s26, s25, $0x38;
	[tilespmem:$0x1CB00] =	vst v63  }
0x18b: {  	s24 =	simm.s32 @!p1 $0x7  }
0x18c: {  	_ =	swait.ge @!p1 [sflag:s24], $0x4000  }
0x18d: {  	[sflag:s24] =	ssyncset.done @!p1 $0x0  }
0x18e: {  	[sflag:s24] =	ssyncadd.s32 @!p1 $0xFFFFC000  }
0x18f: {  	v2 =	vld [tilespmem:s23+$0x0]  }
0x190: {  	s28 =	simm.s32 $0x62F0;
	s24 =	simm.s32 $0x0;
	v3 =	vld [tilespmem:s23+$0x10]  }
.LBB2_18:
0x191: {  	s25 =	sshll.u32 s24, $0x3  }
0x192: {  	v4 =	vmov s25  }
0x193: {  	v4 =	vmul.u32 $0x88, v4;
	_ =	sdelay $0x1  }
0x194: {  	v6 =	vbroadcast v4, $0x0  }
0x195: {  	v7 =	vld [tilespmem:s28+$0xFFFFFE10]  }
0x196: {  	v5 =	vimm.s32 $0x0;
	v8 =	vld [tilespmem:s28+$0xFFFFFE20];
	v4 =	vadd.s32 v0, v6  }
0x197: {  	v6 =	vadd.s32 v1, v6;
	v9 =	vadd.s32 v4, v5  }
0x198: {  	v10 =	vadd.s32 v6, v5;
	_ =	sdelay $0x1  }
0x199: {  	v7 =	vadd.f32 v7, v2  }
0x19a: {  	v8 =	vadd.f32 v8, v3  }
0x19b: {  	[tilespmem:v9+s11+$0x0] =	vst.idx.msk $0xffff, v7  }
0x19c: {  	[tilespmem:v10+s11+$0x0] =	vst.idx.msk $0xffff, v8  }
0x19d: {  	v7 =	vld [tilespmem:s28+$0xFFFFFE30]  }
0x19e: {  	v8 =	vld [tilespmem:s28+$0xFFFFFE40]  }
0x19f: {  	v11 =	vor.u32 $0x1, v9  }
0x1a0: {  	v12 =	vor.u32 $0x1, v10;
	_ =	sdelay $0x1  }
0x1a1: {  	v7 =	vadd.f32 v7, v2  }
0x1a2: {  	v8 =	vadd.f32 v8, v3  }
0x1a3: {  	[tilespmem:v11+s11+$0x0] =	vst.idx.msk $0xffff, v7  }
0x1a4: {  	[tilespmem:v12+s11+$0x0] =	vst.idx.msk $0xffff, v8  }
0x1a5: {  	v7 =	vld [tilespmem:s28+$0xFFFFFE50]  }
0x1a6: {  	v8 =	vld [tilespmem:s28+$0xFFFFFE60]  }
0x1a7: {  	v11 =	vor.u32 $0x2, v9  }
0x1a8: {  	v53 =	vor.u32 $0x2, v10;
	_ =	sdelay $0x1  }
0x1a9: {  	v7 =	vadd.f32 v7, v2  }
0x1aa: {  	v8 =	vadd.f32 v8, v3  }
0x1ab: {  	[tilespmem:v11+s11+$0x0] =	vst.idx.msk $0xffff, v7  }
0x1ac: {  	[tilespmem:v53+s11+$0x0] =	vst.idx.msk $0xffff, v8  }
0x1ad: {  	v7 =	vld [tilespmem:s28+$0xFFFFFE70]  }
0x1ae: {  	v8 =	vld [tilespmem:s28+$0xFFFFFE80]  }
0x1af: {  	v11 =	vor.u32 $0x3, v9  }
0x1b0: {  	v54 =	vor.u32 $0x3, v10;
	_ =	sdelay $0x1  }
0x1b1: {  	v7 =	vadd.f32 v7, v2  }
0x1b2: {  	v8 =	vadd.f32 v8, v3  }
0x1b3: {  	[tilespmem:v11+s11+$0x0] =	vst.idx.msk $0xffff, v7  }
0x1b4: {  	[tilespmem:v54+s11+$0x0] =	vst.idx.msk $0xffff, v8  }
0x1b5: {  	v7 =	vld [tilespmem:s28+$0xFFFFFE90]  }
0x1b6: {  	v8 =	vld [tilespmem:s28+$0xFFFFFEA0]  }
0x1b7: {  	v11 =	vor.u32 $0x4, v9  }
0x1b8: {  	v55 =	vor.u32 $0x4, v10;
	_ =	sdelay $0x1  }
0x1b9: {  	v7 =	vadd.f32 v7, v2  }
0x1ba: {  	v8 =	vadd.f32 v8, v3  }
0x1bb: {  	[tilespmem:v11+s11+$0x0] =	vst.idx.msk $0xffff, v7  }
0x1bc: {  	[tilespmem:v55+s11+$0x0] =	vst.idx.msk $0xffff, v8  }
0x1bd: {  	v7 =	vld [tilespmem:s28+$0xFFFFFEB0]  }
0x1be: {  	v8 =	vld [tilespmem:s28+$0xFFFFFEC0]  }
0x1bf: {  	v11 =	vor.u32 $0x5, v9  }
0x1c0: {  	v56 =	vor.u32 $0x5, v10;
	_ =	sdelay $0x1  }
0x1c1: {  	v7 =	vadd.f32 v7, v2  }
0x1c2: {  	v8 =	vadd.f32 v8, v3  }
0x1c3: {  	[tilespmem:v11+s11+$0x0] =	vst.idx.msk $0xffff, v7  }
0x1c4: {  	[tilespmem:v56+s11+$0x0] =	vst.idx.msk $0xffff, v8  }
0x1c5: {  	v7 =	vld [tilespmem:s28+$0xFFFFFED0]  }
0x1c6: {  	v8 =	vld [tilespmem:s28+$0xFFFFFEE0]  }
0x1c7: {  	v11 =	vor.u32 $0x6, v9  }
0x1c8: {  	v57 =	vor.u32 $0x6, v10;
	_ =	sdelay $0x1  }
0x1c9: {  	v7 =	vadd.f32 v7, v2  }
0x1ca: {  	v8 =	vadd.f32 v8, v3  }
0x1cb: {  	[tilespmem:v11+s11+$0x0] =	vst.idx.msk $0xffff, v7  }
0x1cc: {  	[tilespmem:v57+s11+$0x0] =	vst.idx.msk $0xffff, v8  }
0x1cd: {  	v7 =	vld [tilespmem:s28+$0xFFFFFEF0]  }
0x1ce: {  	v8 =	vld [tilespmem:s28+$0xFFFFFF00]  }
0x1cf: {  	v9 =	vor.u32 $0x7, v9  }
0x1d0: {  	v10 =	vor.u32 $0x7, v10;
	_ =	sdelay $0x1  }
0x1d1: {  	v7 =	vadd.f32 v7, v2  }
0x1d2: {  	v8 =	vadd.f32 v8, v3  }
0x1d3: {  	[tilespmem:v9+s11+$0x0] =	vst.idx.msk $0xffff, v7  }
0x1d4: {  	[tilespmem:v10+s11+$0x0] =	vst.idx.msk $0xffff, v8  }
0x1d5: {  	v7 =	vld [tilespmem:s28+$0xFFFFFF10]  }
0x1d6: {  	v9 =	vor.u32 $0x8, v5;
	v8 =	vld [tilespmem:s28+$0xFFFFFF20]  }
0x1d7: {  	v10 =	vadd.s32 v4, v9  }
0x1d8: {  	v9 =	vadd.s32 v6, v9;
	_ =	sdelay $0x1  }
0x1d9: {  	v7 =	vadd.f32 v7, v2  }
0x1da: {  	v8 =	vadd.f32 v8, v3  }
0x1db: {  	[tilespmem:v10+s11+$0x0] =	vst.idx.msk $0xffff, v7  }
0x1dc: {  	[tilespmem:v9+s11+$0x0] =	vst.idx.msk $0xffff, v8  }
0x1dd: {  	v7 =	vld [tilespmem:s28+$0xFFFFFF30]  }
0x1de: {  	v8 =	vld [tilespmem:s28+$0xFFFFFF40]  }
0x1df: {  	v11 =	vor.u32 $0x1, v10  }
0x1e0: {  	v58 =	vor.u32 $0x1, v9;
	_ =	sdelay $0x1  }
0x1e1: {  	v7 =	vadd.f32 v7, v2  }
0x1e2: {  	v8 =	vadd.f32 v8, v3  }
0x1e3: {  	[tilespmem:v11+s11+$0x0] =	vst.idx.msk $0xffff, v7  }
0x1e4: {  	[tilespmem:v58+s11+$0x0] =	vst.idx.msk $0xffff, v8  }
0x1e5: {  	v7 =	vld [tilespmem:s28+$0xFFFFFF50]  }
0x1e6: {  	v8 =	vld [tilespmem:s28+$0xFFFFFF60]  }
0x1e7: {  	v11 =	vor.u32 $0x2, v10  }
0x1e8: {  	v59 =	vor.u32 $0x2, v9;
	_ =	sdelay $0x1  }
0x1e9: {  	v7 =	vadd.f32 v7, v2  }
0x1ea: {  	v8 =	vadd.f32 v8, v3  }
0x1eb: {  	[tilespmem:v11+s11+$0x0] =	vst.idx.msk $0xffff, v7  }
0x1ec: {  	[tilespmem:v59+s11+$0x0] =	vst.idx.msk $0xffff, v8  }
0x1ed: {  	v7 =	vld [tilespmem:s28+$0xFFFFFF70]  }
0x1ee: {  	v8 =	vld [tilespmem:s28+$0xFFFFFF80]  }
0x1ef: {  	v11 =	vor.u32 $0x3, v10  }
0x1f0: {  	v60 =	vor.u32 $0x3, v9;
	_ =	sdelay $0x1  }
0x1f1: {  	v7 =	vadd.f32 v7, v2  }
0x1f2: {  	v8 =	vadd.f32 v8, v3  }
0x1f3: {  	[tilespmem:v11+s11+$0x0] =	vst.idx.msk $0xffff, v7  }
0x1f4: {  	[tilespmem:v60+s11+$0x0] =	vst.idx.msk $0xffff, v8  }
0x1f5: {  	v7 =	vld [tilespmem:s28+$0xFFFFFF90]  }
0x1f6: {  	v8 =	vld [tilespmem:s28+$0xFFFFFFA0]  }
0x1f7: {  	v11 =	vor.u32 $0x4, v10  }
0x1f8: {  	v61 =	vor.u32 $0x4, v9;
	_ =	sdelay $0x1  }
0x1f9: {  	v7 =	vadd.f32 v7, v2  }
0x1fa: {  	v8 =	vadd.f32 v8, v3  }
0x1fb: {  	[tilespmem:v11+s11+$0x0] =	vst.idx.msk $0xffff, v7  }
0x1fc: {  	[tilespmem:v61+s11+$0x0] =	vst.idx.msk $0xffff, v8  }
0x1fd: {  	v7 =	vld [tilespmem:s28+$0xFFFFFFB0]  }
0x1fe: {  	v8 =	vld [tilespmem:s28+$0xFFFFFFC0]  }
0x1ff: {  	v11 =	vor.u32 $0x5, v10  }
0x200: {  	v62 =	vor.u32 $0x5, v9;
	_ =	sdelay $0x1  }
0x201: {  	v7 =	vadd.f32 v7, v2  }
0x202: {  	v8 =	vadd.f32 v8, v3  }
0x203: {  	[tilespmem:v11+s11+$0x0] =	vst.idx.msk $0xffff, v7  }
0x204: {  	[tilespmem:v62+s11+$0x0] =	vst.idx.msk $0xffff, v8  }
0x205: {  	v7 =	vld [tilespmem:s28+$0xFFFFFFD0]  }
0x206: {  	v8 =	vld [tilespmem:s28+$0xFFFFFFE0]  }
0x207: {  	v11 =	vor.u32 $0x6, v10  }
0x208: {  	v63 =	vor.u32 $0x6, v9;
	_ =	sdelay $0x1  }
0x209: {  	v7 =	vadd.f32 v7, v2  }
0x20a: {  	v8 =	vadd.f32 v8, v3  }
0x20b: {  	[tilespmem:v11+s11+$0x0] =	vst.idx.msk $0xffff, v7  }
0x20c: {  	[tilespmem:v63+s11+$0x0] =	vst.idx.msk $0xffff, v8  }
0x20d: {  	v7 =	vld [tilespmem:s28+$0xFFFFFFF0];
	_ =	sdelay $0x2  }
0x20e: {  	v8 =	vld [tilespmem:s28+$0x0]  }
0x20f: {  	v10 =	vor.u32 $0x7, v10  }
0x210: {  	v11 =	vadd.f32 v7, v2;
	v7 =	vor.u32 $0x7, v9;
	_ =	sdelay $0x2  }
0x211: {  	v8 =	vadd.f32 v8, v3  }
0x212: {  	s26 =	simm.s32 $0x0;
	s25 =	smov.u32 s28;
	[tilespmem:v10+s11+$0x0] =	vst.idx.msk $0xffff, v11  }
.LBB2_19:
0x213: {  	s26 =	sadd.s32 $0x10, s26;
	[tilespmem:v7+s11+$0x0] =	vst.idx.msk $0xffff, v8;
	v5 =	vadd.s32 $0x10, v5;
	s25 =	sadd.s32 $0x200, s25  }
0x214: {  	v7 =	vld [tilespmem:s25+$0xFFFFFE10];
	p0 =	slt.u32 s26, $0x70  }
0x215: {  	v8 =	vld [tilespmem:s25+$0xFFFFFE20]  }
0x216: {  	v9 =	vadd.s32 v4, v5  }
0x217: {  	v10 =	vadd.s32 v6, v5;
	_ =	sdelay $0x1  }
0x218: {  	v7 =	vadd.f32 v7, v2  }
0x219: {  	v8 =	vadd.f32 v8, v3  }
0x21a: {  	[tilespmem:v9+s11+$0x0] =	vst.idx.msk $0xffff, v7  }
0x21b: {  	[tilespmem:v10+s11+$0x0] =	vst.idx.msk $0xffff, v8  }
0x21c: {  	v7 =	vld [tilespmem:s25+$0xFFFFFE30]  }
0x21d: {  	v8 =	vld [tilespmem:s25+$0xFFFFFE40]  }
0x21e: {  	v11 =	vor.u32 $0x1, v9  }
0x21f: {  	v12 =	vor.u32 $0x1, v10;
	_ =	sdelay $0x1  }
0x220: {  	v7 =	vadd.f32 v7, v2  }
0x221: {  	v8 =	vadd.f32 v8, v3  }
0x222: {  	[tilespmem:v11+s11+$0x0] =	vst.idx.msk $0xffff, v7  }
0x223: {  	[tilespmem:v12+s11+$0x0] =	vst.idx.msk $0xffff, v8  }
0x224: {  	v7 =	vld [tilespmem:s25+$0xFFFFFE50]  }
0x225: {  	v8 =	vld [tilespmem:s25+$0xFFFFFE60]  }
0x226: {  	v11 =	vor.u32 $0x2, v9  }
0x227: {  	v12 =	vor.u32 $0x2, v10;
	_ =	sdelay $0x1  }
0x228: {  	v7 =	vadd.f32 v7, v2  }
0x229: {  	v8 =	vadd.f32 v8, v3  }
0x22a: {  	[tilespmem:v11+s11+$0x0] =	vst.idx.msk $0xffff, v7  }
0x22b: {  	[tilespmem:v12+s11+$0x0] =	vst.idx.msk $0xffff, v8  }
0x22c: {  	v7 =	vld [tilespmem:s25+$0xFFFFFE70]  }
0x22d: {  	v8 =	vld [tilespmem:s25+$0xFFFFFE80]  }
0x22e: {  	v11 =	vor.u32 $0x3, v9  }
0x22f: {  	v12 =	vor.u32 $0x3, v10;
	_ =	sdelay $0x1  }
0x230: {  	v7 =	vadd.f32 v7, v2  }
0x231: {  	v8 =	vadd.f32 v8, v3  }
0x232: {  	[tilespmem:v11+s11+$0x0] =	vst.idx.msk $0xffff, v7  }
0x233: {  	[tilespmem:v12+s11+$0x0] =	vst.idx.msk $0xffff, v8  }
0x234: {  	v7 =	vld [tilespmem:s25+$0xFFFFFE90]  }
0x235: {  	v8 =	vld [tilespmem:s25+$0xFFFFFEA0]  }
0x236: {  	v11 =	vor.u32 $0x4, v9  }
0x237: {  	v12 =	vor.u32 $0x4, v10;
	_ =	sdelay $0x1  }
0x238: {  	v7 =	vadd.f32 v7, v2  }
0x239: {  	v8 =	vadd.f32 v8, v3  }
0x23a: {  	[tilespmem:v11+s11+$0x0] =	vst.idx.msk $0xffff, v7  }
0x23b: {  	[tilespmem:v12+s11+$0x0] =	vst.idx.msk $0xffff, v8  }
0x23c: {  	v7 =	vld [tilespmem:s25+$0xFFFFFEB0]  }
0x23d: {  	v8 =	vld [tilespmem:s25+$0xFFFFFEC0]  }
0x23e: {  	v11 =	vor.u32 $0x5, v9  }
0x23f: {  	v12 =	vor.u32 $0x5, v10;
	_ =	sdelay $0x1  }
0x240: {  	v7 =	vadd.f32 v7, v2  }
0x241: {  	v8 =	vadd.f32 v8, v3  }
0x242: {  	[tilespmem:v11+s11+$0x0] =	vst.idx.msk $0xffff, v7  }
0x243: {  	[tilespmem:v12+s11+$0x0] =	vst.idx.msk $0xffff, v8  }
0x244: {  	v7 =	vld [tilespmem:s25+$0xFFFFFED0]  }
0x245: {  	v8 =	vld [tilespmem:s25+$0xFFFFFEE0]  }
0x246: {  	v11 =	vor.u32 $0x6, v9  }
0x247: {  	v12 =	vor.u32 $0x6, v10;
	_ =	sdelay $0x1  }
0x248: {  	v7 =	vadd.f32 v7, v2  }
0x249: {  	v8 =	vadd.f32 v8, v3  }
0x24a: {  	[tilespmem:v11+s11+$0x0] =	vst.idx.msk $0xffff, v7  }
0x24b: {  	[tilespmem:v12+s11+$0x0] =	vst.idx.msk $0xffff, v8  }
0x24c: {  	v7 =	vld [tilespmem:s25+$0xFFFFFEF0]  }
0x24d: {  	v8 =	vld [tilespmem:s25+$0xFFFFFF00]  }
0x24e: {  	v9 =	vor.u32 $0x7, v9  }
0x24f: {  	v10 =	vor.u32 $0x7, v10;
	_ =	sdelay $0x1  }
0x250: {  	v7 =	vadd.f32 v7, v2  }
0x251: {  	v8 =	vadd.f32 v8, v3  }
0x252: {  	[tilespmem:v9+s11+$0x0] =	vst.idx.msk $0xffff, v7  }
0x253: {  	[tilespmem:v10+s11+$0x0] =	vst.idx.msk $0xffff, v8  }
0x254: {  	v7 =	vld [tilespmem:s25+$0xFFFFFF10]  }
0x255: {  	v9 =	vor.u32 $0x8, v5;
	v8 =	vld [tilespmem:s25+$0xFFFFFF20]  }
0x256: {  	v10 =	vadd.s32 v4, v9  }
0x257: {  	v9 =	vadd.s32 v6, v9;
	_ =	sdelay $0x1  }
0x258: {  	v7 =	vadd.f32 v7, v2  }
0x259: {  	v8 =	vadd.f32 v8, v3  }
0x25a: {  	[tilespmem:v10+s11+$0x0] =	vst.idx.msk $0xffff, v7  }
0x25b: {  	[tilespmem:v9+s11+$0x0] =	vst.idx.msk $0xffff, v8  }
0x25c: {  	v7 =	vld [tilespmem:s25+$0xFFFFFF30]  }
0x25d: {  	v8 =	vld [tilespmem:s25+$0xFFFFFF40]  }
0x25e: {  	v11 =	vor.u32 $0x1, v10  }
0x25f: {  	v12 =	vor.u32 $0x1, v9;
	_ =	sdelay $0x1  }
0x260: {  	v7 =	vadd.f32 v7, v2  }
0x261: {  	v8 =	vadd.f32 v8, v3  }
0x262: {  	[tilespmem:v11+s11+$0x0] =	vst.idx.msk $0xffff, v7  }
0x263: {  	[tilespmem:v12+s11+$0x0] =	vst.idx.msk $0xffff, v8  }
0x264: {  	v7 =	vld [tilespmem:s25+$0xFFFFFF50]  }
0x265: {  	v8 =	vld [tilespmem:s25+$0xFFFFFF60]  }
0x266: {  	v11 =	vor.u32 $0x2, v10  }
0x267: {  	v12 =	vor.u32 $0x2, v9;
	_ =	sdelay $0x1  }
0x268: {  	v7 =	vadd.f32 v7, v2  }
0x269: {  	v8 =	vadd.f32 v8, v3  }
0x26a: {  	[tilespmem:v11+s11+$0x0] =	vst.idx.msk $0xffff, v7  }
0x26b: {  	[tilespmem:v12+s11+$0x0] =	vst.idx.msk $0xffff, v8  }
0x26c: {  	v7 =	vld [tilespmem:s25+$0xFFFFFF70]  }
0x26d: {  	v8 =	vld [tilespmem:s25+$0xFFFFFF80]  }
0x26e: {  	v11 =	vor.u32 $0x3, v10  }
0x26f: {  	v12 =	vor.u32 $0x3, v9;
	_ =	sdelay $0x1  }
0x270: {  	v7 =	vadd.f32 v7, v2  }
0x271: {  	v8 =	vadd.f32 v8, v3  }
0x272: {  	[tilespmem:v11+s11+$0x0] =	vst.idx.msk $0xffff, v7  }
0x273: {  	[tilespmem:v12+s11+$0x0] =	vst.idx.msk $0xffff, v8  }
0x274: {  	v7 =	vld [tilespmem:s25+$0xFFFFFF90]  }
0x275: {  	v8 =	vld [tilespmem:s25+$0xFFFFFFA0]  }
0x276: {  	v11 =	vor.u32 $0x4, v10  }
0x277: {  	v12 =	vor.u32 $0x4, v9;
	_ =	sdelay $0x1  }
0x278: {  	v7 =	vadd.f32 v7, v2  }
0x279: {  	v8 =	vadd.f32 v8, v3  }
0x27a: {  	[tilespmem:v11+s11+$0x0] =	vst.idx.msk $0xffff, v7  }
0x27b: {  	[tilespmem:v12+s11+$0x0] =	vst.idx.msk $0xffff, v8  }
0x27c: {  	v7 =	vld [tilespmem:s25+$0xFFFFFFB0]  }
0x27d: {  	v8 =	vld [tilespmem:s25+$0xFFFFFFC0]  }
0x27e: {  	v11 =	vor.u32 $0x5, v10  }
0x27f: {  	v12 =	vor.u32 $0x5, v9;
	_ =	sdelay $0x1  }
0x280: {  	v7 =	vadd.f32 v7, v2  }
0x281: {  	v8 =	vadd.f32 v8, v3  }
0x282: {  	[tilespmem:v11+s11+$0x0] =	vst.idx.msk $0xffff, v7  }
0x283: {  	[tilespmem:v12+s11+$0x0] =	vst.idx.msk $0xffff, v8  }
0x284: {  	v7 =	vld [tilespmem:s25+$0xFFFFFFD0]  }
0x285: {  	v8 =	vld [tilespmem:s25+$0xFFFFFFE0]  }
0x286: {  	v11 =	vor.u32 $0x6, v10  }
0x287: {  	v12 =	vor.u32 $0x6, v9;
	_ =	sdelay $0x1  }
0x288: {  	v7 =	vadd.f32 v7, v2  }
0x289: {  	v8 =	vadd.f32 v8, v3  }
0x28a: {  	[tilespmem:v11+s11+$0x0] =	vst.idx.msk $0xffff, v7  }
0x28b: {  	[tilespmem:v12+s11+$0x0] =	vst.idx.msk $0xffff, v8  }
0x28c: {  	v8 =	vld [tilespmem:s25+$0xFFFFFFF0]  }
0x28d: {  	v11 =	vld [tilespmem:s25+$0x0]  }
0x28e: {  	v10 =	vor.u32 $0x7, v10  }
.Ltmp8:
0x28f: {  	v7 =	vor.u32 $0x7, v9;
	(pc) =	sbr.rel @p0 .LBB2_19-.Ltmp8, $4  }
0x290: {  	_ = 	snop  }
0x291: {  	v9 =	vadd.f32 v8, v2  }
0x292: {  	v8 =	vadd.f32 v11, v3  }
0x293: {  	[tilespmem:v10+s11+$0x0] =	vst.idx.msk $0xffff, v9  }
0x294: {  	s24 =	sadd.s32 $0x1, s24  }
0x295: {  	p0 =	sne.s32 s24, $0x4  }
.Ltmp9:
0x296: {  	_ = 	snop;
	(pc) =	sbr.rel @p0 .LBB2_18-.Ltmp9, $2  }
0x297: {  	_ =	sdelay $0x2  }
0x298: {  	[tilespmem:v7+s11+$0x0] =	vst.idx.msk $0xffff, v8;
	s28 =	sadd.s32 $0x1000, s28  }
0x299: {  	s24 =	sadd.s32 $0x200, s13;
	s25 =	simm.s32 $0x17600  }
0x29a: {  	s26 =	simm.s32 $0x10;
	s28 =	simm.s32 $0x17688;
	s29 =	sadd.s32 $0x0, s24  }
.LBB2_22:
0x29b: {  	[hbm4b:s29+s4] =	stream.linear.scatter [tilespmem:s25], [sflag:$0x7], $0x80, $0x38;
	[tilespmem:$0x1CB00] =	vst v63  }
0x29c: {  	s29 =	smov.u32 s26;
	s25 =	smov.u32 s28;
	p0 =	sne.s32 s26, $0x1F0  }
.Ltmp10:
0x29d: {  	s26 =	sadd.s32 $0x10, s26;
	(pc) =	sbr.rel @p0 .LBB2_22-.Ltmp10, $2  }
0x29e: {  	_ =	sdelay $0x2  }
0x29f: {  	s28 =	sadd.s32 $0x88, s28;
	s29 =	sadd.s32 s29, s24  }
0x2a0: {  	[hbm4b:s29+s4] =	stream.linear.scatter [tilespmem:s25], [sflag:$0x7], $0x80, $0x38;
	[tilespmem:$0x1CB00] =	vst v63  }
0x2a1: {  	s24 =	sadd.s32 $0x4200, s13;
	s25 =	simm.s32 $0x18B40  }
0x2a2: {  	s26 =	simm.s32 $0x10;
	s28 =	simm.s32 $0x18BC8;
	s29 =	sadd.s32 $0x0, s24  }
.LBB2_24:
0x2a3: {  	[hbm4b:s29+s4] =	stream.linear.scatter [tilespmem:s25], [sflag:$0x7], $0x80, $0x38;
	[tilespmem:$0x1CB00] =	vst v63  }
0x2a4: {  	s29 =	smov.u32 s26;
	s25 =	smov.u32 s28;
	p0 =	sne.s32 s26, $0x1F0  }
.Ltmp11:
0x2a5: {  	s26 =	sadd.s32 $0x10, s26;
	(pc) =	sbr.rel @p0 .LBB2_24-.Ltmp11, $2  }
0x2a6: {  	_ =	sdelay $0x2  }
0x2a7: {  	s28 =	sadd.s32 $0x88, s28;
	s29 =	sadd.s32 s29, s24  }
0x2a8: {  	[hbm4b:s29+s4] =	stream.linear.scatter [tilespmem:s25], [sflag:$0x7], $0x80, $0x38;
	[tilespmem:$0x1CB00] =	vst v63  }
0x2a9: {  	s24 =	sadd.s32 $0x8200, s13;
	s25 =	simm.s32 $0x1A080  }
0x2aa: {  	s26 =	simm.s32 $0x10;
	s28 =	simm.s32 $0x1A108;
	s29 =	sadd.s32 $0x0, s24  }
.LBB2_26:
0x2ab: {  	[hbm4b:s29+s4] =	stream.linear.scatter [tilespmem:s25], [sflag:$0x7], $0x80, $0x38;
	[tilespmem:$0x1CB00] =	vst v63  }
0x2ac: {  	s29 =	smov.u32 s26;
	s25 =	smov.u32 s28;
	p0 =	sne.s32 s26, $0x1F0  }
.Ltmp12:
0x2ad: {  	s26 =	sadd.s32 $0x10, s26;
	(pc) =	sbr.rel @p0 .LBB2_26-.Ltmp12, $2  }
0x2ae: {  	_ =	sdelay $0x2  }
0x2af: {  	s28 =	sadd.s32 $0x88, s28;
	s29 =	sadd.s32 s29, s24  }
0x2b0: {  	[hbm4b:s29+s4] =	stream.linear.scatter [tilespmem:s25], [sflag:$0x7], $0x80, $0x38;
	[tilespmem:$0x1CB00] =	vst v63  }
0x2b1: {  	s24 =	sadd.s32 $0xC200, s13;
	s25 =	simm.s32 $0x1B5C0  }
0x2b2: {  	s26 =	simm.s32 $0x10;
	s28 =	simm.s32 $0x1B648;
	s29 =	sadd.s32 $0x0, s24  }
.LBB2_28:
0x2b3: {  	[hbm4b:s29+s4] =	stream.linear.scatter [tilespmem:s25], [sflag:$0x7], $0x80, $0x38;
	[tilespmem:$0x1CB00] =	vst v63  }
0x2b4: {  	s29 =	smov.u32 s26;
	s25 =	smov.u32 s28;
	p0 =	sne.s32 s26, $0x1F0  }
.Ltmp13:
0x2b5: {  	s26 =	sadd.s32 $0x10, s26;
	(pc) =	sbr.rel @p0 .LBB2_28-.Ltmp13, $2  }
0x2b6: {  	_ =	sdelay $0x2  }
0x2b7: {  	s28 =	sadd.s32 $0x88, s28;
	s29 =	sadd.s32 s29, s24  }
0x2b8: {  	[hbm4b:s29+s4] =	stream.linear.scatter [tilespmem:s25], [sflag:$0x7], $0x80, $0x38;
	[tilespmem:$0x1CB00] =	vst v63  }
0x2b9: {  	p0 =	sne.s32 s15, $0x31  }
0x2ba: {  	s24 =	simm.s32 @p0 $0x1  }
0x2bb: {  	_ =	swait.ge @p0 [sflag:s24], $0x200  }
0x2bc: {  	s25 =	simm.s32 @p0 $0x1900;
	[sflag:s24] =	ssyncset.done @p0 $0x0  }
0x2bd: {  	s26 =	simm.s32 @p0 $0x2100;
	[sflag:s24] =	ssyncadd.s32 @p0 $0xFFFFFE00;
	s24 =	simm.s32 @p0 $0x80  }
0x2be: {  	[tilespmem:s26], [sflag:$0x2] =	stream.indirect.gather @p0 [hbm4b:s5+s24], $0x20, s25, s24, $0xb8;
	[tilespmem:$0x1CB00] =	vst v63  }
0x2bf: {  	s25 =	simm.s32 @p0 $0x1980;
	s26 =	simm.s32 @p0 $0x3100  }
0x2c0: {  	[tilespmem:s26], [sflag:$0x2] =	stream.indirect.gather @p0 [hbm4b:s5+s24], $0x20, s25, s24, $0xb8;
	[tilespmem:$0x1CB00] =	vst v63  }
0x2c1: {  	s25 =	simm.s32 @p0 $0x1A00;
	s26 =	simm.s32 @p0 $0x4100  }
0x2c2: {  	[tilespmem:s26], [sflag:$0x2] =	stream.indirect.gather @p0 [hbm4b:s5+s24], $0x20, s25, s24, $0xb8;
	[tilespmem:$0x1CB00] =	vst v63  }
0x2c3: {  	s25 =	simm.s32 @p0 $0x1A80;
	s26 =	simm.s32 @p0 $0x5100  }
0x2c4: {  	[tilespmem:s26], [sflag:$0x2] =	stream.indirect.gather @p0 [hbm4b:s5+s24], $0x20, s25, s24, $0xb8;
	[tilespmem:$0x1CB00] =	vst v63  }
0x2c5: {  	s25 =	sadd.s32 @p0 $0x6, s22  }
0x2c6: {  	s26 =	simm.s32 @p0 $0x4;
	s28 =	sshll.u32 @p0 s25, $0x9;
	s29 =	sshll.u32 @p0 s25, $0xC  }
0x2c7: {  	s25 =	sshll.u32 @p0 s25, $0x2;
	s28 =	sand.u32 @p0 $0x7FFE0000, s28;
	s29 =	sand.u32 @p0 $0x1E000, s29  }
0x2c8: {  	_ =	swait.ge @p0 [sflag:s26], $0x4000;
	s25 =	sand.u32 @p0 $0x380, s25;
	s28 =	sor.u32 @p0 s29, s28  }
0x2c9: {  	[sflag:s26] =	ssyncset.done @p0 $0x0;
	s25 =	sor.u32 @p0 s25, s28  }
0x2ca: {  	[sflag:s26] =	ssyncadd.s32 @p0 $0xFFFFC000;
	s25 =	sshrl.u32 @p0 s25, $0x3  }
0x2cb: {  	s26 =	simm.s32 @p0 $0x400;
	s28 =	simm.s32 @p0 $0x1D00;
	s25 =	sadd.s32 @p0 s2, s25  }
0x2cc: {  	[tilespmem:s28], [sflag:$0x1] =	stream.strided.gather @p0 [hbm4b:s25+s24], $0x200, s26, s24, $0x38;
	[tilespmem:$0x1CB00] =	vst v63  }
0x2cd: {  	s24 =	simm.s32 @!p0 $0x4  }
0x2ce: {  	_ =	swait.ge @!p0 [sflag:s24], $0x4000  }
0x2cf: {  	[sflag:s24] =	ssyncset.done @!p0 $0x0  }
0x2d0: {  	[sflag:s24] =	ssyncadd.s32 @!p0 $0xFFFFC000  }
0x2d1: {  	_ =	swait.ge [sflag:s12], $0x4000  }
0x2d2: {  	[sflag:s12] =	ssyncset.done $0x0  }
0x2d3: {  	[sflag:s12] =	ssyncadd.s32 $0xFFFFC000  }
0x2d4: {  	v2 =	vld [tilespmem:s23+$0x0]  }
0x2d5: {  	s25 =	simm.s32 $0xA2F0;
	s24 =	simm.s32 $0x0;
	v3 =	vld [tilespmem:s23+$0x10]  }
.LBB2_30:
0x2d6: {  	s26 =	sshll.u32 s24, $0x3  }
0x2d7: {  	v4 =	vmov s26  }
0x2d8: {  	v4 =	vmul.u32 $0x88, v4;
	_ =	sdelay $0x1  }
0x2d9: {  	v6 =	vbroadcast v4, $0x0  }
0x2da: {  	v7 =	vld [tilespmem:s25+$0xFFFFFE10]  }
0x2db: {  	v5 =	vimm.s32 $0x0;
	v8 =	vld [tilespmem:s25+$0xFFFFFE20];
	v4 =	vadd.s32 v0, v6  }
0x2dc: {  	v6 =	vadd.s32 v1, v6;
	v9 =	vadd.s32 v4, v5  }
0x2dd: {  	v10 =	vadd.s32 v6, v5;
	_ =	sdelay $0x1  }
0x2de: {  	v7 =	vadd.f32 v7, v2  }
0x2df: {  	v8 =	vadd.f32 v8, v3  }
0x2e0: {  	[tilespmem:v9+s31+$0x0] =	vst.idx.msk $0xffff, v7  }
0x2e1: {  	[tilespmem:v10+s31+$0x0] =	vst.idx.msk $0xffff, v8  }
0x2e2: {  	v7 =	vld [tilespmem:s25+$0xFFFFFE30]  }
0x2e3: {  	v8 =	vld [tilespmem:s25+$0xFFFFFE40]  }
0x2e4: {  	v11 =	vor.u32 $0x1, v9  }
0x2e5: {  	v12 =	vor.u32 $0x1, v10;
	_ =	sdelay $0x1  }
0x2e6: {  	v7 =	vadd.f32 v7, v2  }
0x2e7: {  	v8 =	vadd.f32 v8, v3  }
0x2e8: {  	[tilespmem:v11+s31+$0x0] =	vst.idx.msk $0xffff, v7  }
0x2e9: {  	[tilespmem:v12+s31+$0x0] =	vst.idx.msk $0xffff, v8  }
0x2ea: {  	v7 =	vld [tilespmem:s25+$0xFFFFFE50]  }
0x2eb: {  	v8 =	vld [tilespmem:s25+$0xFFFFFE60]  }
0x2ec: {  	v11 =	vor.u32 $0x2, v9  }
0x2ed: {  	v53 =	vor.u32 $0x2, v10;
	_ =	sdelay $0x1  }
0x2ee: {  	v7 =	vadd.f32 v7, v2  }
0x2ef: {  	v8 =	vadd.f32 v8, v3  }
0x2f0: {  	[tilespmem:v11+s31+$0x0] =	vst.idx.msk $0xffff, v7  }
0x2f1: {  	[tilespmem:v53+s31+$0x0] =	vst.idx.msk $0xffff, v8  }
0x2f2: {  	v7 =	vld [tilespmem:s25+$0xFFFFFE70]  }
0x2f3: {  	v8 =	vld [tilespmem:s25+$0xFFFFFE80]  }
0x2f4: {  	v11 =	vor.u32 $0x3, v9  }
0x2f5: {  	v54 =	vor.u32 $0x3, v10;
	_ =	sdelay $0x1  }
0x2f6: {  	v7 =	vadd.f32 v7, v2  }
0x2f7: {  	v8 =	vadd.f32 v8, v3  }
0x2f8: {  	[tilespmem:v11+s31+$0x0] =	vst.idx.msk $0xffff, v7  }
0x2f9: {  	[tilespmem:v54+s31+$0x0] =	vst.idx.msk $0xffff, v8  }
0x2fa: {  	v7 =	vld [tilespmem:s25+$0xFFFFFE90]  }
0x2fb: {  	v8 =	vld [tilespmem:s25+$0xFFFFFEA0]  }
0x2fc: {  	v11 =	vor.u32 $0x4, v9  }
0x2fd: {  	v55 =	vor.u32 $0x4, v10;
	_ =	sdelay $0x1  }
0x2fe: {  	v7 =	vadd.f32 v7, v2  }
0x2ff: {  	v8 =	vadd.f32 v8, v3  }
0x300: {  	[tilespmem:v11+s31+$0x0] =	vst.idx.msk $0xffff, v7  }
0x301: {  	[tilespmem:v55+s31+$0x0] =	vst.idx.msk $0xffff, v8  }
0x302: {  	v7 =	vld [tilespmem:s25+$0xFFFFFEB0]  }
0x303: {  	v8 =	vld [tilespmem:s25+$0xFFFFFEC0]  }
0x304: {  	v11 =	vor.u32 $0x5, v9  }
0x305: {  	v56 =	vor.u32 $0x5, v10;
	_ =	sdelay $0x1  }
0x306: {  	v7 =	vadd.f32 v7, v2  }
0x307: {  	v8 =	vadd.f32 v8, v3  }
0x308: {  	[tilespmem:v11+s31+$0x0] =	vst.idx.msk $0xffff, v7  }
0x309: {  	[tilespmem:v56+s31+$0x0] =	vst.idx.msk $0xffff, v8  }
0x30a: {  	v7 =	vld [tilespmem:s25+$0xFFFFFED0]  }
0x30b: {  	v8 =	vld [tilespmem:s25+$0xFFFFFEE0]  }
0x30c: {  	v11 =	vor.u32 $0x6, v9  }
0x30d: {  	v57 =	vor.u32 $0x6, v10;
	_ =	sdelay $0x1  }
0x30e: {  	v7 =	vadd.f32 v7, v2  }
0x30f: {  	v8 =	vadd.f32 v8, v3  }
0x310: {  	[tilespmem:v11+s31+$0x0] =	vst.idx.msk $0xffff, v7  }
0x311: {  	[tilespmem:v57+s31+$0x0] =	vst.idx.msk $0xffff, v8  }
0x312: {  	v7 =	vld [tilespmem:s25+$0xFFFFFEF0]  }
0x313: {  	v8 =	vld [tilespmem:s25+$0xFFFFFF00]  }
0x314: {  	v9 =	vor.u32 $0x7, v9  }
0x315: {  	v10 =	vor.u32 $0x7, v10;
	_ =	sdelay $0x1  }
0x316: {  	v7 =	vadd.f32 v7, v2  }
0x317: {  	v8 =	vadd.f32 v8, v3  }
0x318: {  	[tilespmem:v9+s31+$0x0] =	vst.idx.msk $0xffff, v7  }
0x319: {  	[tilespmem:v10+s31+$0x0] =	vst.idx.msk $0xffff, v8  }
0x31a: {  	v7 =	vld [tilespmem:s25+$0xFFFFFF10]  }
0x31b: {  	v9 =	vor.u32 $0x8, v5;
	v8 =	vld [tilespmem:s25+$0xFFFFFF20]  }
0x31c: {  	v10 =	vadd.s32 v4, v9  }
0x31d: {  	v9 =	vadd.s32 v6, v9;
	_ =	sdelay $0x1  }
0x31e: {  	v7 =	vadd.f32 v7, v2  }
0x31f: {  	v8 =	vadd.f32 v8, v3  }
0x320: {  	[tilespmem:v10+s31+$0x0] =	vst.idx.msk $0xffff, v7  }
0x321: {  	[tilespmem:v9+s31+$0x0] =	vst.idx.msk $0xffff, v8  }
0x322: {  	v7 =	vld [tilespmem:s25+$0xFFFFFF30]  }
0x323: {  	v8 =	vld [tilespmem:s25+$0xFFFFFF40]  }
0x324: {  	v11 =	vor.u32 $0x1, v10  }
0x325: {  	v58 =	vor.u32 $0x1, v9;
	_ =	sdelay $0x1  }
0x326: {  	v7 =	vadd.f32 v7, v2  }
0x327: {  	v8 =	vadd.f32 v8, v3  }
0x328: {  	[tilespmem:v11+s31+$0x0] =	vst.idx.msk $0xffff, v7  }
0x329: {  	[tilespmem:v58+s31+$0x0] =	vst.idx.msk $0xffff, v8  }
0x32a: {  	v7 =	vld [tilespmem:s25+$0xFFFFFF50]  }
0x32b: {  	v8 =	vld [tilespmem:s25+$0xFFFFFF60]  }
0x32c: {  	v11 =	vor.u32 $0x2, v10  }
0x32d: {  	v59 =	vor.u32 $0x2, v9;
	_ =	sdelay $0x1  }
0x32e: {  	v7 =	vadd.f32 v7, v2  }
0x32f: {  	v8 =	vadd.f32 v8, v3  }
0x330: {  	[tilespmem:v11+s31+$0x0] =	vst.idx.msk $0xffff, v7  }
0x331: {  	[tilespmem:v59+s31+$0x0] =	vst.idx.msk $0xffff, v8  }
0x332: {  	v7 =	vld [tilespmem:s25+$0xFFFFFF70]  }
0x333: {  	v8 =	vld [tilespmem:s25+$0xFFFFFF80]  }
0x334: {  	v11 =	vor.u32 $0x3, v10  }
0x335: {  	v60 =	vor.u32 $0x3, v9;
	_ =	sdelay $0x1  }
0x336: {  	v7 =	vadd.f32 v7, v2  }
0x337: {  	v8 =	vadd.f32 v8, v3  }
0x338: {  	[tilespmem:v11+s31+$0x0] =	vst.idx.msk $0xffff, v7  }
0x339: {  	[tilespmem:v60+s31+$0x0] =	vst.idx.msk $0xffff, v8  }
0x33a: {  	v7 =	vld [tilespmem:s25+$0xFFFFFF90]  }
0x33b: {  	v8 =	vld [tilespmem:s25+$0xFFFFFFA0]  }
0x33c: {  	v11 =	vor.u32 $0x4, v10  }
0x33d: {  	v61 =	vor.u32 $0x4, v9;
	_ =	sdelay $0x1  }
0x33e: {  	v7 =	vadd.f32 v7, v2  }
0x33f: {  	v8 =	vadd.f32 v8, v3  }
0x340: {  	[tilespmem:v11+s31+$0x0] =	vst.idx.msk $0xffff, v7  }
0x341: {  	[tilespmem:v61+s31+$0x0] =	vst.idx.msk $0xffff, v8  }
0x342: {  	v7 =	vld [tilespmem:s25+$0xFFFFFFB0]  }
0x343: {  	v8 =	vld [tilespmem:s25+$0xFFFFFFC0]  }
0x344: {  	v11 =	vor.u32 $0x5, v10  }
0x345: {  	v62 =	vor.u32 $0x5, v9;
	_ =	sdelay $0x1  }
0x346: {  	v7 =	vadd.f32 v7, v2  }
0x347: {  	v8 =	vadd.f32 v8, v3  }
0x348: {  	[tilespmem:v11+s31+$0x0] =	vst.idx.msk $0xffff, v7  }
0x349: {  	[tilespmem:v62+s31+$0x0] =	vst.idx.msk $0xffff, v8  }
0x34a: {  	v7 =	vld [tilespmem:s25+$0xFFFFFFD0]  }
0x34b: {  	v8 =	vld [tilespmem:s25+$0xFFFFFFE0]  }
0x34c: {  	v11 =	vor.u32 $0x6, v10  }
0x34d: {  	v63 =	vor.u32 $0x6, v9;
	_ =	sdelay $0x1  }
0x34e: {  	v7 =	vadd.f32 v7, v2  }
0x34f: {  	v8 =	vadd.f32 v8, v3  }
0x350: {  	[tilespmem:v11+s31+$0x0] =	vst.idx.msk $0xffff, v7  }
0x351: {  	[tilespmem:v63+s31+$0x0] =	vst.idx.msk $0xffff, v8  }
0x352: {  	v7 =	vld [tilespmem:s25+$0xFFFFFFF0];
	_ =	sdelay $0x2  }
0x353: {  	v8 =	vld [tilespmem:s25+$0x0]  }
0x354: {  	v10 =	vor.u32 $0x7, v10  }
0x355: {  	v11 =	vadd.f32 v7, v2;
	v7 =	vor.u32 $0x7, v9;
	_ =	sdelay $0x2  }
0x356: {  	v8 =	vadd.f32 v8, v3  }
0x357: {  	s28 =	smov.u32 s25;
	s26 =	simm.s32 $0x0;
	[tilespmem:v10+s31+$0x0] =	vst.idx.msk $0xffff, v11  }
.LBB2_31:
0x358: {  	s26 =	sadd.s32 $0x10, s26;
	[tilespmem:v7+s31+$0x0] =	vst.idx.msk $0xffff, v8;
	v5 =	vadd.s32 $0x10, v5;
	s28 =	sadd.s32 $0x200, s28  }
0x359: {  	v7 =	vld [tilespmem:s28+$0xFFFFFE10];
	p1 =	slt.u32 s26, $0x70  }
0x35a: {  	v8 =	vld [tilespmem:s28+$0xFFFFFE20]  }
0x35b: {  	v9 =	vadd.s32 v4, v5  }
0x35c: {  	v10 =	vadd.s32 v6, v5;
	_ =	sdelay $0x1  }
0x35d: {  	v7 =	vadd.f32 v7, v2  }
0x35e: {  	v8 =	vadd.f32 v8, v3  }
0x35f: {  	[tilespmem:v9+s31+$0x0] =	vst.idx.msk $0xffff, v7  }
0x360: {  	[tilespmem:v10+s31+$0x0] =	vst.idx.msk $0xffff, v8  }
0x361: {  	v7 =	vld [tilespmem:s28+$0xFFFFFE30]  }
0x362: {  	v8 =	vld [tilespmem:s28+$0xFFFFFE40]  }
0x363: {  	v11 =	vor.u32 $0x1, v9  }
0x364: {  	v12 =	vor.u32 $0x1, v10;
	_ =	sdelay $0x1  }
0x365: {  	v7 =	vadd.f32 v7, v2  }
0x366: {  	v8 =	vadd.f32 v8, v3  }
0x367: {  	[tilespmem:v11+s31+$0x0] =	vst.idx.msk $0xffff, v7  }
0x368: {  	[tilespmem:v12+s31+$0x0] =	vst.idx.msk $0xffff, v8  }
0x369: {  	v7 =	vld [tilespmem:s28+$0xFFFFFE50]  }
0x36a: {  	v8 =	vld [tilespmem:s28+$0xFFFFFE60]  }
0x36b: {  	v11 =	vor.u32 $0x2, v9  }
0x36c: {  	v12 =	vor.u32 $0x2, v10;
	_ =	sdelay $0x1  }
0x36d: {  	v7 =	vadd.f32 v7, v2  }
0x36e: {  	v8 =	vadd.f32 v8, v3  }
0x36f: {  	[tilespmem:v11+s31+$0x0] =	vst.idx.msk $0xffff, v7  }
0x370: {  	[tilespmem:v12+s31+$0x0] =	vst.idx.msk $0xffff, v8  }
0x371: {  	v7 =	vld [tilespmem:s28+$0xFFFFFE70]  }
0x372: {  	v8 =	vld [tilespmem:s28+$0xFFFFFE80]  }
0x373: {  	v11 =	vor.u32 $0x3, v9  }
0x374: {  	v12 =	vor.u32 $0x3, v10;
	_ =	sdelay $0x1  }
0x375: {  	v7 =	vadd.f32 v7, v2  }
0x376: {  	v8 =	vadd.f32 v8, v3  }
0x377: {  	[tilespmem:v11+s31+$0x0] =	vst.idx.msk $0xffff, v7  }
0x378: {  	[tilespmem:v12+s31+$0x0] =	vst.idx.msk $0xffff, v8  }
0x379: {  	v7 =	vld [tilespmem:s28+$0xFFFFFE90]  }
0x37a: {  	v8 =	vld [tilespmem:s28+$0xFFFFFEA0]  }
0x37b: {  	v11 =	vor.u32 $0x4, v9  }
0x37c: {  	v12 =	vor.u32 $0x4, v10;
	_ =	sdelay $0x1  }
0x37d: {  	v7 =	vadd.f32 v7, v2  }
0x37e: {  	v8 =	vadd.f32 v8, v3  }
0x37f: {  	[tilespmem:v11+s31+$0x0] =	vst.idx.msk $0xffff, v7  }
0x380: {  	[tilespmem:v12+s31+$0x0] =	vst.idx.msk $0xffff, v8  }
0x381: {  	v7 =	vld [tilespmem:s28+$0xFFFFFEB0]  }
0x382: {  	v8 =	vld [tilespmem:s28+$0xFFFFFEC0]  }
0x383: {  	v11 =	vor.u32 $0x5, v9  }
0x384: {  	v12 =	vor.u32 $0x5, v10;
	_ =	sdelay $0x1  }
0x385: {  	v7 =	vadd.f32 v7, v2  }
0x386: {  	v8 =	vadd.f32 v8, v3  }
0x387: {  	[tilespmem:v11+s31+$0x0] =	vst.idx.msk $0xffff, v7  }
0x388: {  	[tilespmem:v12+s31+$0x0] =	vst.idx.msk $0xffff, v8  }
0x389: {  	v7 =	vld [tilespmem:s28+$0xFFFFFED0]  }
0x38a: {  	v8 =	vld [tilespmem:s28+$0xFFFFFEE0]  }
0x38b: {  	v11 =	vor.u32 $0x6, v9  }
0x38c: {  	v12 =	vor.u32 $0x6, v10;
	_ =	sdelay $0x1  }
0x38d: {  	v7 =	vadd.f32 v7, v2  }
0x38e: {  	v8 =	vadd.f32 v8, v3  }
0x38f: {  	[tilespmem:v11+s31+$0x0] =	vst.idx.msk $0xffff, v7  }
0x390: {  	[tilespmem:v12+s31+$0x0] =	vst.idx.msk $0xffff, v8  }
0x391: {  	v7 =	vld [tilespmem:s28+$0xFFFFFEF0]  }
0x392: {  	v8 =	vld [tilespmem:s28+$0xFFFFFF00]  }
0x393: {  	v9 =	vor.u32 $0x7, v9  }
0x394: {  	v10 =	vor.u32 $0x7, v10;
	_ =	sdelay $0x1  }
0x395: {  	v7 =	vadd.f32 v7, v2  }
0x396: {  	v8 =	vadd.f32 v8, v3  }
0x397: {  	[tilespmem:v9+s31+$0x0] =	vst.idx.msk $0xffff, v7  }
0x398: {  	[tilespmem:v10+s31+$0x0] =	vst.idx.msk $0xffff, v8  }
0x399: {  	v7 =	vld [tilespmem:s28+$0xFFFFFF10]  }
0x39a: {  	v9 =	vor.u32 $0x8, v5;
	v8 =	vld [tilespmem:s28+$0xFFFFFF20]  }
0x39b: {  	v10 =	vadd.s32 v4, v9  }
0x39c: {  	v9 =	vadd.s32 v6, v9;
	_ =	sdelay $0x1  }
0x39d: {  	v7 =	vadd.f32 v7, v2  }
0x39e: {  	v8 =	vadd.f32 v8, v3  }
0x39f: {  	[tilespmem:v10+s31+$0x0] =	vst.idx.msk $0xffff, v7  }
0x3a0: {  	[tilespmem:v9+s31+$0x0] =	vst.idx.msk $0xffff, v8  }
0x3a1: {  	v7 =	vld [tilespmem:s28+$0xFFFFFF30]  }
0x3a2: {  	v8 =	vld [tilespmem:s28+$0xFFFFFF40]  }
0x3a3: {  	v11 =	vor.u32 $0x1, v10  }
0x3a4: {  	v12 =	vor.u32 $0x1, v9;
	_ =	sdelay $0x1  }
0x3a5: {  	v7 =	vadd.f32 v7, v2  }
0x3a6: {  	v8 =	vadd.f32 v8, v3  }
0x3a7: {  	[tilespmem:v11+s31+$0x0] =	vst.idx.msk $0xffff, v7  }
0x3a8: {  	[tilespmem:v12+s31+$0x0] =	vst.idx.msk $0xffff, v8  }
0x3a9: {  	v7 =	vld [tilespmem:s28+$0xFFFFFF50]  }
0x3aa: {  	v8 =	vld [tilespmem:s28+$0xFFFFFF60]  }
0x3ab: {  	v11 =	vor.u32 $0x2, v10  }
0x3ac: {  	v12 =	vor.u32 $0x2, v9;
	_ =	sdelay $0x1  }
0x3ad: {  	v7 =	vadd.f32 v7, v2  }
0x3ae: {  	v8 =	vadd.f32 v8, v3  }
0x3af: {  	[tilespmem:v11+s31+$0x0] =	vst.idx.msk $0xffff, v7  }
0x3b0: {  	[tilespmem:v12+s31+$0x0] =	vst.idx.msk $0xffff, v8  }
0x3b1: {  	v7 =	vld [tilespmem:s28+$0xFFFFFF70]  }
0x3b2: {  	v8 =	vld [tilespmem:s28+$0xFFFFFF80]  }
0x3b3: {  	v11 =	vor.u32 $0x3, v10  }
0x3b4: {  	v12 =	vor.u32 $0x3, v9;
	_ =	sdelay $0x1  }
0x3b5: {  	v7 =	vadd.f32 v7, v2  }
0x3b6: {  	v8 =	vadd.f32 v8, v3  }
0x3b7: {  	[tilespmem:v11+s31+$0x0] =	vst.idx.msk $0xffff, v7  }
0x3b8: {  	[tilespmem:v12+s31+$0x0] =	vst.idx.msk $0xffff, v8  }
0x3b9: {  	v7 =	vld [tilespmem:s28+$0xFFFFFF90]  }
0x3ba: {  	v8 =	vld [tilespmem:s28+$0xFFFFFFA0]  }
0x3bb: {  	v11 =	vor.u32 $0x4, v10  }
0x3bc: {  	v12 =	vor.u32 $0x4, v9;
	_ =	sdelay $0x1  }
0x3bd: {  	v7 =	vadd.f32 v7, v2  }
0x3be: {  	v8 =	vadd.f32 v8, v3  }
0x3bf: {  	[tilespmem:v11+s31+$0x0] =	vst.idx.msk $0xffff, v7  }
0x3c0: {  	[tilespmem:v12+s31+$0x0] =	vst.idx.msk $0xffff, v8  }
0x3c1: {  	v7 =	vld [tilespmem:s28+$0xFFFFFFB0]  }
0x3c2: {  	v8 =	vld [tilespmem:s28+$0xFFFFFFC0]  }
0x3c3: {  	v11 =	vor.u32 $0x5, v10  }
0x3c4: {  	v12 =	vor.u32 $0x5, v9;
	_ =	sdelay $0x1  }
0x3c5: {  	v7 =	vadd.f32 v7, v2  }
0x3c6: {  	v8 =	vadd.f32 v8, v3  }
0x3c7: {  	[tilespmem:v11+s31+$0x0] =	vst.idx.msk $0xffff, v7  }
0x3c8: {  	[tilespmem:v12+s31+$0x0] =	vst.idx.msk $0xffff, v8  }
0x3c9: {  	v7 =	vld [tilespmem:s28+$0xFFFFFFD0]  }
0x3ca: {  	v8 =	vld [tilespmem:s28+$0xFFFFFFE0]  }
0x3cb: {  	v11 =	vor.u32 $0x6, v10  }
0x3cc: {  	v12 =	vor.u32 $0x6, v9;
	_ =	sdelay $0x1  }
0x3cd: {  	v7 =	vadd.f32 v7, v2  }
0x3ce: {  	v8 =	vadd.f32 v8, v3  }
0x3cf: {  	[tilespmem:v11+s31+$0x0] =	vst.idx.msk $0xffff, v7  }
0x3d0: {  	[tilespmem:v12+s31+$0x0] =	vst.idx.msk $0xffff, v8  }
0x3d1: {  	v8 =	vld [tilespmem:s28+$0xFFFFFFF0]  }
0x3d2: {  	v11 =	vld [tilespmem:s28+$0x0]  }
0x3d3: {  	v10 =	vor.u32 $0x7, v10  }
.Ltmp14:
0x3d4: {  	v7 =	vor.u32 $0x7, v9;
	(pc) =	sbr.rel @p1 .LBB2_31-.Ltmp14, $4  }
0x3d5: {  	_ = 	snop  }
0x3d6: {  	v9 =	vadd.f32 v8, v2  }
0x3d7: {  	v8 =	vadd.f32 v11, v3  }
0x3d8: {  	[tilespmem:v10+s31+$0x0] =	vst.idx.msk $0xffff, v9  }
0x3d9: {  	s24 =	sadd.s32 $0x1, s24  }
0x3da: {  	p1 =	sne.s32 s24, $0x4  }
.Ltmp15:
0x3db: {  	_ = 	snop;
	(pc) =	sbr.rel @p1 .LBB2_30-.Ltmp15, $2  }
0x3dc: {  	_ =	sdelay $0x2  }
0x3dd: {  	[tilespmem:v7+s31+$0x0] =	vst.idx.msk $0xffff, v8;
	s25 =	sadd.s32 $0x1000, s25  }
0x3de: {  	s24 =	sadd.s32 $0x400, s13;
	s25 =	simm.s32 $0x12100  }
0x3df: {  	s26 =	simm.s32 $0x10;
	s28 =	simm.s32 $0x12188;
	s29 =	sadd.s32 $0x0, s24  }
.LBB2_34:
0x3e0: {  	[hbm4b:s29+s4] =	stream.linear.scatter [tilespmem:s25], [sflag:$0x6], $0x80, $0x38;
	[tilespmem:$0x1CB00] =	vst v63  }
0x3e1: {  	s29 =	smov.u32 s26;
	s25 =	smov.u32 s28;
	p1 =	sne.s32 s26, $0x1F0  }
.Ltmp16:
0x3e2: {  	s26 =	sadd.s32 $0x10, s26;
	(pc) =	sbr.rel @p1 .LBB2_34-.Ltmp16, $2  }
0x3e3: {  	_ =	sdelay $0x2  }
0x3e4: {  	s28 =	sadd.s32 $0x88, s28;
	s29 =	sadd.s32 s29, s24  }
0x3e5: {  	[hbm4b:s29+s4] =	stream.linear.scatter [tilespmem:s25], [sflag:$0x6], $0x80, $0x38;
	[tilespmem:$0x1CB00] =	vst v63  }
0x3e6: {  	s24 =	sadd.s32 $0x4400, s13;
	s25 =	simm.s32 $0x13640  }
0x3e7: {  	s26 =	simm.s32 $0x10;
	s28 =	simm.s32 $0x136C8;
	s29 =	sadd.s32 $0x0, s24  }
.LBB2_36:
0x3e8: {  	[hbm4b:s29+s4] =	stream.linear.scatter [tilespmem:s25], [sflag:$0x6], $0x80, $0x38;
	[tilespmem:$0x1CB00] =	vst v63  }
0x3e9: {  	s29 =	smov.u32 s26;
	s25 =	smov.u32 s28;
	p1 =	sne.s32 s26, $0x1F0  }
.Ltmp17:
0x3ea: {  	s26 =	sadd.s32 $0x10, s26;
	(pc) =	sbr.rel @p1 .LBB2_36-.Ltmp17, $2  }
0x3eb: {  	_ =	sdelay $0x2  }
0x3ec: {  	s28 =	sadd.s32 $0x88, s28;
	s29 =	sadd.s32 s29, s24  }
0x3ed: {  	[hbm4b:s29+s4] =	stream.linear.scatter [tilespmem:s25], [sflag:$0x6], $0x80, $0x38;
	[tilespmem:$0x1CB00] =	vst v63  }
0x3ee: {  	s24 =	sadd.s32 $0x8400, s13;
	s25 =	simm.s32 $0x14B80  }
0x3ef: {  	s26 =	simm.s32 $0x10;
	s28 =	simm.s32 $0x14C08;
	s29 =	sadd.s32 $0x0, s24  }
.LBB2_38:
0x3f0: {  	[hbm4b:s29+s4] =	stream.linear.scatter [tilespmem:s25], [sflag:$0x6], $0x80, $0x38;
	[tilespmem:$0x1CB00] =	vst v63  }
0x3f1: {  	s29 =	smov.u32 s26;
	s25 =	smov.u32 s28;
	p1 =	sne.s32 s26, $0x1F0  }
.Ltmp18:
0x3f2: {  	s26 =	sadd.s32 $0x10, s26;
	(pc) =	sbr.rel @p1 .LBB2_38-.Ltmp18, $2  }
0x3f3: {  	_ =	sdelay $0x2  }
0x3f4: {  	s28 =	sadd.s32 $0x88, s28;
	s29 =	sadd.s32 s29, s24  }
0x3f5: {  	[hbm4b:s29+s4] =	stream.linear.scatter [tilespmem:s25], [sflag:$0x6], $0x80, $0x38;
	[tilespmem:$0x1CB00] =	vst v63  }
0x3f6: {  	s24 =	sadd.s32 $0xC400, s13;
	s25 =	simm.s32 $0x160C0  }
0x3f7: {  	s26 =	simm.s32 $0x10;
	s28 =	simm.s32 $0x16148;
	s29 =	sadd.s32 $0x0, s24  }
.LBB2_40:
0x3f8: {  	[hbm4b:s29+s4] =	stream.linear.scatter [tilespmem:s25], [sflag:$0x6], $0x80, $0x38;
	[tilespmem:$0x1CB00] =	vst v63  }
0x3f9: {  	s29 =	smov.u32 s26;
	s25 =	smov.u32 s28;
	p1 =	sne.s32 s26, $0x1F0  }
.Ltmp19:
0x3fa: {  	s26 =	sadd.s32 $0x10, s26;
	(pc) =	sbr.rel @p1 .LBB2_40-.Ltmp19, $2  }
0x3fb: {  	_ =	sdelay $0x2  }
0x3fc: {  	s28 =	sadd.s32 $0x88, s28;
	s29 =	sadd.s32 s29, s24  }
0x3fd: {  	[hbm4b:s29+s4] =	stream.linear.scatter [tilespmem:s25], [sflag:$0x6], $0x80, $0x38;
	[tilespmem:$0x1CB00] =	vst v63  }
0x3fe: {  	s24 =	simm.s32 @p0 $0x1  }
0x3ff: {  	_ =	swait.ge @p0 [sflag:s24], $0x200  }
0x400: {  	s25 =	simm.s32 @p0 $0x1B00;
	[sflag:s24] =	ssyncset.done @p0 $0x0  }
0x401: {  	s26 =	simm.s32 @p0 $0x6100;
	[sflag:s24] =	ssyncadd.s32 @p0 $0xFFFFFE00;
	s24 =	simm.s32 @p0 $0x80  }
0x402: {  	[tilespmem:s26], [sflag:$0x3] =	stream.indirect.gather @p0 [hbm4b:s5+s24], $0x20, s25, s24, $0xb8;
	[tilespmem:$0x1CB00] =	vst v63  }
0x403: {  	s25 =	simm.s32 @p0 $0x1B80;
	s26 =	simm.s32 @p0 $0x7100  }
0x404: {  	[tilespmem:s26], [sflag:$0x3] =	stream.indirect.gather @p0 [hbm4b:s5+s24], $0x20, s25, s24, $0xb8;
	[tilespmem:$0x1CB00] =	vst v63  }
0x405: {  	s22 =	sadd.s32 @p0 $0x7, s22;
	s25 =	simm.s32 @p0 $0x1C00;
	s26 =	simm.s32 @p0 $0x8100  }
0x406: {  	[tilespmem:s26], [sflag:$0x3] =	stream.indirect.gather @p0 [hbm4b:s5+s24], $0x20, s25, s24, $0xb8;
	[tilespmem:$0x1CB00] =	vst v63  }
0x407: {  	s28 =	sshll.u32 @p0 s22, $0xC;
	s25 =	simm.s32 @p0 $0x1C80;
	s26 =	simm.s32 @p0 $0x9100  }
0x408: {  	[tilespmem:s26], [sflag:$0x3] =	stream.indirect.gather @p0 [hbm4b:s5+s24], $0x20, s25, s24, $0xb8;
	[tilespmem:$0x1CB00] =	vst v63  }
0x409: {  	s28 =	sand.u32 @p0 $0x1F000, s28;
	s26 =	sshll.u32 @p0 s22, $0x9  }
0x40a: {  	s25 =	simm.s32 @p0 $0x5;
	s22 =	sshll.u32 @p0 s22, $0x2;
	s26 =	sand.u32 @p0 $0x7FFE0000, s26  }
0x40b: {  	_ =	swait.ge @p0 [sflag:s25], $0x4000;
	s22 =	sand.u32 @p0 $0x380, s22;
	s26 =	sor.u32 @p0 s28, s26  }
0x40c: {  	[sflag:s25] =	ssyncset.done @p0 $0x0;
	s22 =	sor.u32 @p0 s22, s26  }
0x40d: {  	[sflag:s25] =	ssyncadd.s32 @p0 $0xFFFFC000;
	s22 =	sshrl.u32 @p0 s22, $0x3  }
0x40e: {  	s25 =	simm.s32 @p0 $0x400;
	s26 =	simm.s32 @p0 $0x1F00;
	s22 =	sadd.s32 @p0 s2, s22  }
0x40f: {  	[tilespmem:s26], [sflag:$0x1] =	stream.strided.gather @p0 [hbm4b:s22+s24], $0x200, s25, s24, $0x38;
	[tilespmem:$0x1CB00] =	vst v63  }
0x410: {  	s22 =	simm.s32 @!p0 $0x5  }
0x411: {  	_ =	swait.ge @!p0 [sflag:s22], $0x4000  }
0x412: {  	[sflag:s22] =	ssyncset.done @!p0 $0x0  }
0x413: {  	[sflag:s22] =	ssyncadd.s32 @!p0 $0xFFFFC000  }
0x414: {  	_ =	swait.ge [sflag:s7], $0x4000  }
0x415: {  	[sflag:s7] =	ssyncset.done $0x0  }
0x416: {  	[sflag:s7] =	ssyncadd.s32 $0xFFFFC000  }
0x417: {  	v2 =	vld [tilespmem:s23+$0x0]  }
0x418: {  	s22 =	simm.s32 $0x0;
	v3 =	vld [tilespmem:s23+$0x10];
	s23 =	simm.s32 $0xE2F0  }
.LBB2_42:
0x419: {  	s24 =	sshll.u32 s22, $0x3  }
0x41a: {  	v4 =	vmov s24  }
0x41b: {  	v4 =	vmul.u32 $0x88, v4;
	_ =	sdelay $0x1  }
0x41c: {  	v6 =	vbroadcast v4, $0x0  }
0x41d: {  	v7 =	vld [tilespmem:s23+$0xFFFFFE10]  }
0x41e: {  	v5 =	vimm.s32 $0x0;
	v8 =	vld [tilespmem:s23+$0xFFFFFE20];
	v4 =	vadd.s32 v0, v6  }
0x41f: {  	v6 =	vadd.s32 v1, v6;
	v9 =	vadd.s32 v4, v5  }
0x420: {  	v10 =	vadd.s32 v6, v5;
	_ =	sdelay $0x1  }
0x421: {  	v7 =	vadd.f32 v7, v2  }
0x422: {  	v8 =	vadd.f32 v8, v3  }
0x423: {  	[tilespmem:v9+s11+$0x0] =	vst.idx.msk $0xffff, v7  }
0x424: {  	[tilespmem:v10+s11+$0x0] =	vst.idx.msk $0xffff, v8  }
0x425: {  	v7 =	vld [tilespmem:s23+$0xFFFFFE30]  }
0x426: {  	v8 =	vld [tilespmem:s23+$0xFFFFFE40]  }
0x427: {  	v11 =	vor.u32 $0x1, v9  }
0x428: {  	v12 =	vor.u32 $0x1, v10;
	_ =	sdelay $0x1  }
0x429: {  	v7 =	vadd.f32 v7, v2  }
0x42a: {  	v8 =	vadd.f32 v8, v3  }
0x42b: {  	[tilespmem:v11+s11+$0x0] =	vst.idx.msk $0xffff, v7  }
0x42c: {  	[tilespmem:v12+s11+$0x0] =	vst.idx.msk $0xffff, v8  }
0x42d: {  	v7 =	vld [tilespmem:s23+$0xFFFFFE50]  }
0x42e: {  	v8 =	vld [tilespmem:s23+$0xFFFFFE60]  }
0x42f: {  	v11 =	vor.u32 $0x2, v9  }
0x430: {  	v53 =	vor.u32 $0x2, v10;
	_ =	sdelay $0x1  }
0x431: {  	v7 =	vadd.f32 v7, v2  }
0x432: {  	v8 =	vadd.f32 v8, v3  }
0x433: {  	[tilespmem:v11+s11+$0x0] =	vst.idx.msk $0xffff, v7  }
0x434: {  	[tilespmem:v53+s11+$0x0] =	vst.idx.msk $0xffff, v8  }
0x435: {  	v7 =	vld [tilespmem:s23+$0xFFFFFE70]  }
0x436: {  	v8 =	vld [tilespmem:s23+$0xFFFFFE80]  }
0x437: {  	v11 =	vor.u32 $0x3, v9  }
0x438: {  	v54 =	vor.u32 $0x3, v10;
	_ =	sdelay $0x1  }
0x439: {  	v7 =	vadd.f32 v7, v2  }
0x43a: {  	v8 =	vadd.f32 v8, v3  }
0x43b: {  	[tilespmem:v11+s11+$0x0] =	vst.idx.msk $0xffff, v7  }
0x43c: {  	[tilespmem:v54+s11+$0x0] =	vst.idx.msk $0xffff, v8  }
0x43d: {  	v7 =	vld [tilespmem:s23+$0xFFFFFE90]  }
0x43e: {  	v8 =	vld [tilespmem:s23+$0xFFFFFEA0]  }
0x43f: {  	v11 =	vor.u32 $0x4, v9  }
0x440: {  	v55 =	vor.u32 $0x4, v10;
	_ =	sdelay $0x1  }
0x441: {  	v7 =	vadd.f32 v7, v2  }
0x442: {  	v8 =	vadd.f32 v8, v3  }
0x443: {  	[tilespmem:v11+s11+$0x0] =	vst.idx.msk $0xffff, v7  }
0x444: {  	[tilespmem:v55+s11+$0x0] =	vst.idx.msk $0xffff, v8  }
0x445: {  	v7 =	vld [tilespmem:s23+$0xFFFFFEB0]  }
0x446: {  	v8 =	vld [tilespmem:s23+$0xFFFFFEC0]  }
0x447: {  	v11 =	vor.u32 $0x5, v9  }
0x448: {  	v56 =	vor.u32 $0x5, v10;
	_ =	sdelay $0x1  }
0x449: {  	v7 =	vadd.f32 v7, v2  }
0x44a: {  	v8 =	vadd.f32 v8, v3  }
0x44b: {  	[tilespmem:v11+s11+$0x0] =	vst.idx.msk $0xffff, v7  }
0x44c: {  	[tilespmem:v56+s11+$0x0] =	vst.idx.msk $0xffff, v8  }
0x44d: {  	v7 =	vld [tilespmem:s23+$0xFFFFFED0]  }
0x44e: {  	v8 =	vld [tilespmem:s23+$0xFFFFFEE0]  }
0x44f: {  	v11 =	vor.u32 $0x6, v9  }
0x450: {  	v57 =	vor.u32 $0x6, v10;
	_ =	sdelay $0x1  }
0x451: {  	v7 =	vadd.f32 v7, v2  }
0x452: {  	v8 =	vadd.f32 v8, v3  }
0x453: {  	[tilespmem:v11+s11+$0x0] =	vst.idx.msk $0xffff, v7  }
0x454: {  	[tilespmem:v57+s11+$0x0] =	vst.idx.msk $0xffff, v8  }
0x455: {  	v7 =	vld [tilespmem:s23+$0xFFFFFEF0]  }
0x456: {  	v8 =	vld [tilespmem:s23+$0xFFFFFF00]  }
0x457: {  	v9 =	vor.u32 $0x7, v9  }
0x458: {  	v10 =	vor.u32 $0x7, v10;
	_ =	sdelay $0x1  }
0x459: {  	v7 =	vadd.f32 v7, v2  }
0x45a: {  	v8 =	vadd.f32 v8, v3  }
0x45b: {  	[tilespmem:v9+s11+$0x0] =	vst.idx.msk $0xffff, v7  }
0x45c: {  	[tilespmem:v10+s11+$0x0] =	vst.idx.msk $0xffff, v8  }
0x45d: {  	v7 =	vld [tilespmem:s23+$0xFFFFFF10]  }
0x45e: {  	v9 =	vor.u32 $0x8, v5;
	v8 =	vld [tilespmem:s23+$0xFFFFFF20]  }
0x45f: {  	v10 =	vadd.s32 v4, v9  }
0x460: {  	v9 =	vadd.s32 v6, v9;
	_ =	sdelay $0x1  }
0x461: {  	v7 =	vadd.f32 v7, v2  }
0x462: {  	v8 =	vadd.f32 v8, v3  }
0x463: {  	[tilespmem:v10+s11+$0x0] =	vst.idx.msk $0xffff, v7  }
0x464: {  	[tilespmem:v9+s11+$0x0] =	vst.idx.msk $0xffff, v8  }
0x465: {  	v7 =	vld [tilespmem:s23+$0xFFFFFF30]  }
0x466: {  	v8 =	vld [tilespmem:s23+$0xFFFFFF40]  }
0x467: {  	v11 =	vor.u32 $0x1, v10  }
0x468: {  	v58 =	vor.u32 $0x1, v9;
	_ =	sdelay $0x1  }
0x469: {  	v7 =	vadd.f32 v7, v2  }
0x46a: {  	v8 =	vadd.f32 v8, v3  }
0x46b: {  	[tilespmem:v11+s11+$0x0] =	vst.idx.msk $0xffff, v7  }
0x46c: {  	[tilespmem:v58+s11+$0x0] =	vst.idx.msk $0xffff, v8  }
0x46d: {  	v7 =	vld [tilespmem:s23+$0xFFFFFF50]  }
0x46e: {  	v8 =	vld [tilespmem:s23+$0xFFFFFF60]  }
0x46f: {  	v11 =	vor.u32 $0x2, v10  }
0x470: {  	v59 =	vor.u32 $0x2, v9;
	_ =	sdelay $0x1  }
0x471: {  	v7 =	vadd.f32 v7, v2  }
0x472: {  	v8 =	vadd.f32 v8, v3  }
0x473: {  	[tilespmem:v11+s11+$0x0] =	vst.idx.msk $0xffff, v7  }
0x474: {  	[tilespmem:v59+s11+$0x0] =	vst.idx.msk $0xffff, v8  }
0x475: {  	v7 =	vld [tilespmem:s23+$0xFFFFFF70]  }
0x476: {  	v8 =	vld [tilespmem:s23+$0xFFFFFF80]  }
0x477: {  	v11 =	vor.u32 $0x3, v10  }
0x478: {  	v60 =	vor.u32 $0x3, v9;
	_ =	sdelay $0x1  }
0x479: {  	v7 =	vadd.f32 v7, v2  }
0x47a: {  	v8 =	vadd.f32 v8, v3  }
0x47b: {  	[tilespmem:v11+s11+$0x0] =	vst.idx.msk $0xffff, v7  }
0x47c: {  	[tilespmem:v60+s11+$0x0] =	vst.idx.msk $0xffff, v8  }
0x47d: {  	v7 =	vld [tilespmem:s23+$0xFFFFFF90]  }
0x47e: {  	v8 =	vld [tilespmem:s23+$0xFFFFFFA0]  }
0x47f: {  	v11 =	vor.u32 $0x4, v10  }
0x480: {  	v61 =	vor.u32 $0x4, v9;
	_ =	sdelay $0x1  }
0x481: {  	v7 =	vadd.f32 v7, v2  }
0x482: {  	v8 =	vadd.f32 v8, v3  }
0x483: {  	[tilespmem:v11+s11+$0x0] =	vst.idx.msk $0xffff, v7  }
0x484: {  	[tilespmem:v61+s11+$0x0] =	vst.idx.msk $0xffff, v8  }
0x485: {  	v7 =	vld [tilespmem:s23+$0xFFFFFFB0]  }
0x486: {  	v8 =	vld [tilespmem:s23+$0xFFFFFFC0]  }
0x487: {  	v11 =	vor.u32 $0x5, v10  }
0x488: {  	v62 =	vor.u32 $0x5, v9;
	_ =	sdelay $0x1  }
0x489: {  	v7 =	vadd.f32 v7, v2  }
0x48a: {  	v8 =	vadd.f32 v8, v3  }
0x48b: {  	[tilespmem:v11+s11+$0x0] =	vst.idx.msk $0xffff, v7  }
0x48c: {  	[tilespmem:v62+s11+$0x0] =	vst.idx.msk $0xffff, v8  }
0x48d: {  	v7 =	vld [tilespmem:s23+$0xFFFFFFD0]  }
0x48e: {  	v8 =	vld [tilespmem:s23+$0xFFFFFFE0]  }
0x48f: {  	v11 =	vor.u32 $0x6, v10  }
0x490: {  	v63 =	vor.u32 $0x6, v9;
	_ =	sdelay $0x1  }
0x491: {  	v7 =	vadd.f32 v7, v2  }
0x492: {  	v8 =	vadd.f32 v8, v3  }
0x493: {  	[tilespmem:v11+s11+$0x0] =	vst.idx.msk $0xffff, v7  }
0x494: {  	[tilespmem:v63+s11+$0x0] =	vst.idx.msk $0xffff, v8  }
0x495: {  	v7 =	vld [tilespmem:s23+$0xFFFFFFF0];
	_ =	sdelay $0x2  }
0x496: {  	v8 =	vld [tilespmem:s23+$0x0]  }
0x497: {  	v10 =	vor.u32 $0x7, v10  }
0x498: {  	v11 =	vadd.f32 v7, v2;
	v7 =	vor.u32 $0x7, v9;
	_ =	sdelay $0x2  }
0x499: {  	v8 =	vadd.f32 v8, v3  }
0x49a: {  	s25 =	smov.u32 s23;
	s24 =	simm.s32 $0x0;
	[tilespmem:v10+s11+$0x0] =	vst.idx.msk $0xffff, v11  }
.LBB2_43:
0x49b: {  	s24 =	sadd.s32 $0x10, s24;
	[tilespmem:v7+s11+$0x0] =	vst.idx.msk $0xffff, v8;
	v5 =	vadd.s32 $0x10, v5;
	s25 =	sadd.s32 $0x200, s25  }
0x49c: {  	v7 =	vld [tilespmem:s25+$0xFFFFFE10];
	p0 =	slt.u32 s24, $0x70  }
0x49d: {  	v8 =	vld [tilespmem:s25+$0xFFFFFE20]  }
0x49e: {  	v9 =	vadd.s32 v4, v5  }
0x49f: {  	v10 =	vadd.s32 v6, v5;
	_ =	sdelay $0x1  }
0x4a0: {  	v7 =	vadd.f32 v7, v2  }
0x4a1: {  	v8 =	vadd.f32 v8, v3  }
0x4a2: {  	[tilespmem:v9+s11+$0x0] =	vst.idx.msk $0xffff, v7  }
0x4a3: {  	[tilespmem:v10+s11+$0x0] =	vst.idx.msk $0xffff, v8  }
0x4a4: {  	v7 =	vld [tilespmem:s25+$0xFFFFFE30]  }
0x4a5: {  	v8 =	vld [tilespmem:s25+$0xFFFFFE40]  }
0x4a6: {  	v11 =	vor.u32 $0x1, v9  }
0x4a7: {  	v12 =	vor.u32 $0x1, v10;
	_ =	sdelay $0x1  }
0x4a8: {  	v7 =	vadd.f32 v7, v2  }
0x4a9: {  	v8 =	vadd.f32 v8, v3  }
0x4aa: {  	[tilespmem:v11+s11+$0x0] =	vst.idx.msk $0xffff, v7  }
0x4ab: {  	[tilespmem:v12+s11+$0x0] =	vst.idx.msk $0xffff, v8  }
0x4ac: {  	v7 =	vld [tilespmem:s25+$0xFFFFFE50]  }
0x4ad: {  	v8 =	vld [tilespmem:s25+$0xFFFFFE60]  }
0x4ae: {  	v11 =	vor.u32 $0x2, v9  }
0x4af: {  	v12 =	vor.u32 $0x2, v10;
	_ =	sdelay $0x1  }
0x4b0: {  	v7 =	vadd.f32 v7, v2  }
0x4b1: {  	v8 =	vadd.f32 v8, v3  }
0x4b2: {  	[tilespmem:v11+s11+$0x0] =	vst.idx.msk $0xffff, v7  }
0x4b3: {  	[tilespmem:v12+s11+$0x0] =	vst.idx.msk $0xffff, v8  }
0x4b4: {  	v7 =	vld [tilespmem:s25+$0xFFFFFE70]  }
0x4b5: {  	v8 =	vld [tilespmem:s25+$0xFFFFFE80]  }
0x4b6: {  	v11 =	vor.u32 $0x3, v9  }
0x4b7: {  	v12 =	vor.u32 $0x3, v10;
	_ =	sdelay $0x1  }
0x4b8: {  	v7 =	vadd.f32 v7, v2  }
0x4b9: {  	v8 =	vadd.f32 v8, v3  }
0x4ba: {  	[tilespmem:v11+s11+$0x0] =	vst.idx.msk $0xffff, v7  }
0x4bb: {  	[tilespmem:v12+s11+$0x0] =	vst.idx.msk $0xffff, v8  }
0x4bc: {  	v7 =	vld [tilespmem:s25+$0xFFFFFE90]  }
0x4bd: {  	v8 =	vld [tilespmem:s25+$0xFFFFFEA0]  }
0x4be: {  	v11 =	vor.u32 $0x4, v9  }
0x4bf: {  	v12 =	vor.u32 $0x4, v10;
	_ =	sdelay $0x1  }
0x4c0: {  	v7 =	vadd.f32 v7, v2  }
0x4c1: {  	v8 =	vadd.f32 v8, v3  }
0x4c2: {  	[tilespmem:v11+s11+$0x0] =	vst.idx.msk $0xffff, v7  }
0x4c3: {  	[tilespmem:v12+s11+$0x0] =	vst.idx.msk $0xffff, v8  }
0x4c4: {  	v7 =	vld [tilespmem:s25+$0xFFFFFEB0]  }
0x4c5: {  	v8 =	vld [tilespmem:s25+$0xFFFFFEC0]  }
0x4c6: {  	v11 =	vor.u32 $0x5, v9  }
0x4c7: {  	v12 =	vor.u32 $0x5, v10;
	_ =	sdelay $0x1  }
0x4c8: {  	v7 =	vadd.f32 v7, v2  }
0x4c9: {  	v8 =	vadd.f32 v8, v3  }
0x4ca: {  	[tilespmem:v11+s11+$0x0] =	vst.idx.msk $0xffff, v7  }
0x4cb: {  	[tilespmem:v12+s11+$0x0] =	vst.idx.msk $0xffff, v8  }
0x4cc: {  	v7 =	vld [tilespmem:s25+$0xFFFFFED0]  }
0x4cd: {  	v8 =	vld [tilespmem:s25+$0xFFFFFEE0]  }
0x4ce: {  	v11 =	vor.u32 $0x6, v9  }
0x4cf: {  	v12 =	vor.u32 $0x6, v10;
	_ =	sdelay $0x1  }
0x4d0: {  	v7 =	vadd.f32 v7, v2  }
0x4d1: {  	v8 =	vadd.f32 v8, v3  }
0x4d2: {  	[tilespmem:v11+s11+$0x0] =	vst.idx.msk $0xffff, v7  }
0x4d3: {  	[tilespmem:v12+s11+$0x0] =	vst.idx.msk $0xffff, v8  }
0x4d4: {  	v7 =	vld [tilespmem:s25+$0xFFFFFEF0]  }
0x4d5: {  	v8 =	vld [tilespmem:s25+$0xFFFFFF00]  }
0x4d6: {  	v9 =	vor.u32 $0x7, v9  }
0x4d7: {  	v10 =	vor.u32 $0x7, v10;
	_ =	sdelay $0x1  }
0x4d8: {  	v7 =	vadd.f32 v7, v2  }
0x4d9: {  	v8 =	vadd.f32 v8, v3  }
0x4da: {  	[tilespmem:v9+s11+$0x0] =	vst.idx.msk $0xffff, v7  }
0x4db: {  	[tilespmem:v10+s11+$0x0] =	vst.idx.msk $0xffff, v8  }
0x4dc: {  	v7 =	vld [tilespmem:s25+$0xFFFFFF10]  }
0x4dd: {  	v9 =	vor.u32 $0x8, v5;
	v8 =	vld [tilespmem:s25+$0xFFFFFF20]  }
0x4de: {  	v10 =	vadd.s32 v4, v9  }
0x4df: {  	v9 =	vadd.s32 v6, v9;
	_ =	sdelay $0x1  }
0x4e0: {  	v7 =	vadd.f32 v7, v2  }
0x4e1: {  	v8 =	vadd.f32 v8, v3  }
0x4e2: {  	[tilespmem:v10+s11+$0x0] =	vst.idx.msk $0xffff, v7  }
0x4e3: {  	[tilespmem:v9+s11+$0x0] =	vst.idx.msk $0xffff, v8  }
0x4e4: {  	v7 =	vld [tilespmem:s25+$0xFFFFFF30]  }
0x4e5: {  	v8 =	vld [tilespmem:s25+$0xFFFFFF40]  }
0x4e6: {  	v11 =	vor.u32 $0x1, v10  }
0x4e7: {  	v12 =	vor.u32 $0x1, v9;
	_ =	sdelay $0x1  }
0x4e8: {  	v7 =	vadd.f32 v7, v2  }
0x4e9: {  	v8 =	vadd.f32 v8, v3  }
0x4ea: {  	[tilespmem:v11+s11+$0x0] =	vst.idx.msk $0xffff, v7  }
0x4eb: {  	[tilespmem:v12+s11+$0x0] =	vst.idx.msk $0xffff, v8  }
0x4ec: {  	v7 =	vld [tilespmem:s25+$0xFFFFFF50]  }
0x4ed: {  	v8 =	vld [tilespmem:s25+$0xFFFFFF60]  }
0x4ee: {  	v11 =	vor.u32 $0x2, v10  }
0x4ef: {  	v12 =	vor.u32 $0x2, v9;
	_ =	sdelay $0x1  }
0x4f0: {  	v7 =	vadd.f32 v7, v2  }
0x4f1: {  	v8 =	vadd.f32 v8, v3  }
0x4f2: {  	[tilespmem:v11+s11+$0x0] =	vst.idx.msk $0xffff, v7  }
0x4f3: {  	[tilespmem:v12+s11+$0x0] =	vst.idx.msk $0xffff, v8  }
0x4f4: {  	v7 =	vld [tilespmem:s25+$0xFFFFFF70]  }
0x4f5: {  	v8 =	vld [tilespmem:s25+$0xFFFFFF80]  }
0x4f6: {  	v11 =	vor.u32 $0x3, v10  }
0x4f7: {  	v12 =	vor.u32 $0x3, v9;
	_ =	sdelay $0x1  }
0x4f8: {  	v7 =	vadd.f32 v7, v2  }
0x4f9: {  	v8 =	vadd.f32 v8, v3  }
0x4fa: {  	[tilespmem:v11+s11+$0x0] =	vst.idx.msk $0xffff, v7  }
0x4fb: {  	[tilespmem:v12+s11+$0x0] =	vst.idx.msk $0xffff, v8  }
0x4fc: {  	v7 =	vld [tilespmem:s25+$0xFFFFFF90]  }
0x4fd: {  	v8 =	vld [tilespmem:s25+$0xFFFFFFA0]  }
0x4fe: {  	v11 =	vor.u32 $0x4, v10  }
0x4ff: {  	v12 =	vor.u32 $0x4, v9;
	_ =	sdelay $0x1  }
0x500: {  	v7 =	vadd.f32 v7, v2  }
0x501: {  	v8 =	vadd.f32 v8, v3  }
0x502: {  	[tilespmem:v11+s11+$0x0] =	vst.idx.msk $0xffff, v7  }
0x503: {  	[tilespmem:v12+s11+$0x0] =	vst.idx.msk $0xffff, v8  }
0x504: {  	v7 =	vld [tilespmem:s25+$0xFFFFFFB0]  }
0x505: {  	v8 =	vld [tilespmem:s25+$0xFFFFFFC0]  }
0x506: {  	v11 =	vor.u32 $0x5, v10  }
0x507: {  	v12 =	vor.u32 $0x5, v9;
	_ =	sdelay $0x1  }
0x508: {  	v7 =	vadd.f32 v7, v2  }
0x509: {  	v8 =	vadd.f32 v8, v3  }
0x50a: {  	[tilespmem:v11+s11+$0x0] =	vst.idx.msk $0xffff, v7  }
0x50b: {  	[tilespmem:v12+s11+$0x0] =	vst.idx.msk $0xffff, v8  }
0x50c: {  	v7 =	vld [tilespmem:s25+$0xFFFFFFD0]  }
0x50d: {  	v8 =	vld [tilespmem:s25+$0xFFFFFFE0]  }
0x50e: {  	v11 =	vor.u32 $0x6, v10  }
0x50f: {  	v12 =	vor.u32 $0x6, v9;
	_ =	sdelay $0x1  }
0x510: {  	v7 =	vadd.f32 v7, v2  }
0x511: {  	v8 =	vadd.f32 v8, v3  }
0x512: {  	[tilespmem:v11+s11+$0x0] =	vst.idx.msk $0xffff, v7  }
0x513: {  	[tilespmem:v12+s11+$0x0] =	vst.idx.msk $0xffff, v8  }
0x514: {  	v8 =	vld [tilespmem:s25+$0xFFFFFFF0]  }
0x515: {  	v11 =	vld [tilespmem:s25+$0x0]  }
0x516: {  	v10 =	vor.u32 $0x7, v10  }
.Ltmp20:
0x517: {  	v7 =	vor.u32 $0x7, v9;
	(pc) =	sbr.rel @p0 .LBB2_43-.Ltmp20, $4  }
0x518: {  	_ = 	snop  }
0x519: {  	v9 =	vadd.f32 v8, v2  }
0x51a: {  	v8 =	vadd.f32 v11, v3  }
0x51b: {  	[tilespmem:v10+s11+$0x0] =	vst.idx.msk $0xffff, v9  }
0x51c: {  	s22 =	sadd.s32 $0x1, s22  }
0x51d: {  	p0 =	sne.s32 s22, $0x4  }
.Ltmp21:
0x51e: {  	_ = 	snop;
	(pc) =	sbr.rel @p0 .LBB2_42-.Ltmp21, $2  }
0x51f: {  	_ =	sdelay $0x2  }
0x520: {  	[tilespmem:v7+s11+$0x0] =	vst.idx.msk $0xffff, v8;
	s23 =	sadd.s32 $0x1000, s23  }
0x521: {  	s22 =	sadd.s32 $0x600, s13;
	s23 =	simm.s32 $0x17600  }
0x522: {  	s24 =	simm.s32 $0x10;
	s25 =	simm.s32 $0x17688;
	s26 =	sadd.s32 $0x0, s22  }
.LBB2_46:
0x523: {  	[hbm4b:s26+s4] =	stream.linear.scatter [tilespmem:s23], [sflag:$0x7], $0x80, $0x38;
	[tilespmem:$0x1CB00] =	vst v63  }
0x524: {  	s26 =	smov.u32 s24;
	s23 =	smov.u32 s25;
	p0 =	sne.s32 s24, $0x1F0  }
.Ltmp22:
0x525: {  	s24 =	sadd.s32 $0x10, s24;
	(pc) =	sbr.rel @p0 .LBB2_46-.Ltmp22, $2  }
0x526: {  	_ =	sdelay $0x2  }
0x527: {  	s25 =	sadd.s32 $0x88, s25;
	s26 =	sadd.s32 s26, s22  }
0x528: {  	[hbm4b:s26+s4] =	stream.linear.scatter [tilespmem:s23], [sflag:$0x7], $0x80, $0x38;
	[tilespmem:$0x1CB00] =	vst v63  }
0x529: {  	s22 =	sadd.s32 $0x4600, s13;
	s23 =	simm.s32 $0x18B40  }
0x52a: {  	s24 =	simm.s32 $0x10;
	s25 =	simm.s32 $0x18BC8;
	s26 =	sadd.s32 $0x0, s22  }
.LBB2_48:
0x52b: {  	[hbm4b:s26+s4] =	stream.linear.scatter [tilespmem:s23], [sflag:$0x7], $0x80, $0x38;
	[tilespmem:$0x1CB00] =	vst v63  }
0x52c: {  	s26 =	smov.u32 s24;
	s23 =	smov.u32 s25;
	p0 =	sne.s32 s24, $0x1F0  }
.Ltmp23:
0x52d: {  	s24 =	sadd.s32 $0x10, s24;
	(pc) =	sbr.rel @p0 .LBB2_48-.Ltmp23, $2  }
0x52e: {  	_ =	sdelay $0x2  }
0x52f: {  	s25 =	sadd.s32 $0x88, s25;
	s26 =	sadd.s32 s26, s22  }
0x530: {  	[hbm4b:s26+s4] =	stream.linear.scatter [tilespmem:s23], [sflag:$0x7], $0x80, $0x38;
	[tilespmem:$0x1CB00] =	vst v63  }
0x531: {  	s22 =	sadd.s32 $0x8600, s13;
	s23 =	simm.s32 $0x1A080  }
0x532: {  	s24 =	simm.s32 $0x10;
	s25 =	simm.s32 $0x1A108;
	s26 =	sadd.s32 $0x0, s22  }
.LBB2_50:
0x533: {  	[hbm4b:s26+s4] =	stream.linear.scatter [tilespmem:s23], [sflag:$0x7], $0x80, $0x38;
	[tilespmem:$0x1CB00] =	vst v63  }
0x534: {  	s26 =	smov.u32 s24;
	s23 =	smov.u32 s25;
	p0 =	sne.s32 s24, $0x1F0  }
.Ltmp24:
0x535: {  	s24 =	sadd.s32 $0x10, s24;
	(pc) =	sbr.rel @p0 .LBB2_50-.Ltmp24, $2  }
0x536: {  	_ =	sdelay $0x2  }
0x537: {  	s25 =	sadd.s32 $0x88, s25;
	s26 =	sadd.s32 s26, s22  }
0x538: {  	[hbm4b:s26+s4] =	stream.linear.scatter [tilespmem:s23], [sflag:$0x7], $0x80, $0x38;
	[tilespmem:$0x1CB00] =	vst v63  }
0x539: {  	s13 =	sadd.s32 $0xC600, s13;
	s22 =	simm.s32 $0x1B5C0  }
0x53a: {  	s23 =	simm.s32 $0x10;
	s24 =	simm.s32 $0x1B648;
	s25 =	sadd.s32 $0x0, s13  }
.LBB2_52:
0x53b: {  	[hbm4b:s25+s4] =	stream.linear.scatter [tilespmem:s22], [sflag:$0x7], $0x80, $0x38;
	[tilespmem:$0x1CB00] =	vst v63  }
0x53c: {  	s25 =	smov.u32 s23;
	s22 =	smov.u32 s24;
	p0 =	sne.s32 s23, $0x1F0  }
.Ltmp25:
0x53d: {  	s23 =	sadd.s32 $0x10, s23;
	(pc) =	sbr.rel @p0 .LBB2_52-.Ltmp25, $2  }
0x53e: {  	_ =	sdelay $0x2  }
0x53f: {  	s24 =	sadd.s32 $0x88, s24;
	s25 =	sadd.s32 s25, s13  }
0x540: {  	s15 =	sadd.s32 $0x1, s15  }
0x541: {  	p0 =	sne.s32 s15, $0x32  }
.Ltmp26:
0x542: {  	_ = 	snop;
	(pc) =	sbr.rel @p0 .LBB2_2-.Ltmp26, $2  }
0x543: {  	_ =	sdelay $0x2  }
0x544: {  	[hbm4b:s25+s4] =	stream.linear.scatter [tilespmem:s22], [sflag:$0x7], $0x80, $0x38;
	[tilespmem:$0x1CB00] =	vst v63  }
0x545: {  	_ =	swait.ge [sflag:s12], $0x4000  }
0x546: {  	[sflag:s12] =	ssyncset.done $0x0  }
0x547: {  	[sflag:s12] =	ssyncadd.s32 $0xFFFFC000  }
0x548: {  	_ =	swait.ge [sflag:s7], $0x4000  }
0x549: {  	s15 =	rddreg [dreg:$0xa]  }
0x54a: {  	s13 =	rddreg [dreg:$0x9];
	s15 =	sadd.s32 $0x1, s15  }
0x54b: {  	p0 =	sne.s32 s15, s13  }
.Ltmp27:
0x54c: {  	_ = 	snop;
	(pc) =	sbr.rel @p0 .LBB2_1-.Ltmp27, $3  }
0x54d: {  	_ =	sdelay $0x1  }
0x54e: {  	[sflag:s7] =	ssyncset.done $0x0  }
0x54f: {  	[sflag:s7] =	ssyncadd.s32 $0xFFFFC000  }
0x550: {  	_ =	sfence.sel $0x180000  }
0x551: {  	[bflag:$0x0] =	sbarrier.arrive $0xFFFF  }
0x552: {  	_ =	strace $0x90000047  }
0x553: {  	s0 =	stileid.u32;
	[bflag:$0x2] =	sbarrier.arrive $0xFFFF  }
0x554: {  	p0 =	sne.s32 s0, $0x0;
	s0 =	rddreg [dreg:$0x3]  }
0x555: {  	s0 =	sadd.s32 @!p0 $0x100000, s0  }
0x556: {  	[sflag:s0] =	ssyncadd.tile.s32 @!p0 $0x1;
	_ =	shalt  }
.Lfunc_end2:
_tile_overlayer_lowered:
.L_overlay_start_2:
0x557: {  	(tag) =	ssettag $0x2  }
0x558: {  	s0 =	rddreg [dreg:$0x0];
	s2 =	stileid.u32  }
0x559: {  	s1 =	rddreg [dreg:$0x1];
	p0 =	sne.s32 s2, $0x0  }
0x55a: {  	s3 =	rddreg [dreg:$0x2];
	[bflag:$0x3] =	sbarrier.arrive $0xFFFF;
	s2 =	simm.s32 @!p0 $0x1C08  }
0x55b: {  	[timem:s3], [sflag:s2] =	dma.local @!p0 [hbm:s0], s1  }
0x55c: {  	s0 =	simm.s32 @!p0 $0x8  }
0x55d: {  	_ =	swait.ge @!p0 [sflag:s0], s1  }
0x55e: {  	s1 =	ssub.s32 @!p0 $0x0, s1;
	[sflag:s0] =	ssyncset.done @!p0 $0x0  }
0x55f: {  	[sflag:s0] =	ssyncadd.s32 @!p0 s1  }
0x560: {  	[bflag:$0x3] =	sbarrier.arrive $0xFFFF  }
0x561: {  	_ =	shalt  }

</sc_bundles>
